<compile_context>
chip_gen: v7x
topology: tpu7x:2x2x1
jax: 0.10.2.dev20260603
libtpu: 0.0.44.dev20260713+nightly
codegen_flags: <defaults>
</compile_context>

<pallas_src>
import functools

import jax
import jax.numpy as jnp
from jax import lax
from jax.experimental import pallas as pl
from jax.experimental.pallas import tpu as pltpu
from jax.experimental.pallas import tpu_sc as plsc

N = 20000
P = 20480
NT = 16
SHARD = P // NT
VPT = SHARD // 16
CAP = 128
ACAP = SHARD + 16
AGRP = ACAP // 16
S = 4
TBLK = 48
POOLG = NT * S // 16
SELMAX = 8
IOU_THRES = 0.45
CONF_THRES = 0.25
MAX_DET = 300
NEG = -1.0
BIG = 1 << 30


def _nms_body(x1_hbm, y1_hbm, x2_hbm, y2_hbm, sc_hbm, out_hbm,
              lx1, ly1, lx2, ly2, lsc,
              ax1, ay1, ax2, ay2, aact, agidx,
              pub, recv, poolact, pgid, px1, py1, px2, py2, keptb, recs_sh):
    t = lax.axis_index("s")
    base = t * SHARD
    lane = lax.iota(jnp.int32, 16)
    zeros16f = jnp.zeros((16,), jnp.float32)
    neg16f = jnp.full((16,), NEG, jnp.float32)
    lane0 = lane == 0

    pltpu.sync_copy(x1_hbm.at[pl.ds(base, SHARD)], lx1)
    pltpu.sync_copy(y1_hbm.at[pl.ds(base, SHARD)], ly1)
    pltpu.sync_copy(x2_hbm.at[pl.ds(base, SHARD)], lx2)
    pltpu.sync_copy(y2_hbm.at[pl.ds(base, SHARD)], ly2)
    pltpu.sync_copy(sc_hbm.at[pl.ds(base, SHARD)], lsc)

    def zbody(j, _):
        keptb[pl.ds(j * 16, 16)] = zeros16f
        return 0
    lax.fori_loop(0, MAX_DET, zbody, 0)

    def mc_body(j, c):
        vm, vc = c
        s = lsc[pl.ds(j * 16, 16)]
        return jnp.maximum(vm, s), vc + (s > CONF_THRES).astype(jnp.float32)

    vm, vc = lax.fori_loop(0, VPT, mc_body,
                           (jnp.full((16,), -2.0, jnp.float32), zeros16f))
    maxsc = jnp.max(vm)
    cnt_conf = jnp.sum(vc)

    def bs_body(it, c):
        lo, hi = c
        mid = (lo + hi) * 0.5

        def cb(j, a):
            s = lsc[pl.ds(j * 16, 16)]
            return a + (s > mid).astype(jnp.float32)

        cnt = jnp.sum(lax.fori_loop(0, VPT, cb, zeros16f))
        big = cnt > float(CAP)
        return jnp.where(big, mid, lo), jnp.where(big, hi, mid)

    _, hi = lax.fori_loop(0, 16, bs_body,
                          (jnp.float32(CONF_THRES), maxsc + 1.0))
    T = jnp.where(cnt_conf <= float(CAP), jnp.float32(CONF_THRES), hi)

    def prefill(j, _):
        o = j * 16
        aact[pl.ds(o, 16)] = neg16f
        agidx[pl.ds(o, 16)] = jnp.full((16,), -7, jnp.int32)
        return 0

    def compact(thresh):
        lax.fori_loop(0, AGRP, prefill, 0)

        def cp(j, off):
            o = j * 16
            s = lsc[pl.ds(o, 16)]
            mask = s > thresh
            mi = mask.astype(jnp.int32)
            cs = plsc.cumsum(mi)
            pos = off + cs - mi
            plsc.store_scatter(aact, [pos], s, mask=mask)
            plsc.store_scatter(ax1, [pos], lx1[pl.ds(o, 16)], mask=mask)
            plsc.store_scatter(ay1, [pos], ly1[pl.ds(o, 16)], mask=mask)
            plsc.store_scatter(ax2, [pos], lx2[pl.ds(o, 16)], mask=mask)
            plsc.store_scatter(ay2, [pos], ly2[pl.ds(o, 16)], mask=mask)
            plsc.store_scatter(agidx, [pos], base + o + lane, mask=mask)
            return off + jnp.max(cs)

        return lax.fori_loop(0, VPT, cp, jnp.int32(0))

    cnt0 = compact(T)
    ng0 = (cnt0 + 15) // 16
    more = cnt_conf > cnt0.astype(jnp.float32)

    def active_argmax(ngroups):
        def am(g, c):
            vmx, vix = c
            a = aact[pl.ds(g * 16, 16)]
            m = a > vmx
            return jnp.where(m, a, vmx), jnp.where(m, g * 16 + lane, vix)

        vmx, vix = lax.fori_loop(0, ngroups, am,
                                 (jnp.full((16,), -2.0, jnp.float32),
                                  jnp.zeros((16,), jnp.int32)))
        gm = jnp.max(vmx)
        sp = jnp.min(jnp.where(vmx == gm, vix, BIG))
        return gm, sp

    def active_argmax_static(_):
        vmx = jnp.full((16,), -2.0, jnp.float32)
        vix = jnp.zeros((16,), jnp.int32)
        for g in range(CAP // 16):
            a = aact[pl.ds(g * 16, 16)]
            m = a > vmx
            vmx = jnp.where(m, a, vmx)
            vix = jnp.where(m, g * 16 + lane, vix)
        gm = jnp.max(vmx)
        sp = jnp.min(jnp.where(vmx == gm, vix, BIG))
        return gm, sp

    def round_body(k, carry):
        def do_round():
            _, ng0_, refilled0, nsel0 = carry

            gm0, sp0 = lax.cond(refilled0 == 0, active_argmax_static,
                                active_argmax, ng0_)

            def refill():
                cnt = compact(jnp.float32(CONF_THRES))
                ngr = (cnt + 15) // 16

                def kf(j, _):
                    def fldk(c):
                        return plsc.load_gather(
                            keptb, [jnp.full((16,), j * 16 + c, jnp.int32)])

                    kx1, ky1, kx2, ky2 = fldk(0), fldk(1), fldk(2), fldk(3)
                    ka = (kx2 - kx1) * (ky2 - ky1)

                    def kg(g, _2):
                        o = g * 16
                        x1v = ax1[pl.ds(o, 16)]
                        y1v = ay1[pl.ds(o, 16)]
                        x2v = ax2[pl.ds(o, 16)]
                        y2v = ay2[pl.ds(o, 16)]
                        actv = aact[pl.ds(o, 16)]
                        av = (x2v - x1v) * (y2v - y1v)
                        xx1 = jnp.maximum(x1v, kx1)
                        yy1 = jnp.maximum(y1v, ky1)
                        xx2 = jnp.minimum(x2v, kx2)
                        yy2 = jnp.minimum(y2v, ky2)
                        inter = (jnp.maximum(xx2 - xx1, 0.0)
                                 * jnp.maximum(yy2 - yy1, 0.0))
                        denom = av + ka - inter + 1e-9
                        kill = inter > IOU_THRES * denom
                        aact[pl.ds(o, 16)] = jnp.where(kill, NEG, actv)
                        return 0

                    lax.fori_loop(0, ngr, kg, 0)
                    return 0

                lax.fori_loop(0, nsel0, kf, 0)
                gm2, sp2 = active_argmax(ngr)
                return gm2, sp2, ngr, jnp.int32(1)

            need = (gm0 < -0.5) & more & (refilled0 == 0)
            gm0, sp0, ng, refilled = lax.cond(
                need, refill, lambda: (gm0, sp0, ng0_, refilled0))

            def extract(amax):
                out = []
                gm, sp = gm0, sp0
                for r in range(S):
                    out += [gm, sp]
                    plsc.store_scatter(aact,
                                       [jnp.full((16,), sp, jnp.int32)],
                                       neg16f, mask=lane0)
                    gm, sp = amax(ng)
                return tuple(out) + (gm,)

            ext = lax.cond(refilled == 0,
                           lambda: extract(active_argmax_static),
                           lambda: extract(active_argmax))
            recs = [(ext[2 * r], ext[2 * r + 1]) for r in range(S)]
            fifth = ext[2 * S]
            for (g_, s_) in recs:
                plsc.store_scatter(aact, [jnp.full((16,), s_, jnp.int32)],
                                   jnp.full((16,), g_, jnp.float32),
                                   mask=lane0)
            bt = jnp.maximum(fifth,
                             jnp.where(more & (refilled == 0), T,
                                       jnp.float32(NEG)))

            flds = []
            for (g_, s_) in recs:
                spv = jnp.full((16,), s_, jnp.int32)
                flds.append((jnp.full((16,), g_, jnp.float32),
                             plsc.load_gather(agidx, [spv])
                                 .astype(jnp.float32),
                             plsc.load_gather(ax1, [spv]),
                             plsc.load_gather(ay1, [spv]),
                             plsc.load_gather(ax2, [spv]),
                             plsc.load_gather(ay2, [spv])))

            def pair(a, b):
                v = zeros16f
                for c in range(5, -1, -1):
                    v = jnp.where((lane & 7) == c,
                                  jnp.where(lane < 8, a[c], b[c]), v)
                return v

            pub[pl.ds(0, 16)] = pair(flds[0], flds[1])
            pub[pl.ds(16, 16)] = pair(flds[2], flds[3])
            pub[pl.ds(32, 16)] = jnp.where(lane0,
                                           jnp.full((16,), bt, jnp.float32),
                                           zeros16f)
            par = (k % 2) * (NT * TBLK)
            pltpu.sync_copy(pub, recs_sh.at[pl.ds(par + t * TBLK, TBLK)])
            plsc.subcore_barrier()
            pltpu.sync_copy(recs_sh.at[pl.ds(par, NT * TBLK)], recv)

            bvals = plsc.load_gather(recv, [lane * TBLK + 32])
            B = jnp.max(bvals)
            addrs = []
            for g in range(POOLG):
                e = g * 16 + lane
                addrs.append((e >> 2) * TBLK + (e & 3) * 8)
            for g in range(POOLG):
                o = g * 16
                poolact[pl.ds(o, 16)] = plsc.load_gather(recv, [addrs[g]])
                pgid[pl.ds(o, 16)] = plsc.load_gather(recv, [addrs[g] + 1])
                px1[pl.ds(o, 16)] = plsc.load_gather(recv, [addrs[g] + 2])
                py1[pl.ds(o, 16)] = plsc.load_gather(recv, [addrs[g] + 3])
                px2[pl.ds(o, 16)] = plsc.load_gather(recv, [addrs[g] + 4])
                py2[pl.ds(o, 16)] = plsc.load_gather(recv, [addrs[g] + 5])

            def sel_body(si, sc):
                go, ns = sc

                def try_sel():
                    vmx = jnp.full((16,), -2.0, jnp.float32)
                    vix = jnp.zeros((16,), jnp.int32)
                    for g in range(POOLG):
                        a = poolact[pl.ds(g * 16, 16)]
                        m = a > vmx
                        vmx = jnp.where(m, a, vmx)
                        vix = jnp.where(m, g * 16 + lane, vix)
                    pm = jnp.max(vmx)
                    pp = jnp.min(jnp.where(vmx == pm, vix, BIG))
                    valid = ((pm > CONF_THRES) & (ns < MAX_DET)
                             & ((si == 0) | (pm > B)))

                    def do_sel():
                        pa = (pp >> 2) * TBLK + (pp & 3) * 8

                        def rf(c):
                            return plsc.load_gather(
                                recv, [jnp.full((16,), pa + c, jnp.int32)])

                        wsc, wgf = rf(0), rf(1)
                        wx1, wy1, wx2, wy2 = rf(2), rf(3), rf(4), rf(5)
                        row = jnp.where(lane == 0, wx1,
                              jnp.where(lane == 1, wy1,
                              jnp.where(lane == 2, wx2,
                              jnp.where(lane == 3, wy2,
                              jnp.where(lane == 4, wsc, zeros16f)))))
                        keptb[pl.ds(ns * 16, 16)] = row
                        wa = (wx2 - wx1) * (wy2 - wy1)

                        for g in range(POOLG):
                            o = g * 16
                            x1p = px1[pl.ds(o, 16)]
                            y1p = py1[pl.ds(o, 16)]
                            x2p = px2[pl.ds(o, 16)]
                            y2p = py2[pl.ds(o, 16)]
                            gp = pgid[pl.ds(o, 16)]
                            ap = (x2p - x1p) * (y2p - y1p)
                            xx1 = jnp.maximum(x1p, wx1)
                            yy1 = jnp.maximum(y1p, wy1)
                            xx2 = jnp.minimum(x2p, wx2)
                            yy2 = jnp.minimum(y2p, wy2)
                            inter = (jnp.maximum(xx2 - xx1, 0.0)
                                     * jnp.maximum(yy2 - yy1, 0.0))
                            denom = ap + wa - inter + 1e-9
                            killp = (inter > IOU_THRES * denom) | (gp == wgf)
                            pav = poolact[pl.ds(g * 16, 16)]
                            poolact[pl.ds(g * 16, 16)] = jnp.where(
                                killp, NEG, pav)

                        wgi = wgf.astype(jnp.int32)

                        def ab(g, _):
                            o = g * 16
                            x1v = ax1[pl.ds(o, 16)]
                            y1v = ay1[pl.ds(o, 16)]
                            x2v = ax2[pl.ds(o, 16)]
                            y2v = ay2[pl.ds(o, 16)]
                            actv = aact[pl.ds(o, 16)]
                            gidxv = agidx[pl.ds(o, 16)]
                            av = (x2v - x1v) * (y2v - y1v)
                            xx1 = jnp.maximum(x1v, wx1)
                            yy1 = jnp.maximum(y1v, wy1)
                            xx2 = jnp.minimum(x2v, wx2)
                            yy2 = jnp.minimum(y2v, wy2)
                            inter = (jnp.maximum(xx2 - xx1, 0.0)
                                     * jnp.maximum(yy2 - yy1, 0.0))
                            denom = av + wa - inter + 1e-9
                            kill = ((inter > IOU_THRES * denom)
                                    | (gidxv == wgi))
                            aact[pl.ds(o, 16)] = jnp.where(kill, NEG, actv)
                            return 0

                        def ab_static():
                            for g in range(CAP // 16):
                                ab(g, 0)
                            return 0

                        lax.cond(refilled == 0, ab_static,
                                 lambda: lax.fori_loop(0, ng, ab, 0))
                        return jnp.int32(1), ns + 1

                    return lax.cond(valid, do_sel,
                                    lambda: (jnp.int32(0), ns))

                return lax.cond(go == 1, try_sel,
                                lambda: (jnp.int32(0), ns))

            _, nsel2 = lax.fori_loop(0, SELMAX, sel_body,
                                     (jnp.int32(1), nsel0))
            cont = ((nsel2 > nsel0) & (nsel2 < MAX_DET)).astype(jnp.int32)
            return cont, ng, refilled, nsel2

        def skip():
            return (jnp.int32(0),) + tuple(carry[1:])

        return lax.cond(carry[0] == 1, do_round, skip)

    init = (jnp.int32(1), ng0, jnp.int32(0), jnp.int32(0))
    lax.fori_loop(0, MAX_DET, round_body, init)

    @pl.when(t == 0)
    def _flush():
        pltpu.sync_copy(keptb, out_hbm)


@functools.partial(
    pl.kernel,
    out_type=jax.ShapeDtypeStruct((MAX_DET * 16,), jnp.float32),
    mesh=plsc.VectorSubcoreMesh(core_axis_name="c", subcore_axis_name="s",
                                num_cores=1, num_subcores=16),
    compiler_params=pltpu.CompilerParams(needs_layout_passes=False),
    scratch_types=[
        pltpu.VMEM((SHARD,), jnp.float32),
        pltpu.VMEM((SHARD,), jnp.float32),
        pltpu.VMEM((SHARD,), jnp.float32),
        pltpu.VMEM((SHARD,), jnp.float32),
        pltpu.VMEM((SHARD,), jnp.float32),
        pltpu.VMEM((ACAP,), jnp.float32),
        pltpu.VMEM((ACAP,), jnp.float32),
        pltpu.VMEM((ACAP,), jnp.float32),
        pltpu.VMEM((ACAP,), jnp.float32),
        pltpu.VMEM((ACAP,), jnp.float32),
        pltpu.VMEM((ACAP,), jnp.int32),
        pltpu.VMEM((TBLK,), jnp.float32),
        pltpu.VMEM((NT * TBLK,), jnp.float32),
        pltpu.VMEM((NT * S,), jnp.float32),
        pltpu.VMEM((NT * S,), jnp.float32),
        pltpu.VMEM((NT * S,), jnp.float32),
        pltpu.VMEM((NT * S,), jnp.float32),
        pltpu.VMEM((NT * S,), jnp.float32),
        pltpu.VMEM((NT * S,), jnp.float32),
        pltpu.VMEM((MAX_DET * 16,), jnp.float32),
        pltpu.VMEM_SHARED((2 * NT * TBLK,), jnp.float32),
    ],
)
def _nms_sc(x1_hbm, y1_hbm, x2_hbm, y2_hbm, sc_hbm, out_hbm,
            lx1, ly1, lx2, ly2, lsc,
            ax1, ay1, ax2, ay2, aact, agidx,
            pub, recv, poolact, pgid, px1, py1, px2, py2, keptb, recs_sh):
    _nms_body(x1_hbm, y1_hbm, x2_hbm, y2_hbm, sc_hbm, out_hbm,
              lx1, ly1, lx2, ly2, lsc,
              ax1, ay1, ax2, ay2, aact, agidx,
              pub, recv, poolact, pgid, px1, py1, px2, py2, keptb, recs_sh)


def kernel(boxes, scores):
    pad = P - N
    x1 = jnp.pad(boxes[:, 0], (0, pad))
    y1 = jnp.pad(boxes[:, 1], (0, pad))
    x2 = jnp.pad(boxes[:, 2], (0, pad))
    y2 = jnp.pad(boxes[:, 3], (0, pad))
    sc = jnp.pad(scores, (0, pad), constant_values=NEG)
    flat = _nms_sc(x1, y1, x2, y2, sc)
    return flat.reshape(MAX_DET, 16)[:, :5]

# --- scband reference (transcript-rebuilt; emitter-appended) ---
"""Pipeline reference for scband-yolov8-82557861363908 (READ-ONLY COPY).

The authoritative reference and input builder live on the scoring server;
editing this copy changes nothing except your own understanding.
"""

import jax, jax.numpy as jnp
import numpy as np

N = 20000
IOU_THRES = 0.45
CONF_THRES = 0.25
MAX_DET = 300


def setup_inputs(seed: int = 0) -> dict:
    key = jax.random.key(seed)
    k1, k2, k3 = jax.random.split(key, 3)
    cxcy = jax.random.uniform(k1, (N, 2), minval=0.0, maxval=640.0)
    wh = jax.random.uniform(k2, (N, 2), minval=10.0, maxval=100.0)
    boxes = jnp.concatenate([cxcy - wh / 2.0, cxcy + wh / 2.0], axis=1)  # xyxy, [N,4]
    scores = jax.random.uniform(k3, (N,))
    return {"boxes": boxes, "scores": scores}


def reference(boxes, scores):
    # Greedy NMS matching torchvision.ops.nms semantics used in Yolov8 coord():
    # iou_thres=0.45, conf_thres=0.25, max_det=300.
    x1 = boxes[:, 0]
    y1 = boxes[:, 1]
    x2 = boxes[:, 2]
    y2 = boxes[:, 3]
    areas = (x2 - x1) * (y2 - y1)

    def body(i, state):
        sel_idx, sel_mask, act = state
        idx = jnp.argmax(act)
        best = act[idx]
        keep = best > CONF_THRES
        xx1 = jnp.maximum(x1, x1[idx])
        yy1 = jnp.maximum(y1, y1[idx])
        xx2 = jnp.minimum(x2, x2[idx])
        yy2 = jnp.minimum(y2, y2[idx])
        inter = jnp.maximum(xx2 - xx1, 0.0) * jnp.maximum(yy2 - yy1, 0.0)
        iou = inter / (areas + areas[idx] - inter + 1e-9)
        supp = (iou > IOU_THRES) & keep
        act = jnp.where(supp, -1.0, act)
        act = act.at[idx].set(-1.0)
        sel_idx = sel_idx.at[i].set(jnp.where(keep, idx, 0))
        sel_mask = sel_mask.at[i].set(keep)
        return (sel_idx, sel_mask, act)

    sel_idx0 = jnp.zeros((MAX_DET,), dtype=jnp.int32)
    sel_mask0 = jnp.zeros((MAX_DET,), dtype=bool)
    sel_idx, sel_mask, _ = jax.lax.fori_loop(0, MAX_DET, body, (sel_idx0, sel_mask0, scores))
    out_boxes = boxes[sel_idx] * sel_mask[:, None].astype(boxes.dtype)
    out_scores = scores[sel_idx] * sel_mask.astype(scores.dtype)
    return jnp.concatenate([out_boxes, out_scores[:, None]], axis=1)  # [MAX_DET, 5]

if __name__ == "__main__":
    import jax
    _d = setup_inputs()
    print(jax.jit(kernel)(*tuple(_d.values())))

</pallas_src>

<mosaic_0001>
#map = affine_map<(d0, d1) -> (0)>
module attributes {stable_mosaic.version = 14 : i64} {
  func.func @_nms_sc(%arg0: i32, %arg1: i32, %arg2: memref<20480xf32, #tpu.memory_space<hbm>>, %arg3: memref<20480xf32, #tpu.memory_space<hbm>>, %arg4: memref<20480xf32, #tpu.memory_space<hbm>>, %arg5: memref<20480xf32, #tpu.memory_space<hbm>>, %arg6: memref<20480xf32, #tpu.memory_space<hbm>>, %arg7: memref<4800xf32, #tpu.memory_space<hbm>>, %arg8: memref<1280xf32, #tpu.memory_space<vmem>>, %arg9: memref<1280xf32, #tpu.memory_space<vmem>>, %arg10: memref<1280xf32, #tpu.memory_space<vmem>>, %arg11: memref<1280xf32, #tpu.memory_space<vmem>>, %arg12: memref<1280xf32, #tpu.memory_space<vmem>>, %arg13: memref<1296xf32, #tpu.memory_space<vmem>>, %arg14: memref<1296xf32, #tpu.memory_space<vmem>>, %arg15: memref<1296xf32, #tpu.memory_space<vmem>>, %arg16: memref<1296xf32, #tpu.memory_space<vmem>>, %arg17: memref<1296xf32, #tpu.memory_space<vmem>>, %arg18: memref<1296xi32, #tpu.memory_space<vmem>>, %arg19: memref<48xf32, #tpu.memory_space<vmem>>, %arg20: memref<768xf32, #tpu.memory_space<vmem>>, %arg21: memref<64xf32, #tpu.memory_space<vmem>>, %arg22: memref<64xf32, #tpu.memory_space<vmem>>, %arg23: memref<64xf32, #tpu.memory_space<vmem>>, %arg24: memref<64xf32, #tpu.memory_space<vmem>>, %arg25: memref<64xf32, #tpu.memory_space<vmem>>, %arg26: memref<64xf32, #tpu.memory_space<vmem>>, %arg27: memref<4800xf32, #tpu.memory_space<vmem>>, %arg28: memref<1536xf32, #tpu.memory_space<vmem_shared>>) attributes {dimension_semantics = [#tpu.dimension_semantics<core_parallel>, #tpu.dimension_semantics<subcore_parallel>], iteration_bounds = array<i64: 1, 16>, scalar_prefetch = 0 : i64, scratch_operands = 21 : i64, tpu.core_type = #tpu.core_type<sc_vector_subcore>, window_params = [{transform_indices = #map}, {transform_indices = #map}, {transform_indices = #map}, {transform_indices = #map}, {transform_indices = #map}, {transform_indices = #map}]} {
    %mul3A = arith.constant 1280 : i32
    %mul3A_0 = arith.muli %arg1, %mul3A : i32
    %iota3A = tpu.iota {dimensions = array<i32: 0>} : vector<16xi32>
    %broadcast_in_dim3A = arith.constant 0.000000e+00 : f32
    %broadcast_in_dim3A_1 = vector.broadcast %broadcast_in_dim3A : f32 to vector<16xf32>
    %broadcast_in_dim3A_2 = arith.constant -1.000000e+00 : f32
    %broadcast_in_dim3A_3 = vector.broadcast %broadcast_in_dim3A_2 : f32 to vector<16xf32>
    %eq3A = arith.constant 0 : i32
    %eq3A_4 = vector.broadcast %eq3A : i32 to vector<16xi32>
    %eq3A_5 = arith.cmpi eq, %iota3A, %eq3A_4 : vector<16xi32>
    "tpu.region"() ({
      %run_scoped3A = tpu.sem_alloc : memref<!tpu.dma_semaphore, #tpu.memory_space<semaphore_mem>>
      %dma_start3A = tpu.memref_slice %arg2[%mul3A_0] : memref<20480xf32, #tpu.memory_space<hbm>> -> memref<1280xf32, #tpu.memory_space<hbm>>
      %dma_start3A_82 = tpu.memref_slice %arg2[%mul3A_0] : memref<20480xf32, #tpu.memory_space<hbm>> -> memref<1280xf32, #tpu.memory_space<hbm>>
      tpu.enqueue_dma source(%dma_start3A_82 : memref<1280xf32, #tpu.memory_space<hbm>>) target(%arg8 : memref<1280xf32, #tpu.memory_space<vmem>>) target_semaphore(%run_scoped3A : memref<!tpu.dma_semaphore, #tpu.memory_space<semaphore_mem>>)
      %dma_wait3A = tpu.memref_slice %arg2[%mul3A_0] : memref<20480xf32, #tpu.memory_space<hbm>> -> memref<1280xf32, #tpu.memory_space<hbm>>
      %dma_wait3A_83 = tpu.memref_slice %arg2[%mul3A_0] : memref<20480xf32, #tpu.memory_space<hbm>> -> memref<1280xf32, #tpu.memory_space<hbm>>
      tpu.wait_dma2 semaphore(%run_scoped3A : memref<!tpu.dma_semaphore, #tpu.memory_space<semaphore_mem>>) src(%dma_wait3A_83 : memref<1280xf32, #tpu.memory_space<hbm>>) dst(%arg8 : memref<1280xf32, #tpu.memory_space<vmem>>)
      tpu.yield
    }) : () -> ()
    "tpu.region"() ({
      %run_scoped3A = tpu.sem_alloc : memref<!tpu.dma_semaphore, #tpu.memory_space<semaphore_mem>>
      %dma_start3A = tpu.memref_slice %arg3[%mul3A_0] : memref<20480xf32, #tpu.memory_space<hbm>> -> memref<1280xf32, #tpu.memory_space<hbm>>
      %dma_start3A_82 = tpu.memref_slice %arg3[%mul3A_0] : memref<20480xf32, #tpu.memory_space<hbm>> -> memref<1280xf32, #tpu.memory_space<hbm>>
      tpu.enqueue_dma source(%dma_start3A_82 : memref<1280xf32, #tpu.memory_space<hbm>>) target(%arg9 : memref<1280xf32, #tpu.memory_space<vmem>>) target_semaphore(%run_scoped3A : memref<!tpu.dma_semaphore, #tpu.memory_space<semaphore_mem>>)
      %dma_wait3A = tpu.memref_slice %arg3[%mul3A_0] : memref<20480xf32, #tpu.memory_space<hbm>> -> memref<1280xf32, #tpu.memory_space<hbm>>
      %dma_wait3A_83 = tpu.memref_slice %arg3[%mul3A_0] : memref<20480xf32, #tpu.memory_space<hbm>> -> memref<1280xf32, #tpu.memory_space<hbm>>
      tpu.wait_dma2 semaphore(%run_scoped3A : memref<!tpu.dma_semaphore, #tpu.memory_space<semaphore_mem>>) src(%dma_wait3A_83 : memref<1280xf32, #tpu.memory_space<hbm>>) dst(%arg9 : memref<1280xf32, #tpu.memory_space<vmem>>)
      tpu.yield
    }) : () -> ()
    "tpu.region"() ({
      %run_scoped3A = tpu.sem_alloc : memref<!tpu.dma_semaphore, #tpu.memory_space<semaphore_mem>>
      %dma_start3A = tpu.memref_slice %arg4[%mul3A_0] : memref<20480xf32, #tpu.memory_space<hbm>> -> memref<1280xf32, #tpu.memory_space<hbm>>
      %dma_start3A_82 = tpu.memref_slice %arg4[%mul3A_0] : memref<20480xf32, #tpu.memory_space<hbm>> -> memref<1280xf32, #tpu.memory_space<hbm>>
      tpu.enqueue_dma source(%dma_start3A_82 : memref<1280xf32, #tpu.memory_space<hbm>>) target(%arg10 : memref<1280xf32, #tpu.memory_space<vmem>>) target_semaphore(%run_scoped3A : memref<!tpu.dma_semaphore, #tpu.memory_space<semaphore_mem>>)
      %dma_wait3A = tpu.memref_slice %arg4[%mul3A_0] : memref<20480xf32, #tpu.memory_space<hbm>> -> memref<1280xf32, #tpu.memory_space<hbm>>
      %dma_wait3A_83 = tpu.memref_slice %arg4[%mul3A_0] : memref<20480xf32, #tpu.memory_space<hbm>> -> memref<1280xf32, #tpu.memory_space<hbm>>
      tpu.wait_dma2 semaphore(%run_scoped3A : memref<!tpu.dma_semaphore, #tpu.memory_space<semaphore_mem>>) src(%dma_wait3A_83 : memref<1280xf32, #tpu.memory_space<hbm>>) dst(%arg10 : memref<1280xf32, #tpu.memory_space<vmem>>)
      tpu.yield
    }) : () -> ()
    "tpu.region"() ({
      %run_scoped3A = tpu.sem_alloc : memref<!tpu.dma_semaphore, #tpu.memory_space<semaphore_mem>>
      %dma_start3A = tpu.memref_slice %arg5[%mul3A_0] : memref<20480xf32, #tpu.memory_space<hbm>> -> memref<1280xf32, #tpu.memory_space<hbm>>
      %dma_start3A_82 = tpu.memref_slice %arg5[%mul3A_0] : memref<20480xf32, #tpu.memory_space<hbm>> -> memref<1280xf32, #tpu.memory_space<hbm>>
      tpu.enqueue_dma source(%dma_start3A_82 : memref<1280xf32, #tpu.memory_space<hbm>>) target(%arg11 : memref<1280xf32, #tpu.memory_space<vmem>>) target_semaphore(%run_scoped3A : memref<!tpu.dma_semaphore, #tpu.memory_space<semaphore_mem>>)
      %dma_wait3A = tpu.memref_slice %arg5[%mul3A_0] : memref<20480xf32, #tpu.memory_space<hbm>> -> memref<1280xf32, #tpu.memory_space<hbm>>
      %dma_wait3A_83 = tpu.memref_slice %arg5[%mul3A_0] : memref<20480xf32, #tpu.memory_space<hbm>> -> memref<1280xf32, #tpu.memory_space<hbm>>
      tpu.wait_dma2 semaphore(%run_scoped3A : memref<!tpu.dma_semaphore, #tpu.memory_space<semaphore_mem>>) src(%dma_wait3A_83 : memref<1280xf32, #tpu.memory_space<hbm>>) dst(%arg11 : memref<1280xf32, #tpu.memory_space<vmem>>)
      tpu.yield
    }) : () -> ()
    "tpu.region"() ({
      %run_scoped3A = tpu.sem_alloc : memref<!tpu.dma_semaphore, #tpu.memory_space<semaphore_mem>>
      %dma_start3A = tpu.memref_slice %arg6[%mul3A_0] : memref<20480xf32, #tpu.memory_space<hbm>> -> memref<1280xf32, #tpu.memory_space<hbm>>
      %dma_start3A_82 = tpu.memref_slice %arg6[%mul3A_0] : memref<20480xf32, #tpu.memory_space<hbm>> -> memref<1280xf32, #tpu.memory_space<hbm>>
      tpu.enqueue_dma source(%dma_start3A_82 : memref<1280xf32, #tpu.memory_space<hbm>>) target(%arg12 : memref<1280xf32, #tpu.memory_space<vmem>>) target_semaphore(%run_scoped3A : memref<!tpu.dma_semaphore, #tpu.memory_space<semaphore_mem>>)
      %dma_wait3A = tpu.memref_slice %arg6[%mul3A_0] : memref<20480xf32, #tpu.memory_space<hbm>> -> memref<1280xf32, #tpu.memory_space<hbm>>
      %dma_wait3A_83 = tpu.memref_slice %arg6[%mul3A_0] : memref<20480xf32, #tpu.memory_space<hbm>> -> memref<1280xf32, #tpu.memory_space<hbm>>
      tpu.wait_dma2 semaphore(%run_scoped3A : memref<!tpu.dma_semaphore, #tpu.memory_space<semaphore_mem>>) src(%dma_wait3A_83 : memref<1280xf32, #tpu.memory_space<hbm>>) dst(%arg12 : memref<1280xf32, #tpu.memory_space<vmem>>)
      tpu.yield
    }) : () -> ()
    %scan3A = arith.constant 0 : i32
    %scan3A_6 = arith.constant 0 : i32
    %scan3A_7 = arith.constant 300 : i32
    %scan3A_8 = arith.addi %scan3A_6, %scan3A_7 : i32
    %scan3A_9 = arith.constant 1 : i32
    %scan3A_10 = scf.for %scan3A_82 = %scan3A_6 to %scan3A_8 step %scan3A_9 iter_args(%scan3A_83 = %scan3A) -> (i32)  : i32 {
      %mul3A_84 = arith.constant 16 : i32
      %mul3A_85 = arith.muli %scan3A_82, %mul3A_84 : i32
      %swap3A = arith.index_cast %mul3A_85 : i32 to index
      %swap3A_86 = tpu.vector_load %arg27[%swap3A] {strides = array<i32>} : memref<4800xf32, #tpu.memory_space<vmem>>, vector<16xf32>,
      tpu.vector_store %arg27[%swap3A], %broadcast_in_dim3A_1 {strides = array<i32>} : memref<4800xf32, #tpu.memory_space<vmem>>, vector<16xf32>,
      %scan3A_87 = arith.constant 0 : i32
      scf.yield %scan3A_87 : i32
    }
    %scan3A_11 = arith.constant 300 : i32
    %broadcast_in_dim3A_12 = arith.constant -2.000000e+00 : f32
    %broadcast_in_dim3A_13 = vector.broadcast %broadcast_in_dim3A_12 : f32 to vector<16xf32>
    %scan3A_14 = arith.constant 0 : i32
    %scan3A_15 = arith.constant 80 : i32
    %scan3A_16 = arith.addi %scan3A_14, %scan3A_15 : i32
    %scan3A_17 = arith.constant 1 : i32
    %scan3A_18:2 = scf.for %scan3A_82 = %scan3A_14 to %scan3A_16 step %scan3A_17 iter_args(%scan3A_83 = %broadcast_in_dim3A_13, %scan3A_84 = %broadcast_in_dim3A_1) -> (vector<16xf32>, vector<16xf32>)  : i32 {
      %mul3A_85 = arith.constant 16 : i32
      %mul3A_86 = arith.muli %scan3A_82, %mul3A_85 : i32
      %get3A = arith.index_cast %mul3A_86 : i32 to index
      %get3A_87 = tpu.vector_load %arg12[%get3A] {strides = array<i32>} : memref<1280xf32, #tpu.memory_space<vmem>>, vector<16xf32>,
      %max3A = arith.maximumf %scan3A_83, %get3A_87 : vector<16xf32>
      %gt3A_88 = arith.constant 2.500000e-01 : f32
      %gt3A_89 = vector.broadcast %gt3A_88 : f32 to vector<16xf32>
      %gt3A_90 = arith.cmpf ogt, %get3A_87, %gt3A_89 : vector<16xf32>
      %convert_element_type3A_91 = arith.extui %gt3A_90 : vector<16xi1> to vector<16xi32>
      %convert_element_type3A_92 = arith.sitofp %convert_element_type3A_91 : vector<16xi32> to vector<16xf32>
      %add3A_93 = arith.addf %scan3A_84, %convert_element_type3A_92 : vector<16xf32>
      scf.yield %max3A, %add3A_93 : vector<16xf32>, vector<16xf32>
    }
    %scan3A_19 = arith.constant 80 : i32
    %reduce_max3A = arith.constant true
    %reduce_max3A_20 = vector.broadcast %reduce_max3A : i1 to vector<16xi1>
    %reduce_max3A_21 = tpu.scan <max>, %scan3A_18#0 masked %reduce_max3A_20 : vector<16xf32>, vector<16xi1> -> vector<16xf32>
    %reduce_max3A_22 = vector.extract %reduce_max3A_21[15] : f32 from vector<16xf32>
    %reduce_sum3A = arith.constant true
    %reduce_sum3A_23 = vector.broadcast %reduce_sum3A : i1 to vector<16xi1>
    %reduce_sum3A_24 = tpu.scan <sum>, %scan3A_18#1 masked %reduce_sum3A_23 : vector<16xf32>, vector<16xi1> -> vector<16xf32>
    %reduce_sum3A_25 = vector.extract %reduce_sum3A_24[15] : f32 from vector<16xf32>
    %add3A = arith.constant 1.000000e+00 : f32
    %add3A_26 = arith.addf %reduce_max3A_22, %add3A : f32
    %scan3A_27 = arith.constant 2.500000e-01 : f32
    %scan3A_28 = arith.constant 0 : i32
    %scan3A_29 = arith.constant 16 : i32
    %scan3A_30 = arith.addi %scan3A_28, %scan3A_29 : i32
    %scan3A_31 = arith.constant 1 : i32
    %scan3A_32:2 = scf.for %scan3A_82 = %scan3A_28 to %scan3A_30 step %scan3A_31 iter_args(%scan3A_83 = %scan3A_27, %scan3A_84 = %add3A_26) -> (f32, f32)  : i32 {
      %add3A_85 = arith.addf %scan3A_83, %scan3A_84 : f32
      %mul3A_86 = arith.constant 5.000000e-01 : f32
      %mul3A_87 = arith.mulf %add3A_85, %mul3A_86 : f32
      %scan3A_88 = arith.constant 0 : i32
      %scan3A_89 = arith.constant 80 : i32
      %scan3A_90 = arith.addi %scan3A_88, %scan3A_89 : i32
      %scan3A_91 = arith.constant 1 : i32
      %scan3A_92 = scf.for %scan3A_102 = %scan3A_88 to %scan3A_90 step %scan3A_91 iter_args(%scan3A_103 = %broadcast_in_dim3A_1) -> (vector<16xf32>)  : i32 {
        %mul3A_104 = arith.constant 16 : i32
        %mul3A_105 = arith.muli %scan3A_102, %mul3A_104 : i32
        %get3A = arith.index_cast %mul3A_105 : i32 to index
        %get3A_106 = tpu.vector_load %arg12[%get3A] {strides = array<i32>} : memref<1280xf32, #tpu.memory_space<vmem>>, vector<16xf32>,
        %gt3A_107 = vector.broadcast %mul3A_87 : f32 to vector<16xf32>
        %gt3A_108 = arith.cmpf ogt, %get3A_106, %gt3A_107 : vector<16xf32>
        %convert_element_type3A_109 = arith.extui %gt3A_108 : vector<16xi1> to vector<16xi32>
        %convert_element_type3A_110 = arith.sitofp %convert_element_type3A_109 : vector<16xi32> to vector<16xf32>
        %add3A_111 = arith.addf %scan3A_103, %convert_element_type3A_110 : vector<16xf32>
        scf.yield %add3A_111 : vector<16xf32>
      }
      %scan3A_93 = arith.constant 80 : i32
      %reduce_sum3A_94 = arith.constant true
      %reduce_sum3A_95 = vector.broadcast %reduce_sum3A_94 : i1 to vector<16xi1>
      %reduce_sum3A_96 = tpu.scan <sum>, %scan3A_92 masked %reduce_sum3A_95 : vector<16xf32>, vector<16xi1> -> vector<16xf32>
      %reduce_sum3A_97 = vector.extract %reduce_sum3A_96[15] : f32 from vector<16xf32>
      %gt3A_98 = arith.constant 1.280000e+02 : f32
      %gt3A_99 = arith.cmpf ogt, %reduce_sum3A_97, %gt3A_98 : f32
      %select_n3A_100 = arith.select %gt3A_99, %mul3A_87, %scan3A_83 : f32
      %select_n3A_101 = arith.select %gt3A_99, %scan3A_84, %mul3A_87 : f32
      scf.yield %select_n3A_100, %select_n3A_101 : f32, f32
    }
    %scan3A_33 = arith.constant 16 : i32
    %le3A = arith.constant 1.280000e+02 : f32
    %le3A_34 = arith.cmpf ole, %reduce_sum3A_25, %le3A : f32
    %jit3A = arith.constant 2.500000e-01 : f32
    %select_n3A = arith.select %le3A_34, %jit3A, %scan3A_32#1 : f32
    %scan3A_35 = arith.constant 0 : i32
    %scan3A_36 = arith.constant 0 : i32
    %scan3A_37 = arith.constant 81 : i32
    %scan3A_38 = arith.addi %scan3A_36, %scan3A_37 : i32
    %scan3A_39 = arith.constant 1 : i32
    %scan3A_40 = scf.for %scan3A_82 = %scan3A_36 to %scan3A_38 step %scan3A_39 iter_args(%scan3A_83 = %scan3A_35) -> (i32)  : i32 {
      %mul3A_84 = arith.constant 16 : i32
      %mul3A_85 = arith.muli %scan3A_82, %mul3A_84 : i32
      %swap3A = arith.index_cast %mul3A_85 : i32 to index
      %swap3A_86 = tpu.vector_load %arg17[%swap3A] {strides = array<i32>} : memref<1296xf32, #tpu.memory_space<vmem>>, vector<16xf32>,
      tpu.vector_store %arg17[%swap3A], %broadcast_in_dim3A_3 {strides = array<i32>} : memref<1296xf32, #tpu.memory_space<vmem>>, vector<16xf32>,
      %broadcast_in_dim3A_87 = arith.constant -7 : i32
      %broadcast_in_dim3A_88 = vector.broadcast %broadcast_in_dim3A_87 : i32 to vector<16xi32>
      %swap3A_89 = arith.index_cast %mul3A_85 : i32 to index
      %swap3A_90 = tpu.vector_load %arg18[%swap3A_89] {strides = array<i32>} : memref<1296xi32, #tpu.memory_space<vmem>>, vector<16xi32>,
      tpu.vector_store %arg18[%swap3A_89], %broadcast_in_dim3A_88 {strides = array<i32>} : memref<1296xi32, #tpu.memory_space<vmem>>, vector<16xi32>,
      %scan3A_91 = arith.constant 0 : i32
      scf.yield %scan3A_91 : i32
    }
    %scan3A_41 = arith.constant 81 : i32
    %scan3A_42 = arith.constant 0 : i32
    %scan3A_43 = arith.constant 0 : i32
    %scan3A_44 = arith.constant 80 : i32
    %scan3A_45 = arith.addi %scan3A_43, %scan3A_44 : i32
    %scan3A_46 = arith.constant 1 : i32
    %scan3A_47 = scf.for %scan3A_82 = %scan3A_43 to %scan3A_45 step %scan3A_46 iter_args(%scan3A_83 = %scan3A_42) -> (i32)  : i32 {
      %mul3A_84 = arith.constant 16 : i32
      %mul3A_85 = arith.muli %scan3A_82, %mul3A_84 : i32
      %get3A = arith.index_cast %mul3A_85 : i32 to index
      %get3A_86 = tpu.vector_load %arg12[%get3A] {strides = array<i32>} : memref<1280xf32, #tpu.memory_space<vmem>>, vector<16xf32>,
      %gt3A_87 = vector.broadcast %select_n3A : f32 to vector<16xf32>
      %gt3A_88 = arith.cmpf ogt, %get3A_86, %gt3A_87 : vector<16xf32>
      %convert_element_type3A_89 = arith.extui %gt3A_88 : vector<16xi1> to vector<16xi32>
      %broadcast_in_dim3A_90 = arith.constant true
      %broadcast_in_dim3A_91 = vector.broadcast %broadcast_in_dim3A_90 : i1 to vector<16xi1>
      %masked_cumsum3A = tpu.scan <sum>, %convert_element_type3A_89 masked %broadcast_in_dim3A_91 : vector<16xi32>, vector<16xi1> -> vector<16xi32>
      %add3A_92 = vector.broadcast %scan3A_83 : i32 to vector<16xi32>
      %add3A_93 = arith.addi %add3A_92, %masked_cumsum3A : vector<16xi32>
      %sub3A_94 = arith.subi %add3A_93, %convert_element_type3A_89 : vector<16xi32>
      tpu.vector_store_idx %arg17[%sub3A_94], %get3A_86 masked %gt3A_88 : memref<1296xf32, #tpu.memory_space<vmem>>[vector<16xi32>], vector<16xf32>, vector<16xi1>
      %get3A_95 = arith.index_cast %mul3A_85 : i32 to index
      %get3A_96 = tpu.vector_load %arg8[%get3A_95] {strides = array<i32>} : memref<1280xf32, #tpu.memory_space<vmem>>, vector<16xf32>,
      tpu.vector_store_idx %arg13[%sub3A_94], %get3A_96 masked %gt3A_88 : memref<1296xf32, #tpu.memory_space<vmem>>[vector<16xi32>], vector<16xf32>, vector<16xi1>
      %get3A_97 = arith.index_cast %mul3A_85 : i32 to index
      %get3A_98 = tpu.vector_load %arg9[%get3A_97] {strides = array<i32>} : memref<1280xf32, #tpu.memory_space<vmem>>, vector<16xf32>,
      tpu.vector_store_idx %arg14[%sub3A_94], %get3A_98 masked %gt3A_88 : memref<1296xf32, #tpu.memory_space<vmem>>[vector<16xi32>], vector<16xf32>, vector<16xi1>
      %get3A_99 = arith.index_cast %mul3A_85 : i32 to index
      %get3A_100 = tpu.vector_load %arg10[%get3A_99] {strides = array<i32>} : memref<1280xf32, #tpu.memory_space<vmem>>, vector<16xf32>,
      tpu.vector_store_idx %arg15[%sub3A_94], %get3A_100 masked %gt3A_88 : memref<1296xf32, #tpu.memory_space<vmem>>[vector<16xi32>], vector<16xf32>, vector<16xi1>
      %get3A_101 = arith.index_cast %mul3A_85 : i32 to index
      %get3A_102 = tpu.vector_load %arg11[%get3A_101] {strides = array<i32>} : memref<1280xf32, #tpu.memory_space<vmem>>, vector<16xf32>,
      tpu.vector_store_idx %arg16[%sub3A_94], %get3A_102 masked %gt3A_88 : memref<1296xf32, #tpu.memory_space<vmem>>[vector<16xi32>], vector<16xf32>, vector<16xi1>
      %add3A_103 = arith.addi %mul3A_0, %mul3A_85 : i32
      %add3A_104 = vector.broadcast %add3A_103 : i32 to vector<16xi32>
      %add3A_105 = arith.addi %add3A_104, %iota3A : vector<16xi32>
      tpu.vector_store_idx %arg18[%sub3A_94], %add3A_105 masked %gt3A_88 : memref<1296xi32, #tpu.memory_space<vmem>>[vector<16xi32>], vector<16xi32>, vector<16xi1>
      %reduce_max3A_106 = arith.constant true
      %reduce_max3A_107 = vector.broadcast %reduce_max3A_106 : i1 to vector<16xi1>
      %reduce_max3A_108 = arith.constant -2147483648 : i32
      %reduce_max3A_109 = vector.broadcast %reduce_max3A_108 : i32 to vector<16xi32>
      %reduce_max3A_110 = arith.xori %masked_cumsum3A, %reduce_max3A_109 : vector<16xi32>
      %reduce_max3A_111 = tpu.scan <max>, %reduce_max3A_110 masked %reduce_max3A_107 : vector<16xi32>, vector<16xi1> -> vector<16xi32>
      %reduce_max3A_112 = arith.xori %reduce_max3A_111, %reduce_max3A_109 : vector<16xi32>
      %reduce_max3A_113 = vector.extract %reduce_max3A_112[15] : i32 from vector<16xi32>
      %add3A_114 = arith.addi %scan3A_83, %reduce_max3A_113 : i32
      scf.yield %add3A_114 : i32
    }
    %scan3A_48 = arith.constant 80 : i32
    %add3A_49 = arith.constant 15 : i32
    %add3A_50 = arith.addi %scan3A_47, %add3A_49 : i32
    %jit3A_51 = arith.constant 16 : i32
    %div3A = arith.divsi %add3A_50, %jit3A_51 : i32
    %sign3A = arith.constant 0 : i32
    %sign3A_52 = arith.cmpi sgt, %add3A_50, %sign3A : i32
    %sign3A_53 = arith.extui %sign3A_52 : i1 to i32
    %sign3A_54 = arith.constant 0 : i32
    %sign3A_55 = arith.cmpi slt, %add3A_50, %sign3A_54 : i32
    %sign3A_56 = arith.extui %sign3A_55 : i1 to i32
    %sign3A_57 = arith.subi %sign3A_53, %sign3A_56 : i32
    %sign3A_58 = arith.constant 0 : i32
    %sign3A_59 = arith.cmpi sgt, %jit3A_51, %sign3A_58 : i32
    %sign3A_60 = arith.extui %sign3A_59 : i1 to i32
    %sign3A_61 = arith.constant 0 : i32
    %sign3A_62 = arith.cmpi slt, %jit3A_51, %sign3A_61 : i32
    %sign3A_63 = arith.extui %sign3A_62 : i1 to i32
    %sign3A_64 = arith.subi %sign3A_60, %sign3A_63 : i32
    %ne3A = arith.cmpi ne, %sign3A_57, %sign3A_64 : i32
    %rem3A = arith.remsi %add3A_50, %jit3A_51 : i32
    %ne3A_65 = arith.constant 0 : i32
    %ne3A_66 = arith.cmpi ne, %rem3A, %ne3A_65 : i32
    %and3A = arith.andi %ne3A, %ne3A_66 : i1
    %sub3A = arith.constant 1 : i32
    %sub3A_67 = arith.subi %div3A, %sub3A : i32
    %select_n3A_68 = arith.select %and3A, %sub3A_67, %div3A : i32
    %convert_element_type3A = arith.sitofp %scan3A_47 : i32 to f32
    %gt3A = arith.cmpf ogt, %reduce_sum3A_25, %convert_element_type3A : f32
    %scan3A_69 = arith.constant 1 : i32
    %scan3A_70 = arith.constant 0 : i32
    %scan3A_71 = arith.constant 0 : i32
    %scan3A_72 = arith.constant 0 : i32
    %scan3A_73 = arith.constant 300 : i32
    %scan3A_74 = arith.addi %scan3A_72, %scan3A_73 : i32
    %scan3A_75 = arith.constant 1 : i32
    %scan3A_76:4 = scf.for %scan3A_82 = %scan3A_72 to %scan3A_74 step %scan3A_75 iter_args(%scan3A_83 = %scan3A_69, %scan3A_84 = %select_n3A_68, %scan3A_85 = %scan3A_70, %scan3A_86 = %scan3A_71) -> (i32, i32, i32, i32)  : i32 {
      %eq3A_87 = arith.constant 1 : i32
      %eq3A_88 = arith.cmpi eq, %scan3A_83, %eq3A_87 : i32
      %convert_element_type3A_89 = arith.extui %eq3A_88 : i1 to i32
      %cond3A_90 = arith.constant 0 : i32
      %cond3A_91 = arith.cmpi ne, %convert_element_type3A_89, %cond3A_90 : i32
      %cond3A_92:4 = scf.if %cond3A_91 -> (i32, i32, i32, i32) {
        %eq3A_93 = arith.constant 0 : i32
        %eq3A_94 = arith.cmpi eq, %scan3A_85, %eq3A_93 : i32
        %convert_element_type3A_95 = arith.extui %eq3A_94 : i1 to i32
        %cond3A_96 = arith.constant 0 : i32
        %cond3A_97 = arith.cmpi ne, %convert_element_type3A_95, %cond3A_96 : i32
        %cond3A_98:2 = scf.if %cond3A_97 -> (f32, i32) {
          %broadcast_in_dim3A_536 = arith.constant -2.000000e+00 : f32
          %broadcast_in_dim3A_537 = vector.broadcast %broadcast_in_dim3A_536 : f32 to vector<16xf32>
          %broadcast_in_dim3A_538 = arith.constant 0 : i32
          %broadcast_in_dim3A_539 = vector.broadcast %broadcast_in_dim3A_538 : i32 to vector<16xi32>
          %get3A = arith.constant 0 : index
          %get3A_540 = tpu.vector_load %arg17[%get3A] {strides = array<i32>} : memref<1296xf32, #tpu.memory_space<vmem>>, vector<16xf32>,
          %gt3A_541 = arith.cmpf ogt, %get3A_540, %broadcast_in_dim3A_537 : vector<16xf32>
          %select_n3A_542 = arith.select %gt3A_541, %get3A_540, %broadcast_in_dim3A_537 : vector<16xi1>, vector<16xf32>
          %add3A_543 = arith.constant 0 : i32
          %add3A_544 = vector.broadcast %add3A_543 : i32 to vector<16xi32>
          %add3A_545 = arith.addi %add3A_544, %iota3A : vector<16xi32>
          %select_n3A_546 = arith.select %gt3A_541, %add3A_545, %broadcast_in_dim3A_539 : vector<16xi1>, vector<16xi32>
          %get3A_547 = arith.constant 16 : index
          %get3A_548 = tpu.vector_load %arg17[%get3A_547] {strides = array<i32>} : memref<1296xf32, #tpu.memory_space<vmem>>, vector<16xf32>,
          %gt3A_549 = arith.cmpf ogt, %get3A_548, %select_n3A_542 : vector<16xf32>
          %select_n3A_550 = arith.select %gt3A_549, %get3A_548, %select_n3A_542 : vector<16xi1>, vector<16xf32>
          %add3A_551 = arith.constant 16 : i32
          %add3A_552 = vector.broadcast %add3A_551 : i32 to vector<16xi32>
          %add3A_553 = arith.addi %add3A_552, %iota3A : vector<16xi32>
          %select_n3A_554 = arith.select %gt3A_549, %add3A_553, %select_n3A_546 : vector<16xi1>, vector<16xi32>
          %get3A_555 = arith.constant 32 : index
          %get3A_556 = tpu.vector_load %arg17[%get3A_555] {strides = array<i32>} : memref<1296xf32, #tpu.memory_space<vmem>>, vector<16xf32>,
          %gt3A_557 = arith.cmpf ogt, %get3A_556, %select_n3A_550 : vector<16xf32>
          %select_n3A_558 = arith.select %gt3A_557, %get3A_556, %select_n3A_550 : vector<16xi1>, vector<16xf32>
          %add3A_559 = arith.constant 32 : i32
          %add3A_560 = vector.broadcast %add3A_559 : i32 to vector<16xi32>
          %add3A_561 = arith.addi %add3A_560, %iota3A : vector<16xi32>
          %select_n3A_562 = arith.select %gt3A_557, %add3A_561, %select_n3A_554 : vector<16xi1>, vector<16xi32>
          %get3A_563 = arith.constant 48 : index
          %get3A_564 = tpu.vector_load %arg17[%get3A_563] {strides = array<i32>} : memref<1296xf32, #tpu.memory_space<vmem>>, vector<16xf32>,
          %gt3A_565 = arith.cmpf ogt, %get3A_564, %select_n3A_558 : vector<16xf32>
          %select_n3A_566 = arith.select %gt3A_565, %get3A_564, %select_n3A_558 : vector<16xi1>, vector<16xf32>
          %add3A_567 = arith.constant 48 : i32
          %add3A_568 = vector.broadcast %add3A_567 : i32 to vector<16xi32>
          %add3A_569 = arith.addi %add3A_568, %iota3A : vector<16xi32>
          %select_n3A_570 = arith.select %gt3A_565, %add3A_569, %select_n3A_562 : vector<16xi1>, vector<16xi32>
          %get3A_571 = arith.constant 64 : index
          %get3A_572 = tpu.vector_load %arg17[%get3A_571] {strides = array<i32>} : memref<1296xf32, #tpu.memory_space<vmem>>, vector<16xf32>,
          %gt3A_573 = arith.cmpf ogt, %get3A_572, %select_n3A_566 : vector<16xf32>
          %select_n3A_574 = arith.select %gt3A_573, %get3A_572, %select_n3A_566 : vector<16xi1>, vector<16xf32>
          %add3A_575 = arith.constant 64 : i32
          %add3A_576 = vector.broadcast %add3A_575 : i32 to vector<16xi32>
          %add3A_577 = arith.addi %add3A_576, %iota3A : vector<16xi32>
          %select_n3A_578 = arith.select %gt3A_573, %add3A_577, %select_n3A_570 : vector<16xi1>, vector<16xi32>
          %get3A_579 = arith.constant 80 : index
          %get3A_580 = tpu.vector_load %arg17[%get3A_579] {strides = array<i32>} : memref<1296xf32, #tpu.memory_space<vmem>>, vector<16xf32>,
          %gt3A_581 = arith.cmpf ogt, %get3A_580, %select_n3A_574 : vector<16xf32>
          %select_n3A_582 = arith.select %gt3A_581, %get3A_580, %select_n3A_574 : vector<16xi1>, vector<16xf32>
          %add3A_583 = arith.constant 80 : i32
          %add3A_584 = vector.broadcast %add3A_583 : i32 to vector<16xi32>
          %add3A_585 = arith.addi %add3A_584, %iota3A : vector<16xi32>
          %select_n3A_586 = arith.select %gt3A_581, %add3A_585, %select_n3A_578 : vector<16xi1>, vector<16xi32>
          %get3A_587 = arith.constant 96 : index
          %get3A_588 = tpu.vector_load %arg17[%get3A_587] {strides = array<i32>} : memref<1296xf32, #tpu.memory_space<vmem>>, vector<16xf32>,
          %gt3A_589 = arith.cmpf ogt, %get3A_588, %select_n3A_582 : vector<16xf32>
          %select_n3A_590 = arith.select %gt3A_589, %get3A_588, %select_n3A_582 : vector<16xi1>, vector<16xf32>
          %add3A_591 = arith.constant 96 : i32
          %add3A_592 = vector.broadcast %add3A_591 : i32 to vector<16xi32>
          %add3A_593 = arith.addi %add3A_592, %iota3A : vector<16xi32>
          %select_n3A_594 = arith.select %gt3A_589, %add3A_593, %select_n3A_586 : vector<16xi1>, vector<16xi32>
          %get3A_595 = arith.constant 112 : index
          %get3A_596 = tpu.vector_load %arg17[%get3A_595] {strides = array<i32>} : memref<1296xf32, #tpu.memory_space<vmem>>, vector<16xf32>,
          %gt3A_597 = arith.cmpf ogt, %get3A_596, %select_n3A_590 : vector<16xf32>
          %select_n3A_598 = arith.select %gt3A_597, %get3A_596, %select_n3A_590 : vector<16xi1>, vector<16xf32>
          %add3A_599 = arith.constant 112 : i32
          %add3A_600 = vector.broadcast %add3A_599 : i32 to vector<16xi32>
          %add3A_601 = arith.addi %add3A_600, %iota3A : vector<16xi32>
          %select_n3A_602 = arith.select %gt3A_597, %add3A_601, %select_n3A_594 : vector<16xi1>, vector<16xi32>
          %reduce_max3A_603 = arith.constant true
          %reduce_max3A_604 = vector.broadcast %reduce_max3A_603 : i1 to vector<16xi1>
          %reduce_max3A_605 = tpu.scan <max>, %select_n3A_598 masked %reduce_max3A_604 : vector<16xf32>, vector<16xi1> -> vector<16xf32>
          %reduce_max3A_606 = vector.extract %reduce_max3A_605[15] : f32 from vector<16xf32>
          %eq3A_607 = vector.broadcast %reduce_max3A_606 : f32 to vector<16xf32>
          %eq3A_608 = arith.cmpf oeq, %select_n3A_598, %eq3A_607 : vector<16xf32>
          %jit3A_609 = arith.constant 1073741824 : i32
          %broadcast_in_dim3A_610 = vector.broadcast %jit3A_609 : i32 to vector<16xi32>
          %select_n3A_611 = arith.select %eq3A_608, %select_n3A_602, %broadcast_in_dim3A_610 : vector<16xi1>, vector<16xi32>
          %reduce_min3A = arith.constant true
          %reduce_min3A_612 = vector.broadcast %reduce_min3A : i1 to vector<16xi1>
          %reduce_min3A_613 = arith.constant -2147483648 : i32
          %reduce_min3A_614 = vector.broadcast %reduce_min3A_613 : i32 to vector<16xi32>
          %reduce_min3A_615 = arith.xori %select_n3A_611, %reduce_min3A_614 : vector<16xi32>
          %reduce_min3A_616 = tpu.scan <min>, %reduce_min3A_615 masked %reduce_min3A_612 : vector<16xi32>, vector<16xi1> -> vector<16xi32>
          %reduce_min3A_617 = arith.xori %reduce_min3A_616, %reduce_min3A_614 : vector<16xi32>
          %reduce_min3A_618 = vector.extract %reduce_min3A_617[15] : i32 from vector<16xi32>
          scf.yield %reduce_max3A_606, %reduce_min3A_618 : f32, i32
        } else {
          %broadcast_in_dim3A_536 = arith.constant -2.000000e+00 : f32
          %broadcast_in_dim3A_537 = vector.broadcast %broadcast_in_dim3A_536 : f32 to vector<16xf32>
          %broadcast_in_dim3A_538 = arith.constant 0 : i32
          %broadcast_in_dim3A_539 = vector.broadcast %broadcast_in_dim3A_538 : i32 to vector<16xi32>
          %while3A = arith.constant 0 : i32
          %while3A_540 = arith.subi %scan3A_84, %while3A : i32
          %while3A_541 = arith.addi %while3A, %while3A_540 : i32
          %while3A_542 = arith.constant 1 : i32
          %while3A_543 = arith.divsi %while3A_540, %while3A_542 : i32
          %while3A_544 = arith.muli %while3A_543, %while3A_542 : i32
          %while3A_545 = arith.addi %while3A, %while3A_544 : i32
          %while3A_546 = arith.constant 1 : i32
          %while3A_547:2 = scf.for %while3A_566 = %while3A to %while3A_545 step %while3A_546 iter_args(%while3A_567 = %broadcast_in_dim3A_537, %while3A_568 = %broadcast_in_dim3A_539) -> (vector<16xf32>, vector<16xi32>)  : i32 {
            %mul3A_569 = arith.constant 16 : i32
            %mul3A_570 = arith.muli %while3A_566, %mul3A_569 : i32
            %get3A = arith.index_cast %mul3A_570 : i32 to index
            %get3A_571 = tpu.vector_load %arg17[%get3A] {strides = array<i32>} : memref<1296xf32, #tpu.memory_space<vmem>>, vector<16xf32>,
            %gt3A_572 = arith.cmpf ogt, %get3A_571, %while3A_567 : vector<16xf32>
            %select_n3A_573 = arith.select %gt3A_572, %get3A_571, %while3A_567 : vector<16xi1>, vector<16xf32>
            %mul3A_574 = arith.constant 16 : i32
            %mul3A_575 = arith.muli %while3A_566, %mul3A_574 : i32
            %add3A_576 = vector.broadcast %mul3A_575 : i32 to vector<16xi32>
            %add3A_577 = arith.addi %add3A_576, %iota3A : vector<16xi32>
            %select_n3A_578 = arith.select %gt3A_572, %add3A_577, %while3A_568 : vector<16xi1>, vector<16xi32>
            scf.yield %select_n3A_573, %select_n3A_578 : vector<16xf32>, vector<16xi32>
          }
          %while3A_548 = arith.constant 1 : i32
          %while3A_549:2 = scf.for %while3A_566 = %while3A_545 to %while3A_541 step %while3A_548 iter_args(%while3A_567 = %while3A_547#0, %while3A_568 = %while3A_547#1) -> (vector<16xf32>, vector<16xi32>)  : i32 {
            %mul3A_569 = arith.constant 16 : i32
            %mul3A_570 = arith.muli %while3A_566, %mul3A_569 : i32
            %get3A = arith.index_cast %mul3A_570 : i32 to index
            %get3A_571 = tpu.vector_load %arg17[%get3A] {strides = array<i32>} : memref<1296xf32, #tpu.memory_space<vmem>>, vector<16xf32>,
            %gt3A_572 = arith.cmpf ogt, %get3A_571, %while3A_567 : vector<16xf32>
            %select_n3A_573 = arith.select %gt3A_572, %get3A_571, %while3A_567 : vector<16xi1>, vector<16xf32>
            %mul3A_574 = arith.constant 16 : i32
            %mul3A_575 = arith.muli %while3A_566, %mul3A_574 : i32
            %add3A_576 = vector.broadcast %mul3A_575 : i32 to vector<16xi32>
            %add3A_577 = arith.addi %add3A_576, %iota3A : vector<16xi32>
            %select_n3A_578 = arith.select %gt3A_572, %add3A_577, %while3A_568 : vector<16xi1>, vector<16xi32>
            scf.yield %select_n3A_573, %select_n3A_578 : vector<16xf32>, vector<16xi32>
          }
          %reduce_max3A_550 = arith.constant true
          %reduce_max3A_551 = vector.broadcast %reduce_max3A_550 : i1 to vector<16xi1>
          %reduce_max3A_552 = tpu.scan <max>, %while3A_549#0 masked %reduce_max3A_551 : vector<16xf32>, vector<16xi1> -> vector<16xf32>
          %reduce_max3A_553 = vector.extract %reduce_max3A_552[15] : f32 from vector<16xf32>
          %eq3A_554 = vector.broadcast %reduce_max3A_553 : f32 to vector<16xf32>
          %eq3A_555 = arith.cmpf oeq, %while3A_549#0, %eq3A_554 : vector<16xf32>
          %jit3A_556 = arith.constant 1073741824 : i32
          %broadcast_in_dim3A_557 = vector.broadcast %jit3A_556 : i32 to vector<16xi32>
          %select_n3A_558 = arith.select %eq3A_555, %while3A_549#1, %broadcast_in_dim3A_557 : vector<16xi1>, vector<16xi32>
          %reduce_min3A = arith.constant true
          %reduce_min3A_559 = vector.broadcast %reduce_min3A : i1 to vector<16xi1>
          %reduce_min3A_560 = arith.constant -2147483648 : i32
          %reduce_min3A_561 = vector.broadcast %reduce_min3A_560 : i32 to vector<16xi32>
          %reduce_min3A_562 = arith.xori %select_n3A_558, %reduce_min3A_561 : vector<16xi32>
          %reduce_min3A_563 = tpu.scan <min>, %reduce_min3A_562 masked %reduce_min3A_559 : vector<16xi32>, vector<16xi1> -> vector<16xi32>
          %reduce_min3A_564 = arith.xori %reduce_min3A_563, %reduce_min3A_561 : vector<16xi32>
          %reduce_min3A_565 = vector.extract %reduce_min3A_564[15] : i32 from vector<16xi32>
          scf.yield %reduce_max3A_553, %reduce_min3A_565 : f32, i32
        }
        %lt3A = arith.constant -5.000000e-01 : f32
        %lt3A_99 = arith.cmpf olt, %cond3A_98#0, %lt3A : f32
        %and3A_100 = arith.andi %lt3A_99, %gt3A : i1
        %eq3A_101 = arith.constant 0 : i32
        %eq3A_102 = arith.cmpi eq, %scan3A_85, %eq3A_101 : i32
        %and3A_103 = arith.andi %and3A_100, %eq3A_102 : i1
        %convert_element_type3A_104 = arith.extui %and3A_103 : i1 to i32
        %cond3A_105 = arith.constant 0 : i32
        %cond3A_106 = arith.cmpi ne, %convert_element_type3A_104, %cond3A_105 : i32
        %cond3A_107:4 = scf.if %cond3A_106 -> (f32, i32, i32, i32) {
          %scan3A_536 = arith.constant 0 : i32
          %scan3A_537 = arith.constant 0 : i32
          %scan3A_538 = arith.constant 81 : i32
          %scan3A_539 = arith.addi %scan3A_537, %scan3A_538 : i32
          %scan3A_540 = arith.constant 1 : i32
          %scan3A_541 = scf.for %scan3A_620 = %scan3A_537 to %scan3A_539 step %scan3A_540 iter_args(%scan3A_621 = %scan3A_536) -> (i32)  : i32 {
            %mul3A_622 = arith.constant 16 : i32
            %mul3A_623 = arith.muli %scan3A_620, %mul3A_622 : i32
            %swap3A_624 = arith.index_cast %mul3A_623 : i32 to index
            %swap3A_625 = tpu.vector_load %arg17[%swap3A_624] {strides = array<i32>} : memref<1296xf32, #tpu.memory_space<vmem>>, vector<16xf32>,
            tpu.vector_store %arg17[%swap3A_624], %broadcast_in_dim3A_3 {strides = array<i32>} : memref<1296xf32, #tpu.memory_space<vmem>>, vector<16xf32>,
            %broadcast_in_dim3A_626 = arith.constant -7 : i32
            %broadcast_in_dim3A_627 = vector.broadcast %broadcast_in_dim3A_626 : i32 to vector<16xi32>
            %swap3A_628 = arith.index_cast %mul3A_623 : i32 to index
            %swap3A_629 = tpu.vector_load %arg18[%swap3A_628] {strides = array<i32>} : memref<1296xi32, #tpu.memory_space<vmem>>, vector<16xi32>,
            tpu.vector_store %arg18[%swap3A_628], %broadcast_in_dim3A_627 {strides = array<i32>} : memref<1296xi32, #tpu.memory_space<vmem>>, vector<16xi32>,
            %scan3A_630 = arith.constant 0 : i32
            scf.yield %scan3A_630 : i32
          }
          %scan3A_542 = arith.constant 81 : i32
          %scan3A_543 = arith.constant 2.500000e-01 : f32
          %scan3A_544 = arith.constant 0 : i32
          %scan3A_545 = arith.constant 0 : i32
          %scan3A_546 = arith.constant 80 : i32
          %scan3A_547 = arith.addi %scan3A_545, %scan3A_546 : i32
          %scan3A_548 = arith.constant 1 : i32
          %scan3A_549 = scf.for %scan3A_620 = %scan3A_545 to %scan3A_547 step %scan3A_548 iter_args(%scan3A_621 = %scan3A_544) -> (i32)  : i32 {
            %mul3A_622 = arith.constant 16 : i32
            %mul3A_623 = arith.muli %scan3A_620, %mul3A_622 : i32
            %get3A = arith.index_cast %mul3A_623 : i32 to index
            %get3A_624 = tpu.vector_load %arg12[%get3A] {strides = array<i32>} : memref<1280xf32, #tpu.memory_space<vmem>>, vector<16xf32>,
            %gt3A_625 = vector.broadcast %scan3A_543 : f32 to vector<16xf32>
            %gt3A_626 = arith.cmpf ogt, %get3A_624, %gt3A_625 : vector<16xf32>
            %convert_element_type3A_627 = arith.extui %gt3A_626 : vector<16xi1> to vector<16xi32>
            %broadcast_in_dim3A_628 = arith.constant true
            %broadcast_in_dim3A_629 = vector.broadcast %broadcast_in_dim3A_628 : i1 to vector<16xi1>
            %masked_cumsum3A = tpu.scan <sum>, %convert_element_type3A_627 masked %broadcast_in_dim3A_629 : vector<16xi32>, vector<16xi1> -> vector<16xi32>
            %add3A_630 = vector.broadcast %scan3A_621 : i32 to vector<16xi32>
            %add3A_631 = arith.addi %add3A_630, %masked_cumsum3A : vector<16xi32>
            %sub3A_632 = arith.subi %add3A_631, %convert_element_type3A_627 : vector<16xi32>
            tpu.vector_store_idx %arg17[%sub3A_632], %get3A_624 masked %gt3A_626 : memref<1296xf32, #tpu.memory_space<vmem>>[vector<16xi32>], vector<16xf32>, vector<16xi1>
            %get3A_633 = arith.index_cast %mul3A_623 : i32 to index
            %get3A_634 = tpu.vector_load %arg8[%get3A_633] {strides = array<i32>} : memref<1280xf32, #tpu.memory_space<vmem>>, vector<16xf32>,
            tpu.vector_store_idx %arg13[%sub3A_632], %get3A_634 masked %gt3A_626 : memref<1296xf32, #tpu.memory_space<vmem>>[vector<16xi32>], vector<16xf32>, vector<16xi1>
            %get3A_635 = arith.index_cast %mul3A_623 : i32 to index
            %get3A_636 = tpu.vector_load %arg9[%get3A_635] {strides = array<i32>} : memref<1280xf32, #tpu.memory_space<vmem>>, vector<16xf32>,
            tpu.vector_store_idx %arg14[%sub3A_632], %get3A_636 masked %gt3A_626 : memref<1296xf32, #tpu.memory_space<vmem>>[vector<16xi32>], vector<16xf32>, vector<16xi1>
            %get3A_637 = arith.index_cast %mul3A_623 : i32 to index
            %get3A_638 = tpu.vector_load %arg10[%get3A_637] {strides = array<i32>} : memref<1280xf32, #tpu.memory_space<vmem>>, vector<16xf32>,
            tpu.vector_store_idx %arg15[%sub3A_632], %get3A_638 masked %gt3A_626 : memref<1296xf32, #tpu.memory_space<vmem>>[vector<16xi32>], vector<16xf32>, vector<16xi1>
            %get3A_639 = arith.index_cast %mul3A_623 : i32 to index
            %get3A_640 = tpu.vector_load %arg11[%get3A_639] {strides = array<i32>} : memref<1280xf32, #tpu.memory_space<vmem>>, vector<16xf32>,
            tpu.vector_store_idx %arg16[%sub3A_632], %get3A_640 masked %gt3A_626 : memref<1296xf32, #tpu.memory_space<vmem>>[vector<16xi32>], vector<16xf32>, vector<16xi1>
            %add3A_641 = arith.addi %mul3A_0, %mul3A_623 : i32
            %add3A_642 = vector.broadcast %add3A_641 : i32 to vector<16xi32>
            %add3A_643 = arith.addi %add3A_642, %iota3A : vector<16xi32>
            tpu.vector_store_idx %arg18[%sub3A_632], %add3A_643 masked %gt3A_626 : memref<1296xi32, #tpu.memory_space<vmem>>[vector<16xi32>], vector<16xi32>, vector<16xi1>
            %reduce_max3A_644 = arith.constant true
            %reduce_max3A_645 = vector.broadcast %reduce_max3A_644 : i1 to vector<16xi1>
            %reduce_max3A_646 = arith.constant -2147483648 : i32
            %reduce_max3A_647 = vector.broadcast %reduce_max3A_646 : i32 to vector<16xi32>
            %reduce_max3A_648 = arith.xori %masked_cumsum3A, %reduce_max3A_647 : vector<16xi32>
            %reduce_max3A_649 = tpu.scan <max>, %reduce_max3A_648 masked %reduce_max3A_645 : vector<16xi32>, vector<16xi1> -> vector<16xi32>
            %reduce_max3A_650 = arith.xori %reduce_max3A_649, %reduce_max3A_647 : vector<16xi32>
            %reduce_max3A_651 = vector.extract %reduce_max3A_650[15] : i32 from vector<16xi32>
            %add3A_652 = arith.addi %scan3A_621, %reduce_max3A_651 : i32
            scf.yield %add3A_652 : i32
          }
          %scan3A_550 = arith.constant 80 : i32
          %add3A_551 = arith.constant 15 : i32
          %add3A_552 = arith.addi %scan3A_549, %add3A_551 : i32
          %jit3A_553 = arith.constant 16 : i32
          %div3A_554 = arith.divsi %add3A_552, %jit3A_553 : i32
          %sign3A_555 = arith.constant 0 : i32
          %sign3A_556 = arith.cmpi sgt, %add3A_552, %sign3A_555 : i32
          %sign3A_557 = arith.extui %sign3A_556 : i1 to i32
          %sign3A_558 = arith.constant 0 : i32
          %sign3A_559 = arith.cmpi slt, %add3A_552, %sign3A_558 : i32
          %sign3A_560 = arith.extui %sign3A_559 : i1 to i32
          %sign3A_561 = arith.subi %sign3A_557, %sign3A_560 : i32
          %sign3A_562 = arith.constant 0 : i32
          %sign3A_563 = arith.cmpi sgt, %jit3A_553, %sign3A_562 : i32
          %sign3A_564 = arith.extui %sign3A_563 : i1 to i32
          %sign3A_565 = arith.constant 0 : i32
          %sign3A_566 = arith.cmpi slt, %jit3A_553, %sign3A_565 : i32
          %sign3A_567 = arith.extui %sign3A_566 : i1 to i32
          %sign3A_568 = arith.subi %sign3A_564, %sign3A_567 : i32
          %ne3A_569 = arith.cmpi ne, %sign3A_561, %sign3A_568 : i32
          %rem3A_570 = arith.remsi %add3A_552, %jit3A_553 : i32
          %ne3A_571 = arith.constant 0 : i32
          %ne3A_572 = arith.cmpi ne, %rem3A_570, %ne3A_571 : i32
          %and3A_573 = arith.andi %ne3A_569, %ne3A_572 : i1
          %sub3A_574 = arith.constant 1 : i32
          %sub3A_575 = arith.subi %div3A_554, %sub3A_574 : i32
          %select_n3A_576 = arith.select %and3A_573, %sub3A_575, %div3A_554 : i32
          %while3A = arith.constant 0 : i32
          %while3A_577 = arith.constant 0 : i32
          %while3A_578 = arith.subi %scan3A_86, %while3A : i32
          %while3A_579 = arith.addi %while3A, %while3A_578 : i32
          %while3A_580 = arith.constant 1 : i32
          %while3A_581 = arith.divsi %while3A_578, %while3A_580 : i32
          %while3A_582 = arith.muli %while3A_581, %while3A_580 : i32
          %while3A_583 = arith.addi %while3A, %while3A_582 : i32
          %while3A_584 = arith.constant 1 : i32
          %while3A_585 = scf.for %while3A_620 = %while3A to %while3A_583 step %while3A_584 iter_args(%while3A_621 = %while3A_577) -> (i32)  : i32 {
            %mul3A_622 = arith.constant 16 : i32
            %mul3A_623 = arith.muli %while3A_620, %mul3A_622 : i32
            %add3A_624 = arith.constant 0 : i32
            %add3A_625 = arith.addi %mul3A_623, %add3A_624 : i32
            %broadcast_in_dim3A_626 = vector.broadcast %add3A_625 : i32 to vector<16xi32>
            %gather3A_627 = tpu.vector_load_idx %arg27[%broadcast_in_dim3A_626] : memref<4800xf32, #tpu.memory_space<vmem>>[vector<16xi32>], vector<16xf32>,
            %mul3A_628 = arith.constant 16 : i32
            %mul3A_629 = arith.muli %while3A_620, %mul3A_628 : i32
            %add3A_630 = arith.constant 1 : i32
            %add3A_631 = arith.addi %mul3A_629, %add3A_630 : i32
            %broadcast_in_dim3A_632 = vector.broadcast %add3A_631 : i32 to vector<16xi32>
            %gather3A_633 = tpu.vector_load_idx %arg27[%broadcast_in_dim3A_632] : memref<4800xf32, #tpu.memory_space<vmem>>[vector<16xi32>], vector<16xf32>,
            %mul3A_634 = arith.constant 16 : i32
            %mul3A_635 = arith.muli %while3A_620, %mul3A_634 : i32
            %add3A_636 = arith.constant 2 : i32
            %add3A_637 = arith.addi %mul3A_635, %add3A_636 : i32
            %broadcast_in_dim3A_638 = vector.broadcast %add3A_637 : i32 to vector<16xi32>
            %gather3A_639 = tpu.vector_load_idx %arg27[%broadcast_in_dim3A_638] : memref<4800xf32, #tpu.memory_space<vmem>>[vector<16xi32>], vector<16xf32>,
            %mul3A_640 = arith.constant 16 : i32
            %mul3A_641 = arith.muli %while3A_620, %mul3A_640 : i32
            %add3A_642 = arith.constant 3 : i32
            %add3A_643 = arith.addi %mul3A_641, %add3A_642 : i32
            %broadcast_in_dim3A_644 = vector.broadcast %add3A_643 : i32 to vector<16xi32>
            %gather3A_645 = tpu.vector_load_idx %arg27[%broadcast_in_dim3A_644] : memref<4800xf32, #tpu.memory_space<vmem>>[vector<16xi32>], vector<16xf32>,
            %sub3A_646 = arith.subf %gather3A_639, %gather3A_627 : vector<16xf32>
            %sub3A_647 = arith.subf %gather3A_645, %gather3A_633 : vector<16xf32>
            %mul3A_648 = arith.mulf %sub3A_646, %sub3A_647 : vector<16xf32>
            %while3A_649 = arith.constant 0 : i32
            %while3A_650 = arith.constant 0 : i32
            %while3A_651 = arith.subi %select_n3A_576, %while3A_649 : i32
            %while3A_652 = arith.addi %while3A_649, %while3A_651 : i32
            %while3A_653 = arith.constant 1 : i32
            %while3A_654 = arith.divsi %while3A_651, %while3A_653 : i32
            %while3A_655 = arith.muli %while3A_654, %while3A_653 : i32
            %while3A_656 = arith.addi %while3A_649, %while3A_655 : i32
            %while3A_657 = arith.constant 1 : i32
            %while3A_658 = scf.for %while3A_662 = %while3A_649 to %while3A_656 step %while3A_657 iter_args(%while3A_663 = %while3A_650) -> (i32)  : i32 {
              %mul3A_664 = arith.constant 16 : i32
              %mul3A_665 = arith.muli %while3A_662, %mul3A_664 : i32
              %get3A = arith.index_cast %mul3A_665 : i32 to index
              %get3A_666 = tpu.vector_load %arg13[%get3A] {strides = array<i32>} : memref<1296xf32, #tpu.memory_space<vmem>>, vector<16xf32>,
              %get3A_667 = arith.index_cast %mul3A_665 : i32 to index
              %get3A_668 = tpu.vector_load %arg14[%get3A_667] {strides = array<i32>} : memref<1296xf32, #tpu.memory_space<vmem>>, vector<16xf32>,
              %get3A_669 = arith.index_cast %mul3A_665 : i32 to index
              %get3A_670 = tpu.vector_load %arg15[%get3A_669] {strides = array<i32>} : memref<1296xf32, #tpu.memory_space<vmem>>, vector<16xf32>,
              %get3A_671 = arith.index_cast %mul3A_665 : i32 to index
              %get3A_672 = tpu.vector_load %arg16[%get3A_671] {strides = array<i32>} : memref<1296xf32, #tpu.memory_space<vmem>>, vector<16xf32>,
              %get3A_673 = arith.index_cast %mul3A_665 : i32 to index
              %get3A_674 = tpu.vector_load %arg17[%get3A_673] {strides = array<i32>} : memref<1296xf32, #tpu.memory_space<vmem>>, vector<16xf32>,
              %sub3A_675 = arith.subf %get3A_670, %get3A_666 : vector<16xf32>
              %sub3A_676 = arith.subf %get3A_672, %get3A_668 : vector<16xf32>
              %mul3A_677 = arith.mulf %sub3A_675, %sub3A_676 : vector<16xf32>
              %max3A_678 = arith.maximumf %get3A_666, %gather3A_627 : vector<16xf32>
              %max3A_679 = arith.maximumf %get3A_668, %gather3A_633 : vector<16xf32>
              %min3A = arith.minimumf %get3A_670, %gather3A_639 : vector<16xf32>
              %min3A_680 = arith.minimumf %get3A_672, %gather3A_645 : vector<16xf32>
              %sub3A_681 = arith.subf %min3A, %max3A_678 : vector<16xf32>
              %max3A_682 = arith.constant 0.000000e+00 : f32
              %max3A_683 = vector.broadcast %max3A_682 : f32 to vector<16xf32>
              %max3A_684 = arith.maximumf %sub3A_681, %max3A_683 : vector<16xf32>
              %sub3A_685 = arith.subf %min3A_680, %max3A_679 : vector<16xf32>
              %max3A_686 = arith.constant 0.000000e+00 : f32
              %max3A_687 = vector.broadcast %max3A_686 : f32 to vector<16xf32>
              %max3A_688 = arith.maximumf %sub3A_685, %max3A_687 : vector<16xf32>
              %mul3A_689 = arith.mulf %max3A_684, %max3A_688 : vector<16xf32>
              %add3A_690 = arith.addf %mul3A_677, %mul3A_648 : vector<16xf32>
              %sub3A_691 = arith.subf %add3A_690, %mul3A_689 : vector<16xf32>
              %add3A_692 = arith.constant 9.99999971E-10 : f32
              %add3A_693 = vector.broadcast %add3A_692 : f32 to vector<16xf32>
              %add3A_694 = arith.addf %sub3A_691, %add3A_693 : vector<16xf32>
              %mul3A_695 = arith.constant 4.500000e-01 : f32
              %mul3A_696 = vector.broadcast %mul3A_695 : f32 to vector<16xf32>
              %mul3A_697 = arith.mulf %mul3A_696, %add3A_694 : vector<16xf32>
              %gt3A_698 = arith.cmpf ogt, %mul3A_689, %mul3A_697 : vector<16xf32>
              %jit3A_699 = arith.constant -1.000000e+00 : f32
              %broadcast_in_dim3A_700 = vector.broadcast %jit3A_699 : f32 to vector<16xf32>
              %select_n3A_701 = arith.select %gt3A_698, %broadcast_in_dim3A_700, %get3A_674 : vector<16xi1>, vector<16xf32>
              %swap3A_702 = arith.index_cast %mul3A_665 : i32 to index
              %swap3A_703 = tpu.vector_load %arg17[%swap3A_702] {strides = array<i32>} : memref<1296xf32, #tpu.memory_space<vmem>>, vector<16xf32>,
              tpu.vector_store %arg17[%swap3A_702], %select_n3A_701 {strides = array<i32>} : memref<1296xf32, #tpu.memory_space<vmem>>, vector<16xf32>,
              %while3A_704 = arith.constant 0 : i32
              scf.yield %while3A_704 : i32
            }
            %while3A_659 = arith.constant 1 : i32
            %while3A_660 = scf.for %while3A_662 = %while3A_656 to %while3A_652 step %while3A_659 iter_args(%while3A_663 = %while3A_658) -> (i32)  : i32 {
              %mul3A_664 = arith.constant 16 : i32
              %mul3A_665 = arith.muli %while3A_662, %mul3A_664 : i32
              %get3A = arith.index_cast %mul3A_665 : i32 to index
              %get3A_666 = tpu.vector_load %arg13[%get3A] {strides = array<i32>} : memref<1296xf32, #tpu.memory_space<vmem>>, vector<16xf32>,
              %get3A_667 = arith.index_cast %mul3A_665 : i32 to index
              %get3A_668 = tpu.vector_load %arg14[%get3A_667] {strides = array<i32>} : memref<1296xf32, #tpu.memory_space<vmem>>, vector<16xf32>,
              %get3A_669 = arith.index_cast %mul3A_665 : i32 to index
              %get3A_670 = tpu.vector_load %arg15[%get3A_669] {strides = array<i32>} : memref<1296xf32, #tpu.memory_space<vmem>>, vector<16xf32>,
              %get3A_671 = arith.index_cast %mul3A_665 : i32 to index
              %get3A_672 = tpu.vector_load %arg16[%get3A_671] {strides = array<i32>} : memref<1296xf32, #tpu.memory_space<vmem>>, vector<16xf32>,
              %get3A_673 = arith.index_cast %mul3A_665 : i32 to index
              %get3A_674 = tpu.vector_load %arg17[%get3A_673] {strides = array<i32>} : memref<1296xf32, #tpu.memory_space<vmem>>, vector<16xf32>,
              %sub3A_675 = arith.subf %get3A_670, %get3A_666 : vector<16xf32>
              %sub3A_676 = arith.subf %get3A_672, %get3A_668 : vector<16xf32>
              %mul3A_677 = arith.mulf %sub3A_675, %sub3A_676 : vector<16xf32>
              %max3A_678 = arith.maximumf %get3A_666, %gather3A_627 : vector<16xf32>
              %max3A_679 = arith.maximumf %get3A_668, %gather3A_633 : vector<16xf32>
              %min3A = arith.minimumf %get3A_670, %gather3A_639 : vector<16xf32>
              %min3A_680 = arith.minimumf %get3A_672, %gather3A_645 : vector<16xf32>
              %sub3A_681 = arith.subf %min3A, %max3A_678 : vector<16xf32>
              %max3A_682 = arith.constant 0.000000e+00 : f32
              %max3A_683 = vector.broadcast %max3A_682 : f32 to vector<16xf32>
              %max3A_684 = arith.maximumf %sub3A_681, %max3A_683 : vector<16xf32>
              %sub3A_685 = arith.subf %min3A_680, %max3A_679 : vector<16xf32>
              %max3A_686 = arith.constant 0.000000e+00 : f32
              %max3A_687 = vector.broadcast %max3A_686 : f32 to vector<16xf32>
              %max3A_688 = arith.maximumf %sub3A_685, %max3A_687 : vector<16xf32>
              %mul3A_689 = arith.mulf %max3A_684, %max3A_688 : vector<16xf32>
              %add3A_690 = arith.addf %mul3A_677, %mul3A_648 : vector<16xf32>
              %sub3A_691 = arith.subf %add3A_690, %mul3A_689 : vector<16xf32>
              %add3A_692 = arith.constant 9.99999971E-10 : f32
              %add3A_693 = vector.broadcast %add3A_692 : f32 to vector<16xf32>
              %add3A_694 = arith.addf %sub3A_691, %add3A_693 : vector<16xf32>
              %mul3A_695 = arith.constant 4.500000e-01 : f32
              %mul3A_696 = vector.broadcast %mul3A_695 : f32 to vector<16xf32>
              %mul3A_697 = arith.mulf %mul3A_696, %add3A_694 : vector<16xf32>
              %gt3A_698 = arith.cmpf ogt, %mul3A_689, %mul3A_697 : vector<16xf32>
              %jit3A_699 = arith.constant -1.000000e+00 : f32
              %broadcast_in_dim3A_700 = vector.broadcast %jit3A_699 : f32 to vector<16xf32>
              %select_n3A_701 = arith.select %gt3A_698, %broadcast_in_dim3A_700, %get3A_674 : vector<16xi1>, vector<16xf32>
              %swap3A_702 = arith.index_cast %mul3A_665 : i32 to index
              %swap3A_703 = tpu.vector_load %arg17[%swap3A_702] {strides = array<i32>} : memref<1296xf32, #tpu.memory_space<vmem>>, vector<16xf32>,
              tpu.vector_store %arg17[%swap3A_702], %select_n3A_701 {strides = array<i32>} : memref<1296xf32, #tpu.memory_space<vmem>>, vector<16xf32>,
              %while3A_704 = arith.constant 0 : i32
              scf.yield %while3A_704 : i32
            }
            %while3A_661 = arith.constant 0 : i32
            scf.yield %while3A_661 : i32
          }
          %while3A_586 = arith.constant 1 : i32
          %while3A_587 = scf.for %while3A_620 = %while3A_583 to %while3A_579 step %while3A_586 iter_args(%while3A_621 = %while3A_585) -> (i32)  : i32 {
            %mul3A_622 = arith.constant 16 : i32
            %mul3A_623 = arith.muli %while3A_620, %mul3A_622 : i32
            %add3A_624 = arith.constant 0 : i32
            %add3A_625 = arith.addi %mul3A_623, %add3A_624 : i32
            %broadcast_in_dim3A_626 = vector.broadcast %add3A_625 : i32 to vector<16xi32>
            %gather3A_627 = tpu.vector_load_idx %arg27[%broadcast_in_dim3A_626] : memref<4800xf32, #tpu.memory_space<vmem>>[vector<16xi32>], vector<16xf32>,
            %mul3A_628 = arith.constant 16 : i32
            %mul3A_629 = arith.muli %while3A_620, %mul3A_628 : i32
            %add3A_630 = arith.constant 1 : i32
            %add3A_631 = arith.addi %mul3A_629, %add3A_630 : i32
            %broadcast_in_dim3A_632 = vector.broadcast %add3A_631 : i32 to vector<16xi32>
            %gather3A_633 = tpu.vector_load_idx %arg27[%broadcast_in_dim3A_632] : memref<4800xf32, #tpu.memory_space<vmem>>[vector<16xi32>], vector<16xf32>,
            %mul3A_634 = arith.constant 16 : i32
            %mul3A_635 = arith.muli %while3A_620, %mul3A_634 : i32
            %add3A_636 = arith.constant 2 : i32
            %add3A_637 = arith.addi %mul3A_635, %add3A_636 : i32
            %broadcast_in_dim3A_638 = vector.broadcast %add3A_637 : i32 to vector<16xi32>
            %gather3A_639 = tpu.vector_load_idx %arg27[%broadcast_in_dim3A_638] : memref<4800xf32, #tpu.memory_space<vmem>>[vector<16xi32>], vector<16xf32>,
            %mul3A_640 = arith.constant 16 : i32
            %mul3A_641 = arith.muli %while3A_620, %mul3A_640 : i32
            %add3A_642 = arith.constant 3 : i32
            %add3A_643 = arith.addi %mul3A_641, %add3A_642 : i32
            %broadcast_in_dim3A_644 = vector.broadcast %add3A_643 : i32 to vector<16xi32>
            %gather3A_645 = tpu.vector_load_idx %arg27[%broadcast_in_dim3A_644] : memref<4800xf32, #tpu.memory_space<vmem>>[vector<16xi32>], vector<16xf32>,
            %sub3A_646 = arith.subf %gather3A_639, %gather3A_627 : vector<16xf32>
            %sub3A_647 = arith.subf %gather3A_645, %gather3A_633 : vector<16xf32>
            %mul3A_648 = arith.mulf %sub3A_646, %sub3A_647 : vector<16xf32>
            %while3A_649 = arith.constant 0 : i32
            %while3A_650 = arith.constant 0 : i32
            %while3A_651 = arith.subi %select_n3A_576, %while3A_649 : i32
            %while3A_652 = arith.addi %while3A_649, %while3A_651 : i32
            %while3A_653 = arith.constant 1 : i32
            %while3A_654 = arith.divsi %while3A_651, %while3A_653 : i32
            %while3A_655 = arith.muli %while3A_654, %while3A_653 : i32
            %while3A_656 = arith.addi %while3A_649, %while3A_655 : i32
            %while3A_657 = arith.constant 1 : i32
            %while3A_658 = scf.for %while3A_662 = %while3A_649 to %while3A_656 step %while3A_657 iter_args(%while3A_663 = %while3A_650) -> (i32)  : i32 {
              %mul3A_664 = arith.constant 16 : i32
              %mul3A_665 = arith.muli %while3A_662, %mul3A_664 : i32
              %get3A = arith.index_cast %mul3A_665 : i32 to index
              %get3A_666 = tpu.vector_load %arg13[%get3A] {strides = array<i32>} : memref<1296xf32, #tpu.memory_space<vmem>>, vector<16xf32>,
              %get3A_667 = arith.index_cast %mul3A_665 : i32 to index
              %get3A_668 = tpu.vector_load %arg14[%get3A_667] {strides = array<i32>} : memref<1296xf32, #tpu.memory_space<vmem>>, vector<16xf32>,
              %get3A_669 = arith.index_cast %mul3A_665 : i32 to index
              %get3A_670 = tpu.vector_load %arg15[%get3A_669] {strides = array<i32>} : memref<1296xf32, #tpu.memory_space<vmem>>, vector<16xf32>,
              %get3A_671 = arith.index_cast %mul3A_665 : i32 to index
              %get3A_672 = tpu.vector_load %arg16[%get3A_671] {strides = array<i32>} : memref<1296xf32, #tpu.memory_space<vmem>>, vector<16xf32>,
              %get3A_673 = arith.index_cast %mul3A_665 : i32 to index
              %get3A_674 = tpu.vector_load %arg17[%get3A_673] {strides = array<i32>} : memref<1296xf32, #tpu.memory_space<vmem>>, vector<16xf32>,
              %sub3A_675 = arith.subf %get3A_670, %get3A_666 : vector<16xf32>
              %sub3A_676 = arith.subf %get3A_672, %get3A_668 : vector<16xf32>
              %mul3A_677 = arith.mulf %sub3A_675, %sub3A_676 : vector<16xf32>
              %max3A_678 = arith.maximumf %get3A_666, %gather3A_627 : vector<16xf32>
              %max3A_679 = arith.maximumf %get3A_668, %gather3A_633 : vector<16xf32>
              %min3A = arith.minimumf %get3A_670, %gather3A_639 : vector<16xf32>
              %min3A_680 = arith.minimumf %get3A_672, %gather3A_645 : vector<16xf32>
              %sub3A_681 = arith.subf %min3A, %max3A_678 : vector<16xf32>
              %max3A_682 = arith.constant 0.000000e+00 : f32
              %max3A_683 = vector.broadcast %max3A_682 : f32 to vector<16xf32>
              %max3A_684 = arith.maximumf %sub3A_681, %max3A_683 : vector<16xf32>
              %sub3A_685 = arith.subf %min3A_680, %max3A_679 : vector<16xf32>
              %max3A_686 = arith.constant 0.000000e+00 : f32
              %max3A_687 = vector.broadcast %max3A_686 : f32 to vector<16xf32>
              %max3A_688 = arith.maximumf %sub3A_685, %max3A_687 : vector<16xf32>
              %mul3A_689 = arith.mulf %max3A_684, %max3A_688 : vector<16xf32>
              %add3A_690 = arith.addf %mul3A_677, %mul3A_648 : vector<16xf32>
              %sub3A_691 = arith.subf %add3A_690, %mul3A_689 : vector<16xf32>
              %add3A_692 = arith.constant 9.99999971E-10 : f32
              %add3A_693 = vector.broadcast %add3A_692 : f32 to vector<16xf32>
              %add3A_694 = arith.addf %sub3A_691, %add3A_693 : vector<16xf32>
              %mul3A_695 = arith.constant 4.500000e-01 : f32
              %mul3A_696 = vector.broadcast %mul3A_695 : f32 to vector<16xf32>
              %mul3A_697 = arith.mulf %mul3A_696, %add3A_694 : vector<16xf32>
              %gt3A_698 = arith.cmpf ogt, %mul3A_689, %mul3A_697 : vector<16xf32>
              %jit3A_699 = arith.constant -1.000000e+00 : f32
              %broadcast_in_dim3A_700 = vector.broadcast %jit3A_699 : f32 to vector<16xf32>
              %select_n3A_701 = arith.select %gt3A_698, %broadcast_in_dim3A_700, %get3A_674 : vector<16xi1>, vector<16xf32>
              %swap3A_702 = arith.index_cast %mul3A_665 : i32 to index
              %swap3A_703 = tpu.vector_load %arg17[%swap3A_702] {strides = array<i32>} : memref<1296xf32, #tpu.memory_space<vmem>>, vector<16xf32>,
              tpu.vector_store %arg17[%swap3A_702], %select_n3A_701 {strides = array<i32>} : memref<1296xf32, #tpu.memory_space<vmem>>, vector<16xf32>,
              %while3A_704 = arith.constant 0 : i32
              scf.yield %while3A_704 : i32
            }
            %while3A_659 = arith.constant 1 : i32
            %while3A_660 = scf.for %while3A_662 = %while3A_656 to %while3A_652 step %while3A_659 iter_args(%while3A_663 = %while3A_658) -> (i32)  : i32 {
              %mul3A_664 = arith.constant 16 : i32
              %mul3A_665 = arith.muli %while3A_662, %mul3A_664 : i32
              %get3A = arith.index_cast %mul3A_665 : i32 to index
              %get3A_666 = tpu.vector_load %arg13[%get3A] {strides = array<i32>} : memref<1296xf32, #tpu.memory_space<vmem>>, vector<16xf32>,
              %get3A_667 = arith.index_cast %mul3A_665 : i32 to index
              %get3A_668 = tpu.vector_load %arg14[%get3A_667] {strides = array<i32>} : memref<1296xf32, #tpu.memory_space<vmem>>, vector<16xf32>,
              %get3A_669 = arith.index_cast %mul3A_665 : i32 to index
              %get3A_670 = tpu.vector_load %arg15[%get3A_669] {strides = array<i32>} : memref<1296xf32, #tpu.memory_space<vmem>>, vector<16xf32>,
              %get3A_671 = arith.index_cast %mul3A_665 : i32 to index
              %get3A_672 = tpu.vector_load %arg16[%get3A_671] {strides = array<i32>} : memref<1296xf32, #tpu.memory_space<vmem>>, vector<16xf32>,
              %get3A_673 = arith.index_cast %mul3A_665 : i32 to index
              %get3A_674 = tpu.vector_load %arg17[%get3A_673] {strides = array<i32>} : memref<1296xf32, #tpu.memory_space<vmem>>, vector<16xf32>,
              %sub3A_675 = arith.subf %get3A_670, %get3A_666 : vector<16xf32>
              %sub3A_676 = arith.subf %get3A_672, %get3A_668 : vector<16xf32>
              %mul3A_677 = arith.mulf %sub3A_675, %sub3A_676 : vector<16xf32>
              %max3A_678 = arith.maximumf %get3A_666, %gather3A_627 : vector<16xf32>
              %max3A_679 = arith.maximumf %get3A_668, %gather3A_633 : vector<16xf32>
              %min3A = arith.minimumf %get3A_670, %gather3A_639 : vector<16xf32>
              %min3A_680 = arith.minimumf %get3A_672, %gather3A_645 : vector<16xf32>
              %sub3A_681 = arith.subf %min3A, %max3A_678 : vector<16xf32>
              %max3A_682 = arith.constant 0.000000e+00 : f32
              %max3A_683 = vector.broadcast %max3A_682 : f32 to vector<16xf32>
              %max3A_684 = arith.maximumf %sub3A_681, %max3A_683 : vector<16xf32>
              %sub3A_685 = arith.subf %min3A_680, %max3A_679 : vector<16xf32>
              %max3A_686 = arith.constant 0.000000e+00 : f32
              %max3A_687 = vector.broadcast %max3A_686 : f32 to vector<16xf32>
              %max3A_688 = arith.maximumf %sub3A_685, %max3A_687 : vector<16xf32>
              %mul3A_689 = arith.mulf %max3A_684, %max3A_688 : vector<16xf32>
              %add3A_690 = arith.addf %mul3A_677, %mul3A_648 : vector<16xf32>
              %sub3A_691 = arith.subf %add3A_690, %mul3A_689 : vector<16xf32>
              %add3A_692 = arith.constant 9.99999971E-10 : f32
              %add3A_693 = vector.broadcast %add3A_692 : f32 to vector<16xf32>
              %add3A_694 = arith.addf %sub3A_691, %add3A_693 : vector<16xf32>
              %mul3A_695 = arith.constant 4.500000e-01 : f32
              %mul3A_696 = vector.broadcast %mul3A_695 : f32 to vector<16xf32>
              %mul3A_697 = arith.mulf %mul3A_696, %add3A_694 : vector<16xf32>
              %gt3A_698 = arith.cmpf ogt, %mul3A_689, %mul3A_697 : vector<16xf32>
              %jit3A_699 = arith.constant -1.000000e+00 : f32
              %broadcast_in_dim3A_700 = vector.broadcast %jit3A_699 : f32 to vector<16xf32>
              %select_n3A_701 = arith.select %gt3A_698, %broadcast_in_dim3A_700, %get3A_674 : vector<16xi1>, vector<16xf32>
              %swap3A_702 = arith.index_cast %mul3A_665 : i32 to index
              %swap3A_703 = tpu.vector_load %arg17[%swap3A_702] {strides = array<i32>} : memref<1296xf32, #tpu.memory_space<vmem>>, vector<16xf32>,
              tpu.vector_store %arg17[%swap3A_702], %select_n3A_701 {strides = array<i32>} : memref<1296xf32, #tpu.memory_space<vmem>>, vector<16xf32>,
              %while3A_704 = arith.constant 0 : i32
              scf.yield %while3A_704 : i32
            }
            %while3A_661 = arith.constant 0 : i32
            scf.yield %while3A_661 : i32
          }
          %broadcast_in_dim3A_588 = arith.constant -2.000000e+00 : f32
          %broadcast_in_dim3A_589 = vector.broadcast %broadcast_in_dim3A_588 : f32 to vector<16xf32>
          %broadcast_in_dim3A_590 = arith.constant 0 : i32
          %broadcast_in_dim3A_591 = vector.broadcast %broadcast_in_dim3A_590 : i32 to vector<16xi32>
          %while3A_592 = arith.constant 0 : i32
          %while3A_593 = arith.subi %select_n3A_576, %while3A_592 : i32
          %while3A_594 = arith.addi %while3A_592, %while3A_593 : i32
          %while3A_595 = arith.constant 1 : i32
          %while3A_596 = arith.divsi %while3A_593, %while3A_595 : i32
          %while3A_597 = arith.muli %while3A_596, %while3A_595 : i32
          %while3A_598 = arith.addi %while3A_592, %while3A_597 : i32
          %while3A_599 = arith.constant 1 : i32
          %while3A_600:2 = scf.for %while3A_620 = %while3A_592 to %while3A_598 step %while3A_599 iter_args(%while3A_621 = %broadcast_in_dim3A_589, %while3A_622 = %broadcast_in_dim3A_591) -> (vector<16xf32>, vector<16xi32>)  : i32 {
            %mul3A_623 = arith.constant 16 : i32
            %mul3A_624 = arith.muli %while3A_620, %mul3A_623 : i32
            %get3A = arith.index_cast %mul3A_624 : i32 to index
            %get3A_625 = tpu.vector_load %arg17[%get3A] {strides = array<i32>} : memref<1296xf32, #tpu.memory_space<vmem>>, vector<16xf32>,
            %gt3A_626 = arith.cmpf ogt, %get3A_625, %while3A_621 : vector<16xf32>
            %select_n3A_627 = arith.select %gt3A_626, %get3A_625, %while3A_621 : vector<16xi1>, vector<16xf32>
            %mul3A_628 = arith.constant 16 : i32
            %mul3A_629 = arith.muli %while3A_620, %mul3A_628 : i32
            %add3A_630 = vector.broadcast %mul3A_629 : i32 to vector<16xi32>
            %add3A_631 = arith.addi %add3A_630, %iota3A : vector<16xi32>
            %select_n3A_632 = arith.select %gt3A_626, %add3A_631, %while3A_622 : vector<16xi1>, vector<16xi32>
            scf.yield %select_n3A_627, %select_n3A_632 : vector<16xf32>, vector<16xi32>
          }
          %while3A_601 = arith.constant 1 : i32
          %while3A_602:2 = scf.for %while3A_620 = %while3A_598 to %while3A_594 step %while3A_601 iter_args(%while3A_621 = %while3A_600#0, %while3A_622 = %while3A_600#1) -> (vector<16xf32>, vector<16xi32>)  : i32 {
            %mul3A_623 = arith.constant 16 : i32
            %mul3A_624 = arith.muli %while3A_620, %mul3A_623 : i32
            %get3A = arith.index_cast %mul3A_624 : i32 to index
            %get3A_625 = tpu.vector_load %arg17[%get3A] {strides = array<i32>} : memref<1296xf32, #tpu.memory_space<vmem>>, vector<16xf32>,
            %gt3A_626 = arith.cmpf ogt, %get3A_625, %while3A_621 : vector<16xf32>
            %select_n3A_627 = arith.select %gt3A_626, %get3A_625, %while3A_621 : vector<16xi1>, vector<16xf32>
            %mul3A_628 = arith.constant 16 : i32
            %mul3A_629 = arith.muli %while3A_620, %mul3A_628 : i32
            %add3A_630 = vector.broadcast %mul3A_629 : i32 to vector<16xi32>
            %add3A_631 = arith.addi %add3A_630, %iota3A : vector<16xi32>
            %select_n3A_632 = arith.select %gt3A_626, %add3A_631, %while3A_622 : vector<16xi1>, vector<16xi32>
            scf.yield %select_n3A_627, %select_n3A_632 : vector<16xf32>, vector<16xi32>
          }
          %reduce_max3A_603 = arith.constant true
          %reduce_max3A_604 = vector.broadcast %reduce_max3A_603 : i1 to vector<16xi1>
          %reduce_max3A_605 = tpu.scan <max>, %while3A_602#0 masked %reduce_max3A_604 : vector<16xf32>, vector<16xi1> -> vector<16xf32>
          %reduce_max3A_606 = vector.extract %reduce_max3A_605[15] : f32 from vector<16xf32>
          %eq3A_607 = vector.broadcast %reduce_max3A_606 : f32 to vector<16xf32>
          %eq3A_608 = arith.cmpf oeq, %while3A_602#0, %eq3A_607 : vector<16xf32>
          %jit3A_609 = arith.constant 1073741824 : i32
          %broadcast_in_dim3A_610 = vector.broadcast %jit3A_609 : i32 to vector<16xi32>
          %select_n3A_611 = arith.select %eq3A_608, %while3A_602#1, %broadcast_in_dim3A_610 : vector<16xi1>, vector<16xi32>
          %reduce_min3A = arith.constant true
          %reduce_min3A_612 = vector.broadcast %reduce_min3A : i1 to vector<16xi1>
          %reduce_min3A_613 = arith.constant -2147483648 : i32
          %reduce_min3A_614 = vector.broadcast %reduce_min3A_613 : i32 to vector<16xi32>
          %reduce_min3A_615 = arith.xori %select_n3A_611, %reduce_min3A_614 : vector<16xi32>
          %reduce_min3A_616 = tpu.scan <min>, %reduce_min3A_615 masked %reduce_min3A_612 : vector<16xi32>, vector<16xi1> -> vector<16xi32>
          %reduce_min3A_617 = arith.xori %reduce_min3A_616, %reduce_min3A_614 : vector<16xi32>
          %reduce_min3A_618 = vector.extract %reduce_min3A_617[15] : i32 from vector<16xi32>
          %cond3A_619 = arith.constant 1 : i32
          scf.yield %reduce_max3A_606, %reduce_min3A_618, %select_n3A_576, %cond3A_619 : f32, i32, i32, i32
        } else {
          scf.yield %cond3A_98#0, %cond3A_98#1, %scan3A_84, %scan3A_85 : f32, i32, i32, i32
        }
        %eq3A_108 = arith.constant 0 : i32
        %eq3A_109 = arith.cmpi eq, %cond3A_107#3, %eq3A_108 : i32
        %convert_element_type3A_110 = arith.extui %eq3A_109 : i1 to i32
        %cond3A_111 = arith.constant 0 : i32
        %cond3A_112 = arith.cmpi ne, %convert_element_type3A_110, %cond3A_111 : i32
        %cond3A_113:7 = scf.if %cond3A_112 -> (f32, i32, f32, i32, f32, i32, f32) {
          %broadcast_in_dim3A_536 = vector.broadcast %cond3A_107#1 : i32 to vector<16xi32>
          tpu.vector_store_idx %arg17[%broadcast_in_dim3A_536], %broadcast_in_dim3A_3 masked %eq3A_5 : memref<1296xf32, #tpu.memory_space<vmem>>[vector<16xi32>], vector<16xf32>, vector<16xi1>
          %broadcast_in_dim3A_537 = arith.constant -2.000000e+00 : f32
          %broadcast_in_dim3A_538 = vector.broadcast %broadcast_in_dim3A_537 : f32 to vector<16xf32>
          %broadcast_in_dim3A_539 = arith.constant 0 : i32
          %broadcast_in_dim3A_540 = vector.broadcast %broadcast_in_dim3A_539 : i32 to vector<16xi32>
          %get3A = arith.constant 0 : index
          %get3A_541 = tpu.vector_load %arg17[%get3A] {strides = array<i32>} : memref<1296xf32, #tpu.memory_space<vmem>>, vector<16xf32>,
          %gt3A_542 = arith.cmpf ogt, %get3A_541, %broadcast_in_dim3A_538 : vector<16xf32>
          %select_n3A_543 = arith.select %gt3A_542, %get3A_541, %broadcast_in_dim3A_538 : vector<16xi1>, vector<16xf32>
          %add3A_544 = arith.constant 0 : i32
          %add3A_545 = vector.broadcast %add3A_544 : i32 to vector<16xi32>
          %add3A_546 = arith.addi %add3A_545, %iota3A : vector<16xi32>
          %select_n3A_547 = arith.select %gt3A_542, %add3A_546, %broadcast_in_dim3A_540 : vector<16xi1>, vector<16xi32>
          %get3A_548 = arith.constant 16 : index
          %get3A_549 = tpu.vector_load %arg17[%get3A_548] {strides = array<i32>} : memref<1296xf32, #tpu.memory_space<vmem>>, vector<16xf32>,
          %gt3A_550 = arith.cmpf ogt, %get3A_549, %select_n3A_543 : vector<16xf32>
          %select_n3A_551 = arith.select %gt3A_550, %get3A_549, %select_n3A_543 : vector<16xi1>, vector<16xf32>
          %add3A_552 = arith.constant 16 : i32
          %add3A_553 = vector.broadcast %add3A_552 : i32 to vector<16xi32>
          %add3A_554 = arith.addi %add3A_553, %iota3A : vector<16xi32>
          %select_n3A_555 = arith.select %gt3A_550, %add3A_554, %select_n3A_547 : vector<16xi1>, vector<16xi32>
          %get3A_556 = arith.constant 32 : index
          %get3A_557 = tpu.vector_load %arg17[%get3A_556] {strides = array<i32>} : memref<1296xf32, #tpu.memory_space<vmem>>, vector<16xf32>,
          %gt3A_558 = arith.cmpf ogt, %get3A_557, %select_n3A_551 : vector<16xf32>
          %select_n3A_559 = arith.select %gt3A_558, %get3A_557, %select_n3A_551 : vector<16xi1>, vector<16xf32>
          %add3A_560 = arith.constant 32 : i32
          %add3A_561 = vector.broadcast %add3A_560 : i32 to vector<16xi32>
          %add3A_562 = arith.addi %add3A_561, %iota3A : vector<16xi32>
          %select_n3A_563 = arith.select %gt3A_558, %add3A_562, %select_n3A_555 : vector<16xi1>, vector<16xi32>
          %get3A_564 = arith.constant 48 : index
          %get3A_565 = tpu.vector_load %arg17[%get3A_564] {strides = array<i32>} : memref<1296xf32, #tpu.memory_space<vmem>>, vector<16xf32>,
          %gt3A_566 = arith.cmpf ogt, %get3A_565, %select_n3A_559 : vector<16xf32>
          %select_n3A_567 = arith.select %gt3A_566, %get3A_565, %select_n3A_559 : vector<16xi1>, vector<16xf32>
          %add3A_568 = arith.constant 48 : i32
          %add3A_569 = vector.broadcast %add3A_568 : i32 to vector<16xi32>
          %add3A_570 = arith.addi %add3A_569, %iota3A : vector<16xi32>
          %select_n3A_571 = arith.select %gt3A_566, %add3A_570, %select_n3A_563 : vector<16xi1>, vector<16xi32>
          %get3A_572 = arith.constant 64 : index
          %get3A_573 = tpu.vector_load %arg17[%get3A_572] {strides = array<i32>} : memref<1296xf32, #tpu.memory_space<vmem>>, vector<16xf32>,
          %gt3A_574 = arith.cmpf ogt, %get3A_573, %select_n3A_567 : vector<16xf32>
          %select_n3A_575 = arith.select %gt3A_574, %get3A_573, %select_n3A_567 : vector<16xi1>, vector<16xf32>
          %add3A_576 = arith.constant 64 : i32
          %add3A_577 = vector.broadcast %add3A_576 : i32 to vector<16xi32>
          %add3A_578 = arith.addi %add3A_577, %iota3A : vector<16xi32>
          %select_n3A_579 = arith.select %gt3A_574, %add3A_578, %select_n3A_571 : vector<16xi1>, vector<16xi32>
          %get3A_580 = arith.constant 80 : index
          %get3A_581 = tpu.vector_load %arg17[%get3A_580] {strides = array<i32>} : memref<1296xf32, #tpu.memory_space<vmem>>, vector<16xf32>,
          %gt3A_582 = arith.cmpf ogt, %get3A_581, %select_n3A_575 : vector<16xf32>
          %select_n3A_583 = arith.select %gt3A_582, %get3A_581, %select_n3A_575 : vector<16xi1>, vector<16xf32>
          %add3A_584 = arith.constant 80 : i32
          %add3A_585 = vector.broadcast %add3A_584 : i32 to vector<16xi32>
          %add3A_586 = arith.addi %add3A_585, %iota3A : vector<16xi32>
          %select_n3A_587 = arith.select %gt3A_582, %add3A_586, %select_n3A_579 : vector<16xi1>, vector<16xi32>
          %get3A_588 = arith.constant 96 : index
          %get3A_589 = tpu.vector_load %arg17[%get3A_588] {strides = array<i32>} : memref<1296xf32, #tpu.memory_space<vmem>>, vector<16xf32>,
          %gt3A_590 = arith.cmpf ogt, %get3A_589, %select_n3A_583 : vector<16xf32>
          %select_n3A_591 = arith.select %gt3A_590, %get3A_589, %select_n3A_583 : vector<16xi1>, vector<16xf32>
          %add3A_592 = arith.constant 96 : i32
          %add3A_593 = vector.broadcast %add3A_592 : i32 to vector<16xi32>
          %add3A_594 = arith.addi %add3A_593, %iota3A : vector<16xi32>
          %select_n3A_595 = arith.select %gt3A_590, %add3A_594, %select_n3A_587 : vector<16xi1>, vector<16xi32>
          %get3A_596 = arith.constant 112 : index
          %get3A_597 = tpu.vector_load %arg17[%get3A_596] {strides = array<i32>} : memref<1296xf32, #tpu.memory_space<vmem>>, vector<16xf32>,
          %gt3A_598 = arith.cmpf ogt, %get3A_597, %select_n3A_591 : vector<16xf32>
          %select_n3A_599 = arith.select %gt3A_598, %get3A_597, %select_n3A_591 : vector<16xi1>, vector<16xf32>
          %add3A_600 = arith.constant 112 : i32
          %add3A_601 = vector.broadcast %add3A_600 : i32 to vector<16xi32>
          %add3A_602 = arith.addi %add3A_601, %iota3A : vector<16xi32>
          %select_n3A_603 = arith.select %gt3A_598, %add3A_602, %select_n3A_595 : vector<16xi1>, vector<16xi32>
          %reduce_max3A_604 = arith.constant true
          %reduce_max3A_605 = vector.broadcast %reduce_max3A_604 : i1 to vector<16xi1>
          %reduce_max3A_606 = tpu.scan <max>, %select_n3A_599 masked %reduce_max3A_605 : vector<16xf32>, vector<16xi1> -> vector<16xf32>
          %reduce_max3A_607 = vector.extract %reduce_max3A_606[15] : f32 from vector<16xf32>
          %eq3A_608 = vector.broadcast %reduce_max3A_607 : f32 to vector<16xf32>
          %eq3A_609 = arith.cmpf oeq, %select_n3A_599, %eq3A_608 : vector<16xf32>
          %jit3A_610 = arith.constant 1073741824 : i32
          %broadcast_in_dim3A_611 = vector.broadcast %jit3A_610 : i32 to vector<16xi32>
          %select_n3A_612 = arith.select %eq3A_609, %select_n3A_603, %broadcast_in_dim3A_611 : vector<16xi1>, vector<16xi32>
          %reduce_min3A = arith.constant true
          %reduce_min3A_613 = vector.broadcast %reduce_min3A : i1 to vector<16xi1>
          %reduce_min3A_614 = arith.constant -2147483648 : i32
          %reduce_min3A_615 = vector.broadcast %reduce_min3A_614 : i32 to vector<16xi32>
          %reduce_min3A_616 = arith.xori %select_n3A_612, %reduce_min3A_615 : vector<16xi32>
          %reduce_min3A_617 = tpu.scan <min>, %reduce_min3A_616 masked %reduce_min3A_613 : vector<16xi32>, vector<16xi1> -> vector<16xi32>
          %reduce_min3A_618 = arith.xori %reduce_min3A_617, %reduce_min3A_615 : vector<16xi32>
          %reduce_min3A_619 = vector.extract %reduce_min3A_618[15] : i32 from vector<16xi32>
          %broadcast_in_dim3A_620 = vector.broadcast %reduce_min3A_619 : i32 to vector<16xi32>
          tpu.vector_store_idx %arg17[%broadcast_in_dim3A_620], %broadcast_in_dim3A_3 masked %eq3A_5 : memref<1296xf32, #tpu.memory_space<vmem>>[vector<16xi32>], vector<16xf32>, vector<16xi1>
          %broadcast_in_dim3A_621 = arith.constant -2.000000e+00 : f32
          %broadcast_in_dim3A_622 = vector.broadcast %broadcast_in_dim3A_621 : f32 to vector<16xf32>
          %broadcast_in_dim3A_623 = arith.constant 0 : i32
          %broadcast_in_dim3A_624 = vector.broadcast %broadcast_in_dim3A_623 : i32 to vector<16xi32>
          %get3A_625 = arith.constant 0 : index
          %get3A_626 = tpu.vector_load %arg17[%get3A_625] {strides = array<i32>} : memref<1296xf32, #tpu.memory_space<vmem>>, vector<16xf32>,
          %gt3A_627 = arith.cmpf ogt, %get3A_626, %broadcast_in_dim3A_622 : vector<16xf32>
          %select_n3A_628 = arith.select %gt3A_627, %get3A_626, %broadcast_in_dim3A_622 : vector<16xi1>, vector<16xf32>
          %add3A_629 = arith.constant 0 : i32
          %add3A_630 = vector.broadcast %add3A_629 : i32 to vector<16xi32>
          %add3A_631 = arith.addi %add3A_630, %iota3A : vector<16xi32>
          %select_n3A_632 = arith.select %gt3A_627, %add3A_631, %broadcast_in_dim3A_624 : vector<16xi1>, vector<16xi32>
          %get3A_633 = arith.constant 16 : index
          %get3A_634 = tpu.vector_load %arg17[%get3A_633] {strides = array<i32>} : memref<1296xf32, #tpu.memory_space<vmem>>, vector<16xf32>,
          %gt3A_635 = arith.cmpf ogt, %get3A_634, %select_n3A_628 : vector<16xf32>
          %select_n3A_636 = arith.select %gt3A_635, %get3A_634, %select_n3A_628 : vector<16xi1>, vector<16xf32>
          %add3A_637 = arith.constant 16 : i32
          %add3A_638 = vector.broadcast %add3A_637 : i32 to vector<16xi32>
          %add3A_639 = arith.addi %add3A_638, %iota3A : vector<16xi32>
          %select_n3A_640 = arith.select %gt3A_635, %add3A_639, %select_n3A_632 : vector<16xi1>, vector<16xi32>
          %get3A_641 = arith.constant 32 : index
          %get3A_642 = tpu.vector_load %arg17[%get3A_641] {strides = array<i32>} : memref<1296xf32, #tpu.memory_space<vmem>>, vector<16xf32>,
          %gt3A_643 = arith.cmpf ogt, %get3A_642, %select_n3A_636 : vector<16xf32>
          %select_n3A_644 = arith.select %gt3A_643, %get3A_642, %select_n3A_636 : vector<16xi1>, vector<16xf32>
          %add3A_645 = arith.constant 32 : i32
          %add3A_646 = vector.broadcast %add3A_645 : i32 to vector<16xi32>
          %add3A_647 = arith.addi %add3A_646, %iota3A : vector<16xi32>
          %select_n3A_648 = arith.select %gt3A_643, %add3A_647, %select_n3A_640 : vector<16xi1>, vector<16xi32>
          %get3A_649 = arith.constant 48 : index
          %get3A_650 = tpu.vector_load %arg17[%get3A_649] {strides = array<i32>} : memref<1296xf32, #tpu.memory_space<vmem>>, vector<16xf32>,
          %gt3A_651 = arith.cmpf ogt, %get3A_650, %select_n3A_644 : vector<16xf32>
          %select_n3A_652 = arith.select %gt3A_651, %get3A_650, %select_n3A_644 : vector<16xi1>, vector<16xf32>
          %add3A_653 = arith.constant 48 : i32
          %add3A_654 = vector.broadcast %add3A_653 : i32 to vector<16xi32>
          %add3A_655 = arith.addi %add3A_654, %iota3A : vector<16xi32>
          %select_n3A_656 = arith.select %gt3A_651, %add3A_655, %select_n3A_648 : vector<16xi1>, vector<16xi32>
          %get3A_657 = arith.constant 64 : index
          %get3A_658 = tpu.vector_load %arg17[%get3A_657] {strides = array<i32>} : memref<1296xf32, #tpu.memory_space<vmem>>, vector<16xf32>,
          %gt3A_659 = arith.cmpf ogt, %get3A_658, %select_n3A_652 : vector<16xf32>
          %select_n3A_660 = arith.select %gt3A_659, %get3A_658, %select_n3A_652 : vector<16xi1>, vector<16xf32>
          %add3A_661 = arith.constant 64 : i32
          %add3A_662 = vector.broadcast %add3A_661 : i32 to vector<16xi32>
          %add3A_663 = arith.addi %add3A_662, %iota3A : vector<16xi32>
          %select_n3A_664 = arith.select %gt3A_659, %add3A_663, %select_n3A_656 : vector<16xi1>, vector<16xi32>
          %get3A_665 = arith.constant 80 : index
          %get3A_666 = tpu.vector_load %arg17[%get3A_665] {strides = array<i32>} : memref<1296xf32, #tpu.memory_space<vmem>>, vector<16xf32>,
          %gt3A_667 = arith.cmpf ogt, %get3A_666, %select_n3A_660 : vector<16xf32>
          %select_n3A_668 = arith.select %gt3A_667, %get3A_666, %select_n3A_660 : vector<16xi1>, vector<16xf32>
          %add3A_669 = arith.constant 80 : i32
          %add3A_670 = vector.broadcast %add3A_669 : i32 to vector<16xi32>
          %add3A_671 = arith.addi %add3A_670, %iota3A : vector<16xi32>
          %select_n3A_672 = arith.select %gt3A_667, %add3A_671, %select_n3A_664 : vector<16xi1>, vector<16xi32>
          %get3A_673 = arith.constant 96 : index
          %get3A_674 = tpu.vector_load %arg17[%get3A_673] {strides = array<i32>} : memref<1296xf32, #tpu.memory_space<vmem>>, vector<16xf32>,
          %gt3A_675 = arith.cmpf ogt, %get3A_674, %select_n3A_668 : vector<16xf32>
          %select_n3A_676 = arith.select %gt3A_675, %get3A_674, %select_n3A_668 : vector<16xi1>, vector<16xf32>
          %add3A_677 = arith.constant 96 : i32
          %add3A_678 = vector.broadcast %add3A_677 : i32 to vector<16xi32>
          %add3A_679 = arith.addi %add3A_678, %iota3A : vector<16xi32>
          %select_n3A_680 = arith.select %gt3A_675, %add3A_679, %select_n3A_672 : vector<16xi1>, vector<16xi32>
          %get3A_681 = arith.constant 112 : index
          %get3A_682 = tpu.vector_load %arg17[%get3A_681] {strides = array<i32>} : memref<1296xf32, #tpu.memory_space<vmem>>, vector<16xf32>,
          %gt3A_683 = arith.cmpf ogt, %get3A_682, %select_n3A_676 : vector<16xf32>
          %select_n3A_684 = arith.select %gt3A_683, %get3A_682, %select_n3A_676 : vector<16xi1>, vector<16xf32>
          %add3A_685 = arith.constant 112 : i32
          %add3A_686 = vector.broadcast %add3A_685 : i32 to vector<16xi32>
          %add3A_687 = arith.addi %add3A_686, %iota3A : vector<16xi32>
          %select_n3A_688 = arith.select %gt3A_683, %add3A_687, %select_n3A_680 : vector<16xi1>, vector<16xi32>
          %reduce_max3A_689 = arith.constant true
          %reduce_max3A_690 = vector.broadcast %reduce_max3A_689 : i1 to vector<16xi1>
          %reduce_max3A_691 = tpu.scan <max>, %select_n3A_684 masked %reduce_max3A_690 : vector<16xf32>, vector<16xi1> -> vector<16xf32>
          %reduce_max3A_692 = vector.extract %reduce_max3A_691[15] : f32 from vector<16xf32>
          %eq3A_693 = vector.broadcast %reduce_max3A_692 : f32 to vector<16xf32>
          %eq3A_694 = arith.cmpf oeq, %select_n3A_684, %eq3A_693 : vector<16xf32>
          %jit3A_695 = arith.constant 1073741824 : i32
          %broadcast_in_dim3A_696 = vector.broadcast %jit3A_695 : i32 to vector<16xi32>
          %select_n3A_697 = arith.select %eq3A_694, %select_n3A_688, %broadcast_in_dim3A_696 : vector<16xi1>, vector<16xi32>
          %reduce_min3A_698 = arith.constant true
          %reduce_min3A_699 = vector.broadcast %reduce_min3A_698 : i1 to vector<16xi1>
          %reduce_min3A_700 = arith.constant -2147483648 : i32
          %reduce_min3A_701 = vector.broadcast %reduce_min3A_700 : i32 to vector<16xi32>
          %reduce_min3A_702 = arith.xori %select_n3A_697, %reduce_min3A_701 : vector<16xi32>
          %reduce_min3A_703 = tpu.scan <min>, %reduce_min3A_702 masked %reduce_min3A_699 : vector<16xi32>, vector<16xi1> -> vector<16xi32>
          %reduce_min3A_704 = arith.xori %reduce_min3A_703, %reduce_min3A_701 : vector<16xi32>
          %reduce_min3A_705 = vector.extract %reduce_min3A_704[15] : i32 from vector<16xi32>
          %broadcast_in_dim3A_706 = vector.broadcast %reduce_min3A_705 : i32 to vector<16xi32>
          tpu.vector_store_idx %arg17[%broadcast_in_dim3A_706], %broadcast_in_dim3A_3 masked %eq3A_5 : memref<1296xf32, #tpu.memory_space<vmem>>[vector<16xi32>], vector<16xf32>, vector<16xi1>
          %broadcast_in_dim3A_707 = arith.constant -2.000000e+00 : f32
          %broadcast_in_dim3A_708 = vector.broadcast %broadcast_in_dim3A_707 : f32 to vector<16xf32>
          %broadcast_in_dim3A_709 = arith.constant 0 : i32
          %broadcast_in_dim3A_710 = vector.broadcast %broadcast_in_dim3A_709 : i32 to vector<16xi32>
          %get3A_711 = arith.constant 0 : index
          %get3A_712 = tpu.vector_load %arg17[%get3A_711] {strides = array<i32>} : memref<1296xf32, #tpu.memory_space<vmem>>, vector<16xf32>,
          %gt3A_713 = arith.cmpf ogt, %get3A_712, %broadcast_in_dim3A_708 : vector<16xf32>
          %select_n3A_714 = arith.select %gt3A_713, %get3A_712, %broadcast_in_dim3A_708 : vector<16xi1>, vector<16xf32>
          %add3A_715 = arith.constant 0 : i32
          %add3A_716 = vector.broadcast %add3A_715 : i32 to vector<16xi32>
          %add3A_717 = arith.addi %add3A_716, %iota3A : vector<16xi32>
          %select_n3A_718 = arith.select %gt3A_713, %add3A_717, %broadcast_in_dim3A_710 : vector<16xi1>, vector<16xi32>
          %get3A_719 = arith.constant 16 : index
          %get3A_720 = tpu.vector_load %arg17[%get3A_719] {strides = array<i32>} : memref<1296xf32, #tpu.memory_space<vmem>>, vector<16xf32>,
          %gt3A_721 = arith.cmpf ogt, %get3A_720, %select_n3A_714 : vector<16xf32>
          %select_n3A_722 = arith.select %gt3A_721, %get3A_720, %select_n3A_714 : vector<16xi1>, vector<16xf32>
          %add3A_723 = arith.constant 16 : i32
          %add3A_724 = vector.broadcast %add3A_723 : i32 to vector<16xi32>
          %add3A_725 = arith.addi %add3A_724, %iota3A : vector<16xi32>
          %select_n3A_726 = arith.select %gt3A_721, %add3A_725, %select_n3A_718 : vector<16xi1>, vector<16xi32>
          %get3A_727 = arith.constant 32 : index
          %get3A_728 = tpu.vector_load %arg17[%get3A_727] {strides = array<i32>} : memref<1296xf32, #tpu.memory_space<vmem>>, vector<16xf32>,
          %gt3A_729 = arith.cmpf ogt, %get3A_728, %select_n3A_722 : vector<16xf32>
          %select_n3A_730 = arith.select %gt3A_729, %get3A_728, %select_n3A_722 : vector<16xi1>, vector<16xf32>
          %add3A_731 = arith.constant 32 : i32
          %add3A_732 = vector.broadcast %add3A_731 : i32 to vector<16xi32>
          %add3A_733 = arith.addi %add3A_732, %iota3A : vector<16xi32>
          %select_n3A_734 = arith.select %gt3A_729, %add3A_733, %select_n3A_726 : vector<16xi1>, vector<16xi32>
          %get3A_735 = arith.constant 48 : index
          %get3A_736 = tpu.vector_load %arg17[%get3A_735] {strides = array<i32>} : memref<1296xf32, #tpu.memory_space<vmem>>, vector<16xf32>,
          %gt3A_737 = arith.cmpf ogt, %get3A_736, %select_n3A_730 : vector<16xf32>
          %select_n3A_738 = arith.select %gt3A_737, %get3A_736, %select_n3A_730 : vector<16xi1>, vector<16xf32>
          %add3A_739 = arith.constant 48 : i32
          %add3A_740 = vector.broadcast %add3A_739 : i32 to vector<16xi32>
          %add3A_741 = arith.addi %add3A_740, %iota3A : vector<16xi32>
          %select_n3A_742 = arith.select %gt3A_737, %add3A_741, %select_n3A_734 : vector<16xi1>, vector<16xi32>
          %get3A_743 = arith.constant 64 : index
          %get3A_744 = tpu.vector_load %arg17[%get3A_743] {strides = array<i32>} : memref<1296xf32, #tpu.memory_space<vmem>>, vector<16xf32>,
          %gt3A_745 = arith.cmpf ogt, %get3A_744, %select_n3A_738 : vector<16xf32>
          %select_n3A_746 = arith.select %gt3A_745, %get3A_744, %select_n3A_738 : vector<16xi1>, vector<16xf32>
          %add3A_747 = arith.constant 64 : i32
          %add3A_748 = vector.broadcast %add3A_747 : i32 to vector<16xi32>
          %add3A_749 = arith.addi %add3A_748, %iota3A : vector<16xi32>
          %select_n3A_750 = arith.select %gt3A_745, %add3A_749, %select_n3A_742 : vector<16xi1>, vector<16xi32>
          %get3A_751 = arith.constant 80 : index
          %get3A_752 = tpu.vector_load %arg17[%get3A_751] {strides = array<i32>} : memref<1296xf32, #tpu.memory_space<vmem>>, vector<16xf32>,
          %gt3A_753 = arith.cmpf ogt, %get3A_752, %select_n3A_746 : vector<16xf32>
          %select_n3A_754 = arith.select %gt3A_753, %get3A_752, %select_n3A_746 : vector<16xi1>, vector<16xf32>
          %add3A_755 = arith.constant 80 : i32
          %add3A_756 = vector.broadcast %add3A_755 : i32 to vector<16xi32>
          %add3A_757 = arith.addi %add3A_756, %iota3A : vector<16xi32>
          %select_n3A_758 = arith.select %gt3A_753, %add3A_757, %select_n3A_750 : vector<16xi1>, vector<16xi32>
          %get3A_759 = arith.constant 96 : index
          %get3A_760 = tpu.vector_load %arg17[%get3A_759] {strides = array<i32>} : memref<1296xf32, #tpu.memory_space<vmem>>, vector<16xf32>,
          %gt3A_761 = arith.cmpf ogt, %get3A_760, %select_n3A_754 : vector<16xf32>
          %select_n3A_762 = arith.select %gt3A_761, %get3A_760, %select_n3A_754 : vector<16xi1>, vector<16xf32>
          %add3A_763 = arith.constant 96 : i32
          %add3A_764 = vector.broadcast %add3A_763 : i32 to vector<16xi32>
          %add3A_765 = arith.addi %add3A_764, %iota3A : vector<16xi32>
          %select_n3A_766 = arith.select %gt3A_761, %add3A_765, %select_n3A_758 : vector<16xi1>, vector<16xi32>
          %get3A_767 = arith.constant 112 : index
          %get3A_768 = tpu.vector_load %arg17[%get3A_767] {strides = array<i32>} : memref<1296xf32, #tpu.memory_space<vmem>>, vector<16xf32>,
          %gt3A_769 = arith.cmpf ogt, %get3A_768, %select_n3A_762 : vector<16xf32>
          %select_n3A_770 = arith.select %gt3A_769, %get3A_768, %select_n3A_762 : vector<16xi1>, vector<16xf32>
          %add3A_771 = arith.constant 112 : i32
          %add3A_772 = vector.broadcast %add3A_771 : i32 to vector<16xi32>
          %add3A_773 = arith.addi %add3A_772, %iota3A : vector<16xi32>
          %select_n3A_774 = arith.select %gt3A_769, %add3A_773, %select_n3A_766 : vector<16xi1>, vector<16xi32>
          %reduce_max3A_775 = arith.constant true
          %reduce_max3A_776 = vector.broadcast %reduce_max3A_775 : i1 to vector<16xi1>
          %reduce_max3A_777 = tpu.scan <max>, %select_n3A_770 masked %reduce_max3A_776 : vector<16xf32>, vector<16xi1> -> vector<16xf32>
          %reduce_max3A_778 = vector.extract %reduce_max3A_777[15] : f32 from vector<16xf32>
          %eq3A_779 = vector.broadcast %reduce_max3A_778 : f32 to vector<16xf32>
          %eq3A_780 = arith.cmpf oeq, %select_n3A_770, %eq3A_779 : vector<16xf32>
          %jit3A_781 = arith.constant 1073741824 : i32
          %broadcast_in_dim3A_782 = vector.broadcast %jit3A_781 : i32 to vector<16xi32>
          %select_n3A_783 = arith.select %eq3A_780, %select_n3A_774, %broadcast_in_dim3A_782 : vector<16xi1>, vector<16xi32>
          %reduce_min3A_784 = arith.constant true
          %reduce_min3A_785 = vector.broadcast %reduce_min3A_784 : i1 to vector<16xi1>
          %reduce_min3A_786 = arith.constant -2147483648 : i32
          %reduce_min3A_787 = vector.broadcast %reduce_min3A_786 : i32 to vector<16xi32>
          %reduce_min3A_788 = arith.xori %select_n3A_783, %reduce_min3A_787 : vector<16xi32>
          %reduce_min3A_789 = tpu.scan <min>, %reduce_min3A_788 masked %reduce_min3A_785 : vector<16xi32>, vector<16xi1> -> vector<16xi32>
          %reduce_min3A_790 = arith.xori %reduce_min3A_789, %reduce_min3A_787 : vector<16xi32>
          %reduce_min3A_791 = vector.extract %reduce_min3A_790[15] : i32 from vector<16xi32>
          %broadcast_in_dim3A_792 = vector.broadcast %reduce_min3A_791 : i32 to vector<16xi32>
          tpu.vector_store_idx %arg17[%broadcast_in_dim3A_792], %broadcast_in_dim3A_3 masked %eq3A_5 : memref<1296xf32, #tpu.memory_space<vmem>>[vector<16xi32>], vector<16xf32>, vector<16xi1>
          %broadcast_in_dim3A_793 = arith.constant -2.000000e+00 : f32
          %broadcast_in_dim3A_794 = vector.broadcast %broadcast_in_dim3A_793 : f32 to vector<16xf32>
          %broadcast_in_dim3A_795 = arith.constant 0 : i32
          %broadcast_in_dim3A_796 = vector.broadcast %broadcast_in_dim3A_795 : i32 to vector<16xi32>
          %get3A_797 = arith.constant 0 : index
          %get3A_798 = tpu.vector_load %arg17[%get3A_797] {strides = array<i32>} : memref<1296xf32, #tpu.memory_space<vmem>>, vector<16xf32>,
          %gt3A_799 = arith.cmpf ogt, %get3A_798, %broadcast_in_dim3A_794 : vector<16xf32>
          %select_n3A_800 = arith.select %gt3A_799, %get3A_798, %broadcast_in_dim3A_794 : vector<16xi1>, vector<16xf32>
          %add3A_801 = arith.constant 0 : i32
          %add3A_802 = vector.broadcast %add3A_801 : i32 to vector<16xi32>
          %add3A_803 = arith.addi %add3A_802, %iota3A : vector<16xi32>
          %select_n3A_804 = arith.select %gt3A_799, %add3A_803, %broadcast_in_dim3A_796 : vector<16xi1>, vector<16xi32>
          %get3A_805 = arith.constant 16 : index
          %get3A_806 = tpu.vector_load %arg17[%get3A_805] {strides = array<i32>} : memref<1296xf32, #tpu.memory_space<vmem>>, vector<16xf32>,
          %gt3A_807 = arith.cmpf ogt, %get3A_806, %select_n3A_800 : vector<16xf32>
          %select_n3A_808 = arith.select %gt3A_807, %get3A_806, %select_n3A_800 : vector<16xi1>, vector<16xf32>
          %add3A_809 = arith.constant 16 : i32
          %add3A_810 = vector.broadcast %add3A_809 : i32 to vector<16xi32>
          %add3A_811 = arith.addi %add3A_810, %iota3A : vector<16xi32>
          %select_n3A_812 = arith.select %gt3A_807, %add3A_811, %select_n3A_804 : vector<16xi1>, vector<16xi32>
          %get3A_813 = arith.constant 32 : index
          %get3A_814 = tpu.vector_load %arg17[%get3A_813] {strides = array<i32>} : memref<1296xf32, #tpu.memory_space<vmem>>, vector<16xf32>,
          %gt3A_815 = arith.cmpf ogt, %get3A_814, %select_n3A_808 : vector<16xf32>
          %select_n3A_816 = arith.select %gt3A_815, %get3A_814, %select_n3A_808 : vector<16xi1>, vector<16xf32>
          %add3A_817 = arith.constant 32 : i32
          %add3A_818 = vector.broadcast %add3A_817 : i32 to vector<16xi32>
          %add3A_819 = arith.addi %add3A_818, %iota3A : vector<16xi32>
          %select_n3A_820 = arith.select %gt3A_815, %add3A_819, %select_n3A_812 : vector<16xi1>, vector<16xi32>
          %get3A_821 = arith.constant 48 : index
          %get3A_822 = tpu.vector_load %arg17[%get3A_821] {strides = array<i32>} : memref<1296xf32, #tpu.memory_space<vmem>>, vector<16xf32>,
          %gt3A_823 = arith.cmpf ogt, %get3A_822, %select_n3A_816 : vector<16xf32>
          %select_n3A_824 = arith.select %gt3A_823, %get3A_822, %select_n3A_816 : vector<16xi1>, vector<16xf32>
          %add3A_825 = arith.constant 48 : i32
          %add3A_826 = vector.broadcast %add3A_825 : i32 to vector<16xi32>
          %add3A_827 = arith.addi %add3A_826, %iota3A : vector<16xi32>
          %select_n3A_828 = arith.select %gt3A_823, %add3A_827, %select_n3A_820 : vector<16xi1>, vector<16xi32>
          %get3A_829 = arith.constant 64 : index
          %get3A_830 = tpu.vector_load %arg17[%get3A_829] {strides = array<i32>} : memref<1296xf32, #tpu.memory_space<vmem>>, vector<16xf32>,
          %gt3A_831 = arith.cmpf ogt, %get3A_830, %select_n3A_824 : vector<16xf32>
          %select_n3A_832 = arith.select %gt3A_831, %get3A_830, %select_n3A_824 : vector<16xi1>, vector<16xf32>
          %add3A_833 = arith.constant 64 : i32
          %add3A_834 = vector.broadcast %add3A_833 : i32 to vector<16xi32>
          %add3A_835 = arith.addi %add3A_834, %iota3A : vector<16xi32>
          %select_n3A_836 = arith.select %gt3A_831, %add3A_835, %select_n3A_828 : vector<16xi1>, vector<16xi32>
          %get3A_837 = arith.constant 80 : index
          %get3A_838 = tpu.vector_load %arg17[%get3A_837] {strides = array<i32>} : memref<1296xf32, #tpu.memory_space<vmem>>, vector<16xf32>,
          %gt3A_839 = arith.cmpf ogt, %get3A_838, %select_n3A_832 : vector<16xf32>
          %select_n3A_840 = arith.select %gt3A_839, %get3A_838, %select_n3A_832 : vector<16xi1>, vector<16xf32>
          %add3A_841 = arith.constant 80 : i32
          %add3A_842 = vector.broadcast %add3A_841 : i32 to vector<16xi32>
          %add3A_843 = arith.addi %add3A_842, %iota3A : vector<16xi32>
          %select_n3A_844 = arith.select %gt3A_839, %add3A_843, %select_n3A_836 : vector<16xi1>, vector<16xi32>
          %get3A_845 = arith.constant 96 : index
          %get3A_846 = tpu.vector_load %arg17[%get3A_845] {strides = array<i32>} : memref<1296xf32, #tpu.memory_space<vmem>>, vector<16xf32>,
          %gt3A_847 = arith.cmpf ogt, %get3A_846, %select_n3A_840 : vector<16xf32>
          %select_n3A_848 = arith.select %gt3A_847, %get3A_846, %select_n3A_840 : vector<16xi1>, vector<16xf32>
          %add3A_849 = arith.constant 96 : i32
          %add3A_850 = vector.broadcast %add3A_849 : i32 to vector<16xi32>
          %add3A_851 = arith.addi %add3A_850, %iota3A : vector<16xi32>
          %select_n3A_852 = arith.select %gt3A_847, %add3A_851, %select_n3A_844 : vector<16xi1>, vector<16xi32>
          %get3A_853 = arith.constant 112 : index
          %get3A_854 = tpu.vector_load %arg17[%get3A_853] {strides = array<i32>} : memref<1296xf32, #tpu.memory_space<vmem>>, vector<16xf32>,
          %gt3A_855 = arith.cmpf ogt, %get3A_854, %select_n3A_848 : vector<16xf32>
          %select_n3A_856 = arith.select %gt3A_855, %get3A_854, %select_n3A_848 : vector<16xi1>, vector<16xf32>
          %add3A_857 = arith.constant 112 : i32
          %add3A_858 = vector.broadcast %add3A_857 : i32 to vector<16xi32>
          %add3A_859 = arith.addi %add3A_858, %iota3A : vector<16xi32>
          %select_n3A_860 = arith.select %gt3A_855, %add3A_859, %select_n3A_852 : vector<16xi1>, vector<16xi32>
          %reduce_max3A_861 = arith.constant true
          %reduce_max3A_862 = vector.broadcast %reduce_max3A_861 : i1 to vector<16xi1>
          %reduce_max3A_863 = tpu.scan <max>, %select_n3A_856 masked %reduce_max3A_862 : vector<16xf32>, vector<16xi1> -> vector<16xf32>
          %reduce_max3A_864 = vector.extract %reduce_max3A_863[15] : f32 from vector<16xf32>
          %eq3A_865 = vector.broadcast %reduce_max3A_864 : f32 to vector<16xf32>
          %eq3A_866 = arith.cmpf oeq, %select_n3A_856, %eq3A_865 : vector<16xf32>
          %jit3A_867 = arith.constant 1073741824 : i32
          %broadcast_in_dim3A_868 = vector.broadcast %jit3A_867 : i32 to vector<16xi32>
          %select_n3A_869 = arith.select %eq3A_866, %select_n3A_860, %broadcast_in_dim3A_868 : vector<16xi1>, vector<16xi32>
          %reduce_min3A_870 = arith.constant true
          %reduce_min3A_871 = vector.broadcast %reduce_min3A_870 : i1 to vector<16xi1>
          %reduce_min3A_872 = arith.constant -2147483648 : i32
          %reduce_min3A_873 = vector.broadcast %reduce_min3A_872 : i32 to vector<16xi32>
          %reduce_min3A_874 = arith.xori %select_n3A_869, %reduce_min3A_873 : vector<16xi32>
          %reduce_min3A_875 = tpu.scan <min>, %reduce_min3A_874 masked %reduce_min3A_871 : vector<16xi32>, vector<16xi1> -> vector<16xi32>
          %reduce_min3A_876 = arith.xori %reduce_min3A_875, %reduce_min3A_873 : vector<16xi32>
          %reduce_min3A_877 = vector.extract %reduce_min3A_876[15] : i32 from vector<16xi32>
          scf.yield %reduce_max3A_607, %reduce_min3A_619, %reduce_max3A_692, %reduce_min3A_705, %reduce_max3A_778, %reduce_min3A_791, %reduce_max3A_864 : f32, i32, f32, i32, f32, i32, f32
        } else {
          %broadcast_in_dim3A_536 = vector.broadcast %cond3A_107#1 : i32 to vector<16xi32>
          tpu.vector_store_idx %arg17[%broadcast_in_dim3A_536], %broadcast_in_dim3A_3 masked %eq3A_5 : memref<1296xf32, #tpu.memory_space<vmem>>[vector<16xi32>], vector<16xf32>, vector<16xi1>
          %broadcast_in_dim3A_537 = arith.constant -2.000000e+00 : f32
          %broadcast_in_dim3A_538 = vector.broadcast %broadcast_in_dim3A_537 : f32 to vector<16xf32>
          %broadcast_in_dim3A_539 = arith.constant 0 : i32
          %broadcast_in_dim3A_540 = vector.broadcast %broadcast_in_dim3A_539 : i32 to vector<16xi32>
          %while3A = arith.constant 0 : i32
          %while3A_541 = arith.subi %cond3A_107#2, %while3A : i32
          %while3A_542 = arith.addi %while3A, %while3A_541 : i32
          %while3A_543 = arith.constant 1 : i32
          %while3A_544 = arith.divsi %while3A_541, %while3A_543 : i32
          %while3A_545 = arith.muli %while3A_544, %while3A_543 : i32
          %while3A_546 = arith.addi %while3A, %while3A_545 : i32
          %while3A_547 = arith.constant 1 : i32
          %while3A_548:2 = scf.for %while3A_666 = %while3A to %while3A_546 step %while3A_547 iter_args(%while3A_667 = %broadcast_in_dim3A_538, %while3A_668 = %broadcast_in_dim3A_540) -> (vector<16xf32>, vector<16xi32>)  : i32 {
            %mul3A_669 = arith.constant 16 : i32
            %mul3A_670 = arith.muli %while3A_666, %mul3A_669 : i32
            %get3A = arith.index_cast %mul3A_670 : i32 to index
            %get3A_671 = tpu.vector_load %arg17[%get3A] {strides = array<i32>} : memref<1296xf32, #tpu.memory_space<vmem>>, vector<16xf32>,
            %gt3A_672 = arith.cmpf ogt, %get3A_671, %while3A_667 : vector<16xf32>
            %select_n3A_673 = arith.select %gt3A_672, %get3A_671, %while3A_667 : vector<16xi1>, vector<16xf32>
            %mul3A_674 = arith.constant 16 : i32
            %mul3A_675 = arith.muli %while3A_666, %mul3A_674 : i32
            %add3A_676 = vector.broadcast %mul3A_675 : i32 to vector<16xi32>
            %add3A_677 = arith.addi %add3A_676, %iota3A : vector<16xi32>
            %select_n3A_678 = arith.select %gt3A_672, %add3A_677, %while3A_668 : vector<16xi1>, vector<16xi32>
            scf.yield %select_n3A_673, %select_n3A_678 : vector<16xf32>, vector<16xi32>
          }
          %while3A_549 = arith.constant 1 : i32
          %while3A_550:2 = scf.for %while3A_666 = %while3A_546 to %while3A_542 step %while3A_549 iter_args(%while3A_667 = %while3A_548#0, %while3A_668 = %while3A_548#1) -> (vector<16xf32>, vector<16xi32>)  : i32 {
            %mul3A_669 = arith.constant 16 : i32
            %mul3A_670 = arith.muli %while3A_666, %mul3A_669 : i32
            %get3A = arith.index_cast %mul3A_670 : i32 to index
            %get3A_671 = tpu.vector_load %arg17[%get3A] {strides = array<i32>} : memref<1296xf32, #tpu.memory_space<vmem>>, vector<16xf32>,
            %gt3A_672 = arith.cmpf ogt, %get3A_671, %while3A_667 : vector<16xf32>
            %select_n3A_673 = arith.select %gt3A_672, %get3A_671, %while3A_667 : vector<16xi1>, vector<16xf32>
            %mul3A_674 = arith.constant 16 : i32
            %mul3A_675 = arith.muli %while3A_666, %mul3A_674 : i32
            %add3A_676 = vector.broadcast %mul3A_675 : i32 to vector<16xi32>
            %add3A_677 = arith.addi %add3A_676, %iota3A : vector<16xi32>
            %select_n3A_678 = arith.select %gt3A_672, %add3A_677, %while3A_668 : vector<16xi1>, vector<16xi32>
            scf.yield %select_n3A_673, %select_n3A_678 : vector<16xf32>, vector<16xi32>
          }
          %reduce_max3A_551 = arith.constant true
          %reduce_max3A_552 = vector.broadcast %reduce_max3A_551 : i1 to vector<16xi1>
          %reduce_max3A_553 = tpu.scan <max>, %while3A_550#0 masked %reduce_max3A_552 : vector<16xf32>, vector<16xi1> -> vector<16xf32>
          %reduce_max3A_554 = vector.extract %reduce_max3A_553[15] : f32 from vector<16xf32>
          %eq3A_555 = vector.broadcast %reduce_max3A_554 : f32 to vector<16xf32>
          %eq3A_556 = arith.cmpf oeq, %while3A_550#0, %eq3A_555 : vector<16xf32>
          %jit3A_557 = arith.constant 1073741824 : i32
          %broadcast_in_dim3A_558 = vector.broadcast %jit3A_557 : i32 to vector<16xi32>
          %select_n3A_559 = arith.select %eq3A_556, %while3A_550#1, %broadcast_in_dim3A_558 : vector<16xi1>, vector<16xi32>
          %reduce_min3A = arith.constant true
          %reduce_min3A_560 = vector.broadcast %reduce_min3A : i1 to vector<16xi1>
          %reduce_min3A_561 = arith.constant -2147483648 : i32
          %reduce_min3A_562 = vector.broadcast %reduce_min3A_561 : i32 to vector<16xi32>
          %reduce_min3A_563 = arith.xori %select_n3A_559, %reduce_min3A_562 : vector<16xi32>
          %reduce_min3A_564 = tpu.scan <min>, %reduce_min3A_563 masked %reduce_min3A_560 : vector<16xi32>, vector<16xi1> -> vector<16xi32>
          %reduce_min3A_565 = arith.xori %reduce_min3A_564, %reduce_min3A_562 : vector<16xi32>
          %reduce_min3A_566 = vector.extract %reduce_min3A_565[15] : i32 from vector<16xi32>
          %broadcast_in_dim3A_567 = vector.broadcast %reduce_min3A_566 : i32 to vector<16xi32>
          tpu.vector_store_idx %arg17[%broadcast_in_dim3A_567], %broadcast_in_dim3A_3 masked %eq3A_5 : memref<1296xf32, #tpu.memory_space<vmem>>[vector<16xi32>], vector<16xf32>, vector<16xi1>
          %broadcast_in_dim3A_568 = arith.constant -2.000000e+00 : f32
          %broadcast_in_dim3A_569 = vector.broadcast %broadcast_in_dim3A_568 : f32 to vector<16xf32>
          %broadcast_in_dim3A_570 = arith.constant 0 : i32
          %broadcast_in_dim3A_571 = vector.broadcast %broadcast_in_dim3A_570 : i32 to vector<16xi32>
          %while3A_572 = arith.constant 0 : i32
          %while3A_573 = arith.subi %cond3A_107#2, %while3A_572 : i32
          %while3A_574 = arith.addi %while3A_572, %while3A_573 : i32
          %while3A_575 = arith.constant 1 : i32
          %while3A_576 = arith.divsi %while3A_573, %while3A_575 : i32
          %while3A_577 = arith.muli %while3A_576, %while3A_575 : i32
          %while3A_578 = arith.addi %while3A_572, %while3A_577 : i32
          %while3A_579 = arith.constant 1 : i32
          %while3A_580:2 = scf.for %while3A_666 = %while3A_572 to %while3A_578 step %while3A_579 iter_args(%while3A_667 = %broadcast_in_dim3A_569, %while3A_668 = %broadcast_in_dim3A_571) -> (vector<16xf32>, vector<16xi32>)  : i32 {
            %mul3A_669 = arith.constant 16 : i32
            %mul3A_670 = arith.muli %while3A_666, %mul3A_669 : i32
            %get3A = arith.index_cast %mul3A_670 : i32 to index
            %get3A_671 = tpu.vector_load %arg17[%get3A] {strides = array<i32>} : memref<1296xf32, #tpu.memory_space<vmem>>, vector<16xf32>,
            %gt3A_672 = arith.cmpf ogt, %get3A_671, %while3A_667 : vector<16xf32>
            %select_n3A_673 = arith.select %gt3A_672, %get3A_671, %while3A_667 : vector<16xi1>, vector<16xf32>
            %mul3A_674 = arith.constant 16 : i32
            %mul3A_675 = arith.muli %while3A_666, %mul3A_674 : i32
            %add3A_676 = vector.broadcast %mul3A_675 : i32 to vector<16xi32>
            %add3A_677 = arith.addi %add3A_676, %iota3A : vector<16xi32>
            %select_n3A_678 = arith.select %gt3A_672, %add3A_677, %while3A_668 : vector<16xi1>, vector<16xi32>
            scf.yield %select_n3A_673, %select_n3A_678 : vector<16xf32>, vector<16xi32>
          }
          %while3A_581 = arith.constant 1 : i32
          %while3A_582:2 = scf.for %while3A_666 = %while3A_578 to %while3A_574 step %while3A_581 iter_args(%while3A_667 = %while3A_580#0, %while3A_668 = %while3A_580#1) -> (vector<16xf32>, vector<16xi32>)  : i32 {
            %mul3A_669 = arith.constant 16 : i32
            %mul3A_670 = arith.muli %while3A_666, %mul3A_669 : i32
            %get3A = arith.index_cast %mul3A_670 : i32 to index
            %get3A_671 = tpu.vector_load %arg17[%get3A] {strides = array<i32>} : memref<1296xf32, #tpu.memory_space<vmem>>, vector<16xf32>,
            %gt3A_672 = arith.cmpf ogt, %get3A_671, %while3A_667 : vector<16xf32>
            %select_n3A_673 = arith.select %gt3A_672, %get3A_671, %while3A_667 : vector<16xi1>, vector<16xf32>
            %mul3A_674 = arith.constant 16 : i32
            %mul3A_675 = arith.muli %while3A_666, %mul3A_674 : i32
            %add3A_676 = vector.broadcast %mul3A_675 : i32 to vector<16xi32>
            %add3A_677 = arith.addi %add3A_676, %iota3A : vector<16xi32>
            %select_n3A_678 = arith.select %gt3A_672, %add3A_677, %while3A_668 : vector<16xi1>, vector<16xi32>
            scf.yield %select_n3A_673, %select_n3A_678 : vector<16xf32>, vector<16xi32>
          }
          %reduce_max3A_583 = arith.constant true
          %reduce_max3A_584 = vector.broadcast %reduce_max3A_583 : i1 to vector<16xi1>
          %reduce_max3A_585 = tpu.scan <max>, %while3A_582#0 masked %reduce_max3A_584 : vector<16xf32>, vector<16xi1> -> vector<16xf32>
          %reduce_max3A_586 = vector.extract %reduce_max3A_585[15] : f32 from vector<16xf32>
          %eq3A_587 = vector.broadcast %reduce_max3A_586 : f32 to vector<16xf32>
          %eq3A_588 = arith.cmpf oeq, %while3A_582#0, %eq3A_587 : vector<16xf32>
          %jit3A_589 = arith.constant 1073741824 : i32
          %broadcast_in_dim3A_590 = vector.broadcast %jit3A_589 : i32 to vector<16xi32>
          %select_n3A_591 = arith.select %eq3A_588, %while3A_582#1, %broadcast_in_dim3A_590 : vector<16xi1>, vector<16xi32>
          %reduce_min3A_592 = arith.constant true
          %reduce_min3A_593 = vector.broadcast %reduce_min3A_592 : i1 to vector<16xi1>
          %reduce_min3A_594 = arith.constant -2147483648 : i32
          %reduce_min3A_595 = vector.broadcast %reduce_min3A_594 : i32 to vector<16xi32>
          %reduce_min3A_596 = arith.xori %select_n3A_591, %reduce_min3A_595 : vector<16xi32>
          %reduce_min3A_597 = tpu.scan <min>, %reduce_min3A_596 masked %reduce_min3A_593 : vector<16xi32>, vector<16xi1> -> vector<16xi32>
          %reduce_min3A_598 = arith.xori %reduce_min3A_597, %reduce_min3A_595 : vector<16xi32>
          %reduce_min3A_599 = vector.extract %reduce_min3A_598[15] : i32 from vector<16xi32>
          %broadcast_in_dim3A_600 = vector.broadcast %reduce_min3A_599 : i32 to vector<16xi32>
          tpu.vector_store_idx %arg17[%broadcast_in_dim3A_600], %broadcast_in_dim3A_3 masked %eq3A_5 : memref<1296xf32, #tpu.memory_space<vmem>>[vector<16xi32>], vector<16xf32>, vector<16xi1>
          %broadcast_in_dim3A_601 = arith.constant -2.000000e+00 : f32
          %broadcast_in_dim3A_602 = vector.broadcast %broadcast_in_dim3A_601 : f32 to vector<16xf32>
          %broadcast_in_dim3A_603 = arith.constant 0 : i32
          %broadcast_in_dim3A_604 = vector.broadcast %broadcast_in_dim3A_603 : i32 to vector<16xi32>
          %while3A_605 = arith.constant 0 : i32
          %while3A_606 = arith.subi %cond3A_107#2, %while3A_605 : i32
          %while3A_607 = arith.addi %while3A_605, %while3A_606 : i32
          %while3A_608 = arith.constant 1 : i32
          %while3A_609 = arith.divsi %while3A_606, %while3A_608 : i32
          %while3A_610 = arith.muli %while3A_609, %while3A_608 : i32
          %while3A_611 = arith.addi %while3A_605, %while3A_610 : i32
          %while3A_612 = arith.constant 1 : i32
          %while3A_613:2 = scf.for %while3A_666 = %while3A_605 to %while3A_611 step %while3A_612 iter_args(%while3A_667 = %broadcast_in_dim3A_602, %while3A_668 = %broadcast_in_dim3A_604) -> (vector<16xf32>, vector<16xi32>)  : i32 {
            %mul3A_669 = arith.constant 16 : i32
            %mul3A_670 = arith.muli %while3A_666, %mul3A_669 : i32
            %get3A = arith.index_cast %mul3A_670 : i32 to index
            %get3A_671 = tpu.vector_load %arg17[%get3A] {strides = array<i32>} : memref<1296xf32, #tpu.memory_space<vmem>>, vector<16xf32>,
            %gt3A_672 = arith.cmpf ogt, %get3A_671, %while3A_667 : vector<16xf32>
            %select_n3A_673 = arith.select %gt3A_672, %get3A_671, %while3A_667 : vector<16xi1>, vector<16xf32>
            %mul3A_674 = arith.constant 16 : i32
            %mul3A_675 = arith.muli %while3A_666, %mul3A_674 : i32
            %add3A_676 = vector.broadcast %mul3A_675 : i32 to vector<16xi32>
            %add3A_677 = arith.addi %add3A_676, %iota3A : vector<16xi32>
            %select_n3A_678 = arith.select %gt3A_672, %add3A_677, %while3A_668 : vector<16xi1>, vector<16xi32>
            scf.yield %select_n3A_673, %select_n3A_678 : vector<16xf32>, vector<16xi32>
          }
          %while3A_614 = arith.constant 1 : i32
          %while3A_615:2 = scf.for %while3A_666 = %while3A_611 to %while3A_607 step %while3A_614 iter_args(%while3A_667 = %while3A_613#0, %while3A_668 = %while3A_613#1) -> (vector<16xf32>, vector<16xi32>)  : i32 {
            %mul3A_669 = arith.constant 16 : i32
            %mul3A_670 = arith.muli %while3A_666, %mul3A_669 : i32
            %get3A = arith.index_cast %mul3A_670 : i32 to index
            %get3A_671 = tpu.vector_load %arg17[%get3A] {strides = array<i32>} : memref<1296xf32, #tpu.memory_space<vmem>>, vector<16xf32>,
            %gt3A_672 = arith.cmpf ogt, %get3A_671, %while3A_667 : vector<16xf32>
            %select_n3A_673 = arith.select %gt3A_672, %get3A_671, %while3A_667 : vector<16xi1>, vector<16xf32>
            %mul3A_674 = arith.constant 16 : i32
            %mul3A_675 = arith.muli %while3A_666, %mul3A_674 : i32
            %add3A_676 = vector.broadcast %mul3A_675 : i32 to vector<16xi32>
            %add3A_677 = arith.addi %add3A_676, %iota3A : vector<16xi32>
            %select_n3A_678 = arith.select %gt3A_672, %add3A_677, %while3A_668 : vector<16xi1>, vector<16xi32>
            scf.yield %select_n3A_673, %select_n3A_678 : vector<16xf32>, vector<16xi32>
          }
          %reduce_max3A_616 = arith.constant true
          %reduce_max3A_617 = vector.broadcast %reduce_max3A_616 : i1 to vector<16xi1>
          %reduce_max3A_618 = tpu.scan <max>, %while3A_615#0 masked %reduce_max3A_617 : vector<16xf32>, vector<16xi1> -> vector<16xf32>
          %reduce_max3A_619 = vector.extract %reduce_max3A_618[15] : f32 from vector<16xf32>
          %eq3A_620 = vector.broadcast %reduce_max3A_619 : f32 to vector<16xf32>
          %eq3A_621 = arith.cmpf oeq, %while3A_615#0, %eq3A_620 : vector<16xf32>
          %jit3A_622 = arith.constant 1073741824 : i32
          %broadcast_in_dim3A_623 = vector.broadcast %jit3A_622 : i32 to vector<16xi32>
          %select_n3A_624 = arith.select %eq3A_621, %while3A_615#1, %broadcast_in_dim3A_623 : vector<16xi1>, vector<16xi32>
          %reduce_min3A_625 = arith.constant true
          %reduce_min3A_626 = vector.broadcast %reduce_min3A_625 : i1 to vector<16xi1>
          %reduce_min3A_627 = arith.constant -2147483648 : i32
          %reduce_min3A_628 = vector.broadcast %reduce_min3A_627 : i32 to vector<16xi32>
          %reduce_min3A_629 = arith.xori %select_n3A_624, %reduce_min3A_628 : vector<16xi32>
          %reduce_min3A_630 = tpu.scan <min>, %reduce_min3A_629 masked %reduce_min3A_626 : vector<16xi32>, vector<16xi1> -> vector<16xi32>
          %reduce_min3A_631 = arith.xori %reduce_min3A_630, %reduce_min3A_628 : vector<16xi32>
          %reduce_min3A_632 = vector.extract %reduce_min3A_631[15] : i32 from vector<16xi32>
          %broadcast_in_dim3A_633 = vector.broadcast %reduce_min3A_632 : i32 to vector<16xi32>
          tpu.vector_store_idx %arg17[%broadcast_in_dim3A_633], %broadcast_in_dim3A_3 masked %eq3A_5 : memref<1296xf32, #tpu.memory_space<vmem>>[vector<16xi32>], vector<16xf32>, vector<16xi1>
          %broadcast_in_dim3A_634 = arith.constant -2.000000e+00 : f32
          %broadcast_in_dim3A_635 = vector.broadcast %broadcast_in_dim3A_634 : f32 to vector<16xf32>
          %broadcast_in_dim3A_636 = arith.constant 0 : i32
          %broadcast_in_dim3A_637 = vector.broadcast %broadcast_in_dim3A_636 : i32 to vector<16xi32>
          %while3A_638 = arith.constant 0 : i32
          %while3A_639 = arith.subi %cond3A_107#2, %while3A_638 : i32
          %while3A_640 = arith.addi %while3A_638, %while3A_639 : i32
          %while3A_641 = arith.constant 1 : i32
          %while3A_642 = arith.divsi %while3A_639, %while3A_641 : i32
          %while3A_643 = arith.muli %while3A_642, %while3A_641 : i32
          %while3A_644 = arith.addi %while3A_638, %while3A_643 : i32
          %while3A_645 = arith.constant 1 : i32
          %while3A_646:2 = scf.for %while3A_666 = %while3A_638 to %while3A_644 step %while3A_645 iter_args(%while3A_667 = %broadcast_in_dim3A_635, %while3A_668 = %broadcast_in_dim3A_637) -> (vector<16xf32>, vector<16xi32>)  : i32 {
            %mul3A_669 = arith.constant 16 : i32
            %mul3A_670 = arith.muli %while3A_666, %mul3A_669 : i32
            %get3A = arith.index_cast %mul3A_670 : i32 to index
            %get3A_671 = tpu.vector_load %arg17[%get3A] {strides = array<i32>} : memref<1296xf32, #tpu.memory_space<vmem>>, vector<16xf32>,
            %gt3A_672 = arith.cmpf ogt, %get3A_671, %while3A_667 : vector<16xf32>
            %select_n3A_673 = arith.select %gt3A_672, %get3A_671, %while3A_667 : vector<16xi1>, vector<16xf32>
            %mul3A_674 = arith.constant 16 : i32
            %mul3A_675 = arith.muli %while3A_666, %mul3A_674 : i32
            %add3A_676 = vector.broadcast %mul3A_675 : i32 to vector<16xi32>
            %add3A_677 = arith.addi %add3A_676, %iota3A : vector<16xi32>
            %select_n3A_678 = arith.select %gt3A_672, %add3A_677, %while3A_668 : vector<16xi1>, vector<16xi32>
            scf.yield %select_n3A_673, %select_n3A_678 : vector<16xf32>, vector<16xi32>
          }
          %while3A_647 = arith.constant 1 : i32
          %while3A_648:2 = scf.for %while3A_666 = %while3A_644 to %while3A_640 step %while3A_647 iter_args(%while3A_667 = %while3A_646#0, %while3A_668 = %while3A_646#1) -> (vector<16xf32>, vector<16xi32>)  : i32 {
            %mul3A_669 = arith.constant 16 : i32
            %mul3A_670 = arith.muli %while3A_666, %mul3A_669 : i32
            %get3A = arith.index_cast %mul3A_670 : i32 to index
            %get3A_671 = tpu.vector_load %arg17[%get3A] {strides = array<i32>} : memref<1296xf32, #tpu.memory_space<vmem>>, vector<16xf32>,
            %gt3A_672 = arith.cmpf ogt, %get3A_671, %while3A_667 : vector<16xf32>
            %select_n3A_673 = arith.select %gt3A_672, %get3A_671, %while3A_667 : vector<16xi1>, vector<16xf32>
            %mul3A_674 = arith.constant 16 : i32
            %mul3A_675 = arith.muli %while3A_666, %mul3A_674 : i32
            %add3A_676 = vector.broadcast %mul3A_675 : i32 to vector<16xi32>
            %add3A_677 = arith.addi %add3A_676, %iota3A : vector<16xi32>
            %select_n3A_678 = arith.select %gt3A_672, %add3A_677, %while3A_668 : vector<16xi1>, vector<16xi32>
            scf.yield %select_n3A_673, %select_n3A_678 : vector<16xf32>, vector<16xi32>
          }
          %reduce_max3A_649 = arith.constant true
          %reduce_max3A_650 = vector.broadcast %reduce_max3A_649 : i1 to vector<16xi1>
          %reduce_max3A_651 = tpu.scan <max>, %while3A_648#0 masked %reduce_max3A_650 : vector<16xf32>, vector<16xi1> -> vector<16xf32>
          %reduce_max3A_652 = vector.extract %reduce_max3A_651[15] : f32 from vector<16xf32>
          %eq3A_653 = vector.broadcast %reduce_max3A_652 : f32 to vector<16xf32>
          %eq3A_654 = arith.cmpf oeq, %while3A_648#0, %eq3A_653 : vector<16xf32>
          %jit3A_655 = arith.constant 1073741824 : i32
          %broadcast_in_dim3A_656 = vector.broadcast %jit3A_655 : i32 to vector<16xi32>
          %select_n3A_657 = arith.select %eq3A_654, %while3A_648#1, %broadcast_in_dim3A_656 : vector<16xi1>, vector<16xi32>
          %reduce_min3A_658 = arith.constant true
          %reduce_min3A_659 = vector.broadcast %reduce_min3A_658 : i1 to vector<16xi1>
          %reduce_min3A_660 = arith.constant -2147483648 : i32
          %reduce_min3A_661 = vector.broadcast %reduce_min3A_660 : i32 to vector<16xi32>
          %reduce_min3A_662 = arith.xori %select_n3A_657, %reduce_min3A_661 : vector<16xi32>
          %reduce_min3A_663 = tpu.scan <min>, %reduce_min3A_662 masked %reduce_min3A_659 : vector<16xi32>, vector<16xi1> -> vector<16xi32>
          %reduce_min3A_664 = arith.xori %reduce_min3A_663, %reduce_min3A_661 : vector<16xi32>
          %reduce_min3A_665 = vector.extract %reduce_min3A_664[15] : i32 from vector<16xi32>
          scf.yield %reduce_max3A_554, %reduce_min3A_566, %reduce_max3A_586, %reduce_min3A_599, %reduce_max3A_619, %reduce_min3A_632, %reduce_max3A_652 : f32, i32, f32, i32, f32, i32, f32
        }
        %broadcast_in_dim3A_114 = vector.broadcast %cond3A_107#1 : i32 to vector<16xi32>
        %broadcast_in_dim3A_115 = vector.broadcast %cond3A_107#0 : f32 to vector<16xf32>
        tpu.vector_store_idx %arg17[%broadcast_in_dim3A_114], %broadcast_in_dim3A_115 masked %eq3A_5 : memref<1296xf32, #tpu.memory_space<vmem>>[vector<16xi32>], vector<16xf32>, vector<16xi1>
        %broadcast_in_dim3A_116 = vector.broadcast %cond3A_113#1 : i32 to vector<16xi32>
        %broadcast_in_dim3A_117 = vector.broadcast %cond3A_113#0 : f32 to vector<16xf32>
        tpu.vector_store_idx %arg17[%broadcast_in_dim3A_116], %broadcast_in_dim3A_117 masked %eq3A_5 : memref<1296xf32, #tpu.memory_space<vmem>>[vector<16xi32>], vector<16xf32>, vector<16xi1>
        %broadcast_in_dim3A_118 = vector.broadcast %cond3A_113#3 : i32 to vector<16xi32>
        %broadcast_in_dim3A_119 = vector.broadcast %cond3A_113#2 : f32 to vector<16xf32>
        tpu.vector_store_idx %arg17[%broadcast_in_dim3A_118], %broadcast_in_dim3A_119 masked %eq3A_5 : memref<1296xf32, #tpu.memory_space<vmem>>[vector<16xi32>], vector<16xf32>, vector<16xi1>
        %broadcast_in_dim3A_120 = vector.broadcast %cond3A_113#5 : i32 to vector<16xi32>
        %broadcast_in_dim3A_121 = vector.broadcast %cond3A_113#4 : f32 to vector<16xf32>
        tpu.vector_store_idx %arg17[%broadcast_in_dim3A_120], %broadcast_in_dim3A_121 masked %eq3A_5 : memref<1296xf32, #tpu.memory_space<vmem>>[vector<16xi32>], vector<16xf32>, vector<16xi1>
        %eq3A_122 = arith.constant 0 : i32
        %eq3A_123 = arith.cmpi eq, %cond3A_107#3, %eq3A_122 : i32
        %and3A_124 = arith.andi %gt3A, %eq3A_123 : i1
        %jit3A_125 = arith.constant -1.000000e+00 : f32
        %select_n3A_126 = arith.select %and3A_124, %select_n3A, %jit3A_125 : f32
        %max3A = arith.maximumf %cond3A_113#6, %select_n3A_126 : f32
        %broadcast_in_dim3A_127 = vector.broadcast %cond3A_107#1 : i32 to vector<16xi32>
        %broadcast_in_dim3A_128 = vector.broadcast %cond3A_107#0 : f32 to vector<16xf32>
        %gather3A = tpu.vector_load_idx %arg18[%broadcast_in_dim3A_127] : memref<1296xi32, #tpu.memory_space<vmem>>[vector<16xi32>], vector<16xi32>,
        %convert_element_type3A_129 = arith.sitofp %gather3A : vector<16xi32> to vector<16xf32>
        %gather3A_130 = tpu.vector_load_idx %arg13[%broadcast_in_dim3A_127] : memref<1296xf32, #tpu.memory_space<vmem>>[vector<16xi32>], vector<16xf32>,
        %gather3A_131 = tpu.vector_load_idx %arg14[%broadcast_in_dim3A_127] : memref<1296xf32, #tpu.memory_space<vmem>>[vector<16xi32>], vector<16xf32>,
        %gather3A_132 = tpu.vector_load_idx %arg15[%broadcast_in_dim3A_127] : memref<1296xf32, #tpu.memory_space<vmem>>[vector<16xi32>], vector<16xf32>,
        %gather3A_133 = tpu.vector_load_idx %arg16[%broadcast_in_dim3A_127] : memref<1296xf32, #tpu.memory_space<vmem>>[vector<16xi32>], vector<16xf32>,
        %broadcast_in_dim3A_134 = vector.broadcast %cond3A_113#1 : i32 to vector<16xi32>
        %broadcast_in_dim3A_135 = vector.broadcast %cond3A_113#0 : f32 to vector<16xf32>
        %gather3A_136 = tpu.vector_load_idx %arg18[%broadcast_in_dim3A_134] : memref<1296xi32, #tpu.memory_space<vmem>>[vector<16xi32>], vector<16xi32>,
        %convert_element_type3A_137 = arith.sitofp %gather3A_136 : vector<16xi32> to vector<16xf32>
        %gather3A_138 = tpu.vector_load_idx %arg13[%broadcast_in_dim3A_134] : memref<1296xf32, #tpu.memory_space<vmem>>[vector<16xi32>], vector<16xf32>,
        %gather3A_139 = tpu.vector_load_idx %arg14[%broadcast_in_dim3A_134] : memref<1296xf32, #tpu.memory_space<vmem>>[vector<16xi32>], vector<16xf32>,
        %gather3A_140 = tpu.vector_load_idx %arg15[%broadcast_in_dim3A_134] : memref<1296xf32, #tpu.memory_space<vmem>>[vector<16xi32>], vector<16xf32>,
        %gather3A_141 = tpu.vector_load_idx %arg16[%broadcast_in_dim3A_134] : memref<1296xf32, #tpu.memory_space<vmem>>[vector<16xi32>], vector<16xf32>,
        %broadcast_in_dim3A_142 = vector.broadcast %cond3A_113#3 : i32 to vector<16xi32>
        %broadcast_in_dim3A_143 = vector.broadcast %cond3A_113#2 : f32 to vector<16xf32>
        %gather3A_144 = tpu.vector_load_idx %arg18[%broadcast_in_dim3A_142] : memref<1296xi32, #tpu.memory_space<vmem>>[vector<16xi32>], vector<16xi32>,
        %convert_element_type3A_145 = arith.sitofp %gather3A_144 : vector<16xi32> to vector<16xf32>
        %gather3A_146 = tpu.vector_load_idx %arg13[%broadcast_in_dim3A_142] : memref<1296xf32, #tpu.memory_space<vmem>>[vector<16xi32>], vector<16xf32>,
        %gather3A_147 = tpu.vector_load_idx %arg14[%broadcast_in_dim3A_142] : memref<1296xf32, #tpu.memory_space<vmem>>[vector<16xi32>], vector<16xf32>,
        %gather3A_148 = tpu.vector_load_idx %arg15[%broadcast_in_dim3A_142] : memref<1296xf32, #tpu.memory_space<vmem>>[vector<16xi32>], vector<16xf32>,
        %gather3A_149 = tpu.vector_load_idx %arg16[%broadcast_in_dim3A_142] : memref<1296xf32, #tpu.memory_space<vmem>>[vector<16xi32>], vector<16xf32>,
        %broadcast_in_dim3A_150 = vector.broadcast %cond3A_113#5 : i32 to vector<16xi32>
        %broadcast_in_dim3A_151 = vector.broadcast %cond3A_113#4 : f32 to vector<16xf32>
        %gather3A_152 = tpu.vector_load_idx %arg18[%broadcast_in_dim3A_150] : memref<1296xi32, #tpu.memory_space<vmem>>[vector<16xi32>], vector<16xi32>,
        %convert_element_type3A_153 = arith.sitofp %gather3A_152 : vector<16xi32> to vector<16xf32>
        %gather3A_154 = tpu.vector_load_idx %arg13[%broadcast_in_dim3A_150] : memref<1296xf32, #tpu.memory_space<vmem>>[vector<16xi32>], vector<16xf32>,
        %gather3A_155 = tpu.vector_load_idx %arg14[%broadcast_in_dim3A_150] : memref<1296xf32, #tpu.memory_space<vmem>>[vector<16xi32>], vector<16xf32>,
        %gather3A_156 = tpu.vector_load_idx %arg15[%broadcast_in_dim3A_150] : memref<1296xf32, #tpu.memory_space<vmem>>[vector<16xi32>], vector<16xf32>,
        %gather3A_157 = tpu.vector_load_idx %arg16[%broadcast_in_dim3A_150] : memref<1296xf32, #tpu.memory_space<vmem>>[vector<16xi32>], vector<16xf32>,
        %and3A_158 = arith.constant 7 : i32
        %and3A_159 = vector.broadcast %and3A_158 : i32 to vector<16xi32>
        %and3A_160 = arith.andi %iota3A, %and3A_159 : vector<16xi32>
        %eq3A_161 = arith.constant 5 : i32
        %eq3A_162 = vector.broadcast %eq3A_161 : i32 to vector<16xi32>
        %eq3A_163 = arith.cmpi eq, %and3A_160, %eq3A_162 : vector<16xi32>
        %lt3A_164 = arith.constant 8 : i32
        %lt3A_165 = vector.broadcast %lt3A_164 : i32 to vector<16xi32>
        %lt3A_166 = arith.cmpi slt, %iota3A, %lt3A_165 : vector<16xi32>
        %select_n3A_167 = arith.select %lt3A_166, %gather3A_133, %gather3A_141 : vector<16xi1>, vector<16xf32>
        %select_n3A_168 = arith.select %eq3A_163, %select_n3A_167, %broadcast_in_dim3A_1 : vector<16xi1>, vector<16xf32>
        %and3A_169 = arith.constant 7 : i32
        %and3A_170 = vector.broadcast %and3A_169 : i32 to vector<16xi32>
        %and3A_171 = arith.andi %iota3A, %and3A_170 : vector<16xi32>
        %eq3A_172 = arith.constant 4 : i32
        %eq3A_173 = vector.broadcast %eq3A_172 : i32 to vector<16xi32>
        %eq3A_174 = arith.cmpi eq, %and3A_171, %eq3A_173 : vector<16xi32>
        %lt3A_175 = arith.constant 8 : i32
        %lt3A_176 = vector.broadcast %lt3A_175 : i32 to vector<16xi32>
        %lt3A_177 = arith.cmpi slt, %iota3A, %lt3A_176 : vector<16xi32>
        %select_n3A_178 = arith.select %lt3A_177, %gather3A_132, %gather3A_140 : vector<16xi1>, vector<16xf32>
        %select_n3A_179 = arith.select %eq3A_174, %select_n3A_178, %select_n3A_168 : vector<16xi1>, vector<16xf32>
        %and3A_180 = arith.constant 7 : i32
        %and3A_181 = vector.broadcast %and3A_180 : i32 to vector<16xi32>
        %and3A_182 = arith.andi %iota3A, %and3A_181 : vector<16xi32>
        %eq3A_183 = arith.constant 3 : i32
        %eq3A_184 = vector.broadcast %eq3A_183 : i32 to vector<16xi32>
        %eq3A_185 = arith.cmpi eq, %and3A_182, %eq3A_184 : vector<16xi32>
        %lt3A_186 = arith.constant 8 : i32
        %lt3A_187 = vector.broadcast %lt3A_186 : i32 to vector<16xi32>
        %lt3A_188 = arith.cmpi slt, %iota3A, %lt3A_187 : vector<16xi32>
        %select_n3A_189 = arith.select %lt3A_188, %gather3A_131, %gather3A_139 : vector<16xi1>, vector<16xf32>
        %select_n3A_190 = arith.select %eq3A_185, %select_n3A_189, %select_n3A_179 : vector<16xi1>, vector<16xf32>
        %and3A_191 = arith.constant 7 : i32
        %and3A_192 = vector.broadcast %and3A_191 : i32 to vector<16xi32>
        %and3A_193 = arith.andi %iota3A, %and3A_192 : vector<16xi32>
        %eq3A_194 = arith.constant 2 : i32
        %eq3A_195 = vector.broadcast %eq3A_194 : i32 to vector<16xi32>
        %eq3A_196 = arith.cmpi eq, %and3A_193, %eq3A_195 : vector<16xi32>
        %lt3A_197 = arith.constant 8 : i32
        %lt3A_198 = vector.broadcast %lt3A_197 : i32 to vector<16xi32>
        %lt3A_199 = arith.cmpi slt, %iota3A, %lt3A_198 : vector<16xi32>
        %select_n3A_200 = arith.select %lt3A_199, %gather3A_130, %gather3A_138 : vector<16xi1>, vector<16xf32>
        %select_n3A_201 = arith.select %eq3A_196, %select_n3A_200, %select_n3A_190 : vector<16xi1>, vector<16xf32>
        %and3A_202 = arith.constant 7 : i32
        %and3A_203 = vector.broadcast %and3A_202 : i32 to vector<16xi32>
        %and3A_204 = arith.andi %iota3A, %and3A_203 : vector<16xi32>
        %eq3A_205 = arith.constant 1 : i32
        %eq3A_206 = vector.broadcast %eq3A_205 : i32 to vector<16xi32>
        %eq3A_207 = arith.cmpi eq, %and3A_204, %eq3A_206 : vector<16xi32>
        %lt3A_208 = arith.constant 8 : i32
        %lt3A_209 = vector.broadcast %lt3A_208 : i32 to vector<16xi32>
        %lt3A_210 = arith.cmpi slt, %iota3A, %lt3A_209 : vector<16xi32>
        %select_n3A_211 = arith.select %lt3A_210, %convert_element_type3A_129, %convert_element_type3A_137 : vector<16xi1>, vector<16xf32>
        %select_n3A_212 = arith.select %eq3A_207, %select_n3A_211, %select_n3A_201 : vector<16xi1>, vector<16xf32>
        %and3A_213 = arith.constant 7 : i32
        %and3A_214 = vector.broadcast %and3A_213 : i32 to vector<16xi32>
        %and3A_215 = arith.andi %iota3A, %and3A_214 : vector<16xi32>
        %eq3A_216 = arith.constant 0 : i32
        %eq3A_217 = vector.broadcast %eq3A_216 : i32 to vector<16xi32>
        %eq3A_218 = arith.cmpi eq, %and3A_215, %eq3A_217 : vector<16xi32>
        %lt3A_219 = arith.constant 8 : i32
        %lt3A_220 = vector.broadcast %lt3A_219 : i32 to vector<16xi32>
        %lt3A_221 = arith.cmpi slt, %iota3A, %lt3A_220 : vector<16xi32>
        %select_n3A_222 = arith.select %lt3A_221, %broadcast_in_dim3A_128, %broadcast_in_dim3A_135 : vector<16xi1>, vector<16xf32>
        %select_n3A_223 = arith.select %eq3A_218, %select_n3A_222, %select_n3A_212 : vector<16xi1>, vector<16xf32>
        %swap3A = arith.constant 0 : index
        %swap3A_224 = tpu.vector_load %arg19[%swap3A] {strides = array<i32>} : memref<48xf32, #tpu.memory_space<vmem>>, vector<16xf32>,
        tpu.vector_store %arg19[%swap3A], %select_n3A_223 {strides = array<i32>} : memref<48xf32, #tpu.memory_space<vmem>>, vector<16xf32>,
        %and3A_225 = arith.constant 7 : i32
        %and3A_226 = vector.broadcast %and3A_225 : i32 to vector<16xi32>
        %and3A_227 = arith.andi %iota3A, %and3A_226 : vector<16xi32>
        %eq3A_228 = arith.constant 5 : i32
        %eq3A_229 = vector.broadcast %eq3A_228 : i32 to vector<16xi32>
        %eq3A_230 = arith.cmpi eq, %and3A_227, %eq3A_229 : vector<16xi32>
        %lt3A_231 = arith.constant 8 : i32
        %lt3A_232 = vector.broadcast %lt3A_231 : i32 to vector<16xi32>
        %lt3A_233 = arith.cmpi slt, %iota3A, %lt3A_232 : vector<16xi32>
        %select_n3A_234 = arith.select %lt3A_233, %gather3A_149, %gather3A_157 : vector<16xi1>, vector<16xf32>
        %select_n3A_235 = arith.select %eq3A_230, %select_n3A_234, %broadcast_in_dim3A_1 : vector<16xi1>, vector<16xf32>
        %and3A_236 = arith.constant 7 : i32
        %and3A_237 = vector.broadcast %and3A_236 : i32 to vector<16xi32>
        %and3A_238 = arith.andi %iota3A, %and3A_237 : vector<16xi32>
        %eq3A_239 = arith.constant 4 : i32
        %eq3A_240 = vector.broadcast %eq3A_239 : i32 to vector<16xi32>
        %eq3A_241 = arith.cmpi eq, %and3A_238, %eq3A_240 : vector<16xi32>
        %lt3A_242 = arith.constant 8 : i32
        %lt3A_243 = vector.broadcast %lt3A_242 : i32 to vector<16xi32>
        %lt3A_244 = arith.cmpi slt, %iota3A, %lt3A_243 : vector<16xi32>
        %select_n3A_245 = arith.select %lt3A_244, %gather3A_148, %gather3A_156 : vector<16xi1>, vector<16xf32>
        %select_n3A_246 = arith.select %eq3A_241, %select_n3A_245, %select_n3A_235 : vector<16xi1>, vector<16xf32>
        %and3A_247 = arith.constant 7 : i32
        %and3A_248 = vector.broadcast %and3A_247 : i32 to vector<16xi32>
        %and3A_249 = arith.andi %iota3A, %and3A_248 : vector<16xi32>
        %eq3A_250 = arith.constant 3 : i32
        %eq3A_251 = vector.broadcast %eq3A_250 : i32 to vector<16xi32>
        %eq3A_252 = arith.cmpi eq, %and3A_249, %eq3A_251 : vector<16xi32>
        %lt3A_253 = arith.constant 8 : i32
        %lt3A_254 = vector.broadcast %lt3A_253 : i32 to vector<16xi32>
        %lt3A_255 = arith.cmpi slt, %iota3A, %lt3A_254 : vector<16xi32>
        %select_n3A_256 = arith.select %lt3A_255, %gather3A_147, %gather3A_155 : vector<16xi1>, vector<16xf32>
        %select_n3A_257 = arith.select %eq3A_252, %select_n3A_256, %select_n3A_246 : vector<16xi1>, vector<16xf32>
        %and3A_258 = arith.constant 7 : i32
        %and3A_259 = vector.broadcast %and3A_258 : i32 to vector<16xi32>
        %and3A_260 = arith.andi %iota3A, %and3A_259 : vector<16xi32>
        %eq3A_261 = arith.constant 2 : i32
        %eq3A_262 = vector.broadcast %eq3A_261 : i32 to vector<16xi32>
        %eq3A_263 = arith.cmpi eq, %and3A_260, %eq3A_262 : vector<16xi32>
        %lt3A_264 = arith.constant 8 : i32
        %lt3A_265 = vector.broadcast %lt3A_264 : i32 to vector<16xi32>
        %lt3A_266 = arith.cmpi slt, %iota3A, %lt3A_265 : vector<16xi32>
        %select_n3A_267 = arith.select %lt3A_266, %gather3A_146, %gather3A_154 : vector<16xi1>, vector<16xf32>
        %select_n3A_268 = arith.select %eq3A_263, %select_n3A_267, %select_n3A_257 : vector<16xi1>, vector<16xf32>
        %and3A_269 = arith.constant 7 : i32
        %and3A_270 = vector.broadcast %and3A_269 : i32 to vector<16xi32>
        %and3A_271 = arith.andi %iota3A, %and3A_270 : vector<16xi32>
        %eq3A_272 = arith.constant 1 : i32
        %eq3A_273 = vector.broadcast %eq3A_272 : i32 to vector<16xi32>
        %eq3A_274 = arith.cmpi eq, %and3A_271, %eq3A_273 : vector<16xi32>
        %lt3A_275 = arith.constant 8 : i32
        %lt3A_276 = vector.broadcast %lt3A_275 : i32 to vector<16xi32>
        %lt3A_277 = arith.cmpi slt, %iota3A, %lt3A_276 : vector<16xi32>
        %select_n3A_278 = arith.select %lt3A_277, %convert_element_type3A_145, %convert_element_type3A_153 : vector<16xi1>, vector<16xf32>
        %select_n3A_279 = arith.select %eq3A_274, %select_n3A_278, %select_n3A_268 : vector<16xi1>, vector<16xf32>
        %and3A_280 = arith.constant 7 : i32
        %and3A_281 = vector.broadcast %and3A_280 : i32 to vector<16xi32>
        %and3A_282 = arith.andi %iota3A, %and3A_281 : vector<16xi32>
        %eq3A_283 = arith.constant 0 : i32
        %eq3A_284 = vector.broadcast %eq3A_283 : i32 to vector<16xi32>
        %eq3A_285 = arith.cmpi eq, %and3A_282, %eq3A_284 : vector<16xi32>
        %lt3A_286 = arith.constant 8 : i32
        %lt3A_287 = vector.broadcast %lt3A_286 : i32 to vector<16xi32>
        %lt3A_288 = arith.cmpi slt, %iota3A, %lt3A_287 : vector<16xi32>
        %select_n3A_289 = arith.select %lt3A_288, %broadcast_in_dim3A_143, %broadcast_in_dim3A_151 : vector<16xi1>, vector<16xf32>
        %select_n3A_290 = arith.select %eq3A_285, %select_n3A_289, %select_n3A_279 : vector<16xi1>, vector<16xf32>
        %swap3A_291 = arith.constant 16 : index
        %swap3A_292 = tpu.vector_load %arg19[%swap3A_291] {strides = array<i32>} : memref<48xf32, #tpu.memory_space<vmem>>, vector<16xf32>,
        tpu.vector_store %arg19[%swap3A_291], %select_n3A_290 {strides = array<i32>} : memref<48xf32, #tpu.memory_space<vmem>>, vector<16xf32>,
        %broadcast_in_dim3A_293 = vector.broadcast %max3A : f32 to vector<16xf32>
        %select_n3A_294 = arith.select %eq3A_5, %broadcast_in_dim3A_293, %broadcast_in_dim3A_1 : vector<16xi1>, vector<16xf32>
        %swap3A_295 = arith.constant 32 : index
        %swap3A_296 = tpu.vector_load %arg19[%swap3A_295] {strides = array<i32>} : memref<48xf32, #tpu.memory_space<vmem>>, vector<16xf32>,
        tpu.vector_store %arg19[%swap3A_295], %select_n3A_294 {strides = array<i32>} : memref<48xf32, #tpu.memory_space<vmem>>, vector<16xf32>,
        %jit3A_297 = arith.constant 2 : i32
        %eq3A_298 = arith.constant 0 : i32
        %eq3A_299 = arith.cmpi eq, %jit3A_297, %eq3A_298 : i32
        %jit3A_300 = arith.constant 1 : i32
        %select_n3A_301 = arith.select %eq3A_299, %jit3A_300, %jit3A_297 : i32
        %rem3A_302 = arith.remsi %scan3A_82, %select_n3A_301 : i32
        %ne3A_303 = arith.constant 0 : i32
        %ne3A_304 = arith.cmpi ne, %rem3A_302, %ne3A_303 : i32
        %lt3A_305 = arith.constant 0 : i32
        %lt3A_306 = arith.cmpi slt, %rem3A_302, %lt3A_305 : i32
        %lt3A_307 = arith.constant 0 : i32
        %lt3A_308 = arith.cmpi slt, %select_n3A_301, %lt3A_307 : i32
        %ne3A_309 = arith.xori %lt3A_306, %lt3A_308 : i1
        %and3A_310 = arith.andi %ne3A_309, %ne3A_304 : i1
        %add3A_311 = arith.addi %rem3A_302, %select_n3A_301 : i32
        %select_n3A_312 = arith.select %and3A_310, %add3A_311, %rem3A_302 : i32
        %mul3A_313 = arith.constant 768 : i32
        %mul3A_314 = arith.muli %select_n3A_312, %mul3A_313 : i32
        %mul3A_315 = arith.constant 48 : i32
        %mul3A_316 = arith.muli %arg1, %mul3A_315 : i32
        %add3A_317 = arith.addi %mul3A_314, %mul3A_316 : i32
        "tpu.region"() ({
          %run_scoped3A = tpu.sem_alloc : memref<!tpu.dma_semaphore, #tpu.memory_space<semaphore_mem>>
          %dma_start3A = tpu.memref_slice %arg28[%add3A_317] : memref<1536xf32, #tpu.memory_space<vmem_shared>> -> memref<48xf32, #tpu.memory_space<vmem_shared>>
          %dma_start3A_536 = tpu.memref_slice %arg28[%add3A_317] : memref<1536xf32, #tpu.memory_space<vmem_shared>> -> memref<48xf32, #tpu.memory_space<vmem_shared>>
          tpu.enqueue_dma source(%arg19 : memref<48xf32, #tpu.memory_space<vmem>>) target(%dma_start3A_536 : memref<48xf32, #tpu.memory_space<vmem_shared>>) target_semaphore(%run_scoped3A : memref<!tpu.dma_semaphore, #tpu.memory_space<semaphore_mem>>)
          %dma_wait3A = tpu.memref_slice %arg28[%add3A_317] : memref<1536xf32, #tpu.memory_space<vmem_shared>> -> memref<48xf32, #tpu.memory_space<vmem_shared>>
          %dma_wait3A_537 = tpu.memref_slice %arg28[%add3A_317] : memref<1536xf32, #tpu.memory_space<vmem_shared>> -> memref<48xf32, #tpu.memory_space<vmem_shared>>
          tpu.wait_dma2 semaphore(%run_scoped3A : memref<!tpu.dma_semaphore, #tpu.memory_space<semaphore_mem>>) src(%arg19 : memref<48xf32, #tpu.memory_space<vmem>>) dst(%dma_wait3A_537 : memref<48xf32, #tpu.memory_space<vmem_shared>>)
          tpu.yield
        }) : () -> ()
        %barrier3A = arith.constant 0 : index
        tpu.barrier barrier_id(%barrier3A)
        "tpu.region"() ({
          %run_scoped3A = tpu.sem_alloc : memref<!tpu.dma_semaphore, #tpu.memory_space<semaphore_mem>>
          %dma_start3A = tpu.memref_slice %arg28[%mul3A_314] : memref<1536xf32, #tpu.memory_space<vmem_shared>> -> memref<768xf32, #tpu.memory_space<vmem_shared>>
          %dma_start3A_536 = tpu.memref_slice %arg28[%mul3A_314] : memref<1536xf32, #tpu.memory_space<vmem_shared>> -> memref<768xf32, #tpu.memory_space<vmem_shared>>
          tpu.enqueue_dma source(%dma_start3A_536 : memref<768xf32, #tpu.memory_space<vmem_shared>>) target(%arg20 : memref<768xf32, #tpu.memory_space<vmem>>) target_semaphore(%run_scoped3A : memref<!tpu.dma_semaphore, #tpu.memory_space<semaphore_mem>>)
          %dma_wait3A = tpu.memref_slice %arg28[%mul3A_314] : memref<1536xf32, #tpu.memory_space<vmem_shared>> -> memref<768xf32, #tpu.memory_space<vmem_shared>>
          %dma_wait3A_537 = tpu.memref_slice %arg28[%mul3A_314] : memref<1536xf32, #tpu.memory_space<vmem_shared>> -> memref<768xf32, #tpu.memory_space<vmem_shared>>
          tpu.wait_dma2 semaphore(%run_scoped3A : memref<!tpu.dma_semaphore, #tpu.memory_space<semaphore_mem>>) src(%dma_wait3A_537 : memref<768xf32, #tpu.memory_space<vmem_shared>>) dst(%arg20 : memref<768xf32, #tpu.memory_space<vmem>>)
          tpu.yield
        }) : () -> ()
        %mul3A_318 = arith.constant 48 : i32
        %mul3A_319 = vector.broadcast %mul3A_318 : i32 to vector<16xi32>
        %mul3A_320 = arith.muli %iota3A, %mul3A_319 : vector<16xi32>
        %add3A_321 = arith.constant 32 : i32
        %add3A_322 = vector.broadcast %add3A_321 : i32 to vector<16xi32>
        %add3A_323 = arith.addi %mul3A_320, %add3A_322 : vector<16xi32>
        %gather3A_324 = tpu.vector_load_idx %arg20[%add3A_323] : memref<768xf32, #tpu.memory_space<vmem>>[vector<16xi32>], vector<16xf32>,
        %reduce_max3A_325 = arith.constant true
        %reduce_max3A_326 = vector.broadcast %reduce_max3A_325 : i1 to vector<16xi1>
        %reduce_max3A_327 = tpu.scan <max>, %gather3A_324 masked %reduce_max3A_326 : vector<16xf32>, vector<16xi1> -> vector<16xf32>
        %reduce_max3A_328 = vector.extract %reduce_max3A_327[15] : f32 from vector<16xf32>
        %add3A_329 = arith.constant 0 : i32
        %add3A_330 = vector.broadcast %add3A_329 : i32 to vector<16xi32>
        %add3A_331 = arith.addi %add3A_330, %iota3A : vector<16xi32>
        %shift_right_arithmetic3A = arith.constant 2 : i32
        %shift_right_arithmetic3A_332 = vector.broadcast %shift_right_arithmetic3A : i32 to vector<16xi32>
        %shift_right_arithmetic3A_333 = arith.shrsi %add3A_331, %shift_right_arithmetic3A_332 : vector<16xi32>
        %mul3A_334 = arith.constant 48 : i32
        %mul3A_335 = vector.broadcast %mul3A_334 : i32 to vector<16xi32>
        %mul3A_336 = arith.muli %shift_right_arithmetic3A_333, %mul3A_335 : vector<16xi32>
        %and3A_337 = arith.constant 3 : i32
        %and3A_338 = vector.broadcast %and3A_337 : i32 to vector<16xi32>
        %and3A_339 = arith.andi %add3A_331, %and3A_338 : vector<16xi32>
        %mul3A_340 = arith.constant 8 : i32
        %mul3A_341 = vector.broadcast %mul3A_340 : i32 to vector<16xi32>
        %mul3A_342 = arith.muli %and3A_339, %mul3A_341 : vector<16xi32>
        %add3A_343 = arith.addi %mul3A_336, %mul3A_342 : vector<16xi32>
        %add3A_344 = arith.constant 16 : i32
        %add3A_345 = vector.broadcast %add3A_344 : i32 to vector<16xi32>
        %add3A_346 = arith.addi %add3A_345, %iota3A : vector<16xi32>
        %shift_right_arithmetic3A_347 = arith.constant 2 : i32
        %shift_right_arithmetic3A_348 = vector.broadcast %shift_right_arithmetic3A_347 : i32 to vector<16xi32>
        %shift_right_arithmetic3A_349 = arith.shrsi %add3A_346, %shift_right_arithmetic3A_348 : vector<16xi32>
        %mul3A_350 = arith.constant 48 : i32
        %mul3A_351 = vector.broadcast %mul3A_350 : i32 to vector<16xi32>
        %mul3A_352 = arith.muli %shift_right_arithmetic3A_349, %mul3A_351 : vector<16xi32>
        %and3A_353 = arith.constant 3 : i32
        %and3A_354 = vector.broadcast %and3A_353 : i32 to vector<16xi32>
        %and3A_355 = arith.andi %add3A_346, %and3A_354 : vector<16xi32>
        %mul3A_356 = arith.constant 8 : i32
        %mul3A_357 = vector.broadcast %mul3A_356 : i32 to vector<16xi32>
        %mul3A_358 = arith.muli %and3A_355, %mul3A_357 : vector<16xi32>
        %add3A_359 = arith.addi %mul3A_352, %mul3A_358 : vector<16xi32>
        %add3A_360 = arith.constant 32 : i32
        %add3A_361 = vector.broadcast %add3A_360 : i32 to vector<16xi32>
        %add3A_362 = arith.addi %add3A_361, %iota3A : vector<16xi32>
        %shift_right_arithmetic3A_363 = arith.constant 2 : i32
        %shift_right_arithmetic3A_364 = vector.broadcast %shift_right_arithmetic3A_363 : i32 to vector<16xi32>
        %shift_right_arithmetic3A_365 = arith.shrsi %add3A_362, %shift_right_arithmetic3A_364 : vector<16xi32>
        %mul3A_366 = arith.constant 48 : i32
        %mul3A_367 = vector.broadcast %mul3A_366 : i32 to vector<16xi32>
        %mul3A_368 = arith.muli %shift_right_arithmetic3A_365, %mul3A_367 : vector<16xi32>
        %and3A_369 = arith.constant 3 : i32
        %and3A_370 = vector.broadcast %and3A_369 : i32 to vector<16xi32>
        %and3A_371 = arith.andi %add3A_362, %and3A_370 : vector<16xi32>
        %mul3A_372 = arith.constant 8 : i32
        %mul3A_373 = vector.broadcast %mul3A_372 : i32 to vector<16xi32>
        %mul3A_374 = arith.muli %and3A_371, %mul3A_373 : vector<16xi32>
        %add3A_375 = arith.addi %mul3A_368, %mul3A_374 : vector<16xi32>
        %add3A_376 = arith.constant 48 : i32
        %add3A_377 = vector.broadcast %add3A_376 : i32 to vector<16xi32>
        %add3A_378 = arith.addi %add3A_377, %iota3A : vector<16xi32>
        %shift_right_arithmetic3A_379 = arith.constant 2 : i32
        %shift_right_arithmetic3A_380 = vector.broadcast %shift_right_arithmetic3A_379 : i32 to vector<16xi32>
        %shift_right_arithmetic3A_381 = arith.shrsi %add3A_378, %shift_right_arithmetic3A_380 : vector<16xi32>
        %mul3A_382 = arith.constant 48 : i32
        %mul3A_383 = vector.broadcast %mul3A_382 : i32 to vector<16xi32>
        %mul3A_384 = arith.muli %shift_right_arithmetic3A_381, %mul3A_383 : vector<16xi32>
        %and3A_385 = arith.constant 3 : i32
        %and3A_386 = vector.broadcast %and3A_385 : i32 to vector<16xi32>
        %and3A_387 = arith.andi %add3A_378, %and3A_386 : vector<16xi32>
        %mul3A_388 = arith.constant 8 : i32
        %mul3A_389 = vector.broadcast %mul3A_388 : i32 to vector<16xi32>
        %mul3A_390 = arith.muli %and3A_387, %mul3A_389 : vector<16xi32>
        %add3A_391 = arith.addi %mul3A_384, %mul3A_390 : vector<16xi32>
        %gather3A_392 = tpu.vector_load_idx %arg20[%add3A_343] : memref<768xf32, #tpu.memory_space<vmem>>[vector<16xi32>], vector<16xf32>,
        %swap3A_393 = arith.constant 0 : index
        %swap3A_394 = tpu.vector_load %arg21[%swap3A_393] {strides = array<i32>} : memref<64xf32, #tpu.memory_space<vmem>>, vector<16xf32>,
        tpu.vector_store %arg21[%swap3A_393], %gather3A_392 {strides = array<i32>} : memref<64xf32, #tpu.memory_space<vmem>>, vector<16xf32>,
        %add3A_395 = arith.constant 1 : i32
        %add3A_396 = vector.broadcast %add3A_395 : i32 to vector<16xi32>
        %add3A_397 = arith.addi %add3A_343, %add3A_396 : vector<16xi32>
        %gather3A_398 = tpu.vector_load_idx %arg20[%add3A_397] : memref<768xf32, #tpu.memory_space<vmem>>[vector<16xi32>], vector<16xf32>,
        %swap3A_399 = arith.constant 0 : index
        %swap3A_400 = tpu.vector_load %arg22[%swap3A_399] {strides = array<i32>} : memref<64xf32, #tpu.memory_space<vmem>>, vector<16xf32>,
        tpu.vector_store %arg22[%swap3A_399], %gather3A_398 {strides = array<i32>} : memref<64xf32, #tpu.memory_space<vmem>>, vector<16xf32>,
        %add3A_401 = arith.constant 2 : i32
        %add3A_402 = vector.broadcast %add3A_401 : i32 to vector<16xi32>
        %add3A_403 = arith.addi %add3A_343, %add3A_402 : vector<16xi32>
        %gather3A_404 = tpu.vector_load_idx %arg20[%add3A_403] : memref<768xf32, #tpu.memory_space<vmem>>[vector<16xi32>], vector<16xf32>,
        %swap3A_405 = arith.constant 0 : index
        %swap3A_406 = tpu.vector_load %arg23[%swap3A_405] {strides = array<i32>} : memref<64xf32, #tpu.memory_space<vmem>>, vector<16xf32>,
        tpu.vector_store %arg23[%swap3A_405], %gather3A_404 {strides = array<i32>} : memref<64xf32, #tpu.memory_space<vmem>>, vector<16xf32>,
        %add3A_407 = arith.constant 3 : i32
        %add3A_408 = vector.broadcast %add3A_407 : i32 to vector<16xi32>
        %add3A_409 = arith.addi %add3A_343, %add3A_408 : vector<16xi32>
        %gather3A_410 = tpu.vector_load_idx %arg20[%add3A_409] : memref<768xf32, #tpu.memory_space<vmem>>[vector<16xi32>], vector<16xf32>,
        %swap3A_411 = arith.constant 0 : index
        %swap3A_412 = tpu.vector_load %arg24[%swap3A_411] {strides = array<i32>} : memref<64xf32, #tpu.memory_space<vmem>>, vector<16xf32>,
        tpu.vector_store %arg24[%swap3A_411], %gather3A_410 {strides = array<i32>} : memref<64xf32, #tpu.memory_space<vmem>>, vector<16xf32>,
        %add3A_413 = arith.constant 4 : i32
        %add3A_414 = vector.broadcast %add3A_413 : i32 to vector<16xi32>
        %add3A_415 = arith.addi %add3A_343, %add3A_414 : vector<16xi32>
        %gather3A_416 = tpu.vector_load_idx %arg20[%add3A_415] : memref<768xf32, #tpu.memory_space<vmem>>[vector<16xi32>], vector<16xf32>,
        %swap3A_417 = arith.constant 0 : index
        %swap3A_418 = tpu.vector_load %arg25[%swap3A_417] {strides = array<i32>} : memref<64xf32, #tpu.memory_space<vmem>>, vector<16xf32>,
        tpu.vector_store %arg25[%swap3A_417], %gather3A_416 {strides = array<i32>} : memref<64xf32, #tpu.memory_space<vmem>>, vector<16xf32>,
        %add3A_419 = arith.constant 5 : i32
        %add3A_420 = vector.broadcast %add3A_419 : i32 to vector<16xi32>
        %add3A_421 = arith.addi %add3A_343, %add3A_420 : vector<16xi32>
        %gather3A_422 = tpu.vector_load_idx %arg20[%add3A_421] : memref<768xf32, #tpu.memory_space<vmem>>[vector<16xi32>], vector<16xf32>,
        %swap3A_423 = arith.constant 0 : index
        %swap3A_424 = tpu.vector_load %arg26[%swap3A_423] {strides = array<i32>} : memref<64xf32, #tpu.memory_space<vmem>>, vector<16xf32>,
        tpu.vector_store %arg26[%swap3A_423], %gather3A_422 {strides = array<i32>} : memref<64xf32, #tpu.memory_space<vmem>>, vector<16xf32>,
        %gather3A_425 = tpu.vector_load_idx %arg20[%add3A_359] : memref<768xf32, #tpu.memory_space<vmem>>[vector<16xi32>], vector<16xf32>,
        %swap3A_426 = arith.constant 16 : index
        %swap3A_427 = tpu.vector_load %arg21[%swap3A_426] {strides = array<i32>} : memref<64xf32, #tpu.memory_space<vmem>>, vector<16xf32>,
        tpu.vector_store %arg21[%swap3A_426], %gather3A_425 {strides = array<i32>} : memref<64xf32, #tpu.memory_space<vmem>>, vector<16xf32>,
        %add3A_428 = arith.constant 1 : i32
        %add3A_429 = vector.broadcast %add3A_428 : i32 to vector<16xi32>
        %add3A_430 = arith.addi %add3A_359, %add3A_429 : vector<16xi32>
        %gather3A_431 = tpu.vector_load_idx %arg20[%add3A_430] : memref<768xf32, #tpu.memory_space<vmem>>[vector<16xi32>], vector<16xf32>,
        %swap3A_432 = arith.constant 16 : index
        %swap3A_433 = tpu.vector_load %arg22[%swap3A_432] {strides = array<i32>} : memref<64xf32, #tpu.memory_space<vmem>>, vector<16xf32>,
        tpu.vector_store %arg22[%swap3A_432], %gather3A_431 {strides = array<i32>} : memref<64xf32, #tpu.memory_space<vmem>>, vector<16xf32>,
        %add3A_434 = arith.constant 2 : i32
        %add3A_435 = vector.broadcast %add3A_434 : i32 to vector<16xi32>
        %add3A_436 = arith.addi %add3A_359, %add3A_435 : vector<16xi32>
        %gather3A_437 = tpu.vector_load_idx %arg20[%add3A_436] : memref<768xf32, #tpu.memory_space<vmem>>[vector<16xi32>], vector<16xf32>,
        %swap3A_438 = arith.constant 16 : index
        %swap3A_439 = tpu.vector_load %arg23[%swap3A_438] {strides = array<i32>} : memref<64xf32, #tpu.memory_space<vmem>>, vector<16xf32>,
        tpu.vector_store %arg23[%swap3A_438], %gather3A_437 {strides = array<i32>} : memref<64xf32, #tpu.memory_space<vmem>>, vector<16xf32>,
        %add3A_440 = arith.constant 3 : i32
        %add3A_441 = vector.broadcast %add3A_440 : i32 to vector<16xi32>
        %add3A_442 = arith.addi %add3A_359, %add3A_441 : vector<16xi32>
        %gather3A_443 = tpu.vector_load_idx %arg20[%add3A_442] : memref<768xf32, #tpu.memory_space<vmem>>[vector<16xi32>], vector<16xf32>,
        %swap3A_444 = arith.constant 16 : index
        %swap3A_445 = tpu.vector_load %arg24[%swap3A_444] {strides = array<i32>} : memref<64xf32, #tpu.memory_space<vmem>>, vector<16xf32>,
        tpu.vector_store %arg24[%swap3A_444], %gather3A_443 {strides = array<i32>} : memref<64xf32, #tpu.memory_space<vmem>>, vector<16xf32>,
        %add3A_446 = arith.constant 4 : i32
        %add3A_447 = vector.broadcast %add3A_446 : i32 to vector<16xi32>
        %add3A_448 = arith.addi %add3A_359, %add3A_447 : vector<16xi32>
        %gather3A_449 = tpu.vector_load_idx %arg20[%add3A_448] : memref<768xf32, #tpu.memory_space<vmem>>[vector<16xi32>], vector<16xf32>,
        %swap3A_450 = arith.constant 16 : index
        %swap3A_451 = tpu.vector_load %arg25[%swap3A_450] {strides = array<i32>} : memref<64xf32, #tpu.memory_space<vmem>>, vector<16xf32>,
        tpu.vector_store %arg25[%swap3A_450], %gather3A_449 {strides = array<i32>} : memref<64xf32, #tpu.memory_space<vmem>>, vector<16xf32>,
        %add3A_452 = arith.constant 5 : i32
        %add3A_453 = vector.broadcast %add3A_452 : i32 to vector<16xi32>
        %add3A_454 = arith.addi %add3A_359, %add3A_453 : vector<16xi32>
        %gather3A_455 = tpu.vector_load_idx %arg20[%add3A_454] : memref<768xf32, #tpu.memory_space<vmem>>[vector<16xi32>], vector<16xf32>,
        %swap3A_456 = arith.constant 16 : index
        %swap3A_457 = tpu.vector_load %arg26[%swap3A_456] {strides = array<i32>} : memref<64xf32, #tpu.memory_space<vmem>>, vector<16xf32>,
        tpu.vector_store %arg26[%swap3A_456], %gather3A_455 {strides = array<i32>} : memref<64xf32, #tpu.memory_space<vmem>>, vector<16xf32>,
        %gather3A_458 = tpu.vector_load_idx %arg20[%add3A_375] : memref<768xf32, #tpu.memory_space<vmem>>[vector<16xi32>], vector<16xf32>,
        %swap3A_459 = arith.constant 32 : index
        %swap3A_460 = tpu.vector_load %arg21[%swap3A_459] {strides = array<i32>} : memref<64xf32, #tpu.memory_space<vmem>>, vector<16xf32>,
        tpu.vector_store %arg21[%swap3A_459], %gather3A_458 {strides = array<i32>} : memref<64xf32, #tpu.memory_space<vmem>>, vector<16xf32>,
        %add3A_461 = arith.constant 1 : i32
        %add3A_462 = vector.broadcast %add3A_461 : i32 to vector<16xi32>
        %add3A_463 = arith.addi %add3A_375, %add3A_462 : vector<16xi32>
        %gather3A_464 = tpu.vector_load_idx %arg20[%add3A_463] : memref<768xf32, #tpu.memory_space<vmem>>[vector<16xi32>], vector<16xf32>,
        %swap3A_465 = arith.constant 32 : index
        %swap3A_466 = tpu.vector_load %arg22[%swap3A_465] {strides = array<i32>} : memref<64xf32, #tpu.memory_space<vmem>>, vector<16xf32>,
        tpu.vector_store %arg22[%swap3A_465], %gather3A_464 {strides = array<i32>} : memref<64xf32, #tpu.memory_space<vmem>>, vector<16xf32>,
        %add3A_467 = arith.constant 2 : i32
        %add3A_468 = vector.broadcast %add3A_467 : i32 to vector<16xi32>
        %add3A_469 = arith.addi %add3A_375, %add3A_468 : vector<16xi32>
        %gather3A_470 = tpu.vector_load_idx %arg20[%add3A_469] : memref<768xf32, #tpu.memory_space<vmem>>[vector<16xi32>], vector<16xf32>,
        %swap3A_471 = arith.constant 32 : index
        %swap3A_472 = tpu.vector_load %arg23[%swap3A_471] {strides = array<i32>} : memref<64xf32, #tpu.memory_space<vmem>>, vector<16xf32>,
        tpu.vector_store %arg23[%swap3A_471], %gather3A_470 {strides = array<i32>} : memref<64xf32, #tpu.memory_space<vmem>>, vector<16xf32>,
        %add3A_473 = arith.constant 3 : i32
        %add3A_474 = vector.broadcast %add3A_473 : i32 to vector<16xi32>
        %add3A_475 = arith.addi %add3A_375, %add3A_474 : vector<16xi32>
        %gather3A_476 = tpu.vector_load_idx %arg20[%add3A_475] : memref<768xf32, #tpu.memory_space<vmem>>[vector<16xi32>], vector<16xf32>,
        %swap3A_477 = arith.constant 32 : index
        %swap3A_478 = tpu.vector_load %arg24[%swap3A_477] {strides = array<i32>} : memref<64xf32, #tpu.memory_space<vmem>>, vector<16xf32>,
        tpu.vector_store %arg24[%swap3A_477], %gather3A_476 {strides = array<i32>} : memref<64xf32, #tpu.memory_space<vmem>>, vector<16xf32>,
        %add3A_479 = arith.constant 4 : i32
        %add3A_480 = vector.broadcast %add3A_479 : i32 to vector<16xi32>
        %add3A_481 = arith.addi %add3A_375, %add3A_480 : vector<16xi32>
        %gather3A_482 = tpu.vector_load_idx %arg20[%add3A_481] : memref<768xf32, #tpu.memory_space<vmem>>[vector<16xi32>], vector<16xf32>,
        %swap3A_483 = arith.constant 32 : index
        %swap3A_484 = tpu.vector_load %arg25[%swap3A_483] {strides = array<i32>} : memref<64xf32, #tpu.memory_space<vmem>>, vector<16xf32>,
        tpu.vector_store %arg25[%swap3A_483], %gather3A_482 {strides = array<i32>} : memref<64xf32, #tpu.memory_space<vmem>>, vector<16xf32>,
        %add3A_485 = arith.constant 5 : i32
        %add3A_486 = vector.broadcast %add3A_485 : i32 to vector<16xi32>
        %add3A_487 = arith.addi %add3A_375, %add3A_486 : vector<16xi32>
        %gather3A_488 = tpu.vector_load_idx %arg20[%add3A_487] : memref<768xf32, #tpu.memory_space<vmem>>[vector<16xi32>], vector<16xf32>,
        %swap3A_489 = arith.constant 32 : index
        %swap3A_490 = tpu.vector_load %arg26[%swap3A_489] {strides = array<i32>} : memref<64xf32, #tpu.memory_space<vmem>>, vector<16xf32>,
        tpu.vector_store %arg26[%swap3A_489], %gather3A_488 {strides = array<i32>} : memref<64xf32, #tpu.memory_space<vmem>>, vector<16xf32>,
        %gather3A_491 = tpu.vector_load_idx %arg20[%add3A_391] : memref<768xf32, #tpu.memory_space<vmem>>[vector<16xi32>], vector<16xf32>,
        %swap3A_492 = arith.constant 48 : index
        %swap3A_493 = tpu.vector_load %arg21[%swap3A_492] {strides = array<i32>} : memref<64xf32, #tpu.memory_space<vmem>>, vector<16xf32>,
        tpu.vector_store %arg21[%swap3A_492], %gather3A_491 {strides = array<i32>} : memref<64xf32, #tpu.memory_space<vmem>>, vector<16xf32>,
        %add3A_494 = arith.constant 1 : i32
        %add3A_495 = vector.broadcast %add3A_494 : i32 to vector<16xi32>
        %add3A_496 = arith.addi %add3A_391, %add3A_495 : vector<16xi32>
        %gather3A_497 = tpu.vector_load_idx %arg20[%add3A_496] : memref<768xf32, #tpu.memory_space<vmem>>[vector<16xi32>], vector<16xf32>,
        %swap3A_498 = arith.constant 48 : index
        %swap3A_499 = tpu.vector_load %arg22[%swap3A_498] {strides = array<i32>} : memref<64xf32, #tpu.memory_space<vmem>>, vector<16xf32>,
        tpu.vector_store %arg22[%swap3A_498], %gather3A_497 {strides = array<i32>} : memref<64xf32, #tpu.memory_space<vmem>>, vector<16xf32>,
        %add3A_500 = arith.constant 2 : i32
        %add3A_501 = vector.broadcast %add3A_500 : i32 to vector<16xi32>
        %add3A_502 = arith.addi %add3A_391, %add3A_501 : vector<16xi32>
        %gather3A_503 = tpu.vector_load_idx %arg20[%add3A_502] : memref<768xf32, #tpu.memory_space<vmem>>[vector<16xi32>], vector<16xf32>,
        %swap3A_504 = arith.constant 48 : index
        %swap3A_505 = tpu.vector_load %arg23[%swap3A_504] {strides = array<i32>} : memref<64xf32, #tpu.memory_space<vmem>>, vector<16xf32>,
        tpu.vector_store %arg23[%swap3A_504], %gather3A_503 {strides = array<i32>} : memref<64xf32, #tpu.memory_space<vmem>>, vector<16xf32>,
        %add3A_506 = arith.constant 3 : i32
        %add3A_507 = vector.broadcast %add3A_506 : i32 to vector<16xi32>
        %add3A_508 = arith.addi %add3A_391, %add3A_507 : vector<16xi32>
        %gather3A_509 = tpu.vector_load_idx %arg20[%add3A_508] : memref<768xf32, #tpu.memory_space<vmem>>[vector<16xi32>], vector<16xf32>,
        %swap3A_510 = arith.constant 48 : index
        %swap3A_511 = tpu.vector_load %arg24[%swap3A_510] {strides = array<i32>} : memref<64xf32, #tpu.memory_space<vmem>>, vector<16xf32>,
        tpu.vector_store %arg24[%swap3A_510], %gather3A_509 {strides = array<i32>} : memref<64xf32, #tpu.memory_space<vmem>>, vector<16xf32>,
        %add3A_512 = arith.constant 4 : i32
        %add3A_513 = vector.broadcast %add3A_512 : i32 to vector<16xi32>
        %add3A_514 = arith.addi %add3A_391, %add3A_513 : vector<16xi32>
        %gather3A_515 = tpu.vector_load_idx %arg20[%add3A_514] : memref<768xf32, #tpu.memory_space<vmem>>[vector<16xi32>], vector<16xf32>,
        %swap3A_516 = arith.constant 48 : index
        %swap3A_517 = tpu.vector_load %arg25[%swap3A_516] {strides = array<i32>} : memref<64xf32, #tpu.memory_space<vmem>>, vector<16xf32>,
        tpu.vector_store %arg25[%swap3A_516], %gather3A_515 {strides = array<i32>} : memref<64xf32, #tpu.memory_space<vmem>>, vector<16xf32>,
        %add3A_518 = arith.constant 5 : i32
        %add3A_519 = vector.broadcast %add3A_518 : i32 to vector<16xi32>
        %add3A_520 = arith.addi %add3A_391, %add3A_519 : vector<16xi32>
        %gather3A_521 = tpu.vector_load_idx %arg20[%add3A_520] : memref<768xf32, #tpu.memory_space<vmem>>[vector<16xi32>], vector<16xf32>,
        %swap3A_522 = arith.constant 48 : index
        %swap3A_523 = tpu.vector_load %arg26[%swap3A_522] {strides = array<i32>} : memref<64xf32, #tpu.memory_space<vmem>>, vector<16xf32>,
        tpu.vector_store %arg26[%swap3A_522], %gather3A_521 {strides = array<i32>} : memref<64xf32, #tpu.memory_space<vmem>>, vector<16xf32>,
        %scan3A_524 = arith.constant 1 : i32
        %scan3A_525 = arith.constant 0 : i32
        %scan3A_526 = arith.constant 8 : i32
        %scan3A_527 = arith.addi %scan3A_525, %scan3A_526 : i32
        %scan3A_528 = arith.constant 1 : i32
        %scan3A_529:2 = scf.for %scan3A_536 = %scan3A_525 to %scan3A_527 step %scan3A_528 iter_args(%scan3A_537 = %scan3A_524, %scan3A_538 = %scan3A_86) -> (i32, i32)  : i32 {
          %eq3A_539 = arith.constant 1 : i32
          %eq3A_540 = arith.cmpi eq, %scan3A_537, %eq3A_539 : i32
          %convert_element_type3A_541 = arith.extui %eq3A_540 : i1 to i32
          %cond3A_542 = arith.constant 0 : i32
          %cond3A_543 = arith.cmpi ne, %convert_element_type3A_541, %cond3A_542 : i32
          %cond3A_544:2 = scf.if %cond3A_543 -> (i32, i32) {
            %broadcast_in_dim3A_545 = arith.constant -2.000000e+00 : f32
            %broadcast_in_dim3A_546 = vector.broadcast %broadcast_in_dim3A_545 : f32 to vector<16xf32>
            %broadcast_in_dim3A_547 = arith.constant 0 : i32
            %broadcast_in_dim3A_548 = vector.broadcast %broadcast_in_dim3A_547 : i32 to vector<16xi32>
            %get3A = arith.constant 0 : index
            %get3A_549 = tpu.vector_load %arg21[%get3A] {strides = array<i32>} : memref<64xf32, #tpu.memory_space<vmem>>, vector<16xf32>,
            %gt3A_550 = arith.cmpf ogt, %get3A_549, %broadcast_in_dim3A_546 : vector<16xf32>
            %select_n3A_551 = arith.select %gt3A_550, %get3A_549, %broadcast_in_dim3A_546 : vector<16xi1>, vector<16xf32>
            %add3A_552 = arith.constant 0 : i32
            %add3A_553 = vector.broadcast %add3A_552 : i32 to vector<16xi32>
            %add3A_554 = arith.addi %add3A_553, %iota3A : vector<16xi32>
            %select_n3A_555 = arith.select %gt3A_550, %add3A_554, %broadcast_in_dim3A_548 : vector<16xi1>, vector<16xi32>
            %get3A_556 = arith.constant 16 : index
            %get3A_557 = tpu.vector_load %arg21[%get3A_556] {strides = array<i32>} : memref<64xf32, #tpu.memory_space<vmem>>, vector<16xf32>,
            %gt3A_558 = arith.cmpf ogt, %get3A_557, %select_n3A_551 : vector<16xf32>
            %select_n3A_559 = arith.select %gt3A_558, %get3A_557, %select_n3A_551 : vector<16xi1>, vector<16xf32>
            %add3A_560 = arith.constant 16 : i32
            %add3A_561 = vector.broadcast %add3A_560 : i32 to vector<16xi32>
            %add3A_562 = arith.addi %add3A_561, %iota3A : vector<16xi32>
            %select_n3A_563 = arith.select %gt3A_558, %add3A_562, %select_n3A_555 : vector<16xi1>, vector<16xi32>
            %get3A_564 = arith.constant 32 : index
            %get3A_565 = tpu.vector_load %arg21[%get3A_564] {strides = array<i32>} : memref<64xf32, #tpu.memory_space<vmem>>, vector<16xf32>,
            %gt3A_566 = arith.cmpf ogt, %get3A_565, %select_n3A_559 : vector<16xf32>
            %select_n3A_567 = arith.select %gt3A_566, %get3A_565, %select_n3A_559 : vector<16xi1>, vector<16xf32>
            %add3A_568 = arith.constant 32 : i32
            %add3A_569 = vector.broadcast %add3A_568 : i32 to vector<16xi32>
            %add3A_570 = arith.addi %add3A_569, %iota3A : vector<16xi32>
            %select_n3A_571 = arith.select %gt3A_566, %add3A_570, %select_n3A_563 : vector<16xi1>, vector<16xi32>
            %get3A_572 = arith.constant 48 : index
            %get3A_573 = tpu.vector_load %arg21[%get3A_572] {strides = array<i32>} : memref<64xf32, #tpu.memory_space<vmem>>, vector<16xf32>,
            %gt3A_574 = arith.cmpf ogt, %get3A_573, %select_n3A_567 : vector<16xf32>
            %select_n3A_575 = arith.select %gt3A_574, %get3A_573, %select_n3A_567 : vector<16xi1>, vector<16xf32>
            %add3A_576 = arith.constant 48 : i32
            %add3A_577 = vector.broadcast %add3A_576 : i32 to vector<16xi32>
            %add3A_578 = arith.addi %add3A_577, %iota3A : vector<16xi32>
            %select_n3A_579 = arith.select %gt3A_574, %add3A_578, %select_n3A_571 : vector<16xi1>, vector<16xi32>
            %reduce_max3A_580 = arith.constant true
            %reduce_max3A_581 = vector.broadcast %reduce_max3A_580 : i1 to vector<16xi1>
            %reduce_max3A_582 = tpu.scan <max>, %select_n3A_575 masked %reduce_max3A_581 : vector<16xf32>, vector<16xi1> -> vector<16xf32>
            %reduce_max3A_583 = vector.extract %reduce_max3A_582[15] : f32 from vector<16xf32>
            %eq3A_584 = vector.broadcast %reduce_max3A_583 : f32 to vector<16xf32>
            %eq3A_585 = arith.cmpf oeq, %select_n3A_575, %eq3A_584 : vector<16xf32>
            %jit3A_586 = arith.constant 1073741824 : i32
            %broadcast_in_dim3A_587 = vector.broadcast %jit3A_586 : i32 to vector<16xi32>
            %select_n3A_588 = arith.select %eq3A_585, %select_n3A_579, %broadcast_in_dim3A_587 : vector<16xi1>, vector<16xi32>
            %reduce_min3A = arith.constant true
            %reduce_min3A_589 = vector.broadcast %reduce_min3A : i1 to vector<16xi1>
            %reduce_min3A_590 = arith.constant -2147483648 : i32
            %reduce_min3A_591 = vector.broadcast %reduce_min3A_590 : i32 to vector<16xi32>
            %reduce_min3A_592 = arith.xori %select_n3A_588, %reduce_min3A_591 : vector<16xi32>
            %reduce_min3A_593 = tpu.scan <min>, %reduce_min3A_592 masked %reduce_min3A_589 : vector<16xi32>, vector<16xi1> -> vector<16xi32>
            %reduce_min3A_594 = arith.xori %reduce_min3A_593, %reduce_min3A_591 : vector<16xi32>
            %reduce_min3A_595 = vector.extract %reduce_min3A_594[15] : i32 from vector<16xi32>
            %gt3A_596 = arith.constant 2.500000e-01 : f32
            %gt3A_597 = arith.cmpf ogt, %reduce_max3A_583, %gt3A_596 : f32
            %lt3A_598 = arith.constant 300 : i32
            %lt3A_599 = arith.cmpi slt, %scan3A_538, %lt3A_598 : i32
            %and3A_600 = arith.andi %gt3A_597, %lt3A_599 : i1
            %eq3A_601 = arith.constant 0 : i32
            %eq3A_602 = arith.cmpi eq, %scan3A_536, %eq3A_601 : i32
            %gt3A_603 = arith.cmpf ogt, %reduce_max3A_583, %reduce_max3A_328 : f32
            %or3A = arith.ori %eq3A_602, %gt3A_603 : i1
            %and3A_604 = arith.andi %and3A_600, %or3A : i1
            %convert_element_type3A_605 = arith.extui %and3A_604 : i1 to i32
            %cond3A_606 = arith.constant 0 : i32
            %cond3A_607 = arith.cmpi ne, %convert_element_type3A_605, %cond3A_606 : i32
            %cond3A_608:2 = scf.if %cond3A_607 -> (i32, i32) {
              %shift_right_arithmetic3A_609 = arith.constant 2 : i32
              %shift_right_arithmetic3A_610 = arith.shrsi %reduce_min3A_595, %shift_right_arithmetic3A_609 : i32
              %mul3A_611 = arith.constant 48 : i32
              %mul3A_612 = arith.muli %shift_right_arithmetic3A_610, %mul3A_611 : i32
              %and3A_613 = arith.constant 3 : i32
              %and3A_614 = arith.andi %reduce_min3A_595, %and3A_613 : i32
              %mul3A_615 = arith.constant 8 : i32
              %mul3A_616 = arith.muli %and3A_614, %mul3A_615 : i32
              %add3A_617 = arith.addi %mul3A_612, %mul3A_616 : i32
              %add3A_618 = arith.constant 0 : i32
              %add3A_619 = arith.addi %add3A_617, %add3A_618 : i32
              %broadcast_in_dim3A_620 = vector.broadcast %add3A_619 : i32 to vector<16xi32>
              %gather3A_621 = tpu.vector_load_idx %arg20[%broadcast_in_dim3A_620] : memref<768xf32, #tpu.memory_space<vmem>>[vector<16xi32>], vector<16xf32>,
              %add3A_622 = arith.constant 1 : i32
              %add3A_623 = arith.addi %add3A_617, %add3A_622 : i32
              %broadcast_in_dim3A_624 = vector.broadcast %add3A_623 : i32 to vector<16xi32>
              %gather3A_625 = tpu.vector_load_idx %arg20[%broadcast_in_dim3A_624] : memref<768xf32, #tpu.memory_space<vmem>>[vector<16xi32>], vector<16xf32>,
              %add3A_626 = arith.constant 2 : i32
              %add3A_627 = arith.addi %add3A_617, %add3A_626 : i32
              %broadcast_in_dim3A_628 = vector.broadcast %add3A_627 : i32 to vector<16xi32>
              %gather3A_629 = tpu.vector_load_idx %arg20[%broadcast_in_dim3A_628] : memref<768xf32, #tpu.memory_space<vmem>>[vector<16xi32>], vector<16xf32>,
              %add3A_630 = arith.constant 3 : i32
              %add3A_631 = arith.addi %add3A_617, %add3A_630 : i32
              %broadcast_in_dim3A_632 = vector.broadcast %add3A_631 : i32 to vector<16xi32>
              %gather3A_633 = tpu.vector_load_idx %arg20[%broadcast_in_dim3A_632] : memref<768xf32, #tpu.memory_space<vmem>>[vector<16xi32>], vector<16xf32>,
              %add3A_634 = arith.constant 4 : i32
              %add3A_635 = arith.addi %add3A_617, %add3A_634 : i32
              %broadcast_in_dim3A_636 = vector.broadcast %add3A_635 : i32 to vector<16xi32>
              %gather3A_637 = tpu.vector_load_idx %arg20[%broadcast_in_dim3A_636] : memref<768xf32, #tpu.memory_space<vmem>>[vector<16xi32>], vector<16xf32>,
              %add3A_638 = arith.constant 5 : i32
              %add3A_639 = arith.addi %add3A_617, %add3A_638 : i32
              %broadcast_in_dim3A_640 = vector.broadcast %add3A_639 : i32 to vector<16xi32>
              %gather3A_641 = tpu.vector_load_idx %arg20[%broadcast_in_dim3A_640] : memref<768xf32, #tpu.memory_space<vmem>>[vector<16xi32>], vector<16xf32>,
              %eq3A_642 = arith.constant 0 : i32
              %eq3A_643 = vector.broadcast %eq3A_642 : i32 to vector<16xi32>
              %eq3A_644 = arith.cmpi eq, %iota3A, %eq3A_643 : vector<16xi32>
              %eq3A_645 = arith.constant 1 : i32
              %eq3A_646 = vector.broadcast %eq3A_645 : i32 to vector<16xi32>
              %eq3A_647 = arith.cmpi eq, %iota3A, %eq3A_646 : vector<16xi32>
              %eq3A_648 = arith.constant 2 : i32
              %eq3A_649 = vector.broadcast %eq3A_648 : i32 to vector<16xi32>
              %eq3A_650 = arith.cmpi eq, %iota3A, %eq3A_649 : vector<16xi32>
              %eq3A_651 = arith.constant 3 : i32
              %eq3A_652 = vector.broadcast %eq3A_651 : i32 to vector<16xi32>
              %eq3A_653 = arith.cmpi eq, %iota3A, %eq3A_652 : vector<16xi32>
              %eq3A_654 = arith.constant 4 : i32
              %eq3A_655 = vector.broadcast %eq3A_654 : i32 to vector<16xi32>
              %eq3A_656 = arith.cmpi eq, %iota3A, %eq3A_655 : vector<16xi32>
              %select_n3A_657 = arith.select %eq3A_656, %gather3A_621, %broadcast_in_dim3A_1 : vector<16xi1>, vector<16xf32>
              %select_n3A_658 = arith.select %eq3A_653, %gather3A_641, %select_n3A_657 : vector<16xi1>, vector<16xf32>
              %select_n3A_659 = arith.select %eq3A_650, %gather3A_637, %select_n3A_658 : vector<16xi1>, vector<16xf32>
              %select_n3A_660 = arith.select %eq3A_647, %gather3A_633, %select_n3A_659 : vector<16xi1>, vector<16xf32>
              %select_n3A_661 = arith.select %eq3A_644, %gather3A_629, %select_n3A_660 : vector<16xi1>, vector<16xf32>
              %mul3A_662 = arith.constant 16 : i32
              %mul3A_663 = arith.muli %scan3A_538, %mul3A_662 : i32
              %swap3A_664 = arith.index_cast %mul3A_663 : i32 to index
              %swap3A_665 = tpu.vector_load %arg27[%swap3A_664] {strides = array<i32>} : memref<4800xf32, #tpu.memory_space<vmem>>, vector<16xf32>,
              tpu.vector_store %arg27[%swap3A_664], %select_n3A_661 {strides = array<i32>} : memref<4800xf32, #tpu.memory_space<vmem>>, vector<16xf32>,
              %sub3A_666 = arith.subf %gather3A_637, %gather3A_629 : vector<16xf32>
              %sub3A_667 = arith.subf %gather3A_641, %gather3A_633 : vector<16xf32>
              %mul3A_668 = arith.mulf %sub3A_666, %sub3A_667 : vector<16xf32>
              %get3A_669 = arith.constant 0 : index
              %get3A_670 = tpu.vector_load %arg23[%get3A_669] {strides = array<i32>} : memref<64xf32, #tpu.memory_space<vmem>>, vector<16xf32>,
              %get3A_671 = arith.constant 0 : index
              %get3A_672 = tpu.vector_load %arg24[%get3A_671] {strides = array<i32>} : memref<64xf32, #tpu.memory_space<vmem>>, vector<16xf32>,
              %get3A_673 = arith.constant 0 : index
              %get3A_674 = tpu.vector_load %arg25[%get3A_673] {strides = array<i32>} : memref<64xf32, #tpu.memory_space<vmem>>, vector<16xf32>,
              %get3A_675 = arith.constant 0 : index
              %get3A_676 = tpu.vector_load %arg26[%get3A_675] {strides = array<i32>} : memref<64xf32, #tpu.memory_space<vmem>>, vector<16xf32>,
              %get3A_677 = arith.constant 0 : index
              %get3A_678 = tpu.vector_load %arg22[%get3A_677] {strides = array<i32>} : memref<64xf32, #tpu.memory_space<vmem>>, vector<16xf32>,
              %sub3A_679 = arith.subf %get3A_674, %get3A_670 : vector<16xf32>
              %sub3A_680 = arith.subf %get3A_676, %get3A_672 : vector<16xf32>
              %mul3A_681 = arith.mulf %sub3A_679, %sub3A_680 : vector<16xf32>
              %max3A_682 = arith.maximumf %get3A_670, %gather3A_629 : vector<16xf32>
              %max3A_683 = arith.maximumf %get3A_672, %gather3A_633 : vector<16xf32>
              %min3A = arith.minimumf %get3A_674, %gather3A_637 : vector<16xf32>
              %min3A_684 = arith.minimumf %get3A_676, %gather3A_641 : vector<16xf32>
              %sub3A_685 = arith.subf %min3A, %max3A_682 : vector<16xf32>
              %max3A_686 = arith.constant 0.000000e+00 : f32
              %max3A_687 = vector.broadcast %max3A_686 : f32 to vector<16xf32>
              %max3A_688 = arith.maximumf %sub3A_685, %max3A_687 : vector<16xf32>
              %sub3A_689 = arith.subf %min3A_684, %max3A_683 : vector<16xf32>
              %max3A_690 = arith.constant 0.000000e+00 : f32
              %max3A_691 = vector.broadcast %max3A_690 : f32 to vector<16xf32>
              %max3A_692 = arith.maximumf %sub3A_689, %max3A_691 : vector<16xf32>
              %mul3A_693 = arith.mulf %max3A_688, %max3A_692 : vector<16xf32>
              %add3A_694 = arith.addf %mul3A_681, %mul3A_668 : vector<16xf32>
              %sub3A_695 = arith.subf %add3A_694, %mul3A_693 : vector<16xf32>
              %add3A_696 = arith.constant 9.99999971E-10 : f32
              %add3A_697 = vector.broadcast %add3A_696 : f32 to vector<16xf32>
              %add3A_698 = arith.addf %sub3A_695, %add3A_697 : vector<16xf32>
              %mul3A_699 = arith.constant 4.500000e-01 : f32
              %mul3A_700 = vector.broadcast %mul3A_699 : f32 to vector<16xf32>
              %mul3A_701 = arith.mulf %mul3A_700, %add3A_698 : vector<16xf32>
              %gt3A_702 = arith.cmpf ogt, %mul3A_693, %mul3A_701 : vector<16xf32>
              %eq3A_703 = arith.cmpf oeq, %get3A_678, %gather3A_625 : vector<16xf32>
              %or3A_704 = arith.ori %gt3A_702, %eq3A_703 : vector<16xi1>
              %get3A_705 = arith.constant 0 : index
              %get3A_706 = tpu.vector_load %arg21[%get3A_705] {strides = array<i32>} : memref<64xf32, #tpu.memory_space<vmem>>, vector<16xf32>,
              %jit3A_707 = arith.constant -1.000000e+00 : f32
              %broadcast_in_dim3A_708 = vector.broadcast %jit3A_707 : f32 to vector<16xf32>
              %select_n3A_709 = arith.select %or3A_704, %broadcast_in_dim3A_708, %get3A_706 : vector<16xi1>, vector<16xf32>
              %swap3A_710 = arith.constant 0 : index
              %swap3A_711 = tpu.vector_load %arg21[%swap3A_710] {strides = array<i32>} : memref<64xf32, #tpu.memory_space<vmem>>, vector<16xf32>,
              tpu.vector_store %arg21[%swap3A_710], %select_n3A_709 {strides = array<i32>} : memref<64xf32, #tpu.memory_space<vmem>>, vector<16xf32>,
              %get3A_712 = arith.constant 16 : index
              %get3A_713 = tpu.vector_load %arg23[%get3A_712] {strides = array<i32>} : memref<64xf32, #tpu.memory_space<vmem>>, vector<16xf32>,
              %get3A_714 = arith.constant 16 : index
              %get3A_715 = tpu.vector_load %arg24[%get3A_714] {strides = array<i32>} : memref<64xf32, #tpu.memory_space<vmem>>, vector<16xf32>,
              %get3A_716 = arith.constant 16 : index
              %get3A_717 = tpu.vector_load %arg25[%get3A_716] {strides = array<i32>} : memref<64xf32, #tpu.memory_space<vmem>>, vector<16xf32>,
              %get3A_718 = arith.constant 16 : index
              %get3A_719 = tpu.vector_load %arg26[%get3A_718] {strides = array<i32>} : memref<64xf32, #tpu.memory_space<vmem>>, vector<16xf32>,
              %get3A_720 = arith.constant 16 : index
              %get3A_721 = tpu.vector_load %arg22[%get3A_720] {strides = array<i32>} : memref<64xf32, #tpu.memory_space<vmem>>, vector<16xf32>,
              %sub3A_722 = arith.subf %get3A_717, %get3A_713 : vector<16xf32>
              %sub3A_723 = arith.subf %get3A_719, %get3A_715 : vector<16xf32>
              %mul3A_724 = arith.mulf %sub3A_722, %sub3A_723 : vector<16xf32>
              %max3A_725 = arith.maximumf %get3A_713, %gather3A_629 : vector<16xf32>
              %max3A_726 = arith.maximumf %get3A_715, %gather3A_633 : vector<16xf32>
              %min3A_727 = arith.minimumf %get3A_717, %gather3A_637 : vector<16xf32>
              %min3A_728 = arith.minimumf %get3A_719, %gather3A_641 : vector<16xf32>
              %sub3A_729 = arith.subf %min3A_727, %max3A_725 : vector<16xf32>
              %max3A_730 = arith.constant 0.000000e+00 : f32
              %max3A_731 = vector.broadcast %max3A_730 : f32 to vector<16xf32>
              %max3A_732 = arith.maximumf %sub3A_729, %max3A_731 : vector<16xf32>
              %sub3A_733 = arith.subf %min3A_728, %max3A_726 : vector<16xf32>
              %max3A_734 = arith.constant 0.000000e+00 : f32
              %max3A_735 = vector.broadcast %max3A_734 : f32 to vector<16xf32>
              %max3A_736 = arith.maximumf %sub3A_733, %max3A_735 : vector<16xf32>
              %mul3A_737 = arith.mulf %max3A_732, %max3A_736 : vector<16xf32>
              %add3A_738 = arith.addf %mul3A_724, %mul3A_668 : vector<16xf32>
              %sub3A_739 = arith.subf %add3A_738, %mul3A_737 : vector<16xf32>
              %add3A_740 = arith.constant 9.99999971E-10 : f32
              %add3A_741 = vector.broadcast %add3A_740 : f32 to vector<16xf32>
              %add3A_742 = arith.addf %sub3A_739, %add3A_741 : vector<16xf32>
              %mul3A_743 = arith.constant 4.500000e-01 : f32
              %mul3A_744 = vector.broadcast %mul3A_743 : f32 to vector<16xf32>
              %mul3A_745 = arith.mulf %mul3A_744, %add3A_742 : vector<16xf32>
              %gt3A_746 = arith.cmpf ogt, %mul3A_737, %mul3A_745 : vector<16xf32>
              %eq3A_747 = arith.cmpf oeq, %get3A_721, %gather3A_625 : vector<16xf32>
              %or3A_748 = arith.ori %gt3A_746, %eq3A_747 : vector<16xi1>
              %get3A_749 = arith.constant 16 : index
              %get3A_750 = tpu.vector_load %arg21[%get3A_749] {strides = array<i32>} : memref<64xf32, #tpu.memory_space<vmem>>, vector<16xf32>,
              %jit3A_751 = arith.constant -1.000000e+00 : f32
              %broadcast_in_dim3A_752 = vector.broadcast %jit3A_751 : f32 to vector<16xf32>
              %select_n3A_753 = arith.select %or3A_748, %broadcast_in_dim3A_752, %get3A_750 : vector<16xi1>, vector<16xf32>
              %swap3A_754 = arith.constant 16 : index
              %swap3A_755 = tpu.vector_load %arg21[%swap3A_754] {strides = array<i32>} : memref<64xf32, #tpu.memory_space<vmem>>, vector<16xf32>,
              tpu.vector_store %arg21[%swap3A_754], %select_n3A_753 {strides = array<i32>} : memref<64xf32, #tpu.memory_space<vmem>>, vector<16xf32>,
              %get3A_756 = arith.constant 32 : index
              %get3A_757 = tpu.vector_load %arg23[%get3A_756] {strides = array<i32>} : memref<64xf32, #tpu.memory_space<vmem>>, vector<16xf32>,
              %get3A_758 = arith.constant 32 : index
              %get3A_759 = tpu.vector_load %arg24[%get3A_758] {strides = array<i32>} : memref<64xf32, #tpu.memory_space<vmem>>, vector<16xf32>,
              %get3A_760 = arith.constant 32 : index
              %get3A_761 = tpu.vector_load %arg25[%get3A_760] {strides = array<i32>} : memref<64xf32, #tpu.memory_space<vmem>>, vector<16xf32>,
              %get3A_762 = arith.constant 32 : index
              %get3A_763 = tpu.vector_load %arg26[%get3A_762] {strides = array<i32>} : memref<64xf32, #tpu.memory_space<vmem>>, vector<16xf32>,
              %get3A_764 = arith.constant 32 : index
              %get3A_765 = tpu.vector_load %arg22[%get3A_764] {strides = array<i32>} : memref<64xf32, #tpu.memory_space<vmem>>, vector<16xf32>,
              %sub3A_766 = arith.subf %get3A_761, %get3A_757 : vector<16xf32>
              %sub3A_767 = arith.subf %get3A_763, %get3A_759 : vector<16xf32>
              %mul3A_768 = arith.mulf %sub3A_766, %sub3A_767 : vector<16xf32>
              %max3A_769 = arith.maximumf %get3A_757, %gather3A_629 : vector<16xf32>
              %max3A_770 = arith.maximumf %get3A_759, %gather3A_633 : vector<16xf32>
              %min3A_771 = arith.minimumf %get3A_761, %gather3A_637 : vector<16xf32>
              %min3A_772 = arith.minimumf %get3A_763, %gather3A_641 : vector<16xf32>
              %sub3A_773 = arith.subf %min3A_771, %max3A_769 : vector<16xf32>
              %max3A_774 = arith.constant 0.000000e+00 : f32
              %max3A_775 = vector.broadcast %max3A_774 : f32 to vector<16xf32>
              %max3A_776 = arith.maximumf %sub3A_773, %max3A_775 : vector<16xf32>
              %sub3A_777 = arith.subf %min3A_772, %max3A_770 : vector<16xf32>
              %max3A_778 = arith.constant 0.000000e+00 : f32
              %max3A_779 = vector.broadcast %max3A_778 : f32 to vector<16xf32>
              %max3A_780 = arith.maximumf %sub3A_777, %max3A_779 : vector<16xf32>
              %mul3A_781 = arith.mulf %max3A_776, %max3A_780 : vector<16xf32>
              %add3A_782 = arith.addf %mul3A_768, %mul3A_668 : vector<16xf32>
              %sub3A_783 = arith.subf %add3A_782, %mul3A_781 : vector<16xf32>
              %add3A_784 = arith.constant 9.99999971E-10 : f32
              %add3A_785 = vector.broadcast %add3A_784 : f32 to vector<16xf32>
              %add3A_786 = arith.addf %sub3A_783, %add3A_785 : vector<16xf32>
              %mul3A_787 = arith.constant 4.500000e-01 : f32
              %mul3A_788 = vector.broadcast %mul3A_787 : f32 to vector<16xf32>
              %mul3A_789 = arith.mulf %mul3A_788, %add3A_786 : vector<16xf32>
              %gt3A_790 = arith.cmpf ogt, %mul3A_781, %mul3A_789 : vector<16xf32>
              %eq3A_791 = arith.cmpf oeq, %get3A_765, %gather3A_625 : vector<16xf32>
              %or3A_792 = arith.ori %gt3A_790, %eq3A_791 : vector<16xi1>
              %get3A_793 = arith.constant 32 : index
              %get3A_794 = tpu.vector_load %arg21[%get3A_793] {strides = array<i32>} : memref<64xf32, #tpu.memory_space<vmem>>, vector<16xf32>,
              %jit3A_795 = arith.constant -1.000000e+00 : f32
              %broadcast_in_dim3A_796 = vector.broadcast %jit3A_795 : f32 to vector<16xf32>
              %select_n3A_797 = arith.select %or3A_792, %broadcast_in_dim3A_796, %get3A_794 : vector<16xi1>, vector<16xf32>
              %swap3A_798 = arith.constant 32 : index
              %swap3A_799 = tpu.vector_load %arg21[%swap3A_798] {strides = array<i32>} : memref<64xf32, #tpu.memory_space<vmem>>, vector<16xf32>,
              tpu.vector_store %arg21[%swap3A_798], %select_n3A_797 {strides = array<i32>} : memref<64xf32, #tpu.memory_space<vmem>>, vector<16xf32>,
              %get3A_800 = arith.constant 48 : index
              %get3A_801 = tpu.vector_load %arg23[%get3A_800] {strides = array<i32>} : memref<64xf32, #tpu.memory_space<vmem>>, vector<16xf32>,
              %get3A_802 = arith.constant 48 : index
              %get3A_803 = tpu.vector_load %arg24[%get3A_802] {strides = array<i32>} : memref<64xf32, #tpu.memory_space<vmem>>, vector<16xf32>,
              %get3A_804 = arith.constant 48 : index
              %get3A_805 = tpu.vector_load %arg25[%get3A_804] {strides = array<i32>} : memref<64xf32, #tpu.memory_space<vmem>>, vector<16xf32>,
              %get3A_806 = arith.constant 48 : index
              %get3A_807 = tpu.vector_load %arg26[%get3A_806] {strides = array<i32>} : memref<64xf32, #tpu.memory_space<vmem>>, vector<16xf32>,
              %get3A_808 = arith.constant 48 : index
              %get3A_809 = tpu.vector_load %arg22[%get3A_808] {strides = array<i32>} : memref<64xf32, #tpu.memory_space<vmem>>, vector<16xf32>,
              %sub3A_810 = arith.subf %get3A_805, %get3A_801 : vector<16xf32>
              %sub3A_811 = arith.subf %get3A_807, %get3A_803 : vector<16xf32>
              %mul3A_812 = arith.mulf %sub3A_810, %sub3A_811 : vector<16xf32>
              %max3A_813 = arith.maximumf %get3A_801, %gather3A_629 : vector<16xf32>
              %max3A_814 = arith.maximumf %get3A_803, %gather3A_633 : vector<16xf32>
              %min3A_815 = arith.minimumf %get3A_805, %gather3A_637 : vector<16xf32>
              %min3A_816 = arith.minimumf %get3A_807, %gather3A_641 : vector<16xf32>
              %sub3A_817 = arith.subf %min3A_815, %max3A_813 : vector<16xf32>
              %max3A_818 = arith.constant 0.000000e+00 : f32
              %max3A_819 = vector.broadcast %max3A_818 : f32 to vector<16xf32>
              %max3A_820 = arith.maximumf %sub3A_817, %max3A_819 : vector<16xf32>
              %sub3A_821 = arith.subf %min3A_816, %max3A_814 : vector<16xf32>
              %max3A_822 = arith.constant 0.000000e+00 : f32
              %max3A_823 = vector.broadcast %max3A_822 : f32 to vector<16xf32>
              %max3A_824 = arith.maximumf %sub3A_821, %max3A_823 : vector<16xf32>
              %mul3A_825 = arith.mulf %max3A_820, %max3A_824 : vector<16xf32>
              %add3A_826 = arith.addf %mul3A_812, %mul3A_668 : vector<16xf32>
              %sub3A_827 = arith.subf %add3A_826, %mul3A_825 : vector<16xf32>
              %add3A_828 = arith.constant 9.99999971E-10 : f32
              %add3A_829 = vector.broadcast %add3A_828 : f32 to vector<16xf32>
              %add3A_830 = arith.addf %sub3A_827, %add3A_829 : vector<16xf32>
              %mul3A_831 = arith.constant 4.500000e-01 : f32
              %mul3A_832 = vector.broadcast %mul3A_831 : f32 to vector<16xf32>
              %mul3A_833 = arith.mulf %mul3A_832, %add3A_830 : vector<16xf32>
              %gt3A_834 = arith.cmpf ogt, %mul3A_825, %mul3A_833 : vector<16xf32>
              %eq3A_835 = arith.cmpf oeq, %get3A_809, %gather3A_625 : vector<16xf32>
              %or3A_836 = arith.ori %gt3A_834, %eq3A_835 : vector<16xi1>
              %get3A_837 = arith.constant 48 : index
              %get3A_838 = tpu.vector_load %arg21[%get3A_837] {strides = array<i32>} : memref<64xf32, #tpu.memory_space<vmem>>, vector<16xf32>,
              %jit3A_839 = arith.constant -1.000000e+00 : f32
              %broadcast_in_dim3A_840 = vector.broadcast %jit3A_839 : f32 to vector<16xf32>
              %select_n3A_841 = arith.select %or3A_836, %broadcast_in_dim3A_840, %get3A_838 : vector<16xi1>, vector<16xf32>
              %swap3A_842 = arith.constant 48 : index
              %swap3A_843 = tpu.vector_load %arg21[%swap3A_842] {strides = array<i32>} : memref<64xf32, #tpu.memory_space<vmem>>, vector<16xf32>,
              tpu.vector_store %arg21[%swap3A_842], %select_n3A_841 {strides = array<i32>} : memref<64xf32, #tpu.memory_space<vmem>>, vector<16xf32>,
              %convert_element_type3A_844 = arith.fptosi %gather3A_625 : vector<16xf32> to vector<16xi32>
              %eq3A_845 = arith.constant 0 : i32
              %eq3A_846 = arith.cmpi eq, %cond3A_107#3, %eq3A_845 : i32
              %convert_element_type3A_847 = arith.extui %eq3A_846 : i1 to i32
              %cond3A_848 = arith.constant 0 : i32
              %cond3A_849 = arith.cmpi ne, %convert_element_type3A_847, %cond3A_848 : i32
              %cond3A_850 = scf.if %cond3A_849 -> (i32) {
                %get3A_854 = arith.constant 0 : index
                %get3A_855 = tpu.vector_load %arg13[%get3A_854] {strides = array<i32>} : memref<1296xf32, #tpu.memory_space<vmem>>, vector<16xf32>,
                %get3A_856 = arith.constant 0 : index
                %get3A_857 = tpu.vector_load %arg14[%get3A_856] {strides = array<i32>} : memref<1296xf32, #tpu.memory_space<vmem>>, vector<16xf32>,
                %get3A_858 = arith.constant 0 : index
                %get3A_859 = tpu.vector_load %arg15[%get3A_858] {strides = array<i32>} : memref<1296xf32, #tpu.memory_space<vmem>>, vector<16xf32>,
                %get3A_860 = arith.constant 0 : index
                %get3A_861 = tpu.vector_load %arg16[%get3A_860] {strides = array<i32>} : memref<1296xf32, #tpu.memory_space<vmem>>, vector<16xf32>,
                %get3A_862 = arith.constant 0 : index
                %get3A_863 = tpu.vector_load %arg17[%get3A_862] {strides = array<i32>} : memref<1296xf32, #tpu.memory_space<vmem>>, vector<16xf32>,
                %get3A_864 = arith.constant 0 : index
                %get3A_865 = tpu.vector_load %arg18[%get3A_864] {strides = array<i32>} : memref<1296xi32, #tpu.memory_space<vmem>>, vector<16xi32>,
                %sub3A_866 = arith.subf %get3A_859, %get3A_855 : vector<16xf32>
                %sub3A_867 = arith.subf %get3A_861, %get3A_857 : vector<16xf32>
                %mul3A_868 = arith.mulf %sub3A_866, %sub3A_867 : vector<16xf32>
                %max3A_869 = arith.maximumf %get3A_855, %gather3A_629 : vector<16xf32>
                %max3A_870 = arith.maximumf %get3A_857, %gather3A_633 : vector<16xf32>
                %min3A_871 = arith.minimumf %get3A_859, %gather3A_637 : vector<16xf32>
                %min3A_872 = arith.minimumf %get3A_861, %gather3A_641 : vector<16xf32>
                %sub3A_873 = arith.subf %min3A_871, %max3A_869 : vector<16xf32>
                %max3A_874 = arith.constant 0.000000e+00 : f32
                %max3A_875 = vector.broadcast %max3A_874 : f32 to vector<16xf32>
                %max3A_876 = arith.maximumf %sub3A_873, %max3A_875 : vector<16xf32>
                %sub3A_877 = arith.subf %min3A_872, %max3A_870 : vector<16xf32>
                %max3A_878 = arith.constant 0.000000e+00 : f32
                %max3A_879 = vector.broadcast %max3A_878 : f32 to vector<16xf32>
                %max3A_880 = arith.maximumf %sub3A_877, %max3A_879 : vector<16xf32>
                %mul3A_881 = arith.mulf %max3A_876, %max3A_880 : vector<16xf32>
                %add3A_882 = arith.addf %mul3A_868, %mul3A_668 : vector<16xf32>
                %sub3A_883 = arith.subf %add3A_882, %mul3A_881 : vector<16xf32>
                %add3A_884 = arith.constant 9.99999971E-10 : f32
                %add3A_885 = vector.broadcast %add3A_884 : f32 to vector<16xf32>
                %add3A_886 = arith.addf %sub3A_883, %add3A_885 : vector<16xf32>
                %mul3A_887 = arith.constant 4.500000e-01 : f32
                %mul3A_888 = vector.broadcast %mul3A_887 : f32 to vector<16xf32>
                %mul3A_889 = arith.mulf %mul3A_888, %add3A_886 : vector<16xf32>
                %gt3A_890 = arith.cmpf ogt, %mul3A_881, %mul3A_889 : vector<16xf32>
                %eq3A_891 = arith.cmpi eq, %get3A_865, %convert_element_type3A_844 : vector<16xi32>
                %or3A_892 = arith.ori %gt3A_890, %eq3A_891 : vector<16xi1>
                %jit3A_893 = arith.constant -1.000000e+00 : f32
                %broadcast_in_dim3A_894 = vector.broadcast %jit3A_893 : f32 to vector<16xf32>
                %select_n3A_895 = arith.select %or3A_892, %broadcast_in_dim3A_894, %get3A_863 : vector<16xi1>, vector<16xf32>
                %swap3A_896 = arith.constant 0 : index
                %swap3A_897 = tpu.vector_load %arg17[%swap3A_896] {strides = array<i32>} : memref<1296xf32, #tpu.memory_space<vmem>>, vector<16xf32>,
                tpu.vector_store %arg17[%swap3A_896], %select_n3A_895 {strides = array<i32>} : memref<1296xf32, #tpu.memory_space<vmem>>, vector<16xf32>,
                %get3A_898 = arith.constant 16 : index
                %get3A_899 = tpu.vector_load %arg13[%get3A_898] {strides = array<i32>} : memref<1296xf32, #tpu.memory_space<vmem>>, vector<16xf32>,
                %get3A_900 = arith.constant 16 : index
                %get3A_901 = tpu.vector_load %arg14[%get3A_900] {strides = array<i32>} : memref<1296xf32, #tpu.memory_space<vmem>>, vector<16xf32>,
                %get3A_902 = arith.constant 16 : index
                %get3A_903 = tpu.vector_load %arg15[%get3A_902] {strides = array<i32>} : memref<1296xf32, #tpu.memory_space<vmem>>, vector<16xf32>,
                %get3A_904 = arith.constant 16 : index
                %get3A_905 = tpu.vector_load %arg16[%get3A_904] {strides = array<i32>} : memref<1296xf32, #tpu.memory_space<vmem>>, vector<16xf32>,
                %get3A_906 = arith.constant 16 : index
                %get3A_907 = tpu.vector_load %arg17[%get3A_906] {strides = array<i32>} : memref<1296xf32, #tpu.memory_space<vmem>>, vector<16xf32>,
                %get3A_908 = arith.constant 16 : index
                %get3A_909 = tpu.vector_load %arg18[%get3A_908] {strides = array<i32>} : memref<1296xi32, #tpu.memory_space<vmem>>, vector<16xi32>,
                %sub3A_910 = arith.subf %get3A_903, %get3A_899 : vector<16xf32>
                %sub3A_911 = arith.subf %get3A_905, %get3A_901 : vector<16xf32>
                %mul3A_912 = arith.mulf %sub3A_910, %sub3A_911 : vector<16xf32>
                %max3A_913 = arith.maximumf %get3A_899, %gather3A_629 : vector<16xf32>
                %max3A_914 = arith.maximumf %get3A_901, %gather3A_633 : vector<16xf32>
                %min3A_915 = arith.minimumf %get3A_903, %gather3A_637 : vector<16xf32>
                %min3A_916 = arith.minimumf %get3A_905, %gather3A_641 : vector<16xf32>
                %sub3A_917 = arith.subf %min3A_915, %max3A_913 : vector<16xf32>
                %max3A_918 = arith.constant 0.000000e+00 : f32
                %max3A_919 = vector.broadcast %max3A_918 : f32 to vector<16xf32>
                %max3A_920 = arith.maximumf %sub3A_917, %max3A_919 : vector<16xf32>
                %sub3A_921 = arith.subf %min3A_916, %max3A_914 : vector<16xf32>
                %max3A_922 = arith.constant 0.000000e+00 : f32
                %max3A_923 = vector.broadcast %max3A_922 : f32 to vector<16xf32>
                %max3A_924 = arith.maximumf %sub3A_921, %max3A_923 : vector<16xf32>
                %mul3A_925 = arith.mulf %max3A_920, %max3A_924 : vector<16xf32>
                %add3A_926 = arith.addf %mul3A_912, %mul3A_668 : vector<16xf32>
                %sub3A_927 = arith.subf %add3A_926, %mul3A_925 : vector<16xf32>
                %add3A_928 = arith.constant 9.99999971E-10 : f32
                %add3A_929 = vector.broadcast %add3A_928 : f32 to vector<16xf32>
                %add3A_930 = arith.addf %sub3A_927, %add3A_929 : vector<16xf32>
                %mul3A_931 = arith.constant 4.500000e-01 : f32
                %mul3A_932 = vector.broadcast %mul3A_931 : f32 to vector<16xf32>
                %mul3A_933 = arith.mulf %mul3A_932, %add3A_930 : vector<16xf32>
                %gt3A_934 = arith.cmpf ogt, %mul3A_925, %mul3A_933 : vector<16xf32>
                %eq3A_935 = arith.cmpi eq, %get3A_909, %convert_element_type3A_844 : vector<16xi32>
                %or3A_936 = arith.ori %gt3A_934, %eq3A_935 : vector<16xi1>
                %jit3A_937 = arith.constant -1.000000e+00 : f32
                %broadcast_in_dim3A_938 = vector.broadcast %jit3A_937 : f32 to vector<16xf32>
                %select_n3A_939 = arith.select %or3A_936, %broadcast_in_dim3A_938, %get3A_907 : vector<16xi1>, vector<16xf32>
                %swap3A_940 = arith.constant 16 : index
                %swap3A_941 = tpu.vector_load %arg17[%swap3A_940] {strides = array<i32>} : memref<1296xf32, #tpu.memory_space<vmem>>, vector<16xf32>,
                tpu.vector_store %arg17[%swap3A_940], %select_n3A_939 {strides = array<i32>} : memref<1296xf32, #tpu.memory_space<vmem>>, vector<16xf32>,
                %get3A_942 = arith.constant 32 : index
                %get3A_943 = tpu.vector_load %arg13[%get3A_942] {strides = array<i32>} : memref<1296xf32, #tpu.memory_space<vmem>>, vector<16xf32>,
                %get3A_944 = arith.constant 32 : index
                %get3A_945 = tpu.vector_load %arg14[%get3A_944] {strides = array<i32>} : memref<1296xf32, #tpu.memory_space<vmem>>, vector<16xf32>,
                %get3A_946 = arith.constant 32 : index
                %get3A_947 = tpu.vector_load %arg15[%get3A_946] {strides = array<i32>} : memref<1296xf32, #tpu.memory_space<vmem>>, vector<16xf32>,
                %get3A_948 = arith.constant 32 : index
                %get3A_949 = tpu.vector_load %arg16[%get3A_948] {strides = array<i32>} : memref<1296xf32, #tpu.memory_space<vmem>>, vector<16xf32>,
                %get3A_950 = arith.constant 32 : index
                %get3A_951 = tpu.vector_load %arg17[%get3A_950] {strides = array<i32>} : memref<1296xf32, #tpu.memory_space<vmem>>, vector<16xf32>,
                %get3A_952 = arith.constant 32 : index
                %get3A_953 = tpu.vector_load %arg18[%get3A_952] {strides = array<i32>} : memref<1296xi32, #tpu.memory_space<vmem>>, vector<16xi32>,
                %sub3A_954 = arith.subf %get3A_947, %get3A_943 : vector<16xf32>
                %sub3A_955 = arith.subf %get3A_949, %get3A_945 : vector<16xf32>
                %mul3A_956 = arith.mulf %sub3A_954, %sub3A_955 : vector<16xf32>
                %max3A_957 = arith.maximumf %get3A_943, %gather3A_629 : vector<16xf32>
                %max3A_958 = arith.maximumf %get3A_945, %gather3A_633 : vector<16xf32>
                %min3A_959 = arith.minimumf %get3A_947, %gather3A_637 : vector<16xf32>
                %min3A_960 = arith.minimumf %get3A_949, %gather3A_641 : vector<16xf32>
                %sub3A_961 = arith.subf %min3A_959, %max3A_957 : vector<16xf32>
                %max3A_962 = arith.constant 0.000000e+00 : f32
                %max3A_963 = vector.broadcast %max3A_962 : f32 to vector<16xf32>
                %max3A_964 = arith.maximumf %sub3A_961, %max3A_963 : vector<16xf32>
                %sub3A_965 = arith.subf %min3A_960, %max3A_958 : vector<16xf32>
                %max3A_966 = arith.constant 0.000000e+00 : f32
                %max3A_967 = vector.broadcast %max3A_966 : f32 to vector<16xf32>
                %max3A_968 = arith.maximumf %sub3A_965, %max3A_967 : vector<16xf32>
                %mul3A_969 = arith.mulf %max3A_964, %max3A_968 : vector<16xf32>
                %add3A_970 = arith.addf %mul3A_956, %mul3A_668 : vector<16xf32>
                %sub3A_971 = arith.subf %add3A_970, %mul3A_969 : vector<16xf32>
                %add3A_972 = arith.constant 9.99999971E-10 : f32
                %add3A_973 = vector.broadcast %add3A_972 : f32 to vector<16xf32>
                %add3A_974 = arith.addf %sub3A_971, %add3A_973 : vector<16xf32>
                %mul3A_975 = arith.constant 4.500000e-01 : f32
                %mul3A_976 = vector.broadcast %mul3A_975 : f32 to vector<16xf32>
                %mul3A_977 = arith.mulf %mul3A_976, %add3A_974 : vector<16xf32>
                %gt3A_978 = arith.cmpf ogt, %mul3A_969, %mul3A_977 : vector<16xf32>
                %eq3A_979 = arith.cmpi eq, %get3A_953, %convert_element_type3A_844 : vector<16xi32>
                %or3A_980 = arith.ori %gt3A_978, %eq3A_979 : vector<16xi1>
                %jit3A_981 = arith.constant -1.000000e+00 : f32
                %broadcast_in_dim3A_982 = vector.broadcast %jit3A_981 : f32 to vector<16xf32>
                %select_n3A_983 = arith.select %or3A_980, %broadcast_in_dim3A_982, %get3A_951 : vector<16xi1>, vector<16xf32>
                %swap3A_984 = arith.constant 32 : index
                %swap3A_985 = tpu.vector_load %arg17[%swap3A_984] {strides = array<i32>} : memref<1296xf32, #tpu.memory_space<vmem>>, vector<16xf32>,
                tpu.vector_store %arg17[%swap3A_984], %select_n3A_983 {strides = array<i32>} : memref<1296xf32, #tpu.memory_space<vmem>>, vector<16xf32>,
                %get3A_986 = arith.constant 48 : index
                %get3A_987 = tpu.vector_load %arg13[%get3A_986] {strides = array<i32>} : memref<1296xf32, #tpu.memory_space<vmem>>, vector<16xf32>,
                %get3A_988 = arith.constant 48 : index
                %get3A_989 = tpu.vector_load %arg14[%get3A_988] {strides = array<i32>} : memref<1296xf32, #tpu.memory_space<vmem>>, vector<16xf32>,
                %get3A_990 = arith.constant 48 : index
                %get3A_991 = tpu.vector_load %arg15[%get3A_990] {strides = array<i32>} : memref<1296xf32, #tpu.memory_space<vmem>>, vector<16xf32>,
                %get3A_992 = arith.constant 48 : index
                %get3A_993 = tpu.vector_load %arg16[%get3A_992] {strides = array<i32>} : memref<1296xf32, #tpu.memory_space<vmem>>, vector<16xf32>,
                %get3A_994 = arith.constant 48 : index
                %get3A_995 = tpu.vector_load %arg17[%get3A_994] {strides = array<i32>} : memref<1296xf32, #tpu.memory_space<vmem>>, vector<16xf32>,
                %get3A_996 = arith.constant 48 : index
                %get3A_997 = tpu.vector_load %arg18[%get3A_996] {strides = array<i32>} : memref<1296xi32, #tpu.memory_space<vmem>>, vector<16xi32>,
                %sub3A_998 = arith.subf %get3A_991, %get3A_987 : vector<16xf32>
                %sub3A_999 = arith.subf %get3A_993, %get3A_989 : vector<16xf32>
                %mul3A_1000 = arith.mulf %sub3A_998, %sub3A_999 : vector<16xf32>
                %max3A_1001 = arith.maximumf %get3A_987, %gather3A_629 : vector<16xf32>
                %max3A_1002 = arith.maximumf %get3A_989, %gather3A_633 : vector<16xf32>
                %min3A_1003 = arith.minimumf %get3A_991, %gather3A_637 : vector<16xf32>
                %min3A_1004 = arith.minimumf %get3A_993, %gather3A_641 : vector<16xf32>
                %sub3A_1005 = arith.subf %min3A_1003, %max3A_1001 : vector<16xf32>
                %max3A_1006 = arith.constant 0.000000e+00 : f32
                %max3A_1007 = vector.broadcast %max3A_1006 : f32 to vector<16xf32>
                %max3A_1008 = arith.maximumf %sub3A_1005, %max3A_1007 : vector<16xf32>
                %sub3A_1009 = arith.subf %min3A_1004, %max3A_1002 : vector<16xf32>
                %max3A_1010 = arith.constant 0.000000e+00 : f32
                %max3A_1011 = vector.broadcast %max3A_1010 : f32 to vector<16xf32>
                %max3A_1012 = arith.maximumf %sub3A_1009, %max3A_1011 : vector<16xf32>
                %mul3A_1013 = arith.mulf %max3A_1008, %max3A_1012 : vector<16xf32>
                %add3A_1014 = arith.addf %mul3A_1000, %mul3A_668 : vector<16xf32>
                %sub3A_1015 = arith.subf %add3A_1014, %mul3A_1013 : vector<16xf32>
                %add3A_1016 = arith.constant 9.99999971E-10 : f32
                %add3A_1017 = vector.broadcast %add3A_1016 : f32 to vector<16xf32>
                %add3A_1018 = arith.addf %sub3A_1015, %add3A_1017 : vector<16xf32>
                %mul3A_1019 = arith.constant 4.500000e-01 : f32
                %mul3A_1020 = vector.broadcast %mul3A_1019 : f32 to vector<16xf32>
                %mul3A_1021 = arith.mulf %mul3A_1020, %add3A_1018 : vector<16xf32>
                %gt3A_1022 = arith.cmpf ogt, %mul3A_1013, %mul3A_1021 : vector<16xf32>
                %eq3A_1023 = arith.cmpi eq, %get3A_997, %convert_element_type3A_844 : vector<16xi32>
                %or3A_1024 = arith.ori %gt3A_1022, %eq3A_1023 : vector<16xi1>
                %jit3A_1025 = arith.constant -1.000000e+00 : f32
                %broadcast_in_dim3A_1026 = vector.broadcast %jit3A_1025 : f32 to vector<16xf32>
                %select_n3A_1027 = arith.select %or3A_1024, %broadcast_in_dim3A_1026, %get3A_995 : vector<16xi1>, vector<16xf32>
                %swap3A_1028 = arith.constant 48 : index
                %swap3A_1029 = tpu.vector_load %arg17[%swap3A_1028] {strides = array<i32>} : memref<1296xf32, #tpu.memory_space<vmem>>, vector<16xf32>,
                tpu.vector_store %arg17[%swap3A_1028], %select_n3A_1027 {strides = array<i32>} : memref<1296xf32, #tpu.memory_space<vmem>>, vector<16xf32>,
                %get3A_1030 = arith.constant 64 : index
                %get3A_1031 = tpu.vector_load %arg13[%get3A_1030] {strides = array<i32>} : memref<1296xf32, #tpu.memory_space<vmem>>, vector<16xf32>,
                %get3A_1032 = arith.constant 64 : index
                %get3A_1033 = tpu.vector_load %arg14[%get3A_1032] {strides = array<i32>} : memref<1296xf32, #tpu.memory_space<vmem>>, vector<16xf32>,
                %get3A_1034 = arith.constant 64 : index
                %get3A_1035 = tpu.vector_load %arg15[%get3A_1034] {strides = array<i32>} : memref<1296xf32, #tpu.memory_space<vmem>>, vector<16xf32>,
                %get3A_1036 = arith.constant 64 : index
                %get3A_1037 = tpu.vector_load %arg16[%get3A_1036] {strides = array<i32>} : memref<1296xf32, #tpu.memory_space<vmem>>, vector<16xf32>,
                %get3A_1038 = arith.constant 64 : index
                %get3A_1039 = tpu.vector_load %arg17[%get3A_1038] {strides = array<i32>} : memref<1296xf32, #tpu.memory_space<vmem>>, vector<16xf32>,
                %get3A_1040 = arith.constant 64 : index
                %get3A_1041 = tpu.vector_load %arg18[%get3A_1040] {strides = array<i32>} : memref<1296xi32, #tpu.memory_space<vmem>>, vector<16xi32>,
                %sub3A_1042 = arith.subf %get3A_1035, %get3A_1031 : vector<16xf32>
                %sub3A_1043 = arith.subf %get3A_1037, %get3A_1033 : vector<16xf32>
                %mul3A_1044 = arith.mulf %sub3A_1042, %sub3A_1043 : vector<16xf32>
                %max3A_1045 = arith.maximumf %get3A_1031, %gather3A_629 : vector<16xf32>
                %max3A_1046 = arith.maximumf %get3A_1033, %gather3A_633 : vector<16xf32>
                %min3A_1047 = arith.minimumf %get3A_1035, %gather3A_637 : vector<16xf32>
                %min3A_1048 = arith.minimumf %get3A_1037, %gather3A_641 : vector<16xf32>
                %sub3A_1049 = arith.subf %min3A_1047, %max3A_1045 : vector<16xf32>
                %max3A_1050 = arith.constant 0.000000e+00 : f32
                %max3A_1051 = vector.broadcast %max3A_1050 : f32 to vector<16xf32>
                %max3A_1052 = arith.maximumf %sub3A_1049, %max3A_1051 : vector<16xf32>
                %sub3A_1053 = arith.subf %min3A_1048, %max3A_1046 : vector<16xf32>
                %max3A_1054 = arith.constant 0.000000e+00 : f32
                %max3A_1055 = vector.broadcast %max3A_1054 : f32 to vector<16xf32>
                %max3A_1056 = arith.maximumf %sub3A_1053, %max3A_1055 : vector<16xf32>
                %mul3A_1057 = arith.mulf %max3A_1052, %max3A_1056 : vector<16xf32>
                %add3A_1058 = arith.addf %mul3A_1044, %mul3A_668 : vector<16xf32>
                %sub3A_1059 = arith.subf %add3A_1058, %mul3A_1057 : vector<16xf32>
                %add3A_1060 = arith.constant 9.99999971E-10 : f32
                %add3A_1061 = vector.broadcast %add3A_1060 : f32 to vector<16xf32>
                %add3A_1062 = arith.addf %sub3A_1059, %add3A_1061 : vector<16xf32>
                %mul3A_1063 = arith.constant 4.500000e-01 : f32
                %mul3A_1064 = vector.broadcast %mul3A_1063 : f32 to vector<16xf32>
                %mul3A_1065 = arith.mulf %mul3A_1064, %add3A_1062 : vector<16xf32>
                %gt3A_1066 = arith.cmpf ogt, %mul3A_1057, %mul3A_1065 : vector<16xf32>
                %eq3A_1067 = arith.cmpi eq, %get3A_1041, %convert_element_type3A_844 : vector<16xi32>
                %or3A_1068 = arith.ori %gt3A_1066, %eq3A_1067 : vector<16xi1>
                %jit3A_1069 = arith.constant -1.000000e+00 : f32
                %broadcast_in_dim3A_1070 = vector.broadcast %jit3A_1069 : f32 to vector<16xf32>
                %select_n3A_1071 = arith.select %or3A_1068, %broadcast_in_dim3A_1070, %get3A_1039 : vector<16xi1>, vector<16xf32>
                %swap3A_1072 = arith.constant 64 : index
                %swap3A_1073 = tpu.vector_load %arg17[%swap3A_1072] {strides = array<i32>} : memref<1296xf32, #tpu.memory_space<vmem>>, vector<16xf32>,
                tpu.vector_store %arg17[%swap3A_1072], %select_n3A_1071 {strides = array<i32>} : memref<1296xf32, #tpu.memory_space<vmem>>, vector<16xf32>,
                %get3A_1074 = arith.constant 80 : index
                %get3A_1075 = tpu.vector_load %arg13[%get3A_1074] {strides = array<i32>} : memref<1296xf32, #tpu.memory_space<vmem>>, vector<16xf32>,
                %get3A_1076 = arith.constant 80 : index
                %get3A_1077 = tpu.vector_load %arg14[%get3A_1076] {strides = array<i32>} : memref<1296xf32, #tpu.memory_space<vmem>>, vector<16xf32>,
                %get3A_1078 = arith.constant 80 : index
                %get3A_1079 = tpu.vector_load %arg15[%get3A_1078] {strides = array<i32>} : memref<1296xf32, #tpu.memory_space<vmem>>, vector<16xf32>,
                %get3A_1080 = arith.constant 80 : index
                %get3A_1081 = tpu.vector_load %arg16[%get3A_1080] {strides = array<i32>} : memref<1296xf32, #tpu.memory_space<vmem>>, vector<16xf32>,
                %get3A_1082 = arith.constant 80 : index
                %get3A_1083 = tpu.vector_load %arg17[%get3A_1082] {strides = array<i32>} : memref<1296xf32, #tpu.memory_space<vmem>>, vector<16xf32>,
                %get3A_1084 = arith.constant 80 : index
                %get3A_1085 = tpu.vector_load %arg18[%get3A_1084] {strides = array<i32>} : memref<1296xi32, #tpu.memory_space<vmem>>, vector<16xi32>,
                %sub3A_1086 = arith.subf %get3A_1079, %get3A_1075 : vector<16xf32>
                %sub3A_1087 = arith.subf %get3A_1081, %get3A_1077 : vector<16xf32>
                %mul3A_1088 = arith.mulf %sub3A_1086, %sub3A_1087 : vector<16xf32>
                %max3A_1089 = arith.maximumf %get3A_1075, %gather3A_629 : vector<16xf32>
                %max3A_1090 = arith.maximumf %get3A_1077, %gather3A_633 : vector<16xf32>
                %min3A_1091 = arith.minimumf %get3A_1079, %gather3A_637 : vector<16xf32>
                %min3A_1092 = arith.minimumf %get3A_1081, %gather3A_641 : vector<16xf32>
                %sub3A_1093 = arith.subf %min3A_1091, %max3A_1089 : vector<16xf32>
                %max3A_1094 = arith.constant 0.000000e+00 : f32
                %max3A_1095 = vector.broadcast %max3A_1094 : f32 to vector<16xf32>
                %max3A_1096 = arith.maximumf %sub3A_1093, %max3A_1095 : vector<16xf32>
                %sub3A_1097 = arith.subf %min3A_1092, %max3A_1090 : vector<16xf32>
                %max3A_1098 = arith.constant 0.000000e+00 : f32
                %max3A_1099 = vector.broadcast %max3A_1098 : f32 to vector<16xf32>
                %max3A_1100 = arith.maximumf %sub3A_1097, %max3A_1099 : vector<16xf32>
                %mul3A_1101 = arith.mulf %max3A_1096, %max3A_1100 : vector<16xf32>
                %add3A_1102 = arith.addf %mul3A_1088, %mul3A_668 : vector<16xf32>
                %sub3A_1103 = arith.subf %add3A_1102, %mul3A_1101 : vector<16xf32>
                %add3A_1104 = arith.constant 9.99999971E-10 : f32
                %add3A_1105 = vector.broadcast %add3A_1104 : f32 to vector<16xf32>
                %add3A_1106 = arith.addf %sub3A_1103, %add3A_1105 : vector<16xf32>
                %mul3A_1107 = arith.constant 4.500000e-01 : f32
                %mul3A_1108 = vector.broadcast %mul3A_1107 : f32 to vector<16xf32>
                %mul3A_1109 = arith.mulf %mul3A_1108, %add3A_1106 : vector<16xf32>
                %gt3A_1110 = arith.cmpf ogt, %mul3A_1101, %mul3A_1109 : vector<16xf32>
                %eq3A_1111 = arith.cmpi eq, %get3A_1085, %convert_element_type3A_844 : vector<16xi32>
                %or3A_1112 = arith.ori %gt3A_1110, %eq3A_1111 : vector<16xi1>
                %jit3A_1113 = arith.constant -1.000000e+00 : f32
                %broadcast_in_dim3A_1114 = vector.broadcast %jit3A_1113 : f32 to vector<16xf32>
                %select_n3A_1115 = arith.select %or3A_1112, %broadcast_in_dim3A_1114, %get3A_1083 : vector<16xi1>, vector<16xf32>
                %swap3A_1116 = arith.constant 80 : index
                %swap3A_1117 = tpu.vector_load %arg17[%swap3A_1116] {strides = array<i32>} : memref<1296xf32, #tpu.memory_space<vmem>>, vector<16xf32>,
                tpu.vector_store %arg17[%swap3A_1116], %select_n3A_1115 {strides = array<i32>} : memref<1296xf32, #tpu.memory_space<vmem>>, vector<16xf32>,
                %get3A_1118 = arith.constant 96 : index
                %get3A_1119 = tpu.vector_load %arg13[%get3A_1118] {strides = array<i32>} : memref<1296xf32, #tpu.memory_space<vmem>>, vector<16xf32>,
                %get3A_1120 = arith.constant 96 : index
                %get3A_1121 = tpu.vector_load %arg14[%get3A_1120] {strides = array<i32>} : memref<1296xf32, #tpu.memory_space<vmem>>, vector<16xf32>,
                %get3A_1122 = arith.constant 96 : index
                %get3A_1123 = tpu.vector_load %arg15[%get3A_1122] {strides = array<i32>} : memref<1296xf32, #tpu.memory_space<vmem>>, vector<16xf32>,
                %get3A_1124 = arith.constant 96 : index
                %get3A_1125 = tpu.vector_load %arg16[%get3A_1124] {strides = array<i32>} : memref<1296xf32, #tpu.memory_space<vmem>>, vector<16xf32>,
                %get3A_1126 = arith.constant 96 : index
                %get3A_1127 = tpu.vector_load %arg17[%get3A_1126] {strides = array<i32>} : memref<1296xf32, #tpu.memory_space<vmem>>, vector<16xf32>,
                %get3A_1128 = arith.constant 96 : index
                %get3A_1129 = tpu.vector_load %arg18[%get3A_1128] {strides = array<i32>} : memref<1296xi32, #tpu.memory_space<vmem>>, vector<16xi32>,
                %sub3A_1130 = arith.subf %get3A_1123, %get3A_1119 : vector<16xf32>
                %sub3A_1131 = arith.subf %get3A_1125, %get3A_1121 : vector<16xf32>
                %mul3A_1132 = arith.mulf %sub3A_1130, %sub3A_1131 : vector<16xf32>
                %max3A_1133 = arith.maximumf %get3A_1119, %gather3A_629 : vector<16xf32>
                %max3A_1134 = arith.maximumf %get3A_1121, %gather3A_633 : vector<16xf32>
                %min3A_1135 = arith.minimumf %get3A_1123, %gather3A_637 : vector<16xf32>
                %min3A_1136 = arith.minimumf %get3A_1125, %gather3A_641 : vector<16xf32>
                %sub3A_1137 = arith.subf %min3A_1135, %max3A_1133 : vector<16xf32>
                %max3A_1138 = arith.constant 0.000000e+00 : f32
                %max3A_1139 = vector.broadcast %max3A_1138 : f32 to vector<16xf32>
                %max3A_1140 = arith.maximumf %sub3A_1137, %max3A_1139 : vector<16xf32>
                %sub3A_1141 = arith.subf %min3A_1136, %max3A_1134 : vector<16xf32>
                %max3A_1142 = arith.constant 0.000000e+00 : f32
                %max3A_1143 = vector.broadcast %max3A_1142 : f32 to vector<16xf32>
                %max3A_1144 = arith.maximumf %sub3A_1141, %max3A_1143 : vector<16xf32>
                %mul3A_1145 = arith.mulf %max3A_1140, %max3A_1144 : vector<16xf32>
                %add3A_1146 = arith.addf %mul3A_1132, %mul3A_668 : vector<16xf32>
                %sub3A_1147 = arith.subf %add3A_1146, %mul3A_1145 : vector<16xf32>
                %add3A_1148 = arith.constant 9.99999971E-10 : f32
                %add3A_1149 = vector.broadcast %add3A_1148 : f32 to vector<16xf32>
                %add3A_1150 = arith.addf %sub3A_1147, %add3A_1149 : vector<16xf32>
                %mul3A_1151 = arith.constant 4.500000e-01 : f32
                %mul3A_1152 = vector.broadcast %mul3A_1151 : f32 to vector<16xf32>
                %mul3A_1153 = arith.mulf %mul3A_1152, %add3A_1150 : vector<16xf32>
                %gt3A_1154 = arith.cmpf ogt, %mul3A_1145, %mul3A_1153 : vector<16xf32>
                %eq3A_1155 = arith.cmpi eq, %get3A_1129, %convert_element_type3A_844 : vector<16xi32>
                %or3A_1156 = arith.ori %gt3A_1154, %eq3A_1155 : vector<16xi1>
                %jit3A_1157 = arith.constant -1.000000e+00 : f32
                %broadcast_in_dim3A_1158 = vector.broadcast %jit3A_1157 : f32 to vector<16xf32>
                %select_n3A_1159 = arith.select %or3A_1156, %broadcast_in_dim3A_1158, %get3A_1127 : vector<16xi1>, vector<16xf32>
                %swap3A_1160 = arith.constant 96 : index
                %swap3A_1161 = tpu.vector_load %arg17[%swap3A_1160] {strides = array<i32>} : memref<1296xf32, #tpu.memory_space<vmem>>, vector<16xf32>,
                tpu.vector_store %arg17[%swap3A_1160], %select_n3A_1159 {strides = array<i32>} : memref<1296xf32, #tpu.memory_space<vmem>>, vector<16xf32>,
                %get3A_1162 = arith.constant 112 : index
                %get3A_1163 = tpu.vector_load %arg13[%get3A_1162] {strides = array<i32>} : memref<1296xf32, #tpu.memory_space<vmem>>, vector<16xf32>,
                %get3A_1164 = arith.constant 112 : index
                %get3A_1165 = tpu.vector_load %arg14[%get3A_1164] {strides = array<i32>} : memref<1296xf32, #tpu.memory_space<vmem>>, vector<16xf32>,
                %get3A_1166 = arith.constant 112 : index
                %get3A_1167 = tpu.vector_load %arg15[%get3A_1166] {strides = array<i32>} : memref<1296xf32, #tpu.memory_space<vmem>>, vector<16xf32>,
                %get3A_1168 = arith.constant 112 : index
                %get3A_1169 = tpu.vector_load %arg16[%get3A_1168] {strides = array<i32>} : memref<1296xf32, #tpu.memory_space<vmem>>, vector<16xf32>,
                %get3A_1170 = arith.constant 112 : index
                %get3A_1171 = tpu.vector_load %arg17[%get3A_1170] {strides = array<i32>} : memref<1296xf32, #tpu.memory_space<vmem>>, vector<16xf32>,
                %get3A_1172 = arith.constant 112 : index
                %get3A_1173 = tpu.vector_load %arg18[%get3A_1172] {strides = array<i32>} : memref<1296xi32, #tpu.memory_space<vmem>>, vector<16xi32>,
                %sub3A_1174 = arith.subf %get3A_1167, %get3A_1163 : vector<16xf32>
                %sub3A_1175 = arith.subf %get3A_1169, %get3A_1165 : vector<16xf32>
                %mul3A_1176 = arith.mulf %sub3A_1174, %sub3A_1175 : vector<16xf32>
                %max3A_1177 = arith.maximumf %get3A_1163, %gather3A_629 : vector<16xf32>
                %max3A_1178 = arith.maximumf %get3A_1165, %gather3A_633 : vector<16xf32>
                %min3A_1179 = arith.minimumf %get3A_1167, %gather3A_637 : vector<16xf32>
                %min3A_1180 = arith.minimumf %get3A_1169, %gather3A_641 : vector<16xf32>
                %sub3A_1181 = arith.subf %min3A_1179, %max3A_1177 : vector<16xf32>
                %max3A_1182 = arith.constant 0.000000e+00 : f32
                %max3A_1183 = vector.broadcast %max3A_1182 : f32 to vector<16xf32>
                %max3A_1184 = arith.maximumf %sub3A_1181, %max3A_1183 : vector<16xf32>
                %sub3A_1185 = arith.subf %min3A_1180, %max3A_1178 : vector<16xf32>
                %max3A_1186 = arith.constant 0.000000e+00 : f32
                %max3A_1187 = vector.broadcast %max3A_1186 : f32 to vector<16xf32>
                %max3A_1188 = arith.maximumf %sub3A_1185, %max3A_1187 : vector<16xf32>
                %mul3A_1189 = arith.mulf %max3A_1184, %max3A_1188 : vector<16xf32>
                %add3A_1190 = arith.addf %mul3A_1176, %mul3A_668 : vector<16xf32>
                %sub3A_1191 = arith.subf %add3A_1190, %mul3A_1189 : vector<16xf32>
                %add3A_1192 = arith.constant 9.99999971E-10 : f32
                %add3A_1193 = vector.broadcast %add3A_1192 : f32 to vector<16xf32>
                %add3A_1194 = arith.addf %sub3A_1191, %add3A_1193 : vector<16xf32>
                %mul3A_1195 = arith.constant 4.500000e-01 : f32
                %mul3A_1196 = vector.broadcast %mul3A_1195 : f32 to vector<16xf32>
                %mul3A_1197 = arith.mulf %mul3A_1196, %add3A_1194 : vector<16xf32>
                %gt3A_1198 = arith.cmpf ogt, %mul3A_1189, %mul3A_1197 : vector<16xf32>
                %eq3A_1199 = arith.cmpi eq, %get3A_1173, %convert_element_type3A_844 : vector<16xi32>
                %or3A_1200 = arith.ori %gt3A_1198, %eq3A_1199 : vector<16xi1>
                %jit3A_1201 = arith.constant -1.000000e+00 : f32
                %broadcast_in_dim3A_1202 = vector.broadcast %jit3A_1201 : f32 to vector<16xf32>
                %select_n3A_1203 = arith.select %or3A_1200, %broadcast_in_dim3A_1202, %get3A_1171 : vector<16xi1>, vector<16xf32>
                %swap3A_1204 = arith.constant 112 : index
                %swap3A_1205 = tpu.vector_load %arg17[%swap3A_1204] {strides = array<i32>} : memref<1296xf32, #tpu.memory_space<vmem>>, vector<16xf32>,
                tpu.vector_store %arg17[%swap3A_1204], %select_n3A_1203 {strides = array<i32>} : memref<1296xf32, #tpu.memory_space<vmem>>, vector<16xf32>,
                %cond3A_1206 = arith.constant 0 : i32
                scf.yield %cond3A_1206 : i32
              } else {
                %while3A = arith.constant 0 : i32
                %while3A_854 = arith.constant 0 : i32
                %while3A_855 = arith.subi %cond3A_107#2, %while3A : i32
                %while3A_856 = arith.addi %while3A, %while3A_855 : i32
                %while3A_857 = arith.constant 1 : i32
                %while3A_858 = arith.divsi %while3A_855, %while3A_857 : i32
                %while3A_859 = arith.muli %while3A_858, %while3A_857 : i32
                %while3A_860 = arith.addi %while3A, %while3A_859 : i32
                %while3A_861 = arith.constant 1 : i32
                %while3A_862 = scf.for %while3A_865 = %while3A to %while3A_860 step %while3A_861 iter_args(%while3A_866 = %while3A_854) -> (i32)  : i32 {
                  %mul3A_867 = arith.constant 16 : i32
                  %mul3A_868 = arith.muli %while3A_865, %mul3A_867 : i32
                  %get3A_869 = arith.index_cast %mul3A_868 : i32 to index
                  %get3A_870 = tpu.vector_load %arg13[%get3A_869] {strides = array<i32>} : memref<1296xf32, #tpu.memory_space<vmem>>, vector<16xf32>,
                  %get3A_871 = arith.index_cast %mul3A_868 : i32 to index
                  %get3A_872 = tpu.vector_load %arg14[%get3A_871] {strides = array<i32>} : memref<1296xf32, #tpu.memory_space<vmem>>, vector<16xf32>,
                  %get3A_873 = arith.index_cast %mul3A_868 : i32 to index
                  %get3A_874 = tpu.vector_load %arg15[%get3A_873] {strides = array<i32>} : memref<1296xf32, #tpu.memory_space<vmem>>, vector<16xf32>,
                  %get3A_875 = arith.index_cast %mul3A_868 : i32 to index
                  %get3A_876 = tpu.vector_load %arg16[%get3A_875] {strides = array<i32>} : memref<1296xf32, #tpu.memory_space<vmem>>, vector<16xf32>,
                  %get3A_877 = arith.index_cast %mul3A_868 : i32 to index
                  %get3A_878 = tpu.vector_load %arg17[%get3A_877] {strides = array<i32>} : memref<1296xf32, #tpu.memory_space<vmem>>, vector<16xf32>,
                  %get3A_879 = arith.index_cast %mul3A_868 : i32 to index
                  %get3A_880 = tpu.vector_load %arg18[%get3A_879] {strides = array<i32>} : memref<1296xi32, #tpu.memory_space<vmem>>, vector<16xi32>,
                  %sub3A_881 = arith.subf %get3A_874, %get3A_870 : vector<16xf32>
                  %sub3A_882 = arith.subf %get3A_876, %get3A_872 : vector<16xf32>
                  %mul3A_883 = arith.mulf %sub3A_881, %sub3A_882 : vector<16xf32>
                  %max3A_884 = arith.maximumf %get3A_870, %gather3A_629 : vector<16xf32>
                  %max3A_885 = arith.maximumf %get3A_872, %gather3A_633 : vector<16xf32>
                  %min3A_886 = arith.minimumf %get3A_874, %gather3A_637 : vector<16xf32>
                  %min3A_887 = arith.minimumf %get3A_876, %gather3A_641 : vector<16xf32>
                  %sub3A_888 = arith.subf %min3A_886, %max3A_884 : vector<16xf32>
                  %max3A_889 = arith.constant 0.000000e+00 : f32
                  %max3A_890 = vector.broadcast %max3A_889 : f32 to vector<16xf32>
                  %max3A_891 = arith.maximumf %sub3A_888, %max3A_890 : vector<16xf32>
                  %sub3A_892 = arith.subf %min3A_887, %max3A_885 : vector<16xf32>
                  %max3A_893 = arith.constant 0.000000e+00 : f32
                  %max3A_894 = vector.broadcast %max3A_893 : f32 to vector<16xf32>
                  %max3A_895 = arith.maximumf %sub3A_892, %max3A_894 : vector<16xf32>
                  %mul3A_896 = arith.mulf %max3A_891, %max3A_895 : vector<16xf32>
                  %add3A_897 = arith.addf %mul3A_883, %mul3A_668 : vector<16xf32>
                  %sub3A_898 = arith.subf %add3A_897, %mul3A_896 : vector<16xf32>
                  %add3A_899 = arith.constant 9.99999971E-10 : f32
                  %add3A_900 = vector.broadcast %add3A_899 : f32 to vector<16xf32>
                  %add3A_901 = arith.addf %sub3A_898, %add3A_900 : vector<16xf32>
                  %mul3A_902 = arith.constant 4.500000e-01 : f32
                  %mul3A_903 = vector.broadcast %mul3A_902 : f32 to vector<16xf32>
                  %mul3A_904 = arith.mulf %mul3A_903, %add3A_901 : vector<16xf32>
                  %gt3A_905 = arith.cmpf ogt, %mul3A_896, %mul3A_904 : vector<16xf32>
                  %eq3A_906 = arith.cmpi eq, %get3A_880, %convert_element_type3A_844 : vector<16xi32>
                  %or3A_907 = arith.ori %gt3A_905, %eq3A_906 : vector<16xi1>
                  %jit3A_908 = arith.constant -1.000000e+00 : f32
                  %broadcast_in_dim3A_909 = vector.broadcast %jit3A_908 : f32 to vector<16xf32>
                  %select_n3A_910 = arith.select %or3A_907, %broadcast_in_dim3A_909, %get3A_878 : vector<16xi1>, vector<16xf32>
                  %swap3A_911 = arith.index_cast %mul3A_868 : i32 to index
                  %swap3A_912 = tpu.vector_load %arg17[%swap3A_911] {strides = array<i32>} : memref<1296xf32, #tpu.memory_space<vmem>>, vector<16xf32>,
                  tpu.vector_store %arg17[%swap3A_911], %select_n3A_910 {strides = array<i32>} : memref<1296xf32, #tpu.memory_space<vmem>>, vector<16xf32>,
                  %while3A_913 = arith.constant 0 : i32
                  scf.yield %while3A_913 : i32
                }
                %while3A_863 = arith.constant 1 : i32
                %while3A_864 = scf.for %while3A_865 = %while3A_860 to %while3A_856 step %while3A_863 iter_args(%while3A_866 = %while3A_862) -> (i32)  : i32 {
                  %mul3A_867 = arith.constant 16 : i32
                  %mul3A_868 = arith.muli %while3A_865, %mul3A_867 : i32
                  %get3A_869 = arith.index_cast %mul3A_868 : i32 to index
                  %get3A_870 = tpu.vector_load %arg13[%get3A_869] {strides = array<i32>} : memref<1296xf32, #tpu.memory_space<vmem>>, vector<16xf32>,
                  %get3A_871 = arith.index_cast %mul3A_868 : i32 to index
                  %get3A_872 = tpu.vector_load %arg14[%get3A_871] {strides = array<i32>} : memref<1296xf32, #tpu.memory_space<vmem>>, vector<16xf32>,
                  %get3A_873 = arith.index_cast %mul3A_868 : i32 to index
                  %get3A_874 = tpu.vector_load %arg15[%get3A_873] {strides = array<i32>} : memref<1296xf32, #tpu.memory_space<vmem>>, vector<16xf32>,
                  %get3A_875 = arith.index_cast %mul3A_868 : i32 to index
                  %get3A_876 = tpu.vector_load %arg16[%get3A_875] {strides = array<i32>} : memref<1296xf32, #tpu.memory_space<vmem>>, vector<16xf32>,
                  %get3A_877 = arith.index_cast %mul3A_868 : i32 to index
                  %get3A_878 = tpu.vector_load %arg17[%get3A_877] {strides = array<i32>} : memref<1296xf32, #tpu.memory_space<vmem>>, vector<16xf32>,
                  %get3A_879 = arith.index_cast %mul3A_868 : i32 to index
                  %get3A_880 = tpu.vector_load %arg18[%get3A_879] {strides = array<i32>} : memref<1296xi32, #tpu.memory_space<vmem>>, vector<16xi32>,
                  %sub3A_881 = arith.subf %get3A_874, %get3A_870 : vector<16xf32>
                  %sub3A_882 = arith.subf %get3A_876, %get3A_872 : vector<16xf32>
                  %mul3A_883 = arith.mulf %sub3A_881, %sub3A_882 : vector<16xf32>
                  %max3A_884 = arith.maximumf %get3A_870, %gather3A_629 : vector<16xf32>
                  %max3A_885 = arith.maximumf %get3A_872, %gather3A_633 : vector<16xf32>
                  %min3A_886 = arith.minimumf %get3A_874, %gather3A_637 : vector<16xf32>
                  %min3A_887 = arith.minimumf %get3A_876, %gather3A_641 : vector<16xf32>
                  %sub3A_888 = arith.subf %min3A_886, %max3A_884 : vector<16xf32>
                  %max3A_889 = arith.constant 0.000000e+00 : f32
                  %max3A_890 = vector.broadcast %max3A_889 : f32 to vector<16xf32>
                  %max3A_891 = arith.maximumf %sub3A_888, %max3A_890 : vector<16xf32>
                  %sub3A_892 = arith.subf %min3A_887, %max3A_885 : vector<16xf32>
                  %max3A_893 = arith.constant 0.000000e+00 : f32
                  %max3A_894 = vector.broadcast %max3A_893 : f32 to vector<16xf32>
                  %max3A_895 = arith.maximumf %sub3A_892, %max3A_894 : vector<16xf32>
                  %mul3A_896 = arith.mulf %max3A_891, %max3A_895 : vector<16xf32>
                  %add3A_897 = arith.addf %mul3A_883, %mul3A_668 : vector<16xf32>
                  %sub3A_898 = arith.subf %add3A_897, %mul3A_896 : vector<16xf32>
                  %add3A_899 = arith.constant 9.99999971E-10 : f32
                  %add3A_900 = vector.broadcast %add3A_899 : f32 to vector<16xf32>
                  %add3A_901 = arith.addf %sub3A_898, %add3A_900 : vector<16xf32>
                  %mul3A_902 = arith.constant 4.500000e-01 : f32
                  %mul3A_903 = vector.broadcast %mul3A_902 : f32 to vector<16xf32>
                  %mul3A_904 = arith.mulf %mul3A_903, %add3A_901 : vector<16xf32>
                  %gt3A_905 = arith.cmpf ogt, %mul3A_896, %mul3A_904 : vector<16xf32>
                  %eq3A_906 = arith.cmpi eq, %get3A_880, %convert_element_type3A_844 : vector<16xi32>
                  %or3A_907 = arith.ori %gt3A_905, %eq3A_906 : vector<16xi1>
                  %jit3A_908 = arith.constant -1.000000e+00 : f32
                  %broadcast_in_dim3A_909 = vector.broadcast %jit3A_908 : f32 to vector<16xf32>
                  %select_n3A_910 = arith.select %or3A_907, %broadcast_in_dim3A_909, %get3A_878 : vector<16xi1>, vector<16xf32>
                  %swap3A_911 = arith.index_cast %mul3A_868 : i32 to index
                  %swap3A_912 = tpu.vector_load %arg17[%swap3A_911] {strides = array<i32>} : memref<1296xf32, #tpu.memory_space<vmem>>, vector<16xf32>,
                  tpu.vector_store %arg17[%swap3A_911], %select_n3A_910 {strides = array<i32>} : memref<1296xf32, #tpu.memory_space<vmem>>, vector<16xf32>,
                  %while3A_913 = arith.constant 0 : i32
                  scf.yield %while3A_913 : i32
                }
                scf.yield %while3A_864 : i32
              }
              %add3A_851 = arith.constant 1 : i32
              %add3A_852 = arith.addi %scan3A_538, %add3A_851 : i32
              %cond3A_853 = arith.constant 1 : i32
              scf.yield %cond3A_853, %add3A_852 : i32, i32
            } else {
              %cond3A_609 = arith.constant 0 : i32
              scf.yield %cond3A_609, %scan3A_538 : i32, i32
            }
            scf.yield %cond3A_608#0, %cond3A_608#1 : i32, i32
          } else {
            %cond3A_545 = arith.constant 0 : i32
            scf.yield %cond3A_545, %scan3A_538 : i32, i32
          }
          scf.yield %cond3A_544#0, %cond3A_544#1 : i32, i32
        }
        %scan3A_530 = arith.constant 8 : i32
        %gt3A_531 = arith.cmpi sgt, %scan3A_529#1, %scan3A_86 : i32
        %lt3A_532 = arith.constant 300 : i32
        %lt3A_533 = arith.cmpi slt, %scan3A_529#1, %lt3A_532 : i32
        %and3A_534 = arith.andi %gt3A_531, %lt3A_533 : i1
        %convert_element_type3A_535 = arith.extui %and3A_534 : i1 to i32
        scf.yield %convert_element_type3A_535, %cond3A_107#2, %cond3A_107#3, %scan3A_529#1 : i32, i32, i32, i32
      } else {
        %cond3A_93 = arith.constant 0 : i32
        scf.yield %cond3A_93, %scan3A_84, %scan3A_85, %scan3A_86 : i32, i32, i32, i32
      }
      scf.yield %cond3A_92#0, %cond3A_92#1, %cond3A_92#2, %cond3A_92#3 : i32, i32, i32, i32
    }
    %scan3A_77 = arith.constant 300 : i32
    %eq3A_78 = arith.constant 0 : i32
    %eq3A_79 = arith.cmpi eq, %arg1, %eq3A_78 : i32
    %convert_element_type3A_80 = arith.extui %eq3A_79 : i1 to i32
    %cond3A = arith.constant 0 : i32
    %cond3A_81 = arith.cmpi ne, %convert_element_type3A_80, %cond3A : i32
    scf.if %cond3A_81 {
      "tpu.region"() ({
        %run_scoped3A = tpu.sem_alloc : memref<!tpu.dma_semaphore, #tpu.memory_space<semaphore_mem>>
        tpu.enqueue_dma source(%arg27 : memref<4800xf32, #tpu.memory_space<vmem>>) target(%arg7 : memref<4800xf32, #tpu.memory_space<hbm>>) target_semaphore(%run_scoped3A : memref<!tpu.dma_semaphore, #tpu.memory_space<semaphore_mem>>)
        tpu.wait_dma2 semaphore(%run_scoped3A : memref<!tpu.dma_semaphore, #tpu.memory_space<semaphore_mem>>) src(%arg27 : memref<4800xf32, #tpu.memory_space<vmem>>) dst(%arg7 : memref<4800xf32, #tpu.memory_space<hbm>>)
        tpu.yield
      }) : () -> ()
    } else {
    }
    return
  }
}

</mosaic_0001>

<sc_bundles>
// kernel: kernel.3.cloned.1.call-start
scs
__scs_entry_jumppad:
0x0: {  	(pc) =	sbr.rel $0x88, $3  }
0x1: {  	(tag) =	ssettag $0x0;
	lr =	simm.s32 $0x1  }
0x2: {  	[smem:$0x3F9F] =	sst lr;
	_ =	strace $0xD0000000  }
0x3: {  	_ = 	snop  }
0x4: {  	_ = 	snop  }
0x5: {  	_ = 	snop  }
0x6: {  	_ = 	snop  }
0x7: {  	_ = 	snop  }
__scs_overlays_trampoline_lowered:
0x8: {  	[smem:$0x3FAE] =	sst s0  }
0x9: {  	[smem:$0x3FAF] =	sst s1  }
0xa: {  	[smem:$0x3FB0] =	sst s2  }
0xb: {  	[smem:$0x3FB1] =	sst s3  }
0xc: {  	[smem:$0x3FB2] =	sst s4  }
0xd: {  	[smem:$0x3FB3] =	sst s5  }
0xe: {  	[smem:$0x3FB4] =	sst s6  }
0xf: {  	[smem:$0x3FB5] =	sst s7  }
0x10: {  	[smem:$0x3FB6] =	sst s8  }
0x11: {  	[smem:$0x3FB7] =	sst s9;
	s0 =	simm.s32 @!p0 $0x0  }
0x12: {  	s1 =	sld [smem:$0x3F9D];
	s0 =	simm.s32 @p0 $0x1  }
0x13: {  	[smem:$0x3FB8] =	sst s0;
	s0 =	simm.s32 @!p1 $0x0  }
0x14: {  	s2 =	sld [smem:$0x3F9C];
	s0 =	simm.s32 @p1 $0x1  }
0x15: {  	[smem:$0x3FB9] =	sst s0;
	s0 =	simm.s32 @!p2 $0x0  }
0x16: {  	s3 =	sld [smem:$0x3FDB];
	s0 =	simm.s32 @p2 $0x1  }
0x17: {  	s4 =	simm.s32 $0x1BF5;
	[smem:$0x3FBB] =	sst s0  }
0x18: {  	s0 =	sld [smem:$0x3F9E];
	_ =	swait.ge [sflag:s4], $0x0  }
0x19: {  	s7 =	sld [smem:$0x3F9F]  }
0x1a: {  	s8 =	sadd.s32 $0xFFFFE003, lr  }
0x1b: {  	s9 =	sadd.s32 $0xFFFFFEF7, lr;
	s5 =	simm.s32 $0xFFFFFFFF;
	p2 =	slt.u32 s8, $0xFFFFF086  }
0x1c: {  	p1 =	slt.u32 s9, $0xF7A;
	s5 =	simm.s32 @!p2 $0x0  }
0x1d: {  	s5 =	simm.s32 @p1 $0x1;
	p0 =	seq.s32 s7, s2  }
0x1e: {  	s7 =	smul.u32 @!p0 $0xF7A, s2;
	p2 =	seq.s32 @!p0 s5, $0x0  }
0x1f: {  	s9 =	smul.u32 $0xF7A, s1;
	s8 =	simm.s32 @!p0 $0x1BF5;
	p2 =	por !p2, p0  }
0x20: {  	[sflag:s8] =	ssyncset.s32 @!p0 $0xFFFFF086;
	s6 =	sadd.s32 @!p0 s3, s7;
	s7 =	simm.s32 @!p0 $0x108  }
0x21: {  	s3 =	sadd.s32 s3, s9;
	s6 =	sadd.s32 @!p0 $0x88, s6;
	s7 =	simm.s32 @p2 $0x1082  }
0x22: {  	[simem:s7], [sflag:s8] =	dma.local @!p0 [hbm:s6], $0xF7A  }
0x23: {  	s9 =	sor.u32 $0xD0000000, s2;
	s6 =	simm.s32 $0x108;
	_ =	swait.ge @!p0 [sflag:s8], $0x0  }
0x24: {  	s3 =	sadd.s32 $0x88, s3;
	s6 =	simm.s32 @!p1 $0x1082;
	[sflag:s4] =	ssyncset.s32 $0xFFFFF086  }
0x25: {  	[simem:s6], [sflag:s4] =	dma.local [hbm:s3], $0xF7A  }
0x26: {  	[smem:$0x3F9F] =	sst s1;
	(tag) =	ssettag s2;
	_ =	strace s9  }
0x27: {  	s1 =	sld [smem:$0x3FAF]  }
0x28: {  	s2 =	sld [smem:$0x3FB0]  }
0x29: {  	s4 =	sld [smem:$0x3FB2]  }
0x2a: {  	p0 =	seq.s32 s5, $0x0;
	s5 =	sld [smem:$0x3FB3]  }
0x2b: {  	s6 =	sld [smem:$0x3FB4]  }
0x2c: {  	s7 =	sld [smem:$0x3FB5]  }
0x2d: {  	s3 =	simm.s32 $0x108;
	s8 =	sld [smem:$0x3FB6]  }
0x2e: {  	s3 =	simm.s32 @!p0 $0x1082;
	s9 =	sld [smem:$0x3FB7]  }
0x2f: {  	lr =	sadd.s32 s0, s3;
	s0 =	sld [smem:$0x3FAE]  }
0x30: {  	s3 =	sld [smem:$0x3FB1]  }
0x31: {  	[smem:$0x3FBA] =	sst s10  }
0x32: {  	s10 =	sld [smem:$0x3FB8];
	_ =	sdelay $0x3  }
0x33: {  	p0 =	seq.s32 s10, $0x1;
	s10 =	sld [smem:$0x3FBA];
	_ =	sdelay $0x3  }
0x34: {  	[smem:$0x3FBA] =	sst s10  }
0x35: {  	s10 =	sld [smem:$0x3FB9];
	_ =	sdelay $0x3  }
0x36: {  	p1 =	seq.s32 s10, $0x1;
	s10 =	sld [smem:$0x3FBA];
	_ =	sdelay $0x3  }
0x37: {  	[smem:$0x3FBA] =	sst s10  }
0x38: {  	s10 =	sld [smem:$0x3FBB]  }
0x39: {  	_ = 	snop;
	(pc) =	sbr.ind lr, $3  }
0x3a: {  	_ = 	snop  }
0x3b: {  	_ = 	snop  }
0x3c: {  	p2 =	seq.s32 s10, $0x1;
	s10 =	sld [smem:$0x3FBA]  }
0x3d: {  	_ =	shalt  }
0x3e: {  	_ =	shalt  }
0x3f: {  	_ =	shalt  }
0x40: {  	_ =	shalt  }
0x41: {  	_ =	shalt  }
0x42: {  	_ =	shalt  }
0x43: {  	_ =	shalt  }
0x44: {  	_ =	shalt  }
0x45: {  	_ =	shalt  }
0x46: {  	_ =	shalt  }
0x47: {  	_ =	shalt  }
0x48: {  	_ =	shalt  }
0x49: {  	_ =	shalt  }
0x4a: {  	_ =	shalt  }
0x4b: {  	_ =	shalt  }
0x4c: {  	_ =	shalt  }
0x4d: {  	_ =	shalt  }
0x4e: {  	_ =	shalt  }
0x4f: {  	_ =	shalt  }
0x50: {  	_ =	shalt  }
0x51: {  	_ =	shalt  }
0x52: {  	_ =	shalt  }
0x53: {  	_ =	shalt  }
0x54: {  	_ =	shalt  }
0x55: {  	_ =	shalt  }
0x56: {  	_ =	shalt  }
0x57: {  	_ =	shalt  }
0x58: {  	_ =	shalt  }
0x59: {  	_ =	shalt  }
0x5a: {  	_ =	shalt  }
0x5b: {  	_ =	shalt  }
0x5c: {  	_ =	shalt  }
0x5d: {  	_ =	shalt  }
0x5e: {  	_ =	shalt  }
0x5f: {  	_ =	shalt  }
0x60: {  	_ =	shalt  }
0x61: {  	_ =	shalt  }
0x62: {  	_ =	shalt  }
0x63: {  	_ =	shalt  }
0x64: {  	_ =	shalt  }
0x65: {  	_ =	shalt  }
0x66: {  	_ =	shalt  }
0x67: {  	_ =	shalt  }
0x68: {  	_ =	shalt  }
0x69: {  	_ =	shalt  }
0x6a: {  	_ =	shalt  }
0x6b: {  	_ =	shalt  }
0x6c: {  	_ =	shalt  }
0x6d: {  	_ =	shalt  }
0x6e: {  	_ =	shalt  }
0x6f: {  	_ =	shalt  }
0x70: {  	_ =	shalt  }
0x71: {  	_ =	shalt  }
0x72: {  	_ =	shalt  }
0x73: {  	_ =	shalt  }
0x74: {  	_ =	shalt  }
0x75: {  	_ =	shalt  }
0x76: {  	_ =	shalt  }
0x77: {  	_ =	shalt  }
0x78: {  	_ =	shalt  }
0x79: {  	_ =	shalt  }
0x7a: {  	_ =	shalt  }
0x7b: {  	_ =	shalt  }
0x7c: {  	_ =	shalt  }
0x7d: {  	_ =	shalt  }
0x7e: {  	_ =	shalt  }
0x7f: {  	_ =	shalt  }
0x80: {  	_ =	shalt  }
0x81: {  	_ =	shalt  }
0x82: {  	_ =	shalt  }
0x83: {  	_ =	shalt  }
0x84: {  	_ =	shalt  }
0x85: {  	_ =	shalt  }
0x86: {  	_ =	shalt  }
0x87: {  	_ =	shalt  }
.Lfunc_end0:
.L_simem_size_0:
called_computation_lowered:
.L_overlay_start_0:
0x88: {  	s0 =	sld [smem:$0x3FD9]  }
0x89: {  	s1 =	sld [smem:$0x3FFE];
	_ =	sdelay $0x3  }
0x8a: {  	s0 =	sadd.s32 s1, s0  }
0x8b: {  	[smem:$0x3FC6] =	sst s0  }
0x8c: {  	_ = 	snop  }
0x8d: {  	(tm) =	ssettm $0x1  }
0x8e: {  	s15 =	sld [smem:$0x3FFB];
	_ =	sdelay $0x3  }
0x8f: {  	_ =	strace s15  }
0x90: {  	s0 =	sld [smem:$0x3FFC];
	_ =	sdelay $0x3  }
0x91: {  	_ =	strace s0  }
0x92: {  	s0 =	sld [smem:$0x3FFD];
	_ =	sdelay $0x3  }
0x93: {  	_ =	strace s0  }
0x94: {  	_ =	strace $0x8FFFFFFF  }
0x95: {  	s16 =	sld [smem:$0x3FDB];
	_ =	sdelay $0x1  }
0x96: {  	s17 =	simm.s32 $_scs_section_size  }
0x97: {  	s2 =	simm.s32 $_size__tile_overlayer_lowered;
	s3 =	simm.s32 $_tile_overlayer_lowered  }
0x98: {  	s20 =	simm.s32 $0x1BFF;
	s19 =	sshll.u32 s3, $0x1;
	s0 =	sadd.s32 s17, s16  }
0x99: {  	s4 =	simm.s32 $0x0;
	s18 =	sshll.u32 s2, $0x1;
	s2 =	sadd.s32 s19, s0  }
0x9a: {  	[timem:s4], [sflag:s20] =	dma.local [hbm:s2], s18  }
0x9b: {  	_ =	swait.ge [sflag:s20], s18  }
0x9c: {  	s1 =	ssub.s32 $0x0, s18;
	[sflag:s20] =	ssyncset.done $0x0  }
0x9d: {  	[sflag:s20] =	ssyncadd.s32 s1;
	_ =	sdelay $0x1  }
0x9e: {  	s21 =	simm.s32 $0x1B8B  }
0x9f: {  	_ =	swait.ge [sflag:s21], $0x1  }
0xa0: {  	[sflag:s21] =	ssyncset.done $0x0  }
0xa1: {  	s23 =	simm.s32 $0x1B8E;
	s22 =	sld [smem:$0x3FFE];
	[sflag:s21] =	ssyncadd.s32 $0xFFFFFFFF  }
0xa2: {  	s24 =	simm.s32 $execute0_lowered;
	[smem:$0x3FD2] =	sst s23  }
0xa3: {  	s2 =	sshll.u32 s24, $0x1;
	_ =	strace $0x80000046;
	[dreg:$0x1] =	wrdreg $0xFFFFFFFF  }
0xa4: {  	s25 =	simm.s32 $_size_execute0_lowered;
	s0 =	sadd.s32 s0, s2;
	[dreg:$0x0] =	wrdreg $0x0  }
0xa5: {  	s2 =	sshll.u32 s25, $0x1;
	[dreg:$0x2] =	wrdreg s0  }
0xa6: {  	[dreg:$0x3] =	wrdreg s2  }
0xa7: {  	[dreg:$0x4] =	wrdreg $0xC0  }
0xa8: {  	_ =	task [dreg:s4], $0x5FFFF  }
0xa9: {  	[dreg:$0x1] =	wrdreg $0xFFFFFFFF  }
0xaa: {  	[dreg:$0x0] =	wrdreg $0x60  }
0xab: {  	[dreg:$0x2] =	wrdreg s22  }
0xac: {  	[dreg:$0x3] =	wrdreg $0x53800  }
0xad: {  	[dreg:$0x4] =	wrdreg $0x9  }
0xae: {  	_ =	task.clear_ibuf [dreg:s4], $0x5FFFF;
	_ =	strace $0x90000046  }
0xaf: {  	s26 =	simm.s32 $0x9;
	_ =	strace $0x80000048  }
0xb0: {  	_ =	swait.ge [sflag:s26], $0x1  }
0xb1: {  	[sflag:s26] =	ssyncadd.s32 $0xFFFFFFFF  }
0xb2: {  	_ =	strace $0x90000048  }
0xb3: {  	_ =	sfence  }
0xb4: {  	s28 =	sld [smem:$0x0];
	_ =	sdelay $0x1  }
0xb5: {  	s29 =	srdreg.scid  }
0xb6: {  	s30 =	sshll.u32 s29, $0xD;
	s31 =	sshrl.u32 s29, $0x2  }
0xb7: {  	s1 =	sand.u32 $0x1, s29;
	s2 =	sand.u32 $0x4000, s30;
	s0 =	sadd.s32 s31, s28  }
0xb8: {  	s1 =	sor.u32 s2, s1;
	s0 =	sshll.u32 s0, $0x11  }
0xb9: {  	s0 =	sor.u32 s0, s1  }
0xba: {  	s0 =	sadd.s32 $0x8F2B, s0  }
0xbb: {  	[sflag:s0] =	ssyncadd.remote.s32 $0x1  }
0xbc: {  	_ =	sfence.sel $0xFFFF  }
0xbd: {  	[dreg:$0x0] =	wrdreg $0xFFFFFFFF;
	(pc) =	sbr.abs _section_cstart, $3  }
0xbe: {  	[dreg:$0x1] =	wrdreg $0xFFFFFFFF  }
0xbf: {  	_ =	task.clear_ibuf [dreg:s4], $0x2FFFF;
	_ =	strace $0x9FFFFFFF  }
0xc0: {  	(tm) =	ssettm $0x7FFFFFFF  }
0xc1: {  	_ =	shalt  }
tec
execute0_lowered:
.L_overlay_start_1:
0x0: {  	(tag) =	ssettag $0x1  }
0x1: {  	s0 =	stileid.u32  }
0x2: {  	s1 =	rddreg [dreg:$0x0];
	s3 =	smul.u32 $0x500, s0  }
0x3: {  	s2 =	rddreg [dreg:$0x1];
	s0 =	simm.s32 $0x0  }
0x4: {  	[smem:$0x7FF] =	sst s0;
	s4 =	sshrl.u32 s3, $0x3  }
0x5: {  	s5 =	simm.s32 $0x1;
	_ =	strace $0x80000047;
	s4 =	sadd.s32 s1, s4  }
0x6: {  	[tilespmem:s0], [sflag:$0x1] =	stream.linear.gather [hbm4b:s4+s0], $0x500, $0x38;
	[tilespmem:$0x53E0] =	vst v63  }
0x7: {  	_ =	swait.ge [sflag:s5], $0x500  }
0x8: {  	[sflag:s5] =	ssyncset.done $0x0  }
0x9: {  	s7 =	simm.s32 $0x500;
	s6 =	sadd.s32 $0xA00, s4;
	[sflag:s5] =	ssyncadd.s32 $0xFFFFFB00  }
0xa: {  	[tilespmem:s7], [sflag:$0x1] =	stream.linear.gather [hbm4b:s6+s0], $0x500, $0x38;
	[tilespmem:$0x53E0] =	vst v63  }
0xb: {  	_ =	swait.ge [sflag:s5], $0x500  }
0xc: {  	[sflag:s5] =	ssyncset.done $0x0  }
0xd: {  	s28 =	simm.s32 $0xA00;
	s26 =	sadd.s32 $0x1400, s4;
	[sflag:s5] =	ssyncadd.s32 $0xFFFFFB00  }
0xe: {  	[tilespmem:s28], [sflag:$0x1] =	stream.linear.gather [hbm4b:s26+s0], $0x500, $0x38;
	[tilespmem:$0x53E0] =	vst v63  }
0xf: {  	_ =	swait.ge [sflag:s5], $0x500  }
0x10: {  	[sflag:s5] =	ssyncset.done $0x0  }
0x11: {  	s30 =	simm.s32 $0xF00;
	s29 =	sadd.s32 $0x1E00, s4;
	[sflag:s5] =	ssyncadd.s32 $0xFFFFFB00  }
0x12: {  	[tilespmem:s30], [sflag:$0x1] =	stream.linear.gather [hbm4b:s29+s0], $0x500, $0x38;
	[tilespmem:$0x53E0] =	vst v63  }
0x13: {  	_ =	swait.ge [sflag:s5], $0x500  }
0x14: {  	[sflag:s5] =	ssyncset.done $0x0  }
0x15: {  	s31 =	simm.s32 $0x1400;
	s4 =	sadd.s32 $0x2800, s4;
	[sflag:s5] =	ssyncadd.s32 $0xFFFFFB00  }
0x16: {  	[tilespmem:s31], [sflag:$0x1] =	stream.linear.gather [hbm4b:s4+s0], $0x500, $0x38;
	[tilespmem:$0x53E0] =	vst v63  }
0x17: {  	_ =	swait.ge [sflag:s5], $0x500  }
0x18: {  	[sflag:s5] =	ssyncset.done $0x0  }
0x19: {  	v0 =	vimm.f32 $0.0e+00;
	s4 =	sadd.s32 $0x3200, s1;
	[sflag:s5] =	ssyncadd.s32 $0xFFFFFB00  }
.LBB2_1:
0x1a: {  	p0 =	sne.s32 s0, $0x4AC0  }
.Ltmp0:
0x1b: {  	_ = 	snop;
	(pc) =	sbr.rel @p0 .LBB2_1-.Ltmp0, $3  }
0x1c: {  	_ =	sdelay $0x1  }
0x1d: {  	s1 =	sshra.s32 s0, $0x2  }
0x1e: {  	s0 =	sadd.s32 $0x40, s0;
	[tilespmem:s1+$0x4080] =	vst v0  }
0x1f: {  	s1 =	simm.s32 $0x0  }
0x20: {  	v3 =	vld [tilespmem:s1+$0x1400]  }
0x21: {  	v2 =	vimm.f32 $-2.000000000e+00;
	v1 =	vimm.s32 $0x0;
	s0 =	simm.s32 $0x40  }
.LBB2_3:
0x22: {  	p0 =	sne.s32 s0, $0x13C0  }
.Ltmp1:
0x23: {  	_ = 	snop;
	(pc) =	sbr.rel @p0 .LBB2_3-.Ltmp1, $4  }
0x24: {  	_ = 	snop  }
0x25: {  	s1 =	sshra.s32 s0, $0x2;
	s0 =	sadd.s32 $0x40, s0;
	v2 =	vmax.f32 v2, v3;
	vm0 =	vgt.f32 v3, $2.500000000e-01  }
0x26: {  	v3 =	vld [tilespmem:s1+$0x1400];
	v4 =	vsel vm0, $0x3F800000, v1  }
0x27: {  	v0 =	vadd.f32 v4, v0  }
0x28: {  	_ =	sdelay $0x2  }
0x29: {  	v2 =	vmax.f32 v2, v3  }
0x2a: {  	(xrf0) =	vmax.scan.msk.f32 $0xffff, v2;
	_ =	sdelay $0x5  }
0x2b: {  	v2, _, _ =	vpop (xrf0)  }
0x2c: {  	(v2sf) =	vpush v2, $0xF;
	_ =	sdelay $0xd  }
0x2d: {  	vm0 =	vgt.f32 v3, $2.500000000e-01  }
0x2e: {  	v1 =	vsel vm0, $0x3F800000, v1;
	s0 =	spop (v2sf)  }
0x2f: {  	s6 =	simm.f32 $2.500000000e-01;
	v0 =	vadd.f32 v1, v0;
	v1 =	vimm.s32 $0x0;
	s1 =	sadd.f32 $1.000000000e+00, s0;
	s0 =	simm.s32 $0x0  }
.LBB2_5:
0x30: {  	_ = 	snop  }
0x31: {  	s5 =	sadd.f32 s1, s6;
	_ =	sdelay $0x1  }
0x32: {  	s8 =	simm.s32 $0x0;
	s5 =	smul.f32 $5.000000000e-01, s5  }
0x33: {  	v4 =	vld [tilespmem:s8+$0x1400]  }
0x34: {  	v2 =	vimm.f32 $0.0e+00;
	s7 =	simm.s32 $0x40;
	v3 =	vmov s5  }
.LBB2_6:
0x35: {  	p0 =	sne.s32 s7, $0x13C0  }
.Ltmp2:
0x36: {  	_ = 	snop;
	(pc) =	sbr.rel @p0 .LBB2_6-.Ltmp2, $4  }
0x37: {  	_ = 	snop  }
0x38: {  	s8 =	sshra.s32 s7, $0x2;
	s7 =	sadd.s32 $0x40, s7;
	vm0 =	vgt.f32 v4, v3  }
0x39: {  	v4 =	vld [tilespmem:s8+$0x1400];
	v5 =	vsel vm0, $0x3F800000, v1  }
0x3a: {  	v2 =	vadd.f32 v5, v2  }
0x3b: {  	_ =	sdelay $0x2  }
0x3c: {  	vm0 =	vgt.f32 v4, v3  }
0x3d: {  	v3 =	vsel vm0, $0x3F800000, v1  }
0x3e: {  	v2 =	vadd.f32 v3, v2;
	_ =	sdelay $0x1  }
0x3f: {  	(xrf2) =	vadd.scan.msk.f32 $0xffff, v2;
	_ =	sdelay $0x9  }
0x40: {  	v2, _, _ =	vpop (xrf2)  }
0x41: {  	(v2sf) =	vpush v2, $0xF;
	_ =	sdelay $0xe  }
0x42: {  	s7 =	spop (v2sf)  }
0x43: {  	p0 =	sgt.f32 s7, $1.280000000e+02  }
0x44: {  	s0 =	sadd.s32 $0x1, s0  }
0x45: {  	s6 =	smov.u32 @p0 s5;
	s5 =	smov.u32 @p0 s1;
	p0 =	seq.s32 s0, $0x10  }
.Ltmp3:
0x46: {  	_ = 	snop;
	(pc) =	sbr.rel @!p0 .LBB2_5-.Ltmp3, $2  }
0x47: {  	_ =	sdelay $0x2  }
0x48: {  	s1 =	smov.u32 s5  }
0x49: {  	v1 =	vimm.f32 $-1.000000000e+00;
	v2 =	vimm.s32 $0xFFFFFFF9;
	s0 =	simm.s32 $0x40;
	s1 =	simm.s32 $0x0  }
.LBB2_9:
0x4a: {  	p0 =	seq.s32 s0, $0x1400;
	[tilespmem:s1+$0x2F00] =	vst v1;
	s6 =	smov.u32 s0;
	s0 =	sadd.s32 $0x40, s0  }
.Ltmp4:
0x4b: {  	[tilespmem:s1+$0x3480] =	vst v2;
	(pc) =	sbr.rel @!p0 .LBB2_9-.Ltmp4, $2  }
0x4c: {  	_ =	sdelay $0x2  }
0x4d: {  	s1 =	sshra.s32 s6, $0x2  }
0x4e: {  	(xrf2) =	vadd.scan.msk.f32 $0xffff, v0;
	_ =	sdelay $0x9  }
0x4f: {  	v0, _, _ =	vpop (xrf2)  }
0x50: {  	(v2sf) =	vpush v0, $0xF;
	_ =	sdelay $0xc  }
0x51: {  	[tilespmem:s1+$0x2F00] =	vst v1  }
0x52: {  	[tilespmem:s1+$0x3480] =	vst v2;
	s30 =	simm.s32 $0x0  }
0x53: {  	v3 =	vld [tilespmem:s30+$0x1400];
	s7 =	spop (v2sf)  }
0x54: {  	p0 =	sle.f32 s7, $1.280000000e+02;
	_ =	sdelay $0x1  }
0x55: {  	s5 =	simm.s32 @p0 $0x3E800000  }
0x56: {  	v2 =	vmov s5  }
0x57: {  	v0 =	vimm.s32 $0x0;
	vm0 =	vgt.f32 v3, v2  }
0x58: {  	v4 =	vsel vm0, $0x1, v0  }
0x59: {  	(xrf0) =	vadd.scan.msk.s32 $0xffff, v4;
	_ =	sdelay $0x4  }
0x5a: {  	s0 =	simm.s32 $0x0;
	v61 =	vsel vm0, $0xFFFFFFFF, v0  }
0x5b: {  	v4 =	vadd.s32 s0, v61;
	v5, _, _ =	vpop (xrf0)  }
0x5c: {  	v4 =	vadd.s32 v5, v4;
	_ =	sdelay $0x3  }
0x5d: {  	s12 =	simm.s32 $0x2F00  }
0x5e: {  	[tilespmem:v4+s12+$0x0] =	vst.idx.msk vm0, v3  }
0x5f: {  	v3 =	vxor.u32 $0x80000000, v5;
	v62 =	vld [tilespmem:s30+$0x0]  }
0x60: {  	(xrf0) =	vmax.scan.msk.u32 $0xffff, v3;
	_ =	sdelay $0x2  }
0x61: {  	s10 =	simm.s32 $0x1900  }
0x62: {  	[tilespmem:v4+s10+$0x0] =	vst.idx.msk vm0, v62  }
0x63: {  	v3 =	vld [tilespmem:s30+$0x500]  }
0x64: {  	v63, _, _ =	vpop (xrf0)  }
0x65: {  	(v2sf) =	vpush v63, $0xF;
	_ =	sdelay $0x1  }
0x66: {  	s8 =	simm.s32 $0x1E80  }
0x67: {  	[tilespmem:v4+s8+$0x0] =	vst.idx.msk vm0, v3  }
0x68: {  	v3 =	vld [tilespmem:s30+$0xA00];
	_ =	sdelay $0x3  }
0x69: {  	s6 =	simm.s32 $0x2400  }
0x6a: {  	[tilespmem:v4+s6+$0x0] =	vst.idx.msk vm0, v3  }
0x6b: {  	v3 =	vld [tilespmem:s30+$0xF00];
	_ =	sdelay $0x3  }
0x6c: {  	s15 =	simm.s32 $0x2980;
	v1 =	vlaneseq.u32  }
0x6d: {  	s18 =	simm.s32 $0x3480;
	s31 =	spop (v2sf);
	[tilespmem:v4+s15+$0x0] =	vst.idx.msk vm0, v3;
	v3 =	vor.u32 s3, v1  }
0x6e: {  	s9 =	simm.s32 $0x10;
	s0 =	sadd.s32 $0x0, s31;
	[tilespmem:v4+s18+$0x0] =	vst.idx.msk vm0, v3  }
0x6f: {  	s14 =	simm.s32 $0x80;
	s13 =	smov.u32 s3;
	s11 =	sadd.s32 $0x80000000, s0;
	v18 =	vld [tilespmem:s9+$0x1400]  }
.LBB2_11:
0x70: {  	p0 =	sne.s32 s14, $0x13C0;
	_ =	sdelay $0x3  }
0x71: {  	vm0 =	vgt.f32 v18, v2  }
0x72: {  	v3 =	vsel vm0, $0xFFFFFFFF, v0;
	v4 =	vsel vm0, $0x1, v0  }
0x73: {  	(xrf0) =	vadd.scan.msk.s32 $0xffff, v4;
	_ =	sdelay $0x5  }
0x74: {  	v3 =	vadd.s32 s11, v3;
	v4, _, _ =	vpop (xrf0)  }
0x75: {  	v3 =	vadd.s32 v4, v3;
	v4 =	vxor.u32 $0x80000000, v4  }
0x76: {  	(xrf0) =	vmax.scan.msk.u32 $0xffff, v4;
	_ =	sdelay $0x3  }
0x77: {  	[tilespmem:v3+s12+$0x0] =	vst.idx.msk vm0, v18  }
0x78: {  	v4 =	vld [tilespmem:s9+$0x0]  }
0x79: {  	v5, _, _ =	vpop (xrf0)  }
0x7a: {  	(v2sf) =	vpush v5, $0xF;
	_ =	sdelay $0x2  }
0x7b: {  	[tilespmem:v3+s10+$0x0] =	vst.idx.msk vm0, v4  }
0x7c: {  	v4 =	vld [tilespmem:s9+$0x500];
	_ =	sdelay $0x4  }
0x7d: {  	[tilespmem:v3+s8+$0x0] =	vst.idx.msk vm0, v4  }
0x7e: {  	v4 =	vld [tilespmem:s9+$0xA00];
	_ =	sdelay $0x4  }
0x7f: {  	[tilespmem:v3+s6+$0x0] =	vst.idx.msk vm0, v4;
	s0 =	spop (v2sf)  }
0x80: {  	v4 =	vld [tilespmem:s9+$0xF00];
	s0 =	sadd.s32 s0, s11  }
0x81: {  	s11 =	sadd.s32 $0x80000000, s0;
	_ =	sdelay $0x1  }
.Ltmp5:
0x82: {  	(pc) =	sbr.rel @p0 .LBB2_11-.Ltmp5, $4  }
0x83: {  	s13 =	sadd.s32 $0x10, s13  }
0x84: {  	[tilespmem:v3+s15+$0x0] =	vst.idx.msk vm0, v4;
	v4 =	vor.u32 s13, v1  }
0x85: {  	s9 =	sshra.s32 s14, $0x2;
	[tilespmem:v3+s18+$0x0] =	vst.idx.msk vm0, v4  }
0x86: {  	s14 =	sadd.s32 $0x40, s14;
	v18 =	vld [tilespmem:s9+$0x1400]  }
0x87: {  	v9 =	vimm.f32 $-1.000000000e+00;
	v10 =	vimm.s32 $0xFFFFFFF9  }
0x88: {  	v11 =	vimm.s32 $0x0;
	vm11 =	vcmask $0x1714;
	vm1 =	vcmask $0x3F38  }
0x89: {  	vm2 =	vcmask $0x1F18;
	vm3 =	vcmask $0x3F34;
	vm4 =	vcmask $0x1F14  }
0x8a: {  	vm5 =	vcmask $0x1310;
	vm9 =	vcmask $0xF0C;
	vm12 =	vcmask $0x1F10  }
0x8b: {  	v12 =	vimm.s32 $0x0;
	vm6 =	vcmask $0x1F0C;
	v13 =	vimm.s32 $0xA8A09890  }
0x8c: {  	v14 =	vimm.s32 $0x18100800;
	v15 =	vimm.s32 $0x48403830;
	v16 =	vimm.s32 $0x79716961  }
0x8d: {  	v17 =	vimm.s32 $0xA9A19991;
	v19 =	vimm.s32 $0x19110901;
	v20 =	vimm.s32 $0x49413931  }
0x8e: {  	v21 =	vimm.s32 $0x0;
	v22 =	vimm.s32 $0x1C140C04;
	v23 =	vimm.s32 $0x4C443C34  }
0x8f: {  	v24 =	vimm.s32 $0x4D453D35;
	vm14 =	vcmask $0x1B18;
	vm13 =	vcmask $0x1F1C  }
0x90: {  	v25 =	vimm.s32 $0x228;
	v26 =	vimm.s32 $0x229;
	v27 =	vimm.s32 $0x22A  }
0x91: {  	v28 =	vimm.s32 $0x22B;
	v29 =	vimm.s32 $0x22C;
	v30 =	vimm.s32 $0x22D  }
0x92: {  	v31 =	vimm.s32 $0x2E8;
	v32 =	vimm.s32 $0x2E9;
	v33 =	vimm.s32 $0x2EA  }
0x93: {  	s0 =	sadd.s32 $0x10, s13;
	v34 =	vimm.s32 $0x2EB;
	v35 =	vimm.s32 $0x2EC;
	v38 =	vimm.s32 $0x2ED  }
0x94: {  	vm15 =	vcmask $0x2F2C;
	v37 =	vor.u32 s0, v1;
	vm0 =	vmor vm2, vm1  }
0x95: {  	vm7 =	vmor vm4, vm3;
	vm4 =	vcmask $0x3F30;
	v13 =	vunpack.c.0.s8.s32 v13  }
0x96: {  	v14 =	vunpack.c.0.s8.s32 v14;
	v15 =	vunpack.c.0.s8.s32 v15;
	v16 =	vunpack.c.0.s8.s32 v16  }
0x97: {  	v17 =	vunpack.c.0.s8.s32 v17;
	v19 =	vunpack.c.0.s8.s32 v19;
	v20 =	vunpack.c.0.s8.s32 v20  }
0x98: {  	v24 =	vunpack.c.0.s8.s32 v24;
	vm3 =	vmmov vm0;
	vm0 =	vmor vm12, vm4  }
0x99: {  	vm4 =	vcmask $0x3F2C;
	v12 =	vsel vm0, $0xFFFFFFFF, v12;
	vm0 =	vcmask $0xB08  }
0x9a: {  	vm1 =	vmor vm6, vm4;
	vm4 =	vcmask $0x3F28;
	vm6 =	vcmask $0x1F08  }
0x9b: {  	vm10 =	vgt.f32 v18, v2;
	[tilespmem:$0x1FFD0] =	vst v12;
	v12 =	vimm.s32 $0x0;
	vm2 =	vmor vm6, vm4  }
0x9c: {  	vm6 =	vcmask $0x300;
	vm4 =	vcmask $0xF00;
	v2 =	vsel vm10, $0x1, v0  }
0x9d: {  	v0 =	vsel vm10, $0xFFFFFFFF, v0;
	v12 =	vsel vm1, $0xFFFFFFFF, v12;
	vm1 =	vcmask $0x704  }
0x9e: {  	v21 =	vsel vm2, $0xFFFFFFFF, v21;
	vm2 =	vcmask $0x2320;
	v25 =	vsel vm6, $0x180, v25  }
0x9f: {  	v26 =	vsel vm6, $0x181, v26;
	v27 =	vsel vm6, $0x182, v27;
	v28 =	vsel vm6, $0x183, v28  }
0xa0: {  	v29 =	vsel vm6, $0x184, v29;
	v30 =	vsel vm6, $0x185, v30;
	v31 =	vsel vm6, $0x240, v31  }
0xa1: {  	v32 =	vsel vm6, $0x241, v32;
	v33 =	vsel vm6, $0x242, v33;
	v34 =	vsel vm6, $0x243, v34  }
0xa2: {  	v35 =	vsel vm6, $0x244, v35;
	v38 =	vsel vm6, $0x245, v38;
	v0 =	vadd.s32 s11, v0;
	[tilespmem:$0x1FFE0] =	vst v12  }
0xa3: {  	v12 =	vimm.s32 $0x78706860;
	[tilespmem:$0x1FFF0] =	vst v21;
	v21 =	vimm.s32 $0xACA49C94;
	v25 =	vsel vm1, $0x188, v25  }
0xa4: {  	v26 =	vsel vm1, $0x189, v26;
	v27 =	vsel vm1, $0x18A, v27;
	v28 =	vsel vm1, $0x18B, v28  }
0xa5: {  	v29 =	vsel vm1, $0x18C, v29;
	v30 =	vsel vm1, $0x18D, v30;
	v31 =	vsel vm1, $0x248, v31  }
0xa6: {  	v32 =	vsel vm1, $0x249, v32;
	v33 =	vsel vm1, $0x24A, v33;
	v34 =	vsel vm1, $0x24B, v34  }
0xa7: {  	v35 =	vsel vm1, $0x24C, v35;
	v38 =	vsel vm1, $0x24D, v38;
	v12 =	vunpack.c.0.s8.s32 v12  }
0xa8: {  	v21 =	vunpack.c.0.s8.s32 v21;
	v25 =	vsel vm0, $0x190, v25;
	v26 =	vsel vm0, $0x191, v26  }
0xa9: {  	v27 =	vsel vm0, $0x192, v27;
	v28 =	vsel vm0, $0x193, v28;
	v29 =	vsel vm0, $0x194, v29  }
0xaa: {  	v30 =	vsel vm0, $0x195, v30;
	v31 =	vsel vm0, $0x250, v31;
	v32 =	vsel vm0, $0x251, v32  }
0xab: {  	v33 =	vsel vm0, $0x252, v33;
	v34 =	vsel vm0, $0x253, v34;
	v35 =	vsel vm0, $0x254, v35  }
0xac: {  	v38 =	vsel vm0, $0x255, v38;
	v25 =	vsel vm9, $0x198, v25;
	v26 =	vsel vm9, $0x199, v26  }
0xad: {  	v27 =	vsel vm9, $0x19A, v27;
	v28 =	vsel vm9, $0x19B, v28;
	v29 =	vsel vm9, $0x19C, v29  }
0xae: {  	v30 =	vsel vm9, $0x19D, v30;
	v31 =	vsel vm9, $0x258, v31;
	v32 =	vsel vm9, $0x259, v32  }
0xaf: {  	v33 =	vsel vm9, $0x25A, v33;
	v34 =	vsel vm9, $0x25B, v34;
	v35 =	vsel vm9, $0x25C, v35  }
0xb0: {  	v38 =	vsel vm9, $0x25D, v38;
	v12 =	vsel vm12, v13, v12;
	v13 =	vsel vm12, v15, v14  }
0xb1: {  	v14 =	vsel vm12, v17, v16;
	v15 =	vsel vm12, v20, v19;
	v16 =	vimm.s32 $0x7A726A62  }
0xb2: {  	v17 =	vimm.s32 $0x4A423A32;
	v19 =	vimm.s32 $0x4B433B33;
	v20 =	vimm.s32 $0x7C746C64  }
0xb3: {  	v25 =	vsel vm5, $0x1B0, v25;
	v26 =	vsel vm5, $0x1B1, v26;
	v27 =	vsel vm5, $0x1B2, v27  }
0xb4: {  	v28 =	vsel vm5, $0x1B3, v28;
	v29 =	vsel vm5, $0x1B4, v29;
	v30 =	vsel vm5, $0x1B5, v30  }
0xb5: {  	v31 =	vsel vm5, $0x270, v31;
	v32 =	vsel vm5, $0x271, v32;
	v33 =	vsel vm5, $0x272, v33  }
0xb6: {  	v34 =	vsel vm5, $0x273, v34;
	v35 =	vsel vm5, $0x274, v35;
	v38 =	vsel vm5, $0x275, v38  }
0xb7: {  	v12 =	vcombine.low v13, v12;
	v13 =	vcombine.low v15, v14;
	v14 =	vunpack.c.0.s8.s32 v16  }
0xb8: {  	v15 =	vimm.s32 $0xAAA29A92;
	v16 =	vimm.s32 $0x1A120A02;
	v17 =	vunpack.c.0.s8.s32 v17  }
0xb9: {  	v19 =	vunpack.c.0.s8.s32 v19;
	v20 =	vunpack.c.0.s8.s32 v20;
	v25 =	vsel vm11, $0x1B8, v25  }
0xba: {  	v26 =	vsel vm11, $0x1B9, v26;
	v27 =	vsel vm11, $0x1BA, v27;
	v28 =	vsel vm11, $0x1BB, v28  }
0xbb: {  	v29 =	vsel vm11, $0x1BC, v29;
	v30 =	vsel vm11, $0x1BD, v30;
	v31 =	vsel vm11, $0x278, v31  }
0xbc: {  	v32 =	vsel vm11, $0x279, v32;
	v33 =	vsel vm11, $0x27A, v33;
	v34 =	vsel vm11, $0x27B, v34  }
0xbd: {  	v35 =	vsel vm11, $0x27C, v35;
	v38 =	vsel vm11, $0x27D, v38;
	v15 =	vunpack.c.0.s8.s32 v15  }
0xbe: {  	v16 =	vunpack.c.0.s8.s32 v16;
	v25 =	vsel vm14, $0x1C0, v25;
	v26 =	vsel vm14, $0x1C1, v26  }
0xbf: {  	v27 =	vsel vm14, $0x1C2, v27;
	v28 =	vsel vm14, $0x1C3, v28;
	v29 =	vsel vm14, $0x1C4, v29  }
0xc0: {  	(xrf0) =	vadd.scan.msk.s32 $0xffff, v2;
	v30 =	vsel vm14, $0x1C5, v30;
	v31 =	vsel vm14, $0x280, v31;
	v32 =	vsel vm14, $0x281, v32  }
0xc1: {  	v33 =	vsel vm14, $0x282, v33;
	v34 =	vsel vm14, $0x283, v34;
	v35 =	vsel vm14, $0x284, v35  }
0xc2: {  	v38 =	vsel vm14, $0x285, v38;
	v12 =	vand.u32 $0xFF, v12;
	v13 =	vand.u32 $0xFF, v13  }
0xc3: {  	v25 =	vsel vm13, $0x1C8, v25;
	v26 =	vsel vm13, $0x1C9, v26;
	v27 =	vsel vm13, $0x1CA, v27  }
0xc4: {  	v28 =	vsel vm13, $0x1CB, v28;
	v29 =	vsel vm13, $0x1CC, v29;
	v30 =	vsel vm13, $0x1CD, v30  }
0xc5: {  	v31 =	vsel vm13, $0x288, v31;
	v32 =	vsel vm13, $0x289, v32;
	v33 =	vsel vm13, $0x28A, v33  }
0xc6: {  	v2, _, _ =	vpop (xrf0);
	v34 =	vsel vm13, $0x28B, v34;
	v35 =	vsel vm13, $0x28C, v35;
	v38 =	vsel vm13, $0x28D, v38  }
0xc7: {  	v3 =	vxor.u32 $0x80000000, v2;
	v36 =	vadd.s32 v2, v0;
	v0 =	vlaneseq.u32  }
0xc8: {  	v14 =	vsel vm12, v15, v14;
	v15 =	vsel vm12, v17, v16;
	v16 =	vimm.s32 $0xABA39B93  }
0xc9: {  	v17 =	vimm.s32 $0x1B130B03;
	v25 =	vsel vm2, $0x1E0, v25;
	v26 =	vsel vm2, $0x1E1, v26  }
0xca: {  	v27 =	vsel vm2, $0x1E2, v27;
	v28 =	vsel vm2, $0x1E3, v28;
	v29 =	vsel vm2, $0x1E4, v29  }
0xcb: {  	v30 =	vsel vm2, $0x1E5, v30;
	v31 =	vsel vm2, $0x2A0, v31;
	v32 =	vsel vm2, $0x2A1, v32  }
0xcc: {  	v33 =	vsel vm2, $0x2A2, v33;
	v34 =	vsel vm2, $0x2A3, v34;
	v35 =	vsel vm2, $0x2A4, v35  }
0xcd: {  	v38 =	vsel vm2, $0x2A5, v38;
	(xrf0) =	vmax.scan.msk.u32 $0xffff, v3;
	v1 =	vor.u32 $0x80000000, v0;
	v3 =	vor.u32 $0x80000020, v0  }
0xce: {  	v4 =	vor.u32 $0x80000030, v0;
	v5 =	vor.u32 $0x80000040, v0;
	v6 =	vor.u32 $0x80000050, v0  }
0xcf: {  	v7 =	vor.u32 $0x80000060, v0;
	v8 =	vor.u32 $0x80000070, v0;
	v17 =	vunpack.c.0.s8.s32 v17  }
0xd0: {  	v14 =	vcombine.low v15, v14;
	v15 =	vimm.s32 $0x7B736B63;
	v16 =	vunpack.c.0.s8.s32 v16  }
0xd1: {  	v15 =	vunpack.c.0.s8.s32 v15;
	v17 =	vsel vm12, v19, v17;
	v19 =	vsel vm12, v21, v20  }
0xd2: {  	v20 =	vimm.s32 $0x7D756D65;
	v21 =	vimm.s32 $0xD8D0C8C0;
	v14 =	vand.u32 $0xFF, v14  }
0xd3: {  	v15 =	vsel vm12, v16, v15;
	v16 =	vunpack.c.0.s8.s32 v22;
	v22 =	vunpack.c.0.s8.s32 v23  }
0xd4: {  	v20 =	vunpack.c.0.s8.s32 v20;
	v23 =	vimm.s32 $0x1D150D05;
	v21 =	vunpack.c.0.s8.s32 v21  }
0xd5: {  	v15 =	vcombine.low v17, v15;
	v16 =	vsel vm12, v22, v16;
	v22 =	vimm.s32 $0xADA59D95  }
0xd6: {  	v23 =	vunpack.c.0.s8.s32 v23;
	v21 =	vand.u32 $0xFF, v21;
	v22 =	vunpack.c.0.s8.s32 v22  }
0xd7: {  	v2, _, _ =	vpop (xrf0);
	v16 =	vcombine.low v16, v19;
	v17 =	vnsel vm4, $0x168, v21;
	v15 =	vand.u32 $0xFF, v15  }
0xd8: {  	(v2sf) =	vpush v2, $0xF;
	v2 =	vor.u32 $0x80000010, v0;
	v17 =	vsel vm5, $0xF0, v17  }
0xd9: {  	v19 =	vsel vm12, v22, v20;
	v20 =	vsel vm12, v24, v23;
	v21 =	vsel vm11, $0xF8, v17  }
0xda: {  	v17 =	vimm.s32 $0xD9D1C9C1;
	v22 =	vimm.s32 $0xDAD2CAC2;
	v24 =	vimm.s32 $0xDDD5CDC5  }
0xdb: {  	vm12 =	vcmask $0x2724;
	v16 =	vand.u32 $0xFF, v16;
	v23 =	vunpack.c.0.s8.s32 v17  }
0xdc: {  	v22 =	vunpack.c.0.s8.s32 v22;
	v17 =	vcombine.low v20, v19;
	v19 =	vsel vm14, $0x100, v21  }
0xdd: {  	v24 =	vunpack.c.0.s8.s32 v24;
	v25 =	vsel vm12, $0x1E8, v25;
	v26 =	vsel vm12, $0x1E9, v26  }
0xde: {  	v27 =	vsel vm12, $0x1EA, v27;
	v28 =	vsel vm12, $0x1EB, v28;
	v29 =	vsel vm12, $0x1EC, v29  }
0xdf: {  	v30 =	vsel vm12, $0x1ED, v30;
	v31 =	vsel vm12, $0x2A8, v31;
	v32 =	vsel vm12, $0x2A9, v32  }
0xe0: {  	v33 =	vsel vm12, $0x2AA, v33;
	v34 =	vsel vm12, $0x2AB, v34;
	v35 =	vsel vm12, $0x2AC, v35  }
0xe1: {  	v38 =	vsel vm12, $0x2AD, v38;
	v19 =	vsel vm13, $0x108, v19;
	v20 =	vand.u32 $0xFF, v23  }
0xe2: {  	v21 =	vand.u32 $0xFF, v22;
	v22 =	vimm.s32 $0xDBD3CBC3;
	v23 =	vimm.s32 $0xDCD4CCC4  }
0xe3: {  	v19 =	vsel vm2, $0x120, v19;
	v24 =	vand.u32 $0xFF, v24;
	v17 =	vand.u32 $0xFF, v17  }
0xe4: {  	v22 =	vunpack.c.0.s8.s32 v22;
	v23 =	vunpack.c.0.s8.s32 v23;
	v20 =	vnsel vm4, $0x169, v20  }
0xe5: {  	v21 =	vnsel vm4, $0x16A, v21;
	v24 =	vnsel vm4, $0x16D, v24;
	v19 =	vsel vm12, $0x128, v19  }
0xe6: {  	v20 =	vsel vm5, $0xF1, v20;
	v21 =	vsel vm5, $0xF2, v21;
	v24 =	vsel vm5, $0xF5, v24  }
0xe7: {  	v22 =	vand.u32 $0xFF, v22;
	v23 =	vand.u32 $0xFF, v23;
	v20 =	vsel vm11, $0xF9, v20  }
0xe8: {  	v21 =	vsel vm11, $0xFA, v21;
	v24 =	vsel vm11, $0xFD, v24;
	v22 =	vnsel vm4, $0x16B, v22  }
0xe9: {  	v23 =	vnsel vm4, $0x16C, v23;
	v20 =	vsel vm14, $0x101, v20;
	v21 =	vsel vm14, $0x102, v21  }
0xea: {  	v24 =	vsel vm14, $0x105, v24;
	v22 =	vsel vm5, $0xF3, v22;
	v23 =	vsel vm5, $0xF4, v23  }
0xeb: {  	v20 =	vsel vm13, $0x109, v20;
	v21 =	vsel vm13, $0x10A, v21;
	v24 =	vsel vm13, $0x10D, v24  }
0xec: {  	v22 =	vsel vm11, $0xFB, v22;
	v23 =	vsel vm11, $0xFC, v23;
	v20 =	vsel vm2, $0x121, v20  }
0xed: {  	v21 =	vsel vm2, $0x122, v21;
	v24 =	vsel vm2, $0x125, v24;
	v22 =	vsel vm14, $0x103, v22  }
0xee: {  	v23 =	vsel vm14, $0x104, v23;
	vm14 =	vcmask $0x2B28;
	v20 =	vsel vm12, $0x129, v20  }
0xef: {  	v21 =	vsel vm12, $0x12A, v21;
	v24 =	vsel vm12, $0x12D, v24;
	v19 =	vsel vm14, $0x130, v19  }
0xf0: {  	v22 =	vsel vm13, $0x10B, v22;
	v23 =	vsel vm13, $0x10C, v23;
	v20 =	vsel vm14, $0x131, v20  }
0xf1: {  	v21 =	vsel vm14, $0x132, v21;
	v24 =	vsel vm14, $0x135, v24;
	v25 =	vsel vm14, $0x1F0, v25  }
0xf2: {  	v26 =	vsel vm14, $0x1F1, v26;
	v27 =	vsel vm14, $0x1F2, v27;
	v28 =	vsel vm14, $0x1F3, v28  }
0xf3: {  	v29 =	vsel vm14, $0x1F4, v29;
	v30 =	vsel vm14, $0x1F5, v30;
	v31 =	vsel vm14, $0x2B0, v31  }
0xf4: {  	v32 =	vsel vm14, $0x2B1, v32;
	v33 =	vsel vm14, $0x2B2, v33;
	v34 =	vsel vm14, $0x2B3, v34  }
0xf5: {  	[tilespmem:v36+s12+$0x0] =	vst.idx.msk vm10, v18;
	v18 =	vsel vm14, $0x2B4, v35;
	v58 =	vsel vm14, $0x2B5, v38;
	vm13 =	vcmask $0x3734  }
0xf6: {  	v19 =	vsel vm15, $0x138, v19;
	v22 =	vsel vm2, $0x123, v22;
	v23 =	vsel vm2, $0x124, v23  }
0xf7: {  	v59 =	vld [tilespmem:s9+$0x0];
	v20 =	vsel vm15, $0x139, v20;
	v21 =	vsel vm15, $0x13A, v21;
	v24 =	vsel vm15, $0x13D, v24  }
0xf8: {  	v25 =	vsel vm15, $0x1F8, v25;
	v26 =	vsel vm15, $0x1F9, v26;
	v27 =	vsel vm15, $0x1FA, v27  }
0xf9: {  	v28 =	vsel vm15, $0x1FB, v28;
	v29 =	vsel vm15, $0x1FC, v29;
	v30 =	vsel vm15, $0x1FD, v30  }
0xfa: {  	v31 =	vsel vm15, $0x2B8, v31;
	v32 =	vsel vm15, $0x2B9, v32;
	v33 =	vsel vm15, $0x2BA, v33  }
0xfb: {  	v34 =	vsel vm15, $0x2BB, v34;
	v60 =	vsel vm15, $0x2BC, v18;
	v35 =	vsel vm15, $0x2BD, v58  }
0xfc: {  	[tilespmem:v36+s10+$0x0] =	vst.idx.msk vm10, v59;
	v22 =	vsel vm12, $0x12B, v22;
	v23 =	vsel vm12, $0x12C, v23;
	vm12 =	vcmask $0x3330  }
0xfd: {  	v39 =	vld [tilespmem:s9+$0x500];
	v19 =	vsel vm12, $0x150, v19;
	v22 =	vsel vm14, $0x133, v22;
	v23 =	vsel vm14, $0x134, v23  }
0xfe: {  	vm14 =	vcmask $0x3B38;
	v20 =	vsel vm12, $0x151, v20;
	v21 =	vsel vm12, $0x152, v21  }
0xff: {  	v61 =	vsel vm12, $0x2D2, v33;
	v62 =	vsel vm12, $0x2D3, v34;
	v63 =	vsel vm12, $0x2D4, v60  }
0x100: {  	v35 =	vsel vm12, $0x2D5, v35;
	v19 =	vsel vm13, $0x158, v19;
	v22 =	vsel vm15, $0x13B, v22  }
0x101: {  	v23 =	vsel vm15, $0x13C, v23;
	v33 =	vsel vm13, $0x2DB, v62;
	v34 =	vsel vm13, $0x2DC, v63  }
0x102: {  	[tilespmem:v36+s8+$0x0] =	vst.idx.msk vm10, v39;
	v35 =	vsel vm13, $0x2DD, v35;
	vm15 =	vcmask $0x3F08;
	v18 =	vsel vm14, $0x160, v19  }
0x103: {  	v39 =	vld [tilespmem:s9+$0xA00];
	v19 =	vsel vm13, $0x159, v20;
	v20 =	vsel vm13, $0x15A, v21;
	v21 =	vsel vm12, $0x153, v22  }
0x104: {  	v22 =	vsel vm12, $0x154, v23;
	v23 =	vsel vm12, $0x155, v24;
	v24 =	vsel vm12, $0x210, v25  }
0x105: {  	s31 =	stileid.u32;
	s13 =	simm.s32 $0x3480;
	s26 =	spop (v2sf);
	v25 =	vsel vm12, $0x211, v26;
	v26 =	vsel vm12, $0x212, v27;
	v27 =	vsel vm12, $0x213, v28  }
0x106: {  	s14 =	simm.s32 $0x4080;
	s17 =	simm.s32 $0x3A80;
	s0 =	sadd.s32 s26, s11;
	v28 =	vsel vm12, $0x214, v29;
	v29 =	vsel vm12, $0x215, v30;
	v30 =	vsel vm12, $0x2D0, v31  }
0x107: {  	s20 =	simm.s32 $0x0;
	s16 =	smul.u32 $0xC0, s31;
	s0 =	sadd.s32 $0x80000000, s0;
	v31 =	vsel vm12, $0x2D1, v32;
	v32 =	vsel vm13, $0x2DA, v61;
	v33 =	vsel vm14, $0x2E3, v33  }
0x108: {  	s12 =	simm.s32 $0x2980;
	s10 =	simm.s32 $0x1E80;
	[tilespmem:v36+s6+$0x0] =	vst.idx.msk vm10, v39;
	v34 =	vsel vm14, $0x2E4, v34;
	v35 =	vsel vm14, $0x2E5, v35;
	vm12 =	vcmask $0x3F14;
	s1 =	sadd.s32 $0xF, s0  }
0x109: {  	s8 =	simm.s32 $0x1;
	s6 =	simm.s32 $0x1;
	v39 =	vld [tilespmem:s9+$0xF00];
	v19 =	vsel vm14, $0x161, v19;
	v20 =	vsel vm14, $0x162, v20;
	v21 =	vsel vm13, $0x15B, v21;
	s28 =	sand.u32 $0xF, s1  }
0x10a: {  	s9 =	simm.s32 $0x0;
	v22 =	vsel vm13, $0x15C, v22;
	v23 =	vsel vm13, $0x15D, v23;
	v24 =	vsel vm13, $0x218, v24;
	p0 =	slt.s32 s1, $0x1;
	p1 =	sne.s32 s28, $0x0  }
0x10b: {  	v25 =	vsel vm13, $0x219, v25;
	v26 =	vsel vm13, $0x21A, v26;
	v27 =	vsel vm13, $0x21B, v27;
	s0 =	scvt.s32.f32 s0;
	s29 =	sshra.s32 s1, $0x1F;
	p0 =	por !p0, !p1  }
0x10c: {  	s11 =	simm.s32 $0x2400;
	v28 =	vsel vm13, $0x21C, v28;
	v29 =	vsel vm13, $0x21D, v29;
	v30 =	vsel vm13, $0x2D8, v30;
	s30 =	sshrl.u32 s29, $0x1C;
	p0 =	por !p0, !p0  }
.Ltmp6:
0x10d: {  	v31 =	vsel vm13, $0x2D9, v31;
	v32 =	vsel vm14, $0x2E2, v32;
	vm13 =	vcmask $0x3F10;
	s8 =	simm.s32 @!p0 $0x0;
	p0 =	sgt.f32 s7, s0;
	(pc) =	sbr.rel .LBB2_13-.Ltmp6, $4  }
0x10e: {  	v21 =	vsel vm14, $0x163, v21;
	v22 =	vsel vm14, $0x164, v22;
	v23 =	vsel vm14, $0x165, v23;
	s1 =	sadd.s32 s30, s1;
	[tilespmem:v36+s15+$0x0] =	vst.idx.msk vm10, v39;
	s15 =	sshrl.u32 s16, $0x2;
	s16 =	simm.s32 $0x3A00  }
0x10f: {  	v24 =	vsel vm14, $0x220, v24;
	v25 =	vsel vm14, $0x221, v25;
	v26 =	vsel vm14, $0x222, v26;
	s1 =	sshra.s32 s1, $0x4;
	[tilespmem:v36+s18+$0x0] =	vst.idx.msk vm10, v37;
	s18 =	simm.s32 $0x0;
	s0 =	simm.s32 @!p0 $0x0  }
0x110: {  	v27 =	vsel vm14, $0x223, v27;
	v28 =	vsel vm14, $0x224, v28;
	v29 =	vsel vm14, $0x225, v29;
	s7 =	simm.s32 $0x2F00;
	s19 =	ssub.s32 s1, s8;
	s0 =	simm.s32 @p0 $0x1  }
0x111: {  	v30 =	vsel vm14, $0x2E0, v30;
	v31 =	vsel vm14, $0x2E1, v31;
	vm14 =	vcmask $0x3F0C;
	s8 =	simm.s32 $0x1900;
	[smem:$0x7FD] =	sst s0;
	s0 =	simm.s32 $0x1  }
.LBB2_75:
0x112: {  	p0 =	sgt.s32 s21, s9;
	p1 =	slt.s32 s21, $0x12C  }
0x113: {  	p0 =	por !p0, !p1  }
0x114: {  	s0 =	simm.s32 $0x1;
	p0 =	por !p0, !p0  }
0x115: {  	s9 =	smov.u32 s21;
	s0 =	simm.s32 @!p0 $0x0  }
.LBB2_76:
0x116: {  	s18 =	sadd.s32 $0x1, s18  }
0x117: {  	p0 =	sne.s32 s18, $0x12C  }
.Ltmp7:
0x118: {  	_ = 	snop;
	(pc) =	sbr.rel @!p0 .LBB2_77-.Ltmp7, $1  }
0x119: {  	_ =	sdelay $0x3  }
.LBB2_13:
0x11a: {  	p1 =	sne.s32 s0, $0x1  }
.Ltmp8:
0x11b: {  	_ = 	snop;
	(pc) =	sbr.rel @p1 .LBB2_14-.Ltmp8, $1  }
0x11c: {  	_ =	sdelay $0x3  }
0x11d: {  	p1 =	seq.s32 s20, $0x0  }
.Ltmp9:
0x11e: {  	_ = 	snop;
	(pc) =	sbr.rel @p1 .LBB2_22-.Ltmp9, $1  }
0x11f: {  	_ =	sdelay $0x3  }
0x120: {  	p1 =	slt.s32 s19, $0x1  }
.Ltmp10:
0x121: {  	_ = 	snop;
	(pc) =	sbr.rel @p1 .LBB2_17-.Ltmp10, $2  }
0x122: {  	_ =	sdelay $0x2  }
0x123: {  	v36 =	vimm.f32 $-2.000000000e+00  }
0x124: {  	s0 =	simm.s32 $0x2F00  }
0x125: {  	p1 =	sne.s32 s19, $0x1;
	v37 =	vld [tilespmem:s0+$0x0]  }
.Ltmp11:
0x126: {  	_ = 	snop;
	(pc) =	sbr.rel @!p1 .LBB2_20-.Ltmp11, $3  }
0x127: {  	_ =	sdelay $0x1  }
0x128: {  	s0 =	simm.s32 $0x0  }
0x129: {  	v38 =	vimm.s32 $0x0;
	s1 =	sadd.s32 $0xFFFFFFFF, s19;
	s21 =	simm.s32 $0x2F10;
	v39 =	vor.u32 s0, v0;
	vm4 =	vgt.f32 v37, v36  }
.LBB2_19:
0x12a: {  	p1 =	sne.s32 s1, $0x1;
	s1 =	sadd.s32 $0xFFFFFFFF, s1;
	v36 =	vsel vm4, v37, v36;
	v37 =	vld [tilespmem:s21+$0x0];
	v38 =	vsel vm4, v39, v38  }
.Ltmp12:
0x12b: {  	(pc) =	sbr.rel @p1 .LBB2_19-.Ltmp12, $3  }
0x12c: {  	_ =	sdelay $0x1  }
0x12d: {  	s0 =	sadd.s32 $0x10, s0  }
0x12e: {  	s21 =	sadd.s32 $0x10, s21;
	v39 =	vor.u32 s0, v0;
	vm4 =	vgt.f32 v37, v36  }
.LBB2_20:
.Ltmp13:
0x12f: {  	(pc) =	sbr.rel .LBB2_21-.Ltmp13, $3  }
0x130: {  	_ =	sdelay $0x1  }
0x131: {  	v38 =	vsel vm4, v39, v38  }
0x132: {  	v36 =	vsel vm4, v37, v36;
	v37 =	vxor.u32 $0x80000000, v38  }
.LBB2_14:
.Ltmp14:
0x133: {  	(pc) =	sbr.rel .LBB2_76-.Ltmp14, $2  }
0x134: {  	_ =	sdelay $0x2  }
0x135: {  	s0 =	simm.s32 $0x0  }
.LBB2_22:
0x136: {  	v36 =	vld [tilespmem:$0x2F00];
	_ =	sdelay $0x1  }
0x137: {  	v37 =	vld [tilespmem:$0x2F10];
	_ =	sdelay $0x1  }
0x138: {  	v38 =	vld [tilespmem:$0x2F20]  }
0x139: {  	vm4 =	vgt.f32 v36, $-2.000000000e+00  }
0x13a: {  	v39 =	vld [tilespmem:$0x2F30];
	v36 =	vnsel vm4, $0xC0000000, v36  }
0x13b: {  	vm6 =	vgt.f32 v37, v36  }
0x13c: {  	v56 =	vld [tilespmem:$0x2F40];
	v36 =	vsel vm6, v37, v36  }
0x13d: {  	vm8 =	vgt.f32 v38, v36  }
0x13e: {  	v57 =	vld [tilespmem:$0x2F50];
	v36 =	vsel vm8, v38, v36  }
0x13f: {  	vm10 =	vgt.f32 v39, v36  }
0x140: {  	vm9 =	vmmov vm7;
	vm7 =	vmmov vm5;
	v58 =	vld [tilespmem:$0x2F60];
	v36 =	vsel vm10, v39, v36  }
0x141: {  	vm5 =	vmmov vm3;
	vm3 =	vmmov vm11;
	vm11 =	vgt.f32 v56, v36  }
0x142: {  	v59 =	vld [tilespmem:$0x2F70];
	v36 =	vsel vm11, v56, v36  }
0x143: {  	vm0 =	vgt.f32 v57, v36  }
0x144: {  	v36 =	vsel vm0, v57, v36  }
0x145: {  	vm2 =	vgt.f32 v58, v36  }
0x146: {  	v36 =	vsel vm2, v58, v36  }
0x147: {  	vm1 =	vgt.f32 v59, v36  }
0x148: {  	v36 =	vsel vm1, v59, v36  }
0x149: {  	(xrf0) =	vmax.scan.msk.f32 $0xffff, v36;
	_ =	sdelay $0x1  }
0x14a: {  	v60 =	vnsel vm4, $0x80000000, v1  }
0x14b: {  	v37 =	vsel vm6, v2, v60  }
0x14c: {  	v37 =	vsel vm8, v3, v37  }
0x14d: {  	v37 =	vsel vm10, v4, v37  }
0x14e: {  	v37 =	vsel vm11, v5, v37;
	v61, _, _ =	vpop (xrf0)  }
0x14f: {  	v37 =	vsel vm0, v6, v37;
	v62 =	vbroadcast v61, $0xF  }
0x150: {  	v37 =	vsel vm2, v7, v37  }
0x151: {  	v63 =	vsel vm1, v8, v37;
	(v2sf) =	vpush v61, $0xF;
	vm0 =	veq.f32 v36, v62  }
0x152: {  	v36 =	vnsel vm0, $0xC0000000, v63  }
0x153: {  	(xrf0) =	vmin.scan.msk.u32 $0xffff, v36;
	_ =	sdelay $0x5  }
0x154: {  	v36, _, _ =	vpop (xrf0)  }
0x155: {  	(v2sf) =	vpush v36, $0xF;
	_ =	sdelay $0x4  }
0x156: {  	s0 =	sld [smem:$0x7FD]  }
0x157: {  	s21 =	spop (v2sf)  }
0x158: {  	p1 =	slt.f32 s21, $-5.000000000e-01  }
0x159: {  	p0 =	seq.s32 s0, $0x1  }
0x15a: {  	p1 =	por !p0, !p1  }
0x15b: {  	p1 =	por !p1, !p1  }
.Ltmp15:
0x15c: {  	_ = 	snop;
	(pc) =	sbr.rel @!p1 .LBB2_23-.Ltmp15, $2  }
0x15d: {  	_ =	sdelay $0x2  }
0x15e: {  	s0 =	simm.s32 $0x0;
	s1 =	spop (v2sf)  }
0x15f: {  	s20 =	simm.s32 @p1 $0x1;
	s1 =	simm.s32 $0x40;
	s19 =	simm.s32 $0x0  }
.LBB2_25:
0x160: {  	p1 =	sne.s32 s1, $0x1400;
	[tilespmem:s19+$0x2F00] =	vst v9;
	s21 =	smov.u32 s1;
	s1 =	sadd.s32 $0x40, s1  }
.Ltmp16:
0x161: {  	[tilespmem:s19+$0x3480] =	vst v10;
	(pc) =	sbr.rel @p1 .LBB2_25-.Ltmp16, $2  }
0x162: {  	_ =	sdelay $0x2  }
0x163: {  	s19 =	sshra.s32 s21, $0x2  }
0x164: {  	[tilespmem:s19+$0x2F00] =	vst v9  }
0x165: {  	[tilespmem:s19+$0x3480] =	vst v10;
	s1 =	simm.s32 $0x0  }
0x166: {  	v36 =	vld [tilespmem:s1+$0x1400];
	_ =	sdelay $0x4  }
0x167: {  	vm0 =	vgt.f32 v36, $2.500000000e-01  }
0x168: {  	v37 =	vsel vm0, $0x1, v11  }
0x169: {  	(xrf0) =	vadd.scan.msk.s32 $0xffff, v37;
	_ =	sdelay $0x4  }
0x16a: {  	v58 =	vsel vm0, $0xFFFFFFFF, v11  }
0x16b: {  	v37 =	vadd.s32 s0, v58;
	v38, _, _ =	vpop (xrf0)  }
0x16c: {  	v37 =	vadd.s32 v38, v37;
	_ =	sdelay $0x4  }
0x16d: {  	[tilespmem:v37+s7+$0x0] =	vst.idx.msk vm0, v36  }
0x16e: {  	v59 =	vxor.u32 $0x80000000, v38;
	v60 =	vld [tilespmem:s1+$0x0]  }
0x16f: {  	(xrf0) =	vmax.scan.msk.u32 $0xffff, v59;
	_ =	sdelay $0x3  }
0x170: {  	[tilespmem:v37+s8+$0x0] =	vst.idx.msk vm0, v60  }
0x171: {  	v61 =	vld [tilespmem:s1+$0x500]  }
0x172: {  	v62, _, _ =	vpop (xrf0)  }
0x173: {  	(v2sf) =	vpush v62, $0xF;
	_ =	sdelay $0x2  }
0x174: {  	[tilespmem:v37+s10+$0x0] =	vst.idx.msk vm0, v61  }
0x175: {  	v36 =	vld [tilespmem:s1+$0xA00];
	_ =	sdelay $0x4  }
0x176: {  	[tilespmem:v37+s11+$0x0] =	vst.idx.msk vm0, v36  }
0x177: {  	v36 =	vld [tilespmem:s1+$0xF00];
	_ =	sdelay $0x4  }
0x178: {  	v63 =	vor.u32 s3, v0;
	s31 =	spop (v2sf);
	[tilespmem:v37+s12+$0x0] =	vst.idx.msk vm0, v36  }
0x179: {  	s22 =	simm.s32 $0x10;
	s0 =	sadd.s32 $0x0, s31;
	[tilespmem:v37+s13+$0x0] =	vst.idx.msk vm0, v63  }
0x17a: {  	s23 =	simm.s32 $0x80;
	s19 =	smov.u32 s3;
	vm11 =	vmmov vm3;
	s21 =	sadd.s32 $0x80000000, s0;
	v36 =	vld [tilespmem:s22+$0x1400]  }
.LBB2_27:
0x17b: {  	p1 =	sne.s32 s23, $0x13C0;
	_ =	sdelay $0x3  }
0x17c: {  	vm10 =	vgt.f32 v36, $2.500000000e-01  }
0x17d: {  	v37 =	vsel vm10, $0xFFFFFFFF, v11;
	v38 =	vsel vm10, $0x1, v11  }
0x17e: {  	(xrf0) =	vadd.scan.msk.s32 $0xffff, v38;
	_ =	sdelay $0x5  }
0x17f: {  	v37 =	vadd.s32 s21, v37;
	v38, _, _ =	vpop (xrf0)  }
0x180: {  	v37 =	vadd.s32 v38, v37;
	v38 =	vxor.u32 $0x80000000, v38  }
0x181: {  	(xrf0) =	vmax.scan.msk.u32 $0xffff, v38;
	_ =	sdelay $0x3  }
0x182: {  	[tilespmem:v37+s7+$0x0] =	vst.idx.msk vm10, v36  }
0x183: {  	v36 =	vld [tilespmem:s22+$0x0]  }
0x184: {  	v38, _, _ =	vpop (xrf0)  }
0x185: {  	(v2sf) =	vpush v38, $0xF;
	_ =	sdelay $0x2  }
0x186: {  	[tilespmem:v37+s8+$0x0] =	vst.idx.msk vm10, v36  }
0x187: {  	v36 =	vld [tilespmem:s22+$0x500];
	_ =	sdelay $0x4  }
0x188: {  	[tilespmem:v37+s10+$0x0] =	vst.idx.msk vm10, v36  }
0x189: {  	v36 =	vld [tilespmem:s22+$0xA00];
	_ =	sdelay $0x4  }
0x18a: {  	[tilespmem:v37+s11+$0x0] =	vst.idx.msk vm10, v36;
	s0 =	spop (v2sf)  }
0x18b: {  	v36 =	vld [tilespmem:s22+$0xF00];
	s0 =	sadd.s32 s0, s21  }
0x18c: {  	s21 =	sadd.s32 $0x80000000, s0;
	_ =	sdelay $0x1  }
.Ltmp17:
0x18d: {  	(pc) =	sbr.rel @p1 .LBB2_27-.Ltmp17, $4  }
0x18e: {  	s19 =	sadd.s32 $0x10, s19  }
0x18f: {  	[tilespmem:v37+s12+$0x0] =	vst.idx.msk vm10, v36;
	v36 =	vor.u32 s19, v0  }
0x190: {  	s22 =	sshra.s32 s23, $0x2;
	[tilespmem:v37+s13+$0x0] =	vst.idx.msk vm10, v36  }
0x191: {  	s23 =	sadd.s32 $0x40, s23;
	v36 =	vld [tilespmem:s22+$0x1400]  }
0x192: {  	_ =	sdelay $0x3  }
0x193: {  	vm4 =	vgt.f32 v36, $2.500000000e-01  }
0x194: {  	v37 =	vsel vm4, $0x1, v11  }
0x195: {  	(xrf0) =	vadd.scan.msk.s32 $0xffff, v37;
	_ =	sdelay $0x5  }
0x196: {  	v37, _, _ =	vpop (xrf0)  }
0x197: {  	v39 =	vxor.u32 $0x80000000, v37  }
0x198: {  	(xrf0) =	vmax.scan.msk.u32 $0xffff, v39;
	_ =	sdelay $0x2  }
0x199: {  	v38 =	vsel vm4, $0xFFFFFFFF, v11  }
0x19a: {  	v38 =	vadd.s32 s21, v38  }
0x19b: {  	v37 =	vadd.s32 v37, v38  }
0x19c: {  	v60, _, _ =	vpop (xrf0)  }
0x19d: {  	(v2sf) =	vpush v60, $0xF;
	_ =	sdelay $0x2  }
0x19e: {  	[tilespmem:v37+s7+$0x0] =	vst.idx.msk vm4, v36  }
0x19f: {  	v61 =	vld [tilespmem:s22+$0x0];
	_ =	sdelay $0x4  }
0x1a0: {  	[tilespmem:v37+s8+$0x0] =	vst.idx.msk vm4, v61  }
0x1a1: {  	v62 =	vld [tilespmem:s22+$0x500];
	_ =	sdelay $0x4  }
0x1a2: {  	[tilespmem:v37+s10+$0x0] =	vst.idx.msk vm4, v62;
	s0 =	spop (v2sf)  }
0x1a3: {  	v36 =	vld [tilespmem:s22+$0xA00];
	s0 =	sadd.s32 s0, s21  }
0x1a4: {  	s0 =	sadd.s32 $0x80000000, s0  }
0x1a5: {  	s0 =	sadd.s32 $0xF, s0  }
0x1a6: {  	s1 =	sand.u32 $0xF, s0  }
0x1a7: {  	p1 =	slt.s32 s0, $0x1;
	p2 =	sne.s32 s1, $0x0  }
0x1a8: {  	[tilespmem:v37+s11+$0x0] =	vst.idx.msk vm4, v36;
	p1 =	por !p1, !p2  }
0x1a9: {  	s30 =	sadd.s32 $0x10, s19;
	s19 =	simm.s32 $0x1;
	v36 =	vld [tilespmem:s22+$0xF00];
	p1 =	por !p1, !p1  }
0x1aa: {  	s19 =	simm.s32 @!p1 $0x0;
	p1 =	sgt.s32 s9, $0x0  }
.Ltmp18:
0x1ab: {  	s29 =	sshra.s32 s0, $0x1F;
	(pc) =	sbr.rel @p1 .LBB2_31-.Ltmp18, $4  }
0x1ac: {  	s31 =	sshrl.u32 s29, $0x1C  }
0x1ad: {  	s0 =	sadd.s32 s31, s0  }
0x1ae: {  	v63 =	vor.u32 s30, v0;
	[tilespmem:v37+s12+$0x0] =	vst.idx.msk vm4, v36;
	s0 =	sshra.s32 s0, $0x4  }
0x1af: {  	s21 =	simm.s32 $0x0;
	[tilespmem:v37+s13+$0x0] =	vst.idx.msk vm4, v63;
	s19 =	ssub.s32 s0, s19  }
.LBB2_29:
0x1b0: {  	p1 =	sgt.s32 s19, $0x0  }
.Ltmp19:
0x1b1: {  	_ = 	snop;
	(pc) =	sbr.rel @!p1 .LBB2_30-.Ltmp19, $2  }
0x1b2: {  	_ =	sdelay $0x2  }
0x1b3: {  	v36 =	vimm.f32 $-2.000000000e+00  }
0x1b4: {  	s1 =	simm.s32 $0x2F00  }
0x1b5: {  	p1 =	sne.s32 s19, $0x1;
	v38 =	vld [tilespmem:s1+$0x0]  }
.Ltmp20:
0x1b6: {  	_ = 	snop;
	(pc) =	sbr.rel @!p1 .LBB2_41-.Ltmp20, $3  }
0x1b7: {  	_ =	sdelay $0x1  }
0x1b8: {  	s0 =	simm.s32 $0x0  }
0x1b9: {  	v37 =	vimm.s32 $0x0;
	s21 =	simm.s32 $0x2F10;
	s1 =	sadd.s32 $0xFFFFFFFF, s19;
	v39 =	vor.u32 s0, v0;
	vm4 =	vgt.f32 v38, v36  }
.LBB2_40:
0x1ba: {  	p1 =	sne.s32 s1, $0x1;
	s1 =	sadd.s32 $0xFFFFFFFF, s1;
	v36 =	vsel vm4, v38, v36;
	v38 =	vld [tilespmem:s21+$0x0];
	v37 =	vsel vm4, v39, v37  }
.Ltmp21:
0x1bb: {  	(pc) =	sbr.rel @p1 .LBB2_40-.Ltmp21, $3  }
0x1bc: {  	_ =	sdelay $0x1  }
0x1bd: {  	s0 =	sadd.s32 $0x10, s0  }
0x1be: {  	s21 =	sadd.s32 $0x10, s21;
	v39 =	vor.u32 s0, v0;
	vm4 =	vgt.f32 v38, v36  }
.LBB2_41:
.Ltmp22:
0x1bf: {  	(pc) =	sbr.rel .LBB2_42-.Ltmp22, $3  }
0x1c0: {  	_ =	sdelay $0x1  }
0x1c1: {  	v37 =	vsel vm4, v39, v37  }
0x1c2: {  	v36 =	vsel vm4, v38, v36;
	v37 =	vxor.u32 $0x80000000, v37  }
.LBB2_17:
0x1c3: {  	v37 =	vimm.s32 $0x80000000  }
.LBB2_21:
0x1c4: {  	(xrf0) =	vmax.scan.msk.f32 $0xffff, v36;
	_ =	sdelay $0x5  }
0x1c5: {  	v38, _, _ =	vpop (xrf0)  }
0x1c6: {  	v39 =	vbroadcast v38, $0xF;
	_ =	sdelay $0x1  }
0x1c7: {  	vm4 =	veq.f32 v36, v39  }
0x1c8: {  	v36 =	vnsel vm4, $0xC0000000, v37  }
0x1c9: {  	(xrf0) =	vmin.scan.msk.u32 $0xffff, v36;
	_ =	sdelay $0x5  }
0x1ca: {  	(v2sf) =	vpush v38, $0xF;
	v36, _, _ =	vpop (xrf0)  }
0x1cb: {  	(v2sf) =	vpush v36, $0xF;
	_ =	sdelay $0xb  }
.Ltmp23:
0x1cc: {  	_ = 	snop;
	(pc) =	sbr.rel .LBB2_45-.Ltmp23, $4  }
0x1cd: {  	_ = 	snop  }
0x1ce: {  	s21 =	spop (v2sf)  }
0x1cf: {  	s0 =	spop (v2sf)  }
0x1d0: {  	s0 =	sxor.u32 $0x80000000, s0  }
.LBB2_23:
.Ltmp24:
0x1d1: {  	(pc) =	sbr.rel .LBB2_43-.Ltmp24, $2  }
0x1d2: {  	_ =	sdelay $0x2  }
0x1d3: {  	s20 =	simm.s32 $0x0;
	vm11 =	vmmov vm3  }
.LBB2_30:
0x1d4: {  	v37 =	vimm.s32 $0x80000000  }
.LBB2_42:
0x1d5: {  	(xrf0) =	vmax.scan.msk.f32 $0xffff, v36;
	_ =	sdelay $0x5  }
0x1d6: {  	v38, _, _ =	vpop (xrf0)  }
0x1d7: {  	v39 =	vbroadcast v38, $0xF;
	_ =	sdelay $0x1  }
0x1d8: {  	vm0 =	veq.f32 v36, v39  }
0x1d9: {  	v36 =	vnsel vm0, $0xC0000000, v37  }
0x1da: {  	(xrf0) =	vmin.scan.msk.u32 $0xffff, v36;
	_ =	sdelay $0x5  }
0x1db: {  	(v2sf) =	vpush v38, $0xF;
	v36, _, _ =	vpop (xrf0)  }
0x1dc: {  	(v2sf) =	vpush v36, $0xF;
	_ =	sdelay $0xd  }
0x1dd: {  	s21 =	spop (v2sf)  }
0x1de: {  	s1 =	spop (v2sf)  }
.LBB2_43:
0x1df: {  	p1 =	sne.s32 s20, $0x0  }
.Ltmp25:
0x1e0: {  	_ = 	snop;
	(pc) =	sbr.rel @!p1 .LBB2_78-.Ltmp25, $2  }
0x1e1: {  	_ =	sdelay $0x2  }
0x1e2: {  	s0 =	sxor.u32 $0x80000000, s1  }
0x1e3: {  	vm3 =	vmmov vm5  }
0x1e4: {  	vm5 =	vmmov vm7;
	vm7 =	vmmov vm9;
	vm9 =	vcmask $0xF0C  }
.LBB2_45:
0x1e5: {  	v36 =	vmov s0;
	p2 =	slt.s32 s19, $0x1  }
.Ltmp26:
0x1e6: {  	_ = 	snop;
	(pc) =	sbr.rel @p2 .LBB2_49-.Ltmp26, $3  }
0x1e7: {  	_ =	sdelay $0x1  }
0x1e8: {  	s0 =	simm.s32 $0x2F00;
	v39 =	vimm.s32 $0x80000000  }
0x1e9: {  	v38 =	vimm.f32 $-2.000000000e+00;
	v37 =	vimm.f32 $-2.000000000e+00;
	v40 =	vimm.s32 $0x80000000;
	[tilespmem:v36+s0+$0x0] =	vst.idx.msk $0x1, v9  }
0x1ea: {  	v37 =	vld [tilespmem:s0+$0x0];
	p1 =	sne.s32 s19, $0x1  }
.Ltmp27:
0x1eb: {  	_ = 	snop;
	(pc) =	sbr.rel @!p1 .LBB2_48-.Ltmp27, $3  }
0x1ec: {  	_ =	sdelay $0x1  }
0x1ed: {  	v40 =	vimm.s32 $0x0;
	s1 =	simm.s32 $0x0  }
0x1ee: {  	s22 =	sadd.s32 $0xFFFFFFFF, s19;
	s23 =	simm.s32 $0x2F10;
	v41 =	vimm.f32 $-2.000000000e+00;
	v42 =	vor.u32 s1, v0;
	vm4 =	vgt.f32 v37, v38  }
.LBB2_47:
0x1ef: {  	p1 =	sne.s32 s22, $0x1;
	s22 =	sadd.s32 $0xFFFFFFFF, s22;
	v41 =	vsel vm4, v37, v41;
	v37 =	vld [tilespmem:s23+$0x0];
	v40 =	vsel vm4, v42, v40  }
.Ltmp28:
0x1f0: {  	(pc) =	sbr.rel @p1 .LBB2_47-.Ltmp28, $3  }
0x1f1: {  	_ =	sdelay $0x1  }
0x1f2: {  	s1 =	sadd.s32 $0x10, s1  }
0x1f3: {  	s23 =	sadd.s32 $0x10, s23;
	v42 =	vor.u32 s1, v0;
	vm4 =	vgt.f32 v37, v41  }
.LBB2_48:
0x1f4: {  	v40 =	vsel vm4, v42, v40  }
0x1f5: {  	v37 =	vsel vm4, v37, v41;
	v40 =	vxor.u32 $0x80000000, v40  }
.LBB2_49:
0x1f6: {  	(xrf0) =	vmax.scan.msk.f32 $0xffff, v37;
	_ =	sdelay $0x5  }
0x1f7: {  	v41, _, _ =	vpop (xrf0)  }
0x1f8: {  	v42 =	vbroadcast v41, $0xF;
	_ =	sdelay $0x1  }
0x1f9: {  	vm0 =	veq.f32 v37, v42  }
0x1fa: {  	v37 =	vnsel vm0, $0xC0000000, v40  }
0x1fb: {  	(xrf0) =	vmin.scan.msk.u32 $0xffff, v37;
	_ =	sdelay $0x5  }
0x1fc: {  	(v2sf) =	vpush v41, $0xF;
	v37, _, _ =	vpop (xrf0)  }
0x1fd: {  	(v2sf) =	vpush v37, $0xF;
	_ =	sdelay $0xd  }
0x1fe: {  	s22 =	spop (v2sf)  }
0x1ff: {  	s1 =	spop (v2sf)  }
0x200: {  	s1 =	sxor.u32 $0x80000000, s1  }
0x201: {  	v37 =	vmov s1  }
.Ltmp29:
0x202: {  	_ = 	snop;
	(pc) =	sbr.rel @p2 .LBB2_53-.Ltmp29, $2  }
0x203: {  	_ =	sdelay $0x2  }
0x204: {  	[tilespmem:v37+s0+$0x0] =	vst.idx.msk $0x1, v9  }
0x205: {  	v39 =	vld [tilespmem:s0+$0x0];
	p1 =	sne.s32 s19, $0x1  }
.Ltmp30:
0x206: {  	_ = 	snop;
	(pc) =	sbr.rel @!p1 .LBB2_52-.Ltmp30, $3  }
0x207: {  	_ =	sdelay $0x1  }
0x208: {  	s0 =	simm.s32 $0x0  }
0x209: {  	v40 =	vimm.s32 $0x0;
	s1 =	sadd.s32 $0xFFFFFFFF, s19;
	s23 =	simm.s32 $0x2F10;
	v41 =	vor.u32 s0, v0;
	vm4 =	vgt.f32 v39, v38  }
.LBB2_51:
0x20a: {  	p1 =	sne.s32 s1, $0x1;
	s1 =	sadd.s32 $0xFFFFFFFF, s1;
	v38 =	vsel vm4, v39, v38;
	v39 =	vld [tilespmem:s23+$0x0];
	v40 =	vsel vm4, v41, v40  }
.Ltmp31:
0x20b: {  	(pc) =	sbr.rel @p1 .LBB2_51-.Ltmp31, $3  }
0x20c: {  	_ =	sdelay $0x1  }
0x20d: {  	s0 =	sadd.s32 $0x10, s0  }
0x20e: {  	s23 =	sadd.s32 $0x10, s23;
	v41 =	vor.u32 s0, v0;
	vm4 =	vgt.f32 v39, v38  }
.LBB2_52:
0x20f: {  	v40 =	vsel vm4, v41, v40  }
0x210: {  	v38 =	vsel vm4, v39, v38;
	v39 =	vxor.u32 $0x80000000, v40  }
.LBB2_53:
0x211: {  	(xrf0) =	vmax.scan.msk.f32 $0xffff, v38;
	_ =	sdelay $0x5  }
0x212: {  	v40, _, _ =	vpop (xrf0)  }
0x213: {  	v41 =	vbroadcast v40, $0xF;
	_ =	sdelay $0x1  }
0x214: {  	vm0 =	veq.f32 v38, v41  }
0x215: {  	v38 =	vnsel vm0, $0xC0000000, v39  }
0x216: {  	(xrf0) =	vmin.scan.msk.u32 $0xffff, v38;
	_ =	sdelay $0x5  }
0x217: {  	(v2sf) =	vpush v40, $0xF;
	v38, _, _ =	vpop (xrf0)  }
0x218: {  	(v2sf) =	vpush v38, $0xF;
	_ =	sdelay $0xd  }
0x219: {  	s23 =	spop (v2sf)  }
0x21a: {  	s0 =	spop (v2sf)  }
0x21b: {  	s0 =	sxor.u32 $0x80000000, s0  }
0x21c: {  	v38 =	vmov s0  }
.Ltmp32:
0x21d: {  	_ = 	snop;
	(pc) =	sbr.rel @p2 .LBB2_54-.Ltmp32, $3  }
0x21e: {  	_ =	sdelay $0x1  }
0x21f: {  	s0 =	simm.s32 $0x2F00  }
0x220: {  	v39 =	vimm.f32 $-2.000000000e+00;
	[tilespmem:v38+s0+$0x0] =	vst.idx.msk $0x1, v9  }
0x221: {  	v40 =	vld [tilespmem:s0+$0x0];
	p1 =	sne.s32 s19, $0x1  }
.Ltmp33:
0x222: {  	_ = 	snop;
	(pc) =	sbr.rel @!p1 .LBB2_57-.Ltmp33, $3  }
0x223: {  	_ =	sdelay $0x1  }
0x224: {  	v41 =	vimm.s32 $0x0;
	s0 =	simm.s32 $0x0  }
0x225: {  	s1 =	sadd.s32 $0xFFFFFFFF, s19;
	s24 =	simm.s32 $0x2F10;
	v42 =	vimm.f32 $-2.000000000e+00;
	v43 =	vor.u32 s0, v0;
	vm4 =	vgt.f32 v40, v39  }
.LBB2_56:
0x226: {  	p1 =	sne.s32 s1, $0x1;
	s1 =	sadd.s32 $0xFFFFFFFF, s1;
	v42 =	vsel vm4, v40, v42;
	v40 =	vld [tilespmem:s24+$0x0];
	v41 =	vsel vm4, v43, v41  }
.Ltmp34:
0x227: {  	(pc) =	sbr.rel @p1 .LBB2_56-.Ltmp34, $3  }
0x228: {  	_ =	sdelay $0x1  }
0x229: {  	s0 =	sadd.s32 $0x10, s0  }
0x22a: {  	s24 =	sadd.s32 $0x10, s24;
	v43 =	vor.u32 s0, v0;
	vm4 =	vgt.f32 v40, v42  }
.LBB2_57:
.Ltmp35:
0x22b: {  	(pc) =	sbr.rel .LBB2_58-.Ltmp35, $3  }
0x22c: {  	_ =	sdelay $0x1  }
0x22d: {  	v43 =	vsel vm4, v43, v41  }
0x22e: {  	v41 =	vsel vm4, v40, v42;
	v40 =	vxor.u32 $0x80000000, v43  }
.LBB2_54:
0x22f: {  	v40 =	vimm.s32 $0x80000000;
	v41 =	vimm.f32 $-2.000000000e+00  }
.LBB2_58:
0x230: {  	(xrf0) =	vmax.scan.msk.f32 $0xffff, v41;
	_ =	sdelay $0x5  }
0x231: {  	v42, _, _ =	vpop (xrf0)  }
0x232: {  	v43 =	vbroadcast v42, $0xF;
	_ =	sdelay $0x1  }
0x233: {  	vm0 =	veq.f32 v41, v43  }
0x234: {  	v40 =	vnsel vm0, $0xC0000000, v40  }
0x235: {  	(xrf0) =	vmin.scan.msk.u32 $0xffff, v40;
	_ =	sdelay $0x5  }
0x236: {  	(v2sf) =	vpush v42, $0xF;
	v40, _, _ =	vpop (xrf0)  }
0x237: {  	(v2sf) =	vpush v40, $0xF;
	_ =	sdelay $0xd  }
0x238: {  	s24 =	spop (v2sf)  }
0x239: {  	s0 =	spop (v2sf)  }
0x23a: {  	s0 =	sxor.u32 $0x80000000, s0  }
0x23b: {  	v40 =	vmov s0  }
.Ltmp36:
0x23c: {  	_ = 	snop;
	(pc) =	sbr.rel @p2 .LBB2_62-.Ltmp36, $3  }
0x23d: {  	_ =	sdelay $0x1  }
0x23e: {  	s1 =	simm.s32 $0x2F00  }
0x23f: {  	p1 =	por $0x0, $0x0;
	[tilespmem:v40+s1+$0x0] =	vst.idx.msk $0x1, v9  }
0x240: {  	v41 =	vld [tilespmem:s1+$0x0];
	p2 =	sne.s32 s19, $0x1  }
.Ltmp37:
0x241: {  	_ = 	snop;
	(pc) =	sbr.rel @!p2 .LBB2_61-.Ltmp37, $2  }
0x242: {  	_ =	sdelay $0x2  }
0x243: {  	s0 =	sadd.s32 $0xFFFFFFFF, s19;
	s1 =	sadd.s32 $0x10, s1;
	vm4 =	vgt.f32 v41, v39  }
.LBB2_60:
0x244: {  	p2 =	sne.s32 s0, $0x1;
	s0 =	sadd.s32 $0xFFFFFFFF, s0;
	v39 =	vsel vm4, v41, v39;
	v41 =	vld [tilespmem:s1+$0x0]  }
.Ltmp38:
0x245: {  	(pc) =	sbr.rel @p2 .LBB2_60-.Ltmp38, $2  }
0x246: {  	_ =	sdelay $0x2  }
0x247: {  	s1 =	sadd.s32 $0x10, s1;
	vm4 =	vgt.f32 v41, v39  }
.LBB2_61:
.Ltmp39:
0x248: {  	(pc) =	sbr.rel .LBB2_62-.Ltmp39, $2  }
0x249: {  	_ =	sdelay $0x2  }
0x24a: {  	v39 =	vsel vm4, v41, v39  }
.LBB2_78:
0x24b: {  	v36 =	vmov s0;
	_ =	sdelay $0x4  }
0x24c: {  	[tilespmem:v36+s7+$0x0] =	vst.idx.msk $0x1, v9  }
0x24d: {  	v37 =	vld [tilespmem:$0x2F00];
	_ =	sdelay $0x1  }
0x24e: {  	v38 =	vld [tilespmem:$0x2F10];
	_ =	sdelay $0x1  }
0x24f: {  	v39 =	vld [tilespmem:$0x2F20]  }
0x250: {  	vm0 =	vgt.f32 v37, $-2.000000000e+00  }
0x251: {  	v40 =	vld [tilespmem:$0x2F30];
	v37 =	vnsel vm0, $0xC0000000, v37  }
0x252: {  	vm1 =	vgt.f32 v38, v37  }
0x253: {  	v47 =	vld [tilespmem:$0x2F40];
	v37 =	vsel vm1, v38, v37  }
0x254: {  	vm2 =	vgt.f32 v39, v37  }
0x255: {  	v48 =	vld [tilespmem:$0x2F50];
	v37 =	vsel vm2, v39, v37  }
0x256: {  	vm4 =	vgt.f32 v40, v37  }
0x257: {  	v49 =	vld [tilespmem:$0x2F60];
	v37 =	vsel vm4, v40, v37  }
0x258: {  	vm6 =	vgt.f32 v47, v37  }
0x259: {  	v50 =	vld [tilespmem:$0x2F70];
	v37 =	vsel vm6, v47, v37  }
0x25a: {  	vm8 =	vgt.f32 v48, v37  }
0x25b: {  	v37 =	vsel vm8, v48, v37  }
0x25c: {  	vm10 =	vgt.f32 v49, v37  }
0x25d: {  	v37 =	vsel vm10, v49, v37  }
0x25e: {  	vm11 =	vgt.f32 v50, v37  }
0x25f: {  	v37 =	vsel vm11, v50, v37  }
0x260: {  	(xrf0) =	vmax.scan.msk.f32 $0xffff, v37;
	_ =	sdelay $0x1  }
0x261: {  	v51 =	vnsel vm0, $0x80000000, v1  }
0x262: {  	v38 =	vsel vm1, v2, v51  }
0x263: {  	v38 =	vsel vm2, v3, v38  }
0x264: {  	v38 =	vsel vm4, v4, v38  }
0x265: {  	v38 =	vsel vm6, v5, v38;
	v52, _, _ =	vpop (xrf0)  }
0x266: {  	v38 =	vsel vm8, v6, v38;
	v53 =	vbroadcast v52, $0xF  }
0x267: {  	v38 =	vsel vm10, v7, v38  }
0x268: {  	v54 =	vsel vm11, v8, v38;
	vm0 =	veq.f32 v37, v53  }
0x269: {  	v37 =	vnsel vm0, $0xC0000000, v54  }
0x26a: {  	(xrf0) =	vmin.scan.msk.u32 $0xffff, v37;
	_ =	sdelay $0x5  }
0x26b: {  	(v2sf) =	vpush v52, $0xF;
	v37, _, _ =	vpop (xrf0)  }
0x26c: {  	(v2sf) =	vpush v37, $0xF;
	_ =	sdelay $0xd  }
0x26d: {  	s22 =	spop (v2sf)  }
0x26e: {  	s29 =	spop (v2sf)  }
0x26f: {  	s0 =	sxor.u32 $0x80000000, s29  }
0x270: {  	v37 =	vmov s0;
	_ =	sdelay $0x4  }
0x271: {  	[tilespmem:v37+s7+$0x0] =	vst.idx.msk $0x1, v9  }
0x272: {  	v55 =	vld [tilespmem:$0x2F00];
	_ =	sdelay $0x1  }
0x273: {  	v56 =	vld [tilespmem:$0x2F10];
	_ =	sdelay $0x1  }
0x274: {  	v57 =	vld [tilespmem:$0x2F20]  }
0x275: {  	vm0 =	vgt.f32 v55, $-2.000000000e+00  }
0x276: {  	v41 =	vld [tilespmem:$0x2F30];
	v38 =	vnsel vm0, $0xC0000000, v55  }
0x277: {  	vm1 =	vgt.f32 v56, v38  }
0x278: {  	v58 =	vld [tilespmem:$0x2F40];
	v38 =	vsel vm1, v56, v38  }
0x279: {  	vm2 =	vgt.f32 v57, v38  }
0x27a: {  	v59 =	vld [tilespmem:$0x2F50];
	v38 =	vsel vm2, v57, v38  }
0x27b: {  	vm4 =	vgt.f32 v41, v38  }
0x27c: {  	v60 =	vld [tilespmem:$0x2F60];
	v38 =	vsel vm4, v41, v38  }
0x27d: {  	vm6 =	vgt.f32 v58, v38  }
0x27e: {  	v61 =	vld [tilespmem:$0x2F70];
	v38 =	vsel vm6, v58, v38  }
0x27f: {  	vm8 =	vgt.f32 v59, v38  }
0x280: {  	v38 =	vsel vm8, v59, v38  }
0x281: {  	vm10 =	vgt.f32 v60, v38  }
0x282: {  	v38 =	vsel vm10, v60, v38  }
0x283: {  	vm11 =	vgt.f32 v61, v38  }
0x284: {  	v38 =	vsel vm11, v61, v38  }
0x285: {  	(xrf0) =	vmax.scan.msk.f32 $0xffff, v38;
	_ =	sdelay $0x1  }
0x286: {  	v62 =	vnsel vm0, $0x80000000, v1  }
0x287: {  	v39 =	vsel vm1, v2, v62  }
0x288: {  	v39 =	vsel vm2, v3, v39  }
0x289: {  	v39 =	vsel vm4, v4, v39  }
0x28a: {  	v39 =	vsel vm6, v5, v39;
	v63, _, _ =	vpop (xrf0)  }
0x28b: {  	v39 =	vsel vm8, v6, v39;
	v44 =	vbroadcast v63, $0xF  }
0x28c: {  	v39 =	vsel vm10, v7, v39  }
0x28d: {  	v45 =	vsel vm11, v8, v39;
	vm0 =	veq.f32 v38, v44  }
0x28e: {  	v38 =	vnsel vm0, $0xC0000000, v45  }
0x28f: {  	(xrf0) =	vmin.scan.msk.u32 $0xffff, v38;
	_ =	sdelay $0x5  }
0x290: {  	(v2sf) =	vpush v63, $0xF;
	v38, _, _ =	vpop (xrf0)  }
0x291: {  	(v2sf) =	vpush v38, $0xF;
	_ =	sdelay $0xd  }
0x292: {  	s23 =	spop (v2sf)  }
0x293: {  	s30 =	spop (v2sf)  }
0x294: {  	s0 =	sxor.u32 $0x80000000, s30  }
0x295: {  	v38 =	vmov s0;
	_ =	sdelay $0x4  }
0x296: {  	[tilespmem:v38+s7+$0x0] =	vst.idx.msk $0x1, v9  }
0x297: {  	v46 =	vld [tilespmem:$0x2F00];
	_ =	sdelay $0x1  }
0x298: {  	v47 =	vld [tilespmem:$0x2F10];
	_ =	sdelay $0x1  }
0x299: {  	v48 =	vld [tilespmem:$0x2F20]  }
0x29a: {  	vm0 =	vgt.f32 v46, $-2.000000000e+00  }
0x29b: {  	v42 =	vld [tilespmem:$0x2F30];
	v39 =	vnsel vm0, $0xC0000000, v46  }
0x29c: {  	vm1 =	vgt.f32 v47, v39  }
0x29d: {  	v49 =	vld [tilespmem:$0x2F40];
	v39 =	vsel vm1, v47, v39  }
0x29e: {  	vm2 =	vgt.f32 v48, v39  }
0x29f: {  	v50 =	vld [tilespmem:$0x2F50];
	v39 =	vsel vm2, v48, v39  }
0x2a0: {  	vm4 =	vgt.f32 v42, v39  }
0x2a1: {  	v51 =	vld [tilespmem:$0x2F60];
	v39 =	vsel vm4, v42, v39  }
0x2a2: {  	vm6 =	vgt.f32 v49, v39  }
0x2a3: {  	v52 =	vld [tilespmem:$0x2F70];
	v39 =	vsel vm6, v49, v39  }
0x2a4: {  	vm8 =	vgt.f32 v50, v39  }
0x2a5: {  	v39 =	vsel vm8, v50, v39  }
0x2a6: {  	vm10 =	vgt.f32 v51, v39  }
0x2a7: {  	v39 =	vsel vm10, v51, v39  }
0x2a8: {  	vm11 =	vgt.f32 v52, v39  }
0x2a9: {  	v39 =	vsel vm11, v52, v39  }
0x2aa: {  	(xrf0) =	vmax.scan.msk.f32 $0xffff, v39;
	_ =	sdelay $0x1  }
0x2ab: {  	v53 =	vnsel vm0, $0x80000000, v1  }
0x2ac: {  	v40 =	vsel vm1, v2, v53  }
0x2ad: {  	v40 =	vsel vm2, v3, v40  }
0x2ae: {  	v40 =	vsel vm4, v4, v40  }
0x2af: {  	v40 =	vsel vm6, v5, v40;
	v54, _, _ =	vpop (xrf0)  }
0x2b0: {  	v40 =	vsel vm8, v6, v40;
	v55 =	vbroadcast v54, $0xF  }
0x2b1: {  	v40 =	vsel vm10, v7, v40  }
0x2b2: {  	v56 =	vsel vm11, v8, v40;
	vm0 =	veq.f32 v39, v55  }
0x2b3: {  	v39 =	vnsel vm0, $0xC0000000, v56  }
0x2b4: {  	(xrf0) =	vmin.scan.msk.u32 $0xffff, v39;
	_ =	sdelay $0x5  }
0x2b5: {  	(v2sf) =	vpush v54, $0xF;
	v39, _, _ =	vpop (xrf0)  }
0x2b6: {  	(v2sf) =	vpush v39, $0xF;
	_ =	sdelay $0xd  }
0x2b7: {  	s24 =	spop (v2sf)  }
0x2b8: {  	s31 =	spop (v2sf)  }
0x2b9: {  	s0 =	sxor.u32 $0x80000000, s31  }
0x2ba: {  	v40 =	vmov s0;
	_ =	sdelay $0x4  }
0x2bb: {  	[tilespmem:v40+s7+$0x0] =	vst.idx.msk $0x1, v9  }
0x2bc: {  	v57 =	vld [tilespmem:$0x2F00];
	_ =	sdelay $0x1  }
0x2bd: {  	v58 =	vld [tilespmem:$0x2F10];
	_ =	sdelay $0x1  }
0x2be: {  	v59 =	vld [tilespmem:$0x2F20]  }
0x2bf: {  	vm0 =	vgt.f32 v57, $-2.000000000e+00  }
0x2c0: {  	v43 =	vld [tilespmem:$0x2F30];
	v39 =	vnsel vm0, $0xC0000000, v57  }
0x2c1: {  	vm0 =	vgt.f32 v58, v39  }
0x2c2: {  	v60 =	vld [tilespmem:$0x2F40];
	v39 =	vsel vm0, v58, v39  }
0x2c3: {  	vm0 =	vgt.f32 v59, v39  }
0x2c4: {  	v61 =	vld [tilespmem:$0x2F50];
	v39 =	vsel vm0, v59, v39  }
0x2c5: {  	vm0 =	vgt.f32 v43, v39  }
0x2c6: {  	v62 =	vld [tilespmem:$0x2F60];
	v39 =	vsel vm0, v43, v39  }
0x2c7: {  	vm0 =	vgt.f32 v60, v39  }
0x2c8: {  	v63 =	vld [tilespmem:$0x2F70];
	v39 =	vsel vm0, v60, v39  }
0x2c9: {  	vm0 =	vgt.f32 v61, v39  }
0x2ca: {  	v39 =	vsel vm0, v61, v39  }
0x2cb: {  	vm0 =	vgt.f32 v62, v39  }
0x2cc: {  	vm11 =	vmmov vm3;
	v39 =	vsel vm0, v62, v39  }
0x2cd: {  	vm3 =	vmmov vm5;
	vm5 =	vmmov vm7;
	vm0 =	vgt.f32 v63, v39  }
0x2ce: {  	s20 =	simm.s32 $0x0;
	p1 =	por $0x1, $0x1;
	vm7 =	vmmov vm9;
	vm9 =	vcmask $0xF0C;
	v39 =	vsel vm0, v63, v39  }
.LBB2_62:
0x2cf: {  	_ =	sdelay $0x2  }
0x2d0: {  	v41 =	vmov s21  }
0x2d1: {  	[tilespmem:v36+s7+$0x0] =	vst.idx.msk $0x1, v41;
	v41 =	vmov s22  }
0x2d2: {  	v42 =	vmov s23;
	[tilespmem:v37+s7+$0x0] =	vst.idx.msk $0x1, v41  }
0x2d3: {  	[tilespmem:v38+s7+$0x0] =	vst.idx.msk $0x1, v42;
	v42 =	vmov s24  }
0x2d4: {  	[tilespmem:v40+s7+$0x0] =	vst.idx.msk $0x1, v42  }
0x2d5: {  	v43 =	vld.idx.msk [tilespmem:v36+s13+$0x0], $0xffff  }
0x2d6: {  	v44 =	vld.idx.msk [tilespmem:v36+s8+$0x0], $0xffff  }
0x2d7: {  	v45 =	vld.idx.msk [tilespmem:v36+s10+$0x0], $0xffff  }
0x2d8: {  	v61 =	vld.idx.msk [tilespmem:v36+s11+$0x0], $0xffff  }
0x2d9: {  	v62 =	vld.idx.msk [tilespmem:v36+s12+$0x0], $0xffff  }
0x2da: {  	v46 =	vld.idx.msk [tilespmem:v37+s13+$0x0], $0xffff  }
0x2db: {  	v47 =	vld.idx.msk [tilespmem:v37+s8+$0x0], $0xffff  }
0x2dc: {  	(xrf0) =	vmax.scan.msk.f32 $0xffff, v39;
	v48 =	vld.idx.msk [tilespmem:v37+s10+$0x0], $0xffff  }
0x2dd: {  	v49 =	vld.idx.msk [tilespmem:v37+s11+$0x0], $0xffff  }
0x2de: {  	v63 =	vld.idx.msk [tilespmem:v37+s12+$0x0], $0xffff  }
0x2df: {  	v51 =	vld.idx.msk [tilespmem:v38+s8+$0x0], $0xffff  }
0x2e0: {  	v52 =	vld.idx.msk [tilespmem:v38+s10+$0x0], $0xffff  }
0x2e1: {  	v53 =	vld.idx.msk [tilespmem:v38+s11+$0x0], $0xffff  }
0x2e2: {  	v54 =	vld.idx.msk [tilespmem:v40+s13+$0x0], $0xffff;
	v50, _, _ =	vpop (xrf0)  }
0x2e3: {  	v55 =	vld.idx.msk [tilespmem:v40+s12+$0x0], $0xffff;
	(v2sf) =	vpush v50, $0xF  }
0x2e4: {  	v56 =	vld.idx.msk [tilespmem:v40+s11+$0x0], $0xffff  }
0x2e5: {  	v58 =	vld.idx.msk [tilespmem:v40+s10+$0x0], $0xffff  }
0x2e6: {  	v59 =	vld.idx.msk [tilespmem:v40+s8+$0x0], $0xffff  }
0x2e7: {  	v50 =	vld.idx.msk [tilespmem:v38+s13+$0x0], $0xffff  }
0x2e8: {  	vm4 =	vcmask $0x704;
	v38 =	vld.idx.msk [tilespmem:v38+s12+$0x0], $0xffff  }
0x2e9: {  	vm1 =	vcmask $0xB08;
	vm10 =	vmmov $0x1;
	v39 =	vsel vm5, v61, v49;
	v61 =	vld [tilespmem:$0x1FFD0]  }
0x2ea: {  	v36 =	vsel vm11, v62, v63;
	v60 =	vsel vm9, v45, v48;
	v43 =	vsel vm4, v43, v46;
	v63 =	vld [tilespmem:$0x1FFE0]  }
0x2eb: {  	v62 =	vsel vm1, v44, v47;
	v48 =	vld [tilespmem:$0x1FFF0];
	v49 =	vsel vm5, v53, v56;
	v37 =	vsel vm9, v52, v58  }
0x2ec: {  	v53 =	vsel vm1, v51, v59;
	vm1 =	vcmask $0x300;
	v36 =	vsel vm3, $0x0, v36  }
0x2ed: {  	v43 =	vcvt.s32.f32 v43;
	v36 =	vsel vm7, v36, v39;
	v38 =	vsel vm11, v38, v55  }
0x2ee: {  	s29 =	sld [smem:$0x7FD];
	v52 =	vsel vm4, v50, v54;
	v54 =	vsel vm10, s21, v41;
	v38 =	vsel vm3, $0x0, v38  }
0x2ef: {  	v39 =	vcvt.s32.f32 v52;
	v38 =	vsel vm7, v38, v49;
	vm0 =	vnez.u8 v61  }
0x2f0: {  	s0 =	smov.u32 s5;
	vm2 =	vnez.u8 v63;
	vm6 =	vnez.u8 v48;
	v36 =	vsel vm0, v36, v60  }
0x2f1: {  	s0 =	simm.s32 @!p1 $0xBF800000;
	p0 =	seq.s32 s29, $0x1;
	v37 =	vsel vm0, v38, v37;
	vm0 =	vcmask $0x2320;
	v36 =	vsel vm2, v36, v62  }
0x2f2: {  	s30 =	sand.u32 $0x1, s18;
	s0 =	simm.s32 @!p0 $0xBF800000;
	vm0 =	vmor vm1, vm0;
	v37 =	vsel vm2, v37, v53;
	v36 =	vsel vm6, v36, v43;
	s1 =	spop (v2sf)  }
0x2f3: {  	p2 =	seq.s32 s30, $0x1;
	v55 =	vsel vm10, s23, v42;
	v37 =	vsel vm6, v37, v39;
	v36 =	vsel vm0, v54, v36;
	s0 =	smax.f32 s1, s0;
	s1 =	simm.s32 $0x300  }
0x2f4: {  	v56 =	vsel vm0, v55, v37;
	[tilespmem:$0x3A00] =	vst v36;
	v57 =	vmov s0;
	s1 =	simm.s32 @!p2 $0x0  }
0x2f5: {  	[tilespmem:$0x3A10] =	vst v56;
	v58 =	vnsel vm1, $0x0, v57;
	s31 =	sadd.s32 s1, s2  }
0x2f6: {  	[tilespmem:$0x3A20] =	vst v58;
	s1 =	sadd.s32 s15, s31  }
0x2f7: {  	[spmem:s1] =	stream.linear.scatter [tilespmem:s16], [sflag:$0x1], $0x30, $0x38;
	[tilespmem:$0x53E0] =	vst v63  }
0x2f8: {  	_ =	swait.ge [sflag:s6], $0x30  }
0x2f9: {  	[sflag:s6] =	ssyncset.done $0x0  }
0x2fa: {  	[sflag:s6] =	ssyncadd.s32 $0xFFFFFFD0  }
0x2fb: {  	[bflag:$0x0] =	sbarrier.arrive $0xFFFF  }
0x2fc: {  	[tilespmem:s17], [sflag:$0x1] =	stream.linear.gather [spmem:s31], $0x300, $0x38;
	[tilespmem:$0x53E0] =	vst v63  }
0x2fd: {  	_ =	swait.ge [sflag:s6], $0x300  }
0x2fe: {  	v59 =	vmul.u32 $0x30, v0;
	[sflag:s6] =	ssyncset.done $0x0  }
0x2ff: {  	[sflag:s6] =	ssyncadd.s32 $0xFFFFFD00  }
0x300: {  	v36 =	vadd.s32 $0x20, v59;
	v60 =	vld.idx.msk [tilespmem:v12+s17+$0x0], $0xffff;
	_ =	sdelay $0x4  }
0x301: {  	v36 =	vld.idx.msk [tilespmem:v36+s17+$0x0], $0xffff;
	[tilespmem:$0x3D80] =	vst v60  }
0x302: {  	v37 =	vld.idx.msk [tilespmem:v13+s17+$0x0], $0xffff;
	_ =	sdelay $0x4  }
0x303: {  	[tilespmem:$0x3E00] =	vst v37  }
0x304: {  	v37 =	vld.idx.msk [tilespmem:v14+s17+$0x0], $0xffff;
	_ =	sdelay $0x4  }
0x305: {  	[tilespmem:$0x3E80] =	vst v37  }
0x306: {  	v37 =	vld.idx.msk [tilespmem:v15+s17+$0x0], $0xffff;
	_ =	sdelay $0x4  }
0x307: {  	[tilespmem:$0x3F00] =	vst v37  }
0x308: {  	v37 =	vld.idx.msk [tilespmem:v16+s17+$0x0], $0xffff;
	_ =	sdelay $0x4  }
0x309: {  	[tilespmem:$0x3F80] =	vst v37  }
0x30a: {  	v37 =	vld.idx.msk [tilespmem:v17+s17+$0x0], $0xffff;
	_ =	sdelay $0x4  }
0x30b: {  	[tilespmem:$0x4000] =	vst v37  }
0x30c: {  	v37 =	vld.idx.msk [tilespmem:v18+s17+$0x0], $0xffff;
	_ =	sdelay $0x4  }
0x30d: {  	[tilespmem:$0x3D90] =	vst v37  }
0x30e: {  	v37 =	vld.idx.msk [tilespmem:v19+s17+$0x0], $0xffff;
	_ =	sdelay $0x4  }
0x30f: {  	[tilespmem:$0x3E10] =	vst v37  }
0x310: {  	v37 =	vld.idx.msk [tilespmem:v20+s17+$0x0], $0xffff;
	_ =	sdelay $0x4  }
0x311: {  	[tilespmem:$0x3E90] =	vst v37  }
0x312: {  	v37 =	vld.idx.msk [tilespmem:v21+s17+$0x0], $0xffff;
	_ =	sdelay $0x4  }
0x313: {  	[tilespmem:$0x3F10] =	vst v37  }
0x314: {  	v37 =	vld.idx.msk [tilespmem:v22+s17+$0x0], $0xffff;
	_ =	sdelay $0x4  }
0x315: {  	[tilespmem:$0x3F90] =	vst v37  }
0x316: {  	v37 =	vld.idx.msk [tilespmem:v23+s17+$0x0], $0xffff;
	_ =	sdelay $0x4  }
0x317: {  	[tilespmem:$0x4010] =	vst v37  }
0x318: {  	v37 =	vld.idx.msk [tilespmem:v24+s17+$0x0], $0xffff;
	_ =	sdelay $0x4  }
0x319: {  	[tilespmem:$0x3DA0] =	vst v37  }
0x31a: {  	v37 =	vld.idx.msk [tilespmem:v25+s17+$0x0], $0xffff;
	_ =	sdelay $0x4  }
0x31b: {  	[tilespmem:$0x3E20] =	vst v37  }
0x31c: {  	v37 =	vld.idx.msk [tilespmem:v26+s17+$0x0], $0xffff;
	_ =	sdelay $0x4  }
0x31d: {  	[tilespmem:$0x3EA0] =	vst v37  }
0x31e: {  	v37 =	vld.idx.msk [tilespmem:v27+s17+$0x0], $0xffff;
	_ =	sdelay $0x4  }
0x31f: {  	[tilespmem:$0x3F20] =	vst v37  }
0x320: {  	v37 =	vld.idx.msk [tilespmem:v28+s17+$0x0], $0xffff;
	_ =	sdelay $0x4  }
0x321: {  	[tilespmem:$0x3FA0] =	vst v37  }
0x322: {  	v37 =	vld.idx.msk [tilespmem:v29+s17+$0x0], $0xffff;
	_ =	sdelay $0x4  }
0x323: {  	[tilespmem:$0x4020] =	vst v37  }
0x324: {  	v37 =	vld.idx.msk [tilespmem:v30+s17+$0x0], $0xffff;
	_ =	sdelay $0x4  }
0x325: {  	[tilespmem:$0x3DB0] =	vst v37  }
0x326: {  	v37 =	vld.idx.msk [tilespmem:v31+s17+$0x0], $0xffff;
	_ =	sdelay $0x4  }
0x327: {  	[tilespmem:$0x3E30] =	vst v37  }
0x328: {  	v61 =	vld.idx.msk [tilespmem:v32+s17+$0x0], $0xffff  }
0x329: {  	(xrf0) =	vmax.scan.msk.f32 $0xffff, v36;
	_ =	sdelay $0x3  }
0x32a: {  	[tilespmem:$0x3EB0] =	vst v61  }
0x32b: {  	v37 =	vld.idx.msk [tilespmem:v33+s17+$0x0], $0xffff  }
0x32c: {  	v62, _, _ =	vpop (xrf0)  }
0x32d: {  	(v2sf) =	vpush v62, $0xF;
	_ =	sdelay $0x2  }
0x32e: {  	[tilespmem:$0x3F30] =	vst v37  }
0x32f: {  	v63 =	vld.idx.msk [tilespmem:v34+s17+$0x0], $0xffff;
	_ =	sdelay $0x4  }
0x330: {  	[tilespmem:$0x3FB0] =	vst v63  }
0x331: {  	v36 =	vld.idx.msk [tilespmem:v35+s17+$0x0], $0xffff  }
.Ltmp40:
0x332: {  	_ = 	snop;
	(pc) =	sbr.rel .LBB2_63-.Ltmp40, $3  }
0x333: {  	_ =	sdelay $0x1  }
0x334: {  	p3 =	por $0x0, $0x0;
	s23 =	simm.s32 $0x0  }
0x335: {  	s21 =	smov.u32 s9;
	p2 =	sgt.s32 s19, $0x0;
	s22 =	spop (v2sf);
	[tilespmem:$0x4030] =	vst v36  }
.LBB2_64:
0x336: {  	p0 =	por @!p3 $0x1, $0x1;
	p6 =	por $0x1, $0x1  }
0x337: {  	s0 =	smov.u32 s21;
	p6 =	por @!p3 p0, p0  }
0x338: {  	s1 =	smov.u32 s21;
	s0 =	smov.u32 @p3 s21;
	p6 =	por @!p4 p0, p0  }
0x339: {  	s1 =	smov.u32 @p4 s0;
	p6 =	por @!p5 p0, p0  }
0x33a: {  	s21 =	smov.u32 @p5 s1;
	p3 =	por p6, p6  }
.LBB2_74:
0x33b: {  	s23 =	sadd.s32 $0x1, s23  }
0x33c: {  	p0 =	sne.s32 s23, $0x8  }
.Ltmp41:
0x33d: {  	_ = 	snop;
	(pc) =	sbr.rel @!p0 .LBB2_75-.Ltmp41, $1  }
0x33e: {  	_ =	sdelay $0x3  }
.LBB2_63:
0x33f: {  	v38 =	vld @!p3 [tilespmem:$0x3D80];
	_ =	sdelay $0x1  }
0x340: {  	v39 =	vld @!p3 [tilespmem:$0x3D90];
	_ =	sdelay $0x1  }
0x341: {  	v36 =	vld @!p3 [tilespmem:$0x3DA0]  }
0x342: {  	vm0 =	vgt.f32 @!p3 v38, $-2.000000000e+00  }
0x343: {  	v37 =	vld @!p3 [tilespmem:$0x3DB0];
	v40 =	vnsel @!p3 vm0, $0xC0000000, v38  }
0x344: {  	vm0 =	vgt.f32 @!p3 v39, v40  }
0x345: {  	v43 =	vsel @!p3 vm0, v39, v40  }
0x346: {  	vm0 =	vgt.f32 @!p3 v36, v43  }
0x347: {  	v41 =	vsel @!p3 vm0, v36, v43  }
0x348: {  	vm0 =	vgt.f32 @!p3 v37, v41  }
0x349: {  	v42 =	vsel @!p3 vm0, v37, v41  }
0x34a: {  	(xrf0) =	vmax.scan.msk.f32 @!p3 $0xffff, v42;
	_ =	sdelay $0x5  }
0x34b: {  	v44, _, _ =	vpop @!p3 (xrf0)  }
0x34c: {  	(v2sf) =	vpush @!p3 v44, $0xF;
	_ =	sdelay $0xd  }
0x34d: {  	p4 =	sgt.s32 @!p3 s21, $0x12B  }
0x34e: {  	p4 =	por p3, p4;
	s0 =	spop @!p3 (v2sf)  }
0x34f: {  	p5 =	sgt.f32 @!p3 s0, s22;
	p6 =	sgt.f32 @!p4 s0, $2.500000000e-01  }
0x350: {  	p0 =	seq.s32 @!p3 s23, $0x0  }
0x351: {  	p0 =	por @!p3 p0, p5;
	p5 =	por p4, !p6  }
0x352: {  	p0 =	por p5, !p0  }
.Ltmp42:
0x353: {  	_ = 	snop;
	(pc) =	sbr.rel @p0 .LBB2_64-.Ltmp42, $1  }
0x354: {  	_ =	sdelay $0x3  }
0x355: {  	vm0 =	vgt.f32 v38, $-2.000000000e+00  }
0x356: {  	vm1 =	vgt.f32 v39, v40;
	v38 =	vnsel vm0, $0x80000000, v1  }
0x357: {  	v49 =	vbroadcast v44, $0xF;
	vm0 =	vgt.f32 v36, v43;
	v38 =	vsel vm1, v2, v38  }
0x358: {  	vm1 =	vgt.f32 v37, v41;
	v50 =	vsel vm0, v3, v38  }
0x359: {  	vm0 =	veq.f32 v42, v49;
	v51 =	vsel vm1, v4, v50  }
0x35a: {  	v36 =	vnsel vm0, $0xC0000000, v51  }
0x35b: {  	(xrf0) =	vmin.scan.msk.u32 $0xffff, v36;
	_ =	sdelay $0x5  }
0x35c: {  	v36, _, _ =	vpop (xrf0)  }
0x35d: {  	(v2sf) =	vpush v36, $0xF;
	_ =	sdelay $0xe  }
0x35e: {  	s0 =	spop (v2sf)  }
0x35f: {  	s1 =	sshrl.u32 s0, $0x2  }
0x360: {  	s0 =	sshll.u32 s0, $0x3;
	s1 =	smul.u32 $0x30, s1  }
0x361: {  	s0 =	sand.u32 $0x18, s0  }
0x362: {  	s0 =	sadd.s32 s0, s1  }
0x363: {  	v52 =	vmov s0;
	s1 =	sor.u32 $0x5, s0  }
0x364: {  	s28 =	sor.u32 $0x4, s0;
	v36 =	vbroadcast v52, $0x0;
	v53 =	vmov s1  }
0x365: {  	s29 =	sor.u32 $0x3, s0;
	v54 =	vmov s28;
	v37 =	vbroadcast v53, $0x0  }
0x366: {  	s30 =	sor.u32 $0x2, s0;
	v55 =	vmov s29;
	v38 =	vbroadcast v54, $0x0  }
0x367: {  	v56 =	vmov s30;
	v39 =	vbroadcast v55, $0x0  }
0x368: {  	v40 =	vbroadcast v56, $0x0;
	_ =	sdelay $0x1  }
0x369: {  	v57 =	vld.idx.msk [tilespmem:v36+s17+$0x0], $0xffff  }
0x36a: {  	v36 =	vld.idx.msk [tilespmem:v37+s17+$0x0], $0xffff  }
0x36b: {  	s0 =	sor.u32 $0x1, s0;
	v38 =	vld.idx.msk [tilespmem:v38+s17+$0x0], $0xffff  }
0x36c: {  	v58 =	vmov s0;
	v37 =	vld.idx.msk [tilespmem:v39+s17+$0x0], $0xffff  }
0x36d: {  	v59 =	vbroadcast v58, $0x0;
	v40 =	vld.idx.msk [tilespmem:v40+s17+$0x0], $0xffff  }
0x36e: {  	v60 =	vsel vm12, $0x0, v57  }
0x36f: {  	v39 =	vsel vm13, v60, v36  }
0x370: {  	v39 =	vsel vm14, v39, v38  }
0x371: {  	s31 =	sshll.u32 s21, $0x6;
	v39 =	vsel vm15, v39, v37  }
0x372: {  	s0 =	sshra.s32 s31, $0x2;
	v39 =	vsel vm10, v40, v39  }
0x373: {  	v41 =	vld.idx.msk [tilespmem:v59+s17+$0x0], $0xffff;
	[tilespmem:s0+$0x4080] =	vst v39  }
0x374: {  	v39 =	vld [tilespmem:$0x3E80]  }
0x375: {  	v61 =	vld [tilespmem:$0x3F00]  }
0x376: {  	v62 =	vld [tilespmem:$0x3F80]  }
0x377: {  	v63 =	vld [tilespmem:$0x4000]  }
0x378: {  	v45 =	vld [tilespmem:$0x3E90]  }
0x379: {  	v46 =	vld [tilespmem:$0x3F10]  }
0x37a: {  	v47 =	vld [tilespmem:$0x3F90]  }
0x37b: {  	v48 =	vld [tilespmem:$0x4010]  }
0x37c: {  	v56 =	vld [tilespmem:$0x3F20]  }
0x37d: {  	v49 =	vsub.f32 v38, v40;
	v44 =	vld [tilespmem:$0x4020]  }
0x37e: {  	v50 =	vsub.f32 v36, v37;
	v51 =	vmax.f32 v39, v40;
	v53 =	vmax.f32 v61, v37  }
0x37f: {  	v54 =	vmin.f32 v62, v38;
	v55 =	vmin.f32 v63, v36;
	v43 =	vsub.f32 v62, v39  }
0x380: {  	v42 =	vsub.f32 v63, v61;
	v39 =	vmul.f32 v50, v49;
	v60 =	vsub.f32 v47, v45  }
0x381: {  	v45 =	vmax.f32 v45, v40;
	v47 =	vmin.f32 v47, v38;
	v61 =	vsub.f32 v48, v46  }
0x382: {  	v52 =	vld [tilespmem:$0x3EA0];
	v46 =	vmax.f32 v46, v37;
	v48 =	vmin.f32 v48, v36;
	v63 =	vsub.f32 v44, v56  }
0x383: {  	v44 =	vmin.f32 v44, v36;
	v51 =	vsub.f32 v54, v51;
	v53 =	vsub.f32 v55, v53;
	v54 =	vld [tilespmem:$0x3FA0]  }
0x384: {  	v45 =	vsub.f32 v47, v45;
	v47 =	vld [tilespmem:$0x3EB0];
	v46 =	vsub.f32 v48, v46;
	v42 =	vmul.f32 v42, v43  }
0x385: {  	v55 =	vld [tilespmem:$0x3F30];
	v49 =	vmul.f32 v61, v60;
	v60 =	vmax.f32 v56, v37;
	v58 =	vmax.f32 v51, $0.0e+00  }
0x386: {  	v48 =	vld [tilespmem:$0x3FB0];
	v59 =	vmax.f32 v53, $0.0e+00;
	v45 =	vmax.f32 v45, $0.0e+00;
	v46 =	vmax.f32 v46, $0.0e+00  }
0x387: {  	v44 =	vsub.f32 v44, v60;
	v43 =	vmul.f32 v59, v58;
	v42 =	vadd.f32 v42, v39;
	v59 =	vld [tilespmem:$0x4030]  }
0x388: {  	v58 =	vmax.f32 v52, v40;
	v45 =	vmul.f32 v46, v45;
	v62 =	vsub.f32 v54, v52  }
0x389: {  	v61 =	vadd.f32 v49, v39;
	v54 =	vmin.f32 v54, v38;
	v42 =	vsub.f32 v42, v43  }
0x38a: {  	v51 =	vsub.f32 v54, v58;
	v58 =	vmax.f32 v55, v37;
	v57 =	vmul.f32 v63, v62  }
0x38b: {  	v63 =	vsub.f32 v48, v47;
	v47 =	vmax.f32 v47, v40;
	v48 =	vmin.f32 v48, v38  }
0x38c: {  	v52 =	vmin.f32 v59, v36;
	v50 =	vadd.f32 v57, v39;
	v57 =	vsub.f32 v59, v55  }
0x38d: {  	v44 =	vmax.f32 v44, $0.0e+00;
	v47 =	vsub.f32 v48, v47;
	v59 =	vsub.f32 v52, v58  }
0x38e: {  	v60 =	vld [tilespmem:$0x3E10];
	v46 =	vsub.f32 v61, v45;
	v62 =	vmax.f32 v51, $0.0e+00;
	v51 =	vmul.f32 v57, v63  }
0x38f: {  	v49 =	vld [tilespmem:$0x3E00];
	v44 =	vmul.f32 v44, v62;
	v47 =	vmax.f32 v47, $0.0e+00;
	v48 =	vmax.f32 v59, $0.0e+00  }
0x390: {  	v46 =	vadd.f32 $9.999999710e-10, v46;
	v52 =	vld [tilespmem:$0x3D80];
	v47 =	vmul.f32 v48, v47;
	v61 =	vadd.f32 v51, v39  }
0x391: {  	v42 =	vadd.f32 $9.999999710e-10, v42;
	v62 =	vld [tilespmem:$0x3D90];
	v50 =	vsub.f32 v50, v44  }
0x392: {  	v46 =	vmul.f32 $4.499999880e-01, v46;
	v63 =	vld [tilespmem:$0x3E20];
	v48 =	vsub.f32 v61, v47  }
0x393: {  	vm6 =	veq.f32 v60, v41;
	v42 =	vmul.f32 $4.499999880e-01, v42;
	v57 =	vld [tilespmem:$0x3E30];
	v50 =	vadd.f32 $9.999999710e-10, v50  }
0x394: {  	vm4 =	veq.f32 v49, v41;
	v58 =	vld [tilespmem:$0x3DA0];
	vm1 =	vgt.f32 v45, v46;
	v59 =	vadd.f32 $9.999999710e-10, v48  }
0x395: {  	v60 =	vld [tilespmem:$0x3DB0];
	vm0 =	vgt.f32 v43, v42;
	vm1 =	vmor vm6, vm1;
	v50 =	vmul.f32 $4.499999880e-01, v50  }
0x396: {  	vm0 =	vmor vm4, vm0;
	v62 =	vsel vm1, $0xBF800000, v62;
	v43 =	vmul.f32 $4.499999880e-01, v59  }
.Ltmp43:
0x397: {  	v61 =	vsel vm0, $0xBF800000, v52;
	vm4 =	veq.f32 v63, v41;
	vm2 =	vgt.f32 v44, v50;
	(pc) =	sbr.rel @!p1 .LBB2_66-.Ltmp43, $4  }
0x398: {  	[tilespmem:$0x3D90] =	vst v62;
	vm0 =	vmor vm4, vm2;
	vm2 =	veq.f32 v57, v41;
	vm1 =	vgt.f32 v47, v43  }
0x399: {  	[tilespmem:$0x3D80] =	vst v61;
	v42 =	vsel vm0, $0xBF800000, v58;
	vm0 =	vmor vm2, vm1  }
0x39a: {  	v41 =	vtrunc.f32 v41;
	[tilespmem:$0x3DA0] =	vst v42;
	v63 =	vsel vm0, $0xBF800000, v60  }
0x39b: {  	v41 =	vcvt.f32.s32 v41;
	[tilespmem:$0x3DB0] =	vst v63  }
0x39c: {  	v42 =	vld [tilespmem:$0x1900]  }
0x39d: {  	v43 =	vld [tilespmem:$0x1E80]  }
0x39e: {  	v44 =	vld [tilespmem:$0x2400]  }
0x39f: {  	v45 =	vld [tilespmem:$0x2980]  }
0x3a0: {  	v48 =	vld [tilespmem:$0x1910]  }
0x3a1: {  	v49 =	vld [tilespmem:$0x1E90]  }
0x3a2: {  	v55 =	vld [tilespmem:$0x2410]  }
0x3a3: {  	v57 =	vld [tilespmem:$0x2990]  }
0x3a4: {  	v59 =	vld [tilespmem:$0x3480]  }
0x3a5: {  	v51 =	vld [tilespmem:$0x1920]  }
0x3a6: {  	v46 =	vsub.f32 v44, v42  }
0x3a7: {  	v52 =	vld [tilespmem:$0x1EA0];
	v47 =	vsub.f32 v45, v43;
	v42 =	vmax.f32 v42, v40;
	v43 =	vmax.f32 v43, v37  }
0x3a8: {  	v62 =	vld [tilespmem:$0x29A0];
	v44 =	vmin.f32 v44, v38;
	v45 =	vmin.f32 v45, v36;
	v60 =	vsub.f32 v55, v48  }
0x3a9: {  	v50 =	vsub.f32 v57, v49;
	v48 =	vmax.f32 v48, v40;
	v49 =	vmax.f32 v49, v37  }
0x3aa: {  	vm1 =	veq.s32 v59, v41;
	v59 =	vmax.f32 v51, v40;
	v42 =	vsub.f32 v44, v42  }
0x3ab: {  	v43 =	vsub.f32 v45, v43;
	v44 =	vmin.f32 v55, v38;
	v56 =	vmul.f32 v47, v46  }
0x3ac: {  	v61 =	vld [tilespmem:$0x2420];
	v46 =	vmin.f32 v57, v36;
	v44 =	vsub.f32 v44, v48;
	v47 =	vmul.f32 v50, v60  }
0x3ad: {  	v53 =	vld [tilespmem:$0x2430];
	v60 =	vsub.f32 v62, v52;
	v52 =	vmax.f32 v52, v37;
	v42 =	vmax.f32 v42, $0.0e+00  }
0x3ae: {  	v50 =	vld [tilespmem:$0x1930];
	v43 =	vmax.f32 v43, $0.0e+00;
	v46 =	vsub.f32 v46, v49;
	v49 =	vmin.f32 v62, v36  }
0x3af: {  	v57 =	vld [tilespmem:$0x29B0];
	v42 =	vmul.f32 v43, v42;
	v58 =	vadd.f32 v56, v39;
	v44 =	vmax.f32 v44, $0.0e+00  }
0x3b0: {  	v63 =	vadd.f32 v47, v39;
	v47 =	vld [tilespmem:$0x1EB0];
	v49 =	vsub.f32 v49, v52;
	v46 =	vmax.f32 v46, $0.0e+00  }
0x3b1: {  	v48 =	vmin.f32 v61, v38;
	v43 =	vsub.f32 v58, v42;
	v44 =	vmul.f32 v46, v44  }
0x3b2: {  	v58 =	vsub.f32 v61, v51;
	v46 =	vsub.f32 v48, v59;
	v49 =	vmax.f32 v49, $0.0e+00  }
0x3b3: {  	v54 =	vld [tilespmem:$0x3490];
	v62 =	vsub.f32 v53, v50;
	v50 =	vmax.f32 v50, v40;
	v53 =	vmin.f32 v53, v38  }
0x3b4: {  	v55 =	vld [tilespmem:$0x1940];
	v43 =	vadd.f32 $9.999999710e-10, v43;
	v56 =	vsub.f32 v63, v44;
	v45 =	vmul.f32 v60, v58  }
0x3b5: {  	v61 =	vld [tilespmem:$0x2F00];
	v46 =	vmax.f32 v46, $0.0e+00;
	v50 =	vsub.f32 v53, v50;
	v63 =	vsub.f32 v57, v47  }
0x3b6: {  	v58 =	vld [tilespmem:$0x34A0];
	v47 =	vmax.f32 v47, v37;
	v46 =	vmul.f32 v49, v46;
	v43 =	vmul.f32 $4.499999880e-01, v43  }
0x3b7: {  	v51 =	vld [tilespmem:$0x29C0];
	v45 =	vadd.f32 v45, v39;
	v50 =	vmax.f32 v50, $0.0e+00;
	v59 =	vmul.f32 v63, v62  }
0x3b8: {  	vm0 =	vgt.f32 v42, v43;
	v42 =	vadd.f32 $9.999999710e-10, v56;
	v43 =	vmin.f32 v57, v36;
	v56 =	vld [tilespmem:$0x1EC0]  }
0x3b9: {  	v63 =	vmax.f32 v55, v40;
	v45 =	vsub.f32 v45, v46;
	v43 =	vsub.f32 v43, v47;
	v47 =	vld [tilespmem:$0x2440]  }
0x3ba: {  	vm4 =	vmor vm1, vm0;
	v49 =	vadd.f32 v59, v39;
	v42 =	vmul.f32 $4.499999880e-01, v42  }
0x3bb: {  	v52 =	vld [tilespmem:$0x2F10];
	vm1 =	veq.s32 v54, v41;
	vm8 =	veq.s32 v58, v41;
	v43 =	vmax.f32 v43, $0.0e+00  }
0x3bc: {  	v57 =	vld [tilespmem:$0x29D0];
	v48 =	vsel vm4, $0xBF800000, v61;
	v43 =	vmul.f32 v43, v50;
	vm0 =	vgt.f32 v44, v42  }
0x3bd: {  	v42 =	vld [tilespmem:$0x1950];
	v44 =	vadd.f32 $9.999999710e-10, v45;
	v62 =	vsub.f32 v51, v56;
	v56 =	vmax.f32 v56, v37  }
0x3be: {  	v51 =	vmin.f32 v51, v36;
	v60 =	vsub.f32 v49, v43;
	v61 =	vsub.f32 v47, v55;
	v55 =	vld [tilespmem:$0x2450]  }
0x3bf: {  	v49 =	vld [tilespmem:$0x1ED0];
	v47 =	vmin.f32 v47, v38;
	v44 =	vmul.f32 $4.499999880e-01, v44;
	v51 =	vsub.f32 v51, v56  }
0x3c0: {  	v53 =	vld [tilespmem:$0x1960];
	vm0 =	vmor vm1, vm0;
	v47 =	vsub.f32 v47, v63;
	v45 =	vadd.f32 $9.999999710e-10, v60  }
0x3c1: {  	v58 =	vld [tilespmem:$0x29F0];
	v52 =	vsel vm0, $0xBF800000, v52;
	v50 =	vmul.f32 v62, v61;
	vm4 =	vgt.f32 v46, v44  }
0x3c2: {  	v56 =	vld [tilespmem:$0x29E0];
	v60 =	vmax.f32 v51, $0.0e+00;
	v59 =	vmax.f32 v47, $0.0e+00;
	v45 =	vmul.f32 $4.499999880e-01, v45  }
0x3c3: {  	v47 =	vld [tilespmem:$0x1EE0];
	v44 =	vmul.f32 v60, v59;
	v61 =	vadd.f32 v50, v39;
	v62 =	vsub.f32 v55, v42  }
0x3c4: {  	v50 =	vld [tilespmem:$0x2460];
	v63 =	vsub.f32 v57, v49;
	v42 =	vmax.f32 v42, v40;
	v55 =	vmin.f32 v55, v38  }
0x3c5: {  	v49 =	vmax.f32 v49, v37;
	v57 =	vmin.f32 v57, v36;
	v42 =	vsub.f32 v55, v42  }
0x3c6: {  	v51 =	vld [tilespmem:$0x2470];
	v49 =	vsub.f32 v57, v49;
	vm6 =	vgt.f32 v43, v45;
	v60 =	vsub.f32 v61, v44  }
0x3c7: {  	v55 =	vld [tilespmem:$0x1970];
	v57 =	vmin.f32 v58, v36;
	v61 =	vmul.f32 v63, v62;
	v42 =	vmax.f32 v42, $0.0e+00  }
0x3c8: {  	v45 =	vld [tilespmem:$0x1EF0];
	v49 =	vmax.f32 v49, $0.0e+00;
	v63 =	vsub.f32 v56, v47;
	v47 =	vmax.f32 v47, v37  }
0x3c9: {  	v56 =	vmin.f32 v56, v36;
	v43 =	vadd.f32 $9.999999710e-10, v60;
	v62 =	vsub.f32 v50, v53  }
0x3ca: {  	v53 =	vmax.f32 v53, v40;
	v50 =	vmin.f32 v50, v38;
	v47 =	vsub.f32 v56, v47  }
0x3cb: {  	v42 =	vmul.f32 v49, v42;
	v46 =	vadd.f32 v61, v39;
	v59 =	vsub.f32 v50, v53  }
0x3cc: {  	v43 =	vmul.f32 $4.499999880e-01, v43;
	v50 =	vmul.f32 v63, v62;
	v60 =	vmax.f32 v55, v40  }
0x3cd: {  	v54 =	vld [tilespmem:$0x2F30];
	v61 =	vsub.f32 v51, v55;
	v62 =	vmin.f32 v51, v38;
	v63 =	vmax.f32 v45, v37  }
0x3ce: {  	v51 =	vld [tilespmem:$0x2F20];
	v45 =	vsub.f32 v58, v45;
	v46 =	vsub.f32 v46, v42;
	v47 =	vmax.f32 v47, $0.0e+00  }
0x3cf: {  	v58 =	vld [tilespmem:$0x34B0];
	v49 =	vmax.f32 v59, $0.0e+00;
	v38 =	vsub.f32 v62, v60;
	v36 =	vsub.f32 v57, v63  }
0x3d0: {  	v37 =	vld [tilespmem:$0x2F40];
	v47 =	vmul.f32 v47, v49;
	v46 =	vadd.f32 $9.999999710e-10, v46;
	v45 =	vmul.f32 v45, v61  }
0x3d1: {  	v59 =	vld [tilespmem:$0x34C0];
	v50 =	vadd.f32 v50, v39;
	v38 =	vmax.f32 v38, $0.0e+00;
	v36 =	vmax.f32 v36, $0.0e+00  }
0x3d2: {  	vm0 =	vmor vm8, vm4;
	v61 =	vld [tilespmem:$0x34D0];
	v36 =	vmul.f32 v36, v38;
	v60 =	vadd.f32 v45, v39  }
0x3d3: {  	v55 =	vld [tilespmem:$0x34E0];
	vm1 =	vgt.f32 v44, v43;
	v63 =	vmul.f32 $4.499999880e-01, v46;
	v50 =	vsub.f32 v50, v47  }
0x3d4: {  	v62 =	vld [tilespmem:$0x2F50];
	v53 =	vsel vm0, $0xBF800000, v51;
	vm0 =	veq.s32 v58, v41;
	v38 =	vsub.f32 v60, v36  }
0x3d5: {  	v57 =	vld [tilespmem:$0x34F0];
	vm0 =	vmor vm0, vm6;
	vm2 =	vgt.f32 v42, v63;
	v56 =	vadd.f32 $9.999999710e-10, v50  }
0x3d6: {  	[tilespmem:$0x2F00] =	vst v48;
	v58 =	vsel vm0, $0xBF800000, v54;
	vm0 =	veq.s32 v59, v41;
	v59 =	vld [tilespmem:$0x2F60];
	v38 =	vadd.f32 $9.999999710e-10, v38  }
0x3d7: {  	[tilespmem:$0x2F10] =	vst v52;
	vm0 =	vmor vm0, vm1;
	vm1 =	veq.s32 v61, v41;
	v60 =	vmul.f32 $4.499999880e-01, v56;
	v61 =	vld [tilespmem:$0x2F70]  }
0x3d8: {  	[tilespmem:$0x2F20] =	vst v53;
	v37 =	vsel vm0, $0xBF800000, v37;
	vm0 =	vmor vm1, vm2;
	v38 =	vmul.f32 $4.499999880e-01, v38  }
.Ltmp44:
0x3d9: {  	[tilespmem:$0x2F30] =	vst v58;
	vm1 =	veq.s32 v55, v41;
	v43 =	vsel vm0, $0xBF800000, v62;
	vm0 =	vgt.f32 v47, v60;
	(pc) =	sbr.rel .LBB2_73-.Ltmp44, $4  }
0x3da: {  	vm2 =	veq.s32 v57, v41;
	[tilespmem:$0x2F40] =	vst v37;
	vm0 =	vmor vm1, vm0;
	vm1 =	vgt.f32 v36, v38  }
0x3db: {  	[tilespmem:$0x2F50] =	vst v43;
	v62 =	vsel vm0, $0xBF800000, v59;
	vm0 =	vmor vm2, vm1  }
0x3dc: {  	[tilespmem:$0x2F60] =	vst v62;
	v63 =	vsel vm0, $0xBF800000, v61  }
0x3dd: {  	[tilespmem:$0x2F70] =	vst v63  }
.LBB2_66:
.Ltmp45:
0x3de: {  	(pc) =	sbr.rel @!p2 .LBB2_73-.Ltmp45, $1  }
0x3df: {  	_ =	sdelay $0x3  }
0x3e0: {  	p0 =	sne.s32 s19, $0x1  }
.Ltmp46:
0x3e1: {  	s26 =	simm.s32 $0x1900;
	(pc) =	sbr.rel @!p0 .LBB2_68-.Ltmp46, $4  }
0x3e2: {  	s28 =	simm.s32 $0x2400;
	v42 =	vld [tilespmem:s26+$0x0]  }
0x3e3: {  	s0 =	simm.s32 $0x1E80;
	v43 =	vld [tilespmem:s28+$0x0]  }
0x3e4: {  	s1 =	simm.s32 $0x2980;
	s24 =	simm.s32 $0x2F00;
	v44 =	vld [tilespmem:s0+$0x0]  }
0x3e5: {  	s25 =	simm.s32 $0x3480;
	p3 =	por $0x0, $0x0;
	v45 =	vld [tilespmem:s1+$0x0];
	s1 =	sadd.s32 $0xFFFFFFFF, s19  }
0x3e6: {  	_ =	sdelay $0x2  }
0x3e7: {  	v54 =	vmax.f32 v42, v40;
	v46 =	vsub.f32 v43, v42;
	v55 =	vmin.f32 v43, v38  }
0x3e8: {  	v56 =	vmax.f32 v44, v37;
	v47 =	vsub.f32 v45, v44;
	v57 =	vmin.f32 v45, v36  }
0x3e9: {  	v42 =	vsub.f32 v55, v54;
	v58 =	vsub.f32 v57, v56  }
0x3ea: {  	v59 =	vmul.f32 v47, v46  }
0x3eb: {  	v42 =	vmax.f32 v42, $0.0e+00;
	v43 =	vmax.f32 v58, $0.0e+00  }
0x3ec: {  	v42 =	vmul.f32 v43, v42;
	v60 =	vadd.f32 v59, v39;
	_ =	sdelay $0x1  }
0x3ed: {  	v43 =	vsub.f32 v60, v42  }
0x3ee: {  	v61 =	vld [tilespmem:s25+$0x0]  }
0x3ef: {  	v43 =	vadd.f32 $9.999999710e-10, v43  }
0x3f0: {  	v62 =	vld [tilespmem:s24+$0x0]  }
0x3f1: {  	v43 =	vmul.f32 $4.499999880e-01, v43;
	_ =	sdelay $0x1  }
0x3f2: {  	vm1 =	veq.s32 v61, v41;
	vm0 =	vgt.f32 v42, v43  }
0x3f3: {  	vm0 =	vmor vm1, vm0  }
0x3f4: {  	p0 =	sne.s32 s1, $0x1;
	v63 =	vsel vm0, $0xBF800000, v62  }
.Ltmp47:
0x3f5: {  	s29 =	simm.s32 $0x1910;
	[tilespmem:s24+$0x0] =	vst v63;
	(pc) =	sbr.rel @!p0 .LBB2_70-.Ltmp47, $4  }
0x3f6: {  	s30 =	simm.s32 $0x2410;
	v42 =	vld [tilespmem:s29+$0x0]  }
0x3f7: {  	s31 =	simm.s32 $0x1E90;
	v43 =	vld [tilespmem:s30+$0x0]  }
0x3f8: {  	s0 =	simm.s32 $0x2990;
	s1 =	sadd.s32 $0xFFFFFFFF, s1;
	v44 =	vld [tilespmem:s31+$0x0]  }
0x3f9: {  	p3 =	por $0x1, $0x1;
	s28 =	simm.s32 $0x3480;
	s26 =	simm.s32 $0x2F00;
	v45 =	vld [tilespmem:s0+$0x0]  }
.LBB2_71:
0x3fa: {  	p4 =	sne.s32 s1, $0x1;
	_ =	sdelay $0x2  }
0x3fb: {  	v46 =	vsub.f32 v43, v42;
	v42 =	vmax.f32 v42, v40;
	v43 =	vmin.f32 v43, v38  }
0x3fc: {  	v47 =	vsub.f32 v45, v44;
	v44 =	vmax.f32 v44, v37;
	v45 =	vmin.f32 v45, v36  }
0x3fd: {  	v42 =	vsub.f32 v43, v42;
	v43 =	vsub.f32 v45, v44  }
0x3fe: {  	v44 =	vmul.f32 v47, v46  }
0x3ff: {  	v42 =	vmax.f32 v42, $0.0e+00;
	v43 =	vmax.f32 v43, $0.0e+00  }
0x400: {  	v42 =	vmul.f32 v43, v42;
	v43 =	vadd.f32 v44, v39;
	_ =	sdelay $0x1  }
0x401: {  	s28 =	sadd.s32 $0x10, s28;
	v43 =	vsub.f32 v43, v42  }
0x402: {  	v44 =	vld [tilespmem:s28+$0x0]  }
0x403: {  	s26 =	sadd.s32 $0x10, s26;
	v43 =	vadd.f32 $9.999999710e-10, v43  }
0x404: {  	v45 =	vld [tilespmem:s26+$0x0]  }
0x405: {  	v43 =	vmul.f32 $4.499999880e-01, v43;
	_ =	sdelay $0x1  }
0x406: {  	vm0 =	vgt.f32 v42, v43;
	vm1 =	veq.s32 v44, v41  }
0x407: {  	vm0 =	vmor vm1, vm0  }
0x408: {  	v42 =	vsel vm0, $0xBF800000, v45  }
.Ltmp48:
0x409: {  	s29 =	sadd.s32 $0x10, s29;
	[tilespmem:s26+$0x0] =	vst v42;
	(pc) =	sbr.rel @p4 .LBB2_71-.Ltmp48, $4  }
0x40a: {  	s30 =	sadd.s32 $0x10, s30;
	v42 =	vld [tilespmem:s29+$0x0]  }
0x40b: {  	s31 =	sadd.s32 $0x10, s31;
	v43 =	vld [tilespmem:s30+$0x0]  }
0x40c: {  	s0 =	sadd.s32 $0x10, s0;
	v44 =	vld [tilespmem:s31+$0x0]  }
0x40d: {  	s1 =	sadd.s32 $0xFFFFFFFF, s1;
	v45 =	vld [tilespmem:s0+$0x0]  }
.LBB2_72:
0x40e: {  	_ =	sdelay $0x2  }
0x40f: {  	v40 =	vmax.f32 v42, v40;
	v46 =	vsub.f32 v43, v42;
	v38 =	vmin.f32 v43, v38  }
0x410: {  	v37 =	vmax.f32 v44, v37;
	v59 =	vsub.f32 v45, v44;
	v36 =	vmin.f32 v45, v36  }
0x411: {  	v38 =	vsub.f32 v38, v40;
	v36 =	vsub.f32 v36, v37  }
0x412: {  	v60 =	vmul.f32 v59, v46  }
0x413: {  	v38 =	vmax.f32 v38, $0.0e+00;
	v36 =	vmax.f32 v36, $0.0e+00  }
0x414: {  	v36 =	vmul.f32 v36, v38;
	v37 =	vadd.f32 v60, v39  }
0x415: {  	s0 =	sadd.s32 @p3 $0x10, s28  }
0x416: {  	s25 =	smov.u32 @p3 s0;
	v37 =	vsub.f32 v37, v36  }
0x417: {  	s0 =	sadd.s32 @p3 $0x10, s26;
	v61 =	vld [tilespmem:s25+$0x0]  }
0x418: {  	s24 =	smov.u32 @p3 s0;
	v37 =	vadd.f32 $9.999999710e-10, v37  }
0x419: {  	v62 =	vld [tilespmem:s24+$0x0]  }
0x41a: {  	v37 =	vmul.f32 $4.499999880e-01, v37;
	_ =	sdelay $0x1  }
0x41b: {  	vm1 =	veq.s32 v61, v41;
	vm0 =	vgt.f32 v36, v37  }
0x41c: {  	vm0 =	vmor vm1, vm0  }
0x41d: {  	v63 =	vsel vm0, $0xBF800000, v62  }
0x41e: {  	[tilespmem:s24+$0x0] =	vst v63  }
.LBB2_73:
.Ltmp49:
0x41f: {  	(pc) =	sbr.rel .LBB2_74-.Ltmp49, $2  }
0x420: {  	_ =	sdelay $0x2  }
0x421: {  	s21 =	sadd.s32 $0x1, s21;
	p3 =	por $0x0, $0x0  }
.LBB2_68:
.Ltmp50:
0x422: {  	(pc) =	sbr.rel .LBB2_72-.Ltmp50, $2  }
0x423: {  	_ =	sdelay $0x2  }
0x424: {  	s28 =	simm.s32 $0x3480;
	s26 =	simm.s32 $0x2F00  }
.LBB2_70:
.Ltmp51:
0x425: {  	(pc) =	sbr.rel .LBB2_72-.Ltmp51, $2  }
0x426: {  	_ =	sdelay $0x2  }
0x427: {  	s28 =	simm.s32 $0x3480;
	s26 =	simm.s32 $0x2F00  }
.LBB2_33:
0x428: {  	s23 =	simm.s32 $0x2F00  }
.LBB2_37:
0x429: {  	v45 =	vsub.f32 v42, v41;
	v38 =	vmax.f32 v41, v38;
	v39 =	vmin.f32 v42, v39  }
0x42a: {  	v61 =	vsub.f32 v44, v43;
	v36 =	vmax.f32 v43, v36;
	v37 =	vmin.f32 v44, v37  }
0x42b: {  	v38 =	vsub.f32 v39, v38;
	v36 =	vsub.f32 v37, v36  }
0x42c: {  	v62 =	vmul.f32 v61, v45  }
0x42d: {  	v38 =	vmax.f32 v38, $0.0e+00;
	v36 =	vmax.f32 v36, $0.0e+00  }
0x42e: {  	v36 =	vmul.f32 v36, v38;
	v37 =	vadd.f32 v62, v40;
	_ =	sdelay $0x1  }
0x42f: {  	s0 =	sadd.s32 @p1 $0x10, s23;
	v37 =	vsub.f32 v37, v36  }
0x430: {  	s22 =	smov.u32 @p1 s0  }
0x431: {  	v63 =	vld [tilespmem:s22+$0x0];
	v37 =	vadd.f32 $9.999999710e-10, v37;
	_ =	sdelay $0x1  }
0x432: {  	v37 =	vmul.f32 $4.499999880e-01, v37;
	_ =	sdelay $0x1  }
0x433: {  	vm0 =	vgt.f32 v36, v37  }
0x434: {  	v36 =	vsel vm0, $0xBF800000, v63  }
0x435: {  	[tilespmem:s22+$0x0] =	vst v36  }
.LBB2_38:
0x436: {  	s21 =	sadd.s32 $0x1, s21  }
0x437: {  	p1 =	seq.s32 s21, s9  }
.Ltmp52:
0x438: {  	_ = 	snop;
	(pc) =	sbr.rel @p1 .LBB2_29-.Ltmp52, $1  }
0x439: {  	_ =	sdelay $0x3  }
.LBB2_31:
0x43a: {  	p1 =	slt.s32 s19, $0x1  }
.Ltmp53:
0x43b: {  	_ = 	snop;
	(pc) =	sbr.rel @p1 .LBB2_38-.Ltmp53, $1  }
0x43c: {  	_ =	sdelay $0x3  }
0x43d: {  	s0 =	sshll.u32 s21, $0x4  }
0x43e: {  	v36 =	vmov s0;
	s1 =	sor.u32 $0x1, s0  }
0x43f: {  	s26 =	sor.u32 $0x2, s0;
	v36 =	vbroadcast v36, $0x0;
	v37 =	vmov s1  }
0x440: {  	s0 =	sor.u32 $0x3, s0;
	v38 =	vmov s26;
	v37 =	vbroadcast v37, $0x0  }
0x441: {  	v62 =	vmov s0;
	v39 =	vbroadcast v38, $0x0  }
0x442: {  	v40 =	vbroadcast v62, $0x0;
	_ =	sdelay $0x2  }
0x443: {  	v38 =	vld.idx.msk [tilespmem:v36+s14+$0x0], $0xffff  }
0x444: {  	v36 =	vld.idx.msk [tilespmem:v37+s14+$0x0], $0xffff  }
0x445: {  	v39 =	vld.idx.msk [tilespmem:v39+s14+$0x0], $0xffff  }
0x446: {  	v37 =	vld.idx.msk [tilespmem:v40+s14+$0x0], $0xffff;
	_ =	sdelay $0x2  }
0x447: {  	s28 =	simm.s32 $0x1900  }
0x448: {  	s29 =	simm.s32 $0x2400;
	v41 =	vld [tilespmem:s28+$0x0]  }
0x449: {  	s30 =	simm.s32 $0x1E80;
	p2 =	sne.s32 s19, $0x1;
	v42 =	vld [tilespmem:s29+$0x0];
	v63 =	vsub.f32 v39, v38;
	v44 =	vsub.f32 v37, v36  }
.Ltmp54:
0x44a: {  	s31 =	simm.s32 $0x2980;
	v43 =	vld [tilespmem:s30+$0x0];
	(pc) =	sbr.rel @!p2 .LBB2_33-.Ltmp54, $2  }
0x44b: {  	v40 =	vmul.f32 v44, v63;
	v44 =	vld [tilespmem:s31+$0x0];
	_ =	sdelay $0x2  }
0x44c: {  	s22 =	simm.s32 $0x2F00;
	s23 =	sadd.s32 $0xFFFFFFFF, s19;
	p1 =	por $0x0, $0x0  }
0x44d: {  	v45 =	vsub.f32 v42, v41;
	v56 =	vmax.f32 v41, v38;
	v57 =	vmin.f32 v42, v39  }
0x44e: {  	v58 =	vmax.f32 v43, v36;
	v46 =	vsub.f32 v44, v43;
	v59 =	vmin.f32 v44, v37  }
0x44f: {  	v41 =	vsub.f32 v57, v56;
	v60 =	vsub.f32 v59, v58  }
0x450: {  	v61 =	vmul.f32 v46, v45  }
0x451: {  	v41 =	vmax.f32 v41, $0.0e+00;
	v42 =	vmax.f32 v60, $0.0e+00  }
0x452: {  	v41 =	vmul.f32 v42, v41;
	v62 =	vadd.f32 v61, v40;
	_ =	sdelay $0x1  }
0x453: {  	v42 =	vsub.f32 v62, v41;
	_ =	sdelay $0x1  }
0x454: {  	v63 =	vld [tilespmem:s22+$0x0];
	v42 =	vadd.f32 $9.999999710e-10, v42;
	_ =	sdelay $0x1  }
0x455: {  	v42 =	vmul.f32 $4.499999880e-01, v42;
	_ =	sdelay $0x1  }
0x456: {  	vm0 =	vgt.f32 v41, v42  }
0x457: {  	v41 =	vsel vm0, $0xBF800000, v63  }
0x458: {  	s24 =	simm.s32 $0x1910;
	[tilespmem:s22+$0x0] =	vst v41  }
0x459: {  	s0 =	simm.s32 $0x2410;
	v41 =	vld [tilespmem:s24+$0x0]  }
0x45a: {  	s1 =	simm.s32 $0x1E90;
	p2 =	sne.s32 s23, $0x1;
	v42 =	vld [tilespmem:s0+$0x0]  }
.Ltmp55:
0x45b: {  	s25 =	simm.s32 $0x2990;
	v43 =	vld [tilespmem:s1+$0x0];
	(pc) =	sbr.rel @!p2 .LBB2_35-.Ltmp55, $2  }
0x45c: {  	v44 =	vld [tilespmem:s25+$0x0];
	_ =	sdelay $0x2  }
0x45d: {  	s26 =	sadd.s32 $0xFFFFFFFF, s23;
	p1 =	por $0x1, $0x1;
	s23 =	simm.s32 $0x2F00  }
.LBB2_36:
0x45e: {  	p2 =	sne.s32 s26, $0x1;
	_ =	sdelay $0x2  }
0x45f: {  	v45 =	vsub.f32 v42, v41;
	v41 =	vmax.f32 v41, v38;
	v42 =	vmin.f32 v42, v39  }
0x460: {  	v46 =	vsub.f32 v44, v43;
	v43 =	vmax.f32 v43, v36;
	v44 =	vmin.f32 v44, v37  }
0x461: {  	v41 =	vsub.f32 v42, v41;
	v42 =	vsub.f32 v44, v43  }
0x462: {  	v43 =	vmul.f32 v46, v45  }
0x463: {  	v41 =	vmax.f32 v41, $0.0e+00;
	v42 =	vmax.f32 v42, $0.0e+00  }
0x464: {  	v41 =	vmul.f32 v42, v41;
	v42 =	vadd.f32 v43, v40;
	_ =	sdelay $0x1  }
0x465: {  	v42 =	vsub.f32 v42, v41  }
0x466: {  	s23 =	sadd.s32 $0x10, s23  }
0x467: {  	v42 =	vadd.f32 $9.999999710e-10, v42;
	v43 =	vld [tilespmem:s23+$0x0];
	_ =	sdelay $0x1  }
0x468: {  	v42 =	vmul.f32 $4.499999880e-01, v42;
	_ =	sdelay $0x1  }
0x469: {  	vm0 =	vgt.f32 v41, v42  }
0x46a: {  	v41 =	vsel vm0, $0xBF800000, v43  }
.Ltmp56:
0x46b: {  	s24 =	sadd.s32 $0x10, s24;
	[tilespmem:s23+$0x0] =	vst v41;
	(pc) =	sbr.rel @p2 .LBB2_36-.Ltmp56, $4  }
0x46c: {  	s0 =	sadd.s32 $0x10, s0;
	v41 =	vld [tilespmem:s24+$0x0]  }
0x46d: {  	s1 =	sadd.s32 $0x10, s1;
	v42 =	vld [tilespmem:s0+$0x0]  }
0x46e: {  	s25 =	sadd.s32 $0x10, s25;
	v43 =	vld [tilespmem:s1+$0x0]  }
0x46f: {  	s26 =	sadd.s32 $0xFFFFFFFF, s26;
	v44 =	vld [tilespmem:s25+$0x0]  }
.Ltmp57:
0x470: {  	_ = 	snop;
	(pc) =	sbr.rel .LBB2_37-.Ltmp57, $1  }
0x471: {  	_ =	sdelay $0x3  }
.LBB2_35:
.Ltmp58:
0x472: {  	(pc) =	sbr.rel .LBB2_37-.Ltmp58, $2  }
0x473: {  	_ =	sdelay $0x2  }
0x474: {  	s23 =	simm.s32 $0x2F00  }
.LBB2_77:
0x475: {  	s0 =	stileid.u32  }
0x476: {  	p0 =	sne.s32 s0, $0x0  }
0x477: {  	_ =	sfence.sel @p0 $0x180000  }
0x478: {  	[bflag:$0x0] =	sbarrier.arrive @p0 $0xFFFF  }
0x479: {  	_ =	strace @p0 $0x90000047  }
0x47a: {  	s0 =	simm.s32 @!p0 $0x0;
	s1 =	simm.s32 @!p0 $0x4080;
	[bflag:$0x2] =	sbarrier.arrive @p0 $0xFFFF  }
0x47b: {  	[hbm4b:s4+s0] =	stream.linear.scatter @!p0 [tilespmem:s1], [sflag:$0x1], $0x1300, $0x38;
	[tilespmem:$0x53E0] =	vst v63  }
0x47c: {  	s0 =	simm.s32 @!p0 $0x1  }
0x47d: {  	_ =	swait.ge @!p0 [sflag:s0], $0x1300  }
0x47e: {  	[sflag:s0] =	ssyncset.done @!p0 $0x0  }
0x47f: {  	[sflag:s0] =	ssyncadd.s32 @!p0 $0xFFFFED00  }
0x480: {  	_ =	sfence.sel @!p0 $0x180000  }
0x481: {  	[bflag:$0x0] =	sbarrier.arrive @!p0 $0xFFFF  }
0x482: {  	_ =	strace @!p0 $0x90000047  }
0x483: {  	[bflag:$0x2] =	sbarrier.arrive @!p0 $0xFFFF  }
0x484: {  	s0 =	rddreg [dreg:$0x2]  }
0x485: {  	s0 =	sadd.s32 @!p0 $0x100000, s0  }
0x486: {  	[sflag:s0] =	ssyncadd.tile.s32 @!p0 $0x1;
	_ =	shalt  }
.Lfunc_end2:
_tile_overlayer_lowered:
.L_overlay_start_2:
0x487: {  	(tag) =	ssettag $0x2  }
0x488: {  	s0 =	rddreg [dreg:$0x0];
	s2 =	stileid.u32  }
0x489: {  	s1 =	rddreg [dreg:$0x1];
	p0 =	sne.s32 s2, $0x0  }
0x48a: {  	s3 =	rddreg [dreg:$0x2];
	[bflag:$0x3] =	sbarrier.arrive $0xFFFF;
	s2 =	simm.s32 @!p0 $0x1C01  }
0x48b: {  	[timem:s3], [sflag:s2] =	dma.local @!p0 [hbm:s0], s1  }
0x48c: {  	s0 =	simm.s32 @!p0 $0x1  }
0x48d: {  	_ =	swait.ge @!p0 [sflag:s0], s1  }
0x48e: {  	s1 =	ssub.s32 @!p0 $0x0, s1;
	[sflag:s0] =	ssyncset.done @!p0 $0x0  }
0x48f: {  	[sflag:s0] =	ssyncadd.s32 @!p0 s1  }
0x490: {  	[bflag:$0x3] =	sbarrier.arrive $0xFFFF  }
0x491: {  	_ =	shalt  }

</sc_bundles>
